<compile_context>
chip_gen: v7x
topology: tpu7x:2x2x1
jax: 0.10.2.dev20260603
libtpu: 0.0.44.dev20260713+nightly
codegen_flags: <defaults>
</compile_context>

<pallas_src>
import functools

import jax
import jax.numpy as jnp
from jax import lax
from jax.experimental import pallas as pl
from jax.experimental.pallas import tpu as pltpu
from jax.experimental.pallas import tpu_sc as plsc

EPS_ = 1e-06
SLOPE_ = 0.1
KNN_ = 16

NC_, NS_ = 2, 16
NW_ = NC_ * NS_

F32 = jnp.float32
HIGH = lax.Precision.DEFAULT


def _mm(a, b):
    return lax.dot_general(a, b, (((1,), (0,)), ((), ())),
                           precision=HIGH, preferred_element_type=F32)


def _table_tc(feat2, B, N, CP, NPt=512):
    C3 = feat2.shape[1]
    npb = N // NPt
    nblk = B * npb

    def body(f_ref, t_ref):
        blk = f_ref[0]
        t = blk.T
        t_ref[...] = jnp.concatenate(
            [t, jnp.zeros((NPt, CP - C3), F32)], axis=1)

    return pl.pallas_call(
        body,
        grid=(nblk,),
        in_specs=[pl.BlockSpec((1, C3, NPt), lambda i: (i // npb, 0, i % npb))],
        out_specs=pl.BlockSpec((NPt, CP), lambda i: (i, 0)),
        out_shape=jax.ShapeDtypeStruct((B * N, CP), F32),
    )(feat2)


def _sc_gather(table, idx3, E, CP):
    G = idx3.shape[1]
    EPW = G * 128
    NB = 8
    A = 4
    mesh = plsc.VectorSubcoreMesh(core_axis_name="c", subcore_axis_name="s")

    @functools.partial(
        pl.kernel,
        out_type=jax.ShapeDtypeStruct((E, CP), F32),
        mesh=mesh,
        scratch_types=[
            pltpu.VMEM((G, 128), jnp.int32),
        ] + [pltpu.VMEM((128, CP), F32) for _ in range(NB)]
          + [pltpu.SemaphoreType.DMA for _ in range(2 * NB)],
        compiler_params=pltpu.CompilerParams(use_tc_tiling_on_sc=False),
    )
    def run(tab, idxh, outh, idx_v, *bs):
        bufs = bs[:NB]
        gsem = bs[NB:2 * NB]
        wsem = bs[2 * NB:]
        wid = lax.axis_index("s") * NC_ + lax.axis_index("c")
        pltpu.sync_copy(idxh.at[wid], idx_v)
        GP = G
        gd = [None] * GP
        wd = [None] * GP
        for g in range(min(A, GP)):
            gd[g] = pltpu.async_copy(tab.at[idx_v.at[g]], bufs[g % NB],
                                     gsem[g % NB])
        for g in range(GP):
            b = g % NB
            gd[g].wait()
            wd[g] = pltpu.async_copy(
                bufs[b], outh.at[pl.ds(wid * EPW + g * 128, 128)], wsem[b])
            n = g + A
            if n < GP:
                if n - NB >= 0:
                    wd[n - NB].wait()
                gd[n] = pltpu.async_copy(tab.at[idx_v.at[n]], bufs[n % NB],
                                         gsem[n % NB])
        for g in range(max(GP - NB, 0), GP):
            wd[g].wait()

    return run(table, idx3)


def _edge_tc(gath, table, wp1, wd1, wp2, wd2, smat, stmat, ffold, B, N, CP,
             C, kk, NP, boff=0):
    BN = B * N
    NPK = NP * kk
    nblk = BN // NP
    npb = N // NP
    Mf = float(C * N)

    def body(g_ref, t_ref, wp1_ref, wd1_ref, wp2_ref, wd2_ref, s_ref, st_ref,
             f_ref, y_ref, o_ref):
        i = pl.program_id(0)
        j = i % npb
        k2 = kk // 2
        NPK2 = NP * k2
        gg = g_ref[...]
        tc = t_ref[...]
        pg = _mm(gg, wp1_ref[...])
        dg = _mm(gg, wd1_ref[...])
        pc = _mm(tc, wp2_ref[...])
        dc = _mm(tc, wd2_ref[...])
        pc2 = jnp.concatenate([pc, pc], axis=1)
        dc2 = jnp.concatenate([dc, dc], axis=1)
        p = (pg.reshape(NP, k2, 2 * CP) + pc2[:, None, :]).reshape(NPK2, 2 * CP)
        dv = (dg.reshape(NP, k2, 2 * CP) + dc2[:, None, :]).reshape(NPK2, 2 * CP)
        dotp = _mm(p * dv, s_ref[...])
        dnrm = _mm(dv * dv, s_ref[...])
        coef = jnp.minimum(dotp, 0.0) / (dnrm + EPS_)
        ye = p - (1.0 - SLOPE_) * _mm(coef, st_ref[...]) * dv
        ys = ye.reshape(NP, k2, 2 * CP).sum(axis=1)
        yt = lax.dot_general(f_ref[...], ys, (((0,), (1,)), ((), ())),
                             precision=HIGH, preferred_element_type=F32)
        y_ref[0] = yt

        gm = lax.dot_general(yt, yt, (((1,), (1,)), ((), ())),
                             precision=HIGH, preferred_element_type=F32)
        rs = jnp.sum(yt, axis=1, keepdims=True)
        tile = jnp.concatenate(
            [gm, rs, jnp.zeros((CP, 128 - CP - 1), F32)], axis=1)

        @pl.when(j == 0)
        def _():
            o_ref[0] = tile

        @pl.when(j > 0)
        def _():
            o_ref[0] = o_ref[0] + tile

        @pl.when(j == npb - 1)
        def _():
            acc = o_ref[0]
            rr = lax.broadcasted_iota(jnp.int32, (CP, 128), 0)
            cc = lax.broadcasted_iota(jnp.int32, (CP, 128), 1)
            rm3 = rr - (rr // 3) * 3
            sy = [_msum(acc, (rm3 == d) & (rr < 3 * C) & (cc == CP))
                  for d in range(3)]
            mu = [s / Mf for s in sy]
            cov = []
            for d in range(3):
                for dp in range(3):
                    syy = _msum(acc, (rm3 == d) & (rr < 3 * C)
                                & (cc == rr - d + dp))
                    cv = (syy - Mf * mu[d] * mu[dp]) / (Mf + EPS_)
                    if d == dp:
                        cv = cv + 1e-05
                    cov.append(cv)
            wz = _zca_from_cov(tuple(cov))
            extra = jnp.zeros((CP, 128), F32)
            for ii in range(3):
                for jj in range(3):
                    extra = extra + wz[3 * ii + jj] * jnp.where(
                        (rr == ii) & (cc == 120 + jj), 1.0, 0.0)
            for d in range(3):
                extra = extra + mu[d] * jnp.where(
                    (rr == 3) & (cc == 120 + d), 1.0, 0.0)
            o_ref[0] = acc + extra

    full = pl.BlockSpec((CP, CP), lambda i: (0, 0))
    return pl.pallas_call(
        body,
        grid=(nblk,),
        in_specs=[
            pl.BlockSpec((NPK // 2, 2 * CP), lambda i: (i, 0)),
            pl.BlockSpec((NP, CP), lambda i: (boff + i, 0)),
            pl.BlockSpec((2 * CP, 2 * CP), lambda i: (0, 0)),
            pl.BlockSpec((2 * CP, 2 * CP), lambda i: (0, 0)),
            full, full,
            pl.BlockSpec((2 * CP, 2 * CP), lambda i: (0, 0)),
            pl.BlockSpec((2 * CP, 2 * CP), lambda i: (0, 0)),
            pl.BlockSpec((2 * CP, CP), lambda i: (0, 0)),
        ],
        out_specs=[
            pl.BlockSpec((1, CP, NP), lambda i: (i // npb, 0, i % npb)),
            pl.BlockSpec((1, CP, 128), lambda i: (i // npb, 0, 0)),
        ],
        out_shape=[
            jax.ShapeDtypeStruct((B, CP, N), F32),
            jax.ShapeDtypeStruct((B, CP, 128), F32),
        ],
    )(gath, table, wp1, wd1, wp2, wd2, smat, stmat, ffold)


def _msum(tile, mask):
    t = jnp.where(mask, tile, 0.0)
    return jnp.sum(jnp.sum(t, axis=1, keepdims=True), axis=0, keepdims=True)


def _jacobi_rot(a, v, p, q):
    ix = lambda i, j: 3 * i + j
    apq = a[ix(p, q)]
    app = a[ix(p, p)]
    aqq = a[ix(q, q)]
    small = jnp.abs(apq) < 1e-37
    sap = jnp.where(small, 1.0, apq)
    theta = (aqq - app) / (2.0 * sap)
    sgn = jnp.where(theta >= 0.0, 1.0, -1.0)
    t = sgn / (jnp.abs(theta) + jnp.sqrt(theta * theta + 1.0))
    t = jnp.where(small, 0.0, t)
    c = 1.0 / jnp.sqrt(t * t + 1.0)
    s = t * c
    r = 3 - p - q
    arp = a[ix(r, p)]
    arq = a[ix(r, q)]
    na = list(a)
    na[ix(p, p)] = app - t * apq
    na[ix(q, q)] = aqq + t * apq
    na[ix(p, q)] = jnp.zeros_like(apq)
    na[ix(q, p)] = jnp.zeros_like(apq)
    nrp = c * arp - s * arq
    nrq = s * arp + c * arq
    na[ix(r, p)] = nrp
    na[ix(p, r)] = nrp
    na[ix(r, q)] = nrq
    na[ix(q, r)] = nrq
    nv = list(v)
    for i in range(3):
        vip = v[ix(i, p)]
        viq = v[ix(i, q)]
        nv[ix(i, p)] = c * vip - s * viq
        nv[ix(i, q)] = s * vip + c * viq
    return tuple(na), tuple(nv)


def _zca_from_cov(cov):
    one = jnp.ones_like(cov[0])
    zero = jnp.zeros_like(cov[0])
    v0 = (one, zero, zero, zero, one, zero, zero, zero, one)

    def sweep(_, carry):
        a, v = carry
        a, v = _jacobi_rot(a, v, 0, 1)
        a, v = _jacobi_rot(a, v, 0, 2)
        a, v = _jacobi_rot(a, v, 1, 2)
        return a, v

    a, v = lax.fori_loop(0, 7, sweep, (cov, v0))
    lam = [jnp.maximum(a[0], 1e-05), jnp.maximum(a[4], 1e-05),
           jnp.maximum(a[8], 1e-05)]
    inv = [1.0 / jnp.sqrt(l) for l in lam]
    wz = []
    for i in range(3):
        for j in range(3):
            wz.append(v[3 * i + 0] * inv[0] * v[3 * j + 0]
                      + v[3 * i + 1] * inv[1] * v[3 * j + 1]
                      + v[3 * i + 2] * inv[2] * v[3 * j + 2])
    return wz


def _apply_tc(yt, stats, selt, gtile, B, N, CP, C, Cout):
    NPo = 1024
    NBo = N // NPo

    def body(y_ref, st_ref, s0_ref, s1_ref, s2_ref, g_ref, o_ref):
        yb = y_ref[0]
        acc = st_ref[0]
        rr = lax.broadcasted_iota(jnp.int32, (CP, 128), 0)
        cc = lax.broadcasted_iota(jnp.int32, (CP, 128), 1)
        wz = [[_msum(acc, (rr == i) & (cc == 120 + j)) for j in range(3)]
              for i in range(3)]
        mu = [_msum(acc, (rr == 3) & (cc == 120 + d)) for d in range(3)]
        srefs = (s0_ref, s1_ref, s2_ref)
        z = [_mm(srefs[d][...], yb) for d in range(3)]
        gcol = g_ref[:, 0:1]
        outs = []
        for dd in range(3):
            tm = wz[dd][0] * z[0] + wz[dd][1] * z[1] + wz[dd][2] * z[2]
            m = wz[dd][0] * mu[0] + wz[dd][1] * mu[1] + wz[dd][2] * mu[2]
            outs.append(gcol * (tm - m))
        o_ref[0] = jnp.stack(outs, axis=1)[:Cout]

    full = pl.BlockSpec((CP, CP), lambda b, j: (0, 0))
    return pl.pallas_call(
        body,
        grid=(B, NBo),
        in_specs=[
            pl.BlockSpec((1, CP, NPo), lambda b, j: (b, 0, j)),
            pl.BlockSpec((1, CP, 128), lambda b, j: (b, 0, 0)),
            full, full, full,
            pl.BlockSpec((CP, 128), lambda b, j: (0, 0)),
        ],
        out_specs=pl.BlockSpec((1, Cout, 3, NPo), lambda b, j: (b, 0, 0, j)),
        out_shape=jax.ShapeDtypeStruct((B, Cout, 3, N), F32),
    )(yt, stats, selt[0], selt[1], selt[2], gtile)


def kernel(feat, idx_knn_max, W_feat, W_dir, gamma):
    B, C, _, N = feat.shape
    Kmax = idx_knn_max.shape[-1]
    kk = min(KNN_, Kmax)
    Cout = W_feat.shape[0]
    CP = 64
    assert 3 * C <= CP and Cout <= C + 1

    table = _table_tc(feat.reshape(B, 3 * C, N), B, N, CP)

    idx = idx_knn_max[..., :kk] + (
        jnp.arange(B, dtype=idx_knn_max.dtype) * N)[:, None, None]

    eye3 = jnp.eye(3, dtype=F32)
    eyec = jnp.eye(C, dtype=F32)
    pad = CP - 3 * C
    bd = lambda M: jnp.pad(jnp.kron(M.T, eye3), ((0, pad), (0, pad)))
    W1, W2 = W_feat[:, :C], W_feat[:, C:]
    D1, D2 = W_dir[:, :C], W_dir[:, C:]
    wp1, wd1 = bd(W1), bd(D1)
    wp2, wd2 = bd(W2 - W1), bd(D2 - D1)
    smat = jnp.pad(jnp.kron(eyec, jnp.ones((3, 1), F32)),
                   ((0, pad), (0, CP - C)))
    stmat = smat.T

    E = B * N * kk
    idx3 = idx.reshape(NW_, E // (NW_ * 128), 128).astype(jnp.int32)
    gath = _sc_gather(table, idx3, E, CP)
    gath2 = gath.reshape(E // 2, 2 * CP)
    z64 = jnp.zeros((CP, CP), F32)
    bd2 = lambda M: jnp.concatenate(
        [jnp.concatenate([M, z64], axis=1),
         jnp.concatenate([z64, M], axis=1)], axis=0)
    ffold = jnp.concatenate([jnp.eye(CP, dtype=F32),
                             jnp.eye(CP, dtype=F32)], axis=0) * (1.0 / kk)
    NP = 1024
    yt, stats = _edge_tc(gath2, table, bd2(wp1), bd2(wd1), wp2, wd2,
                         bd2(smat), bd2(stmat), ffold, B, N, CP, C, kk, NP)

    selt = [jnp.pad(jnp.kron(eyec, jnp.eye(3, dtype=F32)[d][None, :]),
                    ((0, CP - C), (0, pad)))
            for d in range(3)]
    gflat = gamma.reshape(-1)
    gtile = jnp.broadcast_to(
        jnp.pad(gflat, (0, CP - Cout))[:, None], (CP, 128))

    return _apply_tc(yt, stats, selt, gtile, B, N, CP, C, Cout)

# --- scband reference (transcript-rebuilt; emitter-appended) ---
"""Pipeline reference for scband-vnedge-conv-ms-60189671686870 (READ-ONLY COPY).

The authoritative reference and input builder live on the scoring server;
editing this copy changes nothing except your own understanding.
"""

import jax, jax.numpy as jnp
import numpy as np

EPS = 1e-06
NEG_SLOPE = 0.1
K = 16


def setup_inputs(seed: int = 0) -> dict:
    key = jax.random.key(seed)
    k1, k2, k3, k4 = jax.random.split(key, 4)
    B, C, N, Kmax = 2, 21, 4096, 16
    Cout = 21
    feat = jax.random.normal(k1, (B, C, 3, N), dtype=jnp.float32)
    idx_knn_max = jax.random.randint(k2, (B, N, Kmax), 0, N, dtype=jnp.int32)
    W_feat = (jax.random.normal(k3, (Cout, 2 * C), dtype=jnp.float32) / jnp.sqrt(2.0 * C))
    W_dir = (jax.random.normal(k4, (Cout, 2 * C), dtype=jnp.float32) / jnp.sqrt(2.0 * C))
    gamma = jnp.ones((1, Cout, 1, 1), dtype=jnp.float32)
    return {"feat": feat, "idx_knn_max": idx_knn_max, "W_feat": W_feat, "W_dir": W_dir, "gamma": gamma}


def _forward(feat, W_feat, W_dir, gamma, idx_knn_max):
    B, C, _, N = feat.shape
    Kmax = idx_knn_max.shape[-1]
    k = min(K, Kmax)
    idx = idx_knn_max[:, :, :k]
    # get_graph_feature (no cross)
    x = feat.reshape(B, C * 3, N)
    xt = jnp.transpose(x, (0, 2, 1)).reshape(B * N, C * 3)
    idx_base = (jnp.arange(B, dtype=idx.dtype) * N)[:, None, None]
    idx_flat = (idx + idx_base).reshape(-1)
    feature = jnp.take(xt, idx_flat, axis=0).reshape(B, N, k, C, 3)
    x_center = xt.reshape(B, N, 1, C, 3)
    x_rep = jnp.broadcast_to(x_center, (B, N, k, C, 3))
    edge = jnp.concatenate([feature - x_rep, x_rep], axis=3)  # (B, N, k, 2C, 3)
    edge = jnp.transpose(edge, (0, 3, 4, 1, 2))  # (B, 2C, 3, N, k)
    # VNLinearLeakyReLU (no batchnorm)
    p = jnp.einsum('bcdnk,oc->bodnk', edge, W_feat)
    d = jnp.einsum('bcdnk,oc->bodnk', edge, W_dir)
    dotprod = jnp.sum(p * d, axis=2, keepdims=True)
    mask = (dotprod >= 0).astype(p.dtype)
    d_norm_sq = jnp.sum(d * d, axis=2, keepdims=True)
    y = NEG_SLOPE * p + (1.0 - NEG_SLOPE) * (mask * p + (1.0 - mask) * (p - dotprod / (d_norm_sq + EPS) * d))
    # mean pooling over neighbors
    y = jnp.mean(y, axis=-1)  # (B, Cout, 3, N)
    # VNZCALayerNorm
    Cout = y.shape[1]
    x_flat = jnp.transpose(y.reshape(B, Cout, 3, -1), (0, 2, 1, 3)).reshape(B, 3, -1)
    mu = jnp.mean(x_flat, axis=-1, keepdims=True)
    xc = x_flat - mu
    M = xc.shape[-1]
    cov = jnp.matmul(xc, jnp.transpose(xc, (0, 2, 1))) / (float(M) + EPS)
    cov = cov + 1e-05 * jnp.eye(3, dtype=xc.dtype)[None]
    eigvals, eigvecs = jnp.linalg.eigh(cov)
    eigvals = jnp.maximum(eigvals, 1e-05)
    inv_sqrt = 1.0 / jnp.sqrt(eigvals)
    Wz = jnp.matmul(eigvecs, inv_sqrt[..., None] * jnp.transpose(eigvecs, (0, 2, 1)))
    xw = jnp.matmul(Wz, xc)
    xw = jnp.transpose(xw.reshape(B, 3, Cout, N), (0, 2, 1, 3))  # (B, Cout, 3, N)
    return xw * gamma


def reference(feat, idx_knn_max, W_feat, W_dir, gamma):
    return _forward(feat, W_feat, W_dir, gamma, idx_knn_max)

if __name__ == "__main__":
    import jax
    _d = setup_inputs()
    print(jax.jit(kernel)(*tuple(_d.values())))

</pallas_src>

<mosaic_0001>
#map = affine_map<(d0, d1) -> (0, 0)>
#map1 = affine_map<(d0, d1) -> (0, 0, 0)>
module attributes {stable_mosaic.version = 14 : i64} {
  func.func @run(%arg0: i32, %arg1: i32, %arg2: memref<8192x64xf32, #tpu.memory_space<hbm>>, %arg3: memref<32x32x128xi32, #tpu.memory_space<hbm>>, %arg4: memref<131072x64xf32, #tpu.memory_space<hbm>>, %arg5: memref<32x128xi32, #tpu.memory_space<vmem>>, %arg6: memref<128x64xf32, #tpu.memory_space<vmem>>, %arg7: memref<128x64xf32, #tpu.memory_space<vmem>>, %arg8: memref<128x64xf32, #tpu.memory_space<vmem>>, %arg9: memref<128x64xf32, #tpu.memory_space<vmem>>, %arg10: memref<128x64xf32, #tpu.memory_space<vmem>>, %arg11: memref<128x64xf32, #tpu.memory_space<vmem>>, %arg12: memref<128x64xf32, #tpu.memory_space<vmem>>, %arg13: memref<128x64xf32, #tpu.memory_space<vmem>>, %arg14: memref<!tpu.dma_semaphore, #tpu.memory_space<semaphore_mem>>, %arg15: memref<!tpu.dma_semaphore, #tpu.memory_space<semaphore_mem>>, %arg16: memref<!tpu.dma_semaphore, #tpu.memory_space<semaphore_mem>>, %arg17: memref<!tpu.dma_semaphore, #tpu.memory_space<semaphore_mem>>, %arg18: memref<!tpu.dma_semaphore, #tpu.memory_space<semaphore_mem>>, %arg19: memref<!tpu.dma_semaphore, #tpu.memory_space<semaphore_mem>>, %arg20: memref<!tpu.dma_semaphore, #tpu.memory_space<semaphore_mem>>, %arg21: memref<!tpu.dma_semaphore, #tpu.memory_space<semaphore_mem>>, %arg22: memref<!tpu.dma_semaphore, #tpu.memory_space<semaphore_mem>>, %arg23: memref<!tpu.dma_semaphore, #tpu.memory_space<semaphore_mem>>, %arg24: memref<!tpu.dma_semaphore, #tpu.memory_space<semaphore_mem>>, %arg25: memref<!tpu.dma_semaphore, #tpu.memory_space<semaphore_mem>>, %arg26: memref<!tpu.dma_semaphore, #tpu.memory_space<semaphore_mem>>, %arg27: memref<!tpu.dma_semaphore, #tpu.memory_space<semaphore_mem>>, %arg28: memref<!tpu.dma_semaphore, #tpu.memory_space<semaphore_mem>>, %arg29: memref<!tpu.dma_semaphore, #tpu.memory_space<semaphore_mem>>) attributes {dimension_semantics = [#tpu.dimension_semantics<core_parallel>, #tpu.dimension_semantics<subcore_parallel>], iteration_bounds = array<i64: 2, 16>, scalar_prefetch = 0 : i64, scratch_operands = 25 : i64, tpu.core_type = #tpu.core_type<sc_vector_subcore>, window_params = [{transform_indices = #map}, {transform_indices = #map1}, {transform_indices = #map}]} {
    %mul3A = arith.constant 2 : i32
    %mul3A_0 = arith.muli %arg1, %mul3A : i32
    %add3A = arith.addi %mul3A_0, %arg0 : i32
    "tpu.region"() ({
      %run_scoped3A = tpu.sem_alloc : memref<!tpu.dma_semaphore, #tpu.memory_space<semaphore_mem>>
      %dma_start3A_831 = arith.constant 0 : i32
      %dma_start3A_832 = arith.constant 0 : i32
      %dma_start3A_833 = tpu.memref_slice %arg3[%add3A, %dma_start3A_831, %dma_start3A_832] : memref<32x32x128xi32, #tpu.memory_space<hbm>> -> memref<1x32x128xi32, #tpu.memory_space<hbm>>
      %dma_start3A_834 = tpu.memref_squeeze %dma_start3A_833 : memref<1x32x128xi32, #tpu.memory_space<hbm>> -> memref<32x128xi32, #tpu.memory_space<hbm>>
      %dma_start3A_835 = arith.constant 0 : i32
      %dma_start3A_836 = arith.constant 0 : i32
      %dma_start3A_837 = tpu.memref_slice %arg3[%add3A, %dma_start3A_835, %dma_start3A_836] : memref<32x32x128xi32, #tpu.memory_space<hbm>> -> memref<1x32x128xi32, #tpu.memory_space<hbm>>
      %dma_start3A_838 = tpu.memref_squeeze %dma_start3A_837 : memref<1x32x128xi32, #tpu.memory_space<hbm>> -> memref<32x128xi32, #tpu.memory_space<hbm>>
      tpu.enqueue_dma source(%dma_start3A_838 : memref<32x128xi32, #tpu.memory_space<hbm>>) target(%arg5 : memref<32x128xi32, #tpu.memory_space<vmem>>) target_semaphore(%run_scoped3A : memref<!tpu.dma_semaphore, #tpu.memory_space<semaphore_mem>>)
      %dma_wait3A_839 = arith.constant 0 : i32
      %dma_wait3A_840 = arith.constant 0 : i32
      %dma_wait3A_841 = tpu.memref_slice %arg3[%add3A, %dma_wait3A_839, %dma_wait3A_840] : memref<32x32x128xi32, #tpu.memory_space<hbm>> -> memref<1x32x128xi32, #tpu.memory_space<hbm>>
      %dma_wait3A_842 = tpu.memref_squeeze %dma_wait3A_841 : memref<1x32x128xi32, #tpu.memory_space<hbm>> -> memref<32x128xi32, #tpu.memory_space<hbm>>
      %dma_wait3A_843 = arith.constant 0 : i32
      %dma_wait3A_844 = arith.constant 0 : i32
      %dma_wait3A_845 = tpu.memref_slice %arg3[%add3A, %dma_wait3A_843, %dma_wait3A_844] : memref<32x32x128xi32, #tpu.memory_space<hbm>> -> memref<1x32x128xi32, #tpu.memory_space<hbm>>
      %dma_wait3A_846 = tpu.memref_squeeze %dma_wait3A_845 : memref<1x32x128xi32, #tpu.memory_space<hbm>> -> memref<32x128xi32, #tpu.memory_space<hbm>>
      tpu.wait_dma2 semaphore(%run_scoped3A : memref<!tpu.dma_semaphore, #tpu.memory_space<semaphore_mem>>) src(%dma_wait3A_846 : memref<32x128xi32, #tpu.memory_space<hbm>>) dst(%arg5 : memref<32x128xi32, #tpu.memory_space<vmem>>)
      tpu.yield
    }) : () -> ()
    %dma_start3A = arith.constant 0 : i32
    %dma_start3A_1 = arith.constant 0 : i32
    %dma_start3A_2 = tpu.memref_slice %arg5[%dma_start3A, %dma_start3A_1] : memref<32x128xi32, #tpu.memory_space<vmem>> -> memref<1x128xi32, #tpu.memory_space<vmem>>
    %dma_start3A_3 = tpu.memref_squeeze %dma_start3A_2 : memref<1x128xi32, #tpu.memory_space<vmem>> -> memref<128xi32, #tpu.memory_space<vmem>>
    %dma_start3A_4 = arith.constant 0 : i32
    %dma_start3A_5 = arith.constant 0 : i32
    %dma_start3A_6 = tpu.memref_slice %arg2[%dma_start3A_4, %dma_start3A_5] : memref<8192x64xf32, #tpu.memory_space<hbm>> -> memref<8192x64xf32, #tpu.memory_space<hbm>>
    tpu.enqueue_indirect_dma source(%dma_start3A_6 : memref<8192x64xf32, #tpu.memory_space<hbm>>) target(%arg6 : memref<128x64xf32, #tpu.memory_space<vmem>>) offsets(%dma_start3A_3 : memref<128xi32, #tpu.memory_space<vmem>>) semaphore(%arg14 : memref<!tpu.dma_semaphore, #tpu.memory_space<semaphore_mem>>)
    %dma_start3A_7 = arith.constant 1 : i32
    %dma_start3A_8 = arith.constant 0 : i32
    %dma_start3A_9 = tpu.memref_slice %arg5[%dma_start3A_7, %dma_start3A_8] : memref<32x128xi32, #tpu.memory_space<vmem>> -> memref<1x128xi32, #tpu.memory_space<vmem>>
    %dma_start3A_10 = tpu.memref_squeeze %dma_start3A_9 : memref<1x128xi32, #tpu.memory_space<vmem>> -> memref<128xi32, #tpu.memory_space<vmem>>
    %dma_start3A_11 = arith.constant 0 : i32
    %dma_start3A_12 = arith.constant 0 : i32
    %dma_start3A_13 = tpu.memref_slice %arg2[%dma_start3A_11, %dma_start3A_12] : memref<8192x64xf32, #tpu.memory_space<hbm>> -> memref<8192x64xf32, #tpu.memory_space<hbm>>
    tpu.enqueue_indirect_dma source(%dma_start3A_13 : memref<8192x64xf32, #tpu.memory_space<hbm>>) target(%arg7 : memref<128x64xf32, #tpu.memory_space<vmem>>) offsets(%dma_start3A_10 : memref<128xi32, #tpu.memory_space<vmem>>) semaphore(%arg15 : memref<!tpu.dma_semaphore, #tpu.memory_space<semaphore_mem>>)
    %dma_start3A_14 = arith.constant 2 : i32
    %dma_start3A_15 = arith.constant 0 : i32
    %dma_start3A_16 = tpu.memref_slice %arg5[%dma_start3A_14, %dma_start3A_15] : memref<32x128xi32, #tpu.memory_space<vmem>> -> memref<1x128xi32, #tpu.memory_space<vmem>>
    %dma_start3A_17 = tpu.memref_squeeze %dma_start3A_16 : memref<1x128xi32, #tpu.memory_space<vmem>> -> memref<128xi32, #tpu.memory_space<vmem>>
    %dma_start3A_18 = arith.constant 0 : i32
    %dma_start3A_19 = arith.constant 0 : i32
    %dma_start3A_20 = tpu.memref_slice %arg2[%dma_start3A_18, %dma_start3A_19] : memref<8192x64xf32, #tpu.memory_space<hbm>> -> memref<8192x64xf32, #tpu.memory_space<hbm>>
    tpu.enqueue_indirect_dma source(%dma_start3A_20 : memref<8192x64xf32, #tpu.memory_space<hbm>>) target(%arg8 : memref<128x64xf32, #tpu.memory_space<vmem>>) offsets(%dma_start3A_17 : memref<128xi32, #tpu.memory_space<vmem>>) semaphore(%arg16 : memref<!tpu.dma_semaphore, #tpu.memory_space<semaphore_mem>>)
    %dma_start3A_21 = arith.constant 3 : i32
    %dma_start3A_22 = arith.constant 0 : i32
    %dma_start3A_23 = tpu.memref_slice %arg5[%dma_start3A_21, %dma_start3A_22] : memref<32x128xi32, #tpu.memory_space<vmem>> -> memref<1x128xi32, #tpu.memory_space<vmem>>
    %dma_start3A_24 = tpu.memref_squeeze %dma_start3A_23 : memref<1x128xi32, #tpu.memory_space<vmem>> -> memref<128xi32, #tpu.memory_space<vmem>>
    %dma_start3A_25 = arith.constant 0 : i32
    %dma_start3A_26 = arith.constant 0 : i32
    %dma_start3A_27 = tpu.memref_slice %arg2[%dma_start3A_25, %dma_start3A_26] : memref<8192x64xf32, #tpu.memory_space<hbm>> -> memref<8192x64xf32, #tpu.memory_space<hbm>>
    tpu.enqueue_indirect_dma source(%dma_start3A_27 : memref<8192x64xf32, #tpu.memory_space<hbm>>) target(%arg9 : memref<128x64xf32, #tpu.memory_space<vmem>>) offsets(%dma_start3A_24 : memref<128xi32, #tpu.memory_space<vmem>>) semaphore(%arg17 : memref<!tpu.dma_semaphore, #tpu.memory_space<semaphore_mem>>)
    %dma_wait3A = arith.constant 0 : i32
    %dma_wait3A_28 = arith.constant 0 : i32
    %dma_wait3A_29 = tpu.memref_slice %arg5[%dma_wait3A, %dma_wait3A_28] : memref<32x128xi32, #tpu.memory_space<vmem>> -> memref<1x128xi32, #tpu.memory_space<vmem>>
    %dma_wait3A_30 = tpu.memref_squeeze %dma_wait3A_29 : memref<1x128xi32, #tpu.memory_space<vmem>> -> memref<128xi32, #tpu.memory_space<vmem>>
    %dma_wait3A_31 = arith.constant 0 : i32
    %dma_wait3A_32 = arith.constant 0 : i32
    %dma_wait3A_33 = tpu.memref_slice %arg2[%dma_wait3A_31, %dma_wait3A_32] : memref<8192x64xf32, #tpu.memory_space<hbm>> -> memref<8192x64xf32, #tpu.memory_space<hbm>>
    tpu.wait_indirect_dma semaphore(%arg14 : memref<!tpu.dma_semaphore, #tpu.memory_space<semaphore_mem>>) src(%dma_wait3A_33 : memref<8192x64xf32, #tpu.memory_space<hbm>>) dst(%arg6 : memref<128x64xf32, #tpu.memory_space<vmem>>)
    %mul3A_34 = arith.constant 4096 : i32
    %mul3A_35 = arith.muli %add3A, %mul3A_34 : i32
    %add3A_36 = arith.constant 0 : i32
    %add3A_37 = arith.addi %mul3A_35, %add3A_36 : i32
    %dma_start3A_38 = arith.constant 0 : i32
    %dma_start3A_39 = tpu.memref_slice %arg4[%add3A_37, %dma_start3A_38] : memref<131072x64xf32, #tpu.memory_space<hbm>> -> memref<128x64xf32, #tpu.memory_space<hbm>>
    %dma_start3A_40 = arith.constant 0 : i32
    %dma_start3A_41 = tpu.memref_slice %arg4[%add3A_37, %dma_start3A_40] : memref<131072x64xf32, #tpu.memory_space<hbm>> -> memref<128x64xf32, #tpu.memory_space<hbm>>
    tpu.enqueue_dma source(%arg6 : memref<128x64xf32, #tpu.memory_space<vmem>>) target(%dma_start3A_41 : memref<128x64xf32, #tpu.memory_space<hbm>>) target_semaphore(%arg22 : memref<!tpu.dma_semaphore, #tpu.memory_space<semaphore_mem>>)
    %dma_start3A_42 = arith.constant 4 : i32
    %dma_start3A_43 = arith.constant 0 : i32
    %dma_start3A_44 = tpu.memref_slice %arg5[%dma_start3A_42, %dma_start3A_43] : memref<32x128xi32, #tpu.memory_space<vmem>> -> memref<1x128xi32, #tpu.memory_space<vmem>>
    %dma_start3A_45 = tpu.memref_squeeze %dma_start3A_44 : memref<1x128xi32, #tpu.memory_space<vmem>> -> memref<128xi32, #tpu.memory_space<vmem>>
    %dma_start3A_46 = arith.constant 0 : i32
    %dma_start3A_47 = arith.constant 0 : i32
    %dma_start3A_48 = tpu.memref_slice %arg2[%dma_start3A_46, %dma_start3A_47] : memref<8192x64xf32, #tpu.memory_space<hbm>> -> memref<8192x64xf32, #tpu.memory_space<hbm>>
    tpu.enqueue_indirect_dma source(%dma_start3A_48 : memref<8192x64xf32, #tpu.memory_space<hbm>>) target(%arg10 : memref<128x64xf32, #tpu.memory_space<vmem>>) offsets(%dma_start3A_45 : memref<128xi32, #tpu.memory_space<vmem>>) semaphore(%arg18 : memref<!tpu.dma_semaphore, #tpu.memory_space<semaphore_mem>>)
    %dma_wait3A_49 = arith.constant 1 : i32
    %dma_wait3A_50 = arith.constant 0 : i32
    %dma_wait3A_51 = tpu.memref_slice %arg5[%dma_wait3A_49, %dma_wait3A_50] : memref<32x128xi32, #tpu.memory_space<vmem>> -> memref<1x128xi32, #tpu.memory_space<vmem>>
    %dma_wait3A_52 = tpu.memref_squeeze %dma_wait3A_51 : memref<1x128xi32, #tpu.memory_space<vmem>> -> memref<128xi32, #tpu.memory_space<vmem>>
    %dma_wait3A_53 = arith.constant 0 : i32
    %dma_wait3A_54 = arith.constant 0 : i32
    %dma_wait3A_55 = tpu.memref_slice %arg2[%dma_wait3A_53, %dma_wait3A_54] : memref<8192x64xf32, #tpu.memory_space<hbm>> -> memref<8192x64xf32, #tpu.memory_space<hbm>>
    tpu.wait_indirect_dma semaphore(%arg15 : memref<!tpu.dma_semaphore, #tpu.memory_space<semaphore_mem>>) src(%dma_wait3A_55 : memref<8192x64xf32, #tpu.memory_space<hbm>>) dst(%arg7 : memref<128x64xf32, #tpu.memory_space<vmem>>)
    %mul3A_56 = arith.constant 4096 : i32
    %mul3A_57 = arith.muli %add3A, %mul3A_56 : i32
    %add3A_58 = arith.constant 128 : i32
    %add3A_59 = arith.addi %mul3A_57, %add3A_58 : i32
    %dma_start3A_60 = arith.constant 0 : i32
    %dma_start3A_61 = tpu.memref_slice %arg4[%add3A_59, %dma_start3A_60] : memref<131072x64xf32, #tpu.memory_space<hbm>> -> memref<128x64xf32, #tpu.memory_space<hbm>>
    %dma_start3A_62 = arith.constant 0 : i32
    %dma_start3A_63 = tpu.memref_slice %arg4[%add3A_59, %dma_start3A_62] : memref<131072x64xf32, #tpu.memory_space<hbm>> -> memref<128x64xf32, #tpu.memory_space<hbm>>
    tpu.enqueue_dma source(%arg7 : memref<128x64xf32, #tpu.memory_space<vmem>>) target(%dma_start3A_63 : memref<128x64xf32, #tpu.memory_space<hbm>>) target_semaphore(%arg23 : memref<!tpu.dma_semaphore, #tpu.memory_space<semaphore_mem>>)
    %dma_start3A_64 = arith.constant 5 : i32
    %dma_start3A_65 = arith.constant 0 : i32
    %dma_start3A_66 = tpu.memref_slice %arg5[%dma_start3A_64, %dma_start3A_65] : memref<32x128xi32, #tpu.memory_space<vmem>> -> memref<1x128xi32, #tpu.memory_space<vmem>>
    %dma_start3A_67 = tpu.memref_squeeze %dma_start3A_66 : memref<1x128xi32, #tpu.memory_space<vmem>> -> memref<128xi32, #tpu.memory_space<vmem>>
    %dma_start3A_68 = arith.constant 0 : i32
    %dma_start3A_69 = arith.constant 0 : i32
    %dma_start3A_70 = tpu.memref_slice %arg2[%dma_start3A_68, %dma_start3A_69] : memref<8192x64xf32, #tpu.memory_space<hbm>> -> memref<8192x64xf32, #tpu.memory_space<hbm>>
    tpu.enqueue_indirect_dma source(%dma_start3A_70 : memref<8192x64xf32, #tpu.memory_space<hbm>>) target(%arg11 : memref<128x64xf32, #tpu.memory_space<vmem>>) offsets(%dma_start3A_67 : memref<128xi32, #tpu.memory_space<vmem>>) semaphore(%arg19 : memref<!tpu.dma_semaphore, #tpu.memory_space<semaphore_mem>>)
    %dma_wait3A_71 = arith.constant 2 : i32
    %dma_wait3A_72 = arith.constant 0 : i32
    %dma_wait3A_73 = tpu.memref_slice %arg5[%dma_wait3A_71, %dma_wait3A_72] : memref<32x128xi32, #tpu.memory_space<vmem>> -> memref<1x128xi32, #tpu.memory_space<vmem>>
    %dma_wait3A_74 = tpu.memref_squeeze %dma_wait3A_73 : memref<1x128xi32, #tpu.memory_space<vmem>> -> memref<128xi32, #tpu.memory_space<vmem>>
    %dma_wait3A_75 = arith.constant 0 : i32
    %dma_wait3A_76 = arith.constant 0 : i32
    %dma_wait3A_77 = tpu.memref_slice %arg2[%dma_wait3A_75, %dma_wait3A_76] : memref<8192x64xf32, #tpu.memory_space<hbm>> -> memref<8192x64xf32, #tpu.memory_space<hbm>>
    tpu.wait_indirect_dma semaphore(%arg16 : memref<!tpu.dma_semaphore, #tpu.memory_space<semaphore_mem>>) src(%dma_wait3A_77 : memref<8192x64xf32, #tpu.memory_space<hbm>>) dst(%arg8 : memref<128x64xf32, #tpu.memory_space<vmem>>)
    %mul3A_78 = arith.constant 4096 : i32
    %mul3A_79 = arith.muli %add3A, %mul3A_78 : i32
    %add3A_80 = arith.constant 256 : i32
    %add3A_81 = arith.addi %mul3A_79, %add3A_80 : i32
    %dma_start3A_82 = arith.constant 0 : i32
    %dma_start3A_83 = tpu.memref_slice %arg4[%add3A_81, %dma_start3A_82] : memref<131072x64xf32, #tpu.memory_space<hbm>> -> memref<128x64xf32, #tpu.memory_space<hbm>>
    %dma_start3A_84 = arith.constant 0 : i32
    %dma_start3A_85 = tpu.memref_slice %arg4[%add3A_81, %dma_start3A_84] : memref<131072x64xf32, #tpu.memory_space<hbm>> -> memref<128x64xf32, #tpu.memory_space<hbm>>
    tpu.enqueue_dma source(%arg8 : memref<128x64xf32, #tpu.memory_space<vmem>>) target(%dma_start3A_85 : memref<128x64xf32, #tpu.memory_space<hbm>>) target_semaphore(%arg24 : memref<!tpu.dma_semaphore, #tpu.memory_space<semaphore_mem>>)
    %dma_start3A_86 = arith.constant 6 : i32
    %dma_start3A_87 = arith.constant 0 : i32
    %dma_start3A_88 = tpu.memref_slice %arg5[%dma_start3A_86, %dma_start3A_87] : memref<32x128xi32, #tpu.memory_space<vmem>> -> memref<1x128xi32, #tpu.memory_space<vmem>>
    %dma_start3A_89 = tpu.memref_squeeze %dma_start3A_88 : memref<1x128xi32, #tpu.memory_space<vmem>> -> memref<128xi32, #tpu.memory_space<vmem>>
    %dma_start3A_90 = arith.constant 0 : i32
    %dma_start3A_91 = arith.constant 0 : i32
    %dma_start3A_92 = tpu.memref_slice %arg2[%dma_start3A_90, %dma_start3A_91] : memref<8192x64xf32, #tpu.memory_space<hbm>> -> memref<8192x64xf32, #tpu.memory_space<hbm>>
    tpu.enqueue_indirect_dma source(%dma_start3A_92 : memref<8192x64xf32, #tpu.memory_space<hbm>>) target(%arg12 : memref<128x64xf32, #tpu.memory_space<vmem>>) offsets(%dma_start3A_89 : memref<128xi32, #tpu.memory_space<vmem>>) semaphore(%arg20 : memref<!tpu.dma_semaphore, #tpu.memory_space<semaphore_mem>>)
    %dma_wait3A_93 = arith.constant 3 : i32
    %dma_wait3A_94 = arith.constant 0 : i32
    %dma_wait3A_95 = tpu.memref_slice %arg5[%dma_wait3A_93, %dma_wait3A_94] : memref<32x128xi32, #tpu.memory_space<vmem>> -> memref<1x128xi32, #tpu.memory_space<vmem>>
    %dma_wait3A_96 = tpu.memref_squeeze %dma_wait3A_95 : memref<1x128xi32, #tpu.memory_space<vmem>> -> memref<128xi32, #tpu.memory_space<vmem>>
    %dma_wait3A_97 = arith.constant 0 : i32
    %dma_wait3A_98 = arith.constant 0 : i32
    %dma_wait3A_99 = tpu.memref_slice %arg2[%dma_wait3A_97, %dma_wait3A_98] : memref<8192x64xf32, #tpu.memory_space<hbm>> -> memref<8192x64xf32, #tpu.memory_space<hbm>>
    tpu.wait_indirect_dma semaphore(%arg17 : memref<!tpu.dma_semaphore, #tpu.memory_space<semaphore_mem>>) src(%dma_wait3A_99 : memref<8192x64xf32, #tpu.memory_space<hbm>>) dst(%arg9 : memref<128x64xf32, #tpu.memory_space<vmem>>)
    %mul3A_100 = arith.constant 4096 : i32
    %mul3A_101 = arith.muli %add3A, %mul3A_100 : i32
    %add3A_102 = arith.constant 384 : i32
    %add3A_103 = arith.addi %mul3A_101, %add3A_102 : i32
    %dma_start3A_104 = arith.constant 0 : i32
    %dma_start3A_105 = tpu.memref_slice %arg4[%add3A_103, %dma_start3A_104] : memref<131072x64xf32, #tpu.memory_space<hbm>> -> memref<128x64xf32, #tpu.memory_space<hbm>>
    %dma_start3A_106 = arith.constant 0 : i32
    %dma_start3A_107 = tpu.memref_slice %arg4[%add3A_103, %dma_start3A_106] : memref<131072x64xf32, #tpu.memory_space<hbm>> -> memref<128x64xf32, #tpu.memory_space<hbm>>
    tpu.enqueue_dma source(%arg9 : memref<128x64xf32, #tpu.memory_space<vmem>>) target(%dma_start3A_107 : memref<128x64xf32, #tpu.memory_space<hbm>>) target_semaphore(%arg25 : memref<!tpu.dma_semaphore, #tpu.memory_space<semaphore_mem>>)
    %dma_start3A_108 = arith.constant 7 : i32
    %dma_start3A_109 = arith.constant 0 : i32
    %dma_start3A_110 = tpu.memref_slice %arg5[%dma_start3A_108, %dma_start3A_109] : memref<32x128xi32, #tpu.memory_space<vmem>> -> memref<1x128xi32, #tpu.memory_space<vmem>>
    %dma_start3A_111 = tpu.memref_squeeze %dma_start3A_110 : memref<1x128xi32, #tpu.memory_space<vmem>> -> memref<128xi32, #tpu.memory_space<vmem>>
    %dma_start3A_112 = arith.constant 0 : i32
    %dma_start3A_113 = arith.constant 0 : i32
    %dma_start3A_114 = tpu.memref_slice %arg2[%dma_start3A_112, %dma_start3A_113] : memref<8192x64xf32, #tpu.memory_space<hbm>> -> memref<8192x64xf32, #tpu.memory_space<hbm>>
    tpu.enqueue_indirect_dma source(%dma_start3A_114 : memref<8192x64xf32, #tpu.memory_space<hbm>>) target(%arg13 : memref<128x64xf32, #tpu.memory_space<vmem>>) offsets(%dma_start3A_111 : memref<128xi32, #tpu.memory_space<vmem>>) semaphore(%arg21 : memref<!tpu.dma_semaphore, #tpu.memory_space<semaphore_mem>>)
    %dma_wait3A_115 = arith.constant 4 : i32
    %dma_wait3A_116 = arith.constant 0 : i32
    %dma_wait3A_117 = tpu.memref_slice %arg5[%dma_wait3A_115, %dma_wait3A_116] : memref<32x128xi32, #tpu.memory_space<vmem>> -> memref<1x128xi32, #tpu.memory_space<vmem>>
    %dma_wait3A_118 = tpu.memref_squeeze %dma_wait3A_117 : memref<1x128xi32, #tpu.memory_space<vmem>> -> memref<128xi32, #tpu.memory_space<vmem>>
    %dma_wait3A_119 = arith.constant 0 : i32
    %dma_wait3A_120 = arith.constant 0 : i32
    %dma_wait3A_121 = tpu.memref_slice %arg2[%dma_wait3A_119, %dma_wait3A_120] : memref<8192x64xf32, #tpu.memory_space<hbm>> -> memref<8192x64xf32, #tpu.memory_space<hbm>>
    tpu.wait_indirect_dma semaphore(%arg18 : memref<!tpu.dma_semaphore, #tpu.memory_space<semaphore_mem>>) src(%dma_wait3A_121 : memref<8192x64xf32, #tpu.memory_space<hbm>>) dst(%arg10 : memref<128x64xf32, #tpu.memory_space<vmem>>)
    %mul3A_122 = arith.constant 4096 : i32
    %mul3A_123 = arith.muli %add3A, %mul3A_122 : i32
    %add3A_124 = arith.constant 512 : i32
    %add3A_125 = arith.addi %mul3A_123, %add3A_124 : i32
    %dma_start3A_126 = arith.constant 0 : i32
    %dma_start3A_127 = tpu.memref_slice %arg4[%add3A_125, %dma_start3A_126] : memref<131072x64xf32, #tpu.memory_space<hbm>> -> memref<128x64xf32, #tpu.memory_space<hbm>>
    %dma_start3A_128 = arith.constant 0 : i32
    %dma_start3A_129 = tpu.memref_slice %arg4[%add3A_125, %dma_start3A_128] : memref<131072x64xf32, #tpu.memory_space<hbm>> -> memref<128x64xf32, #tpu.memory_space<hbm>>
    tpu.enqueue_dma source(%arg10 : memref<128x64xf32, #tpu.memory_space<vmem>>) target(%dma_start3A_129 : memref<128x64xf32, #tpu.memory_space<hbm>>) target_semaphore(%arg26 : memref<!tpu.dma_semaphore, #tpu.memory_space<semaphore_mem>>)
    %dma_wait3A_130 = arith.constant 0 : i32
    %dma_wait3A_131 = tpu.memref_slice %arg4[%add3A_37, %dma_wait3A_130] : memref<131072x64xf32, #tpu.memory_space<hbm>> -> memref<128x64xf32, #tpu.memory_space<hbm>>
    %dma_wait3A_132 = arith.constant 0 : i32
    %dma_wait3A_133 = tpu.memref_slice %arg4[%add3A_37, %dma_wait3A_132] : memref<131072x64xf32, #tpu.memory_space<hbm>> -> memref<128x64xf32, #tpu.memory_space<hbm>>
    tpu.wait_dma2 semaphore(%arg22 : memref<!tpu.dma_semaphore, #tpu.memory_space<semaphore_mem>>) src(%arg6 : memref<128x64xf32, #tpu.memory_space<vmem>>) dst(%dma_wait3A_133 : memref<128x64xf32, #tpu.memory_space<hbm>>)
    %dma_start3A_134 = arith.constant 8 : i32
    %dma_start3A_135 = arith.constant 0 : i32
    %dma_start3A_136 = tpu.memref_slice %arg5[%dma_start3A_134, %dma_start3A_135] : memref<32x128xi32, #tpu.memory_space<vmem>> -> memref<1x128xi32, #tpu.memory_space<vmem>>
    %dma_start3A_137 = tpu.memref_squeeze %dma_start3A_136 : memref<1x128xi32, #tpu.memory_space<vmem>> -> memref<128xi32, #tpu.memory_space<vmem>>
    %dma_start3A_138 = arith.constant 0 : i32
    %dma_start3A_139 = arith.constant 0 : i32
    %dma_start3A_140 = tpu.memref_slice %arg2[%dma_start3A_138, %dma_start3A_139] : memref<8192x64xf32, #tpu.memory_space<hbm>> -> memref<8192x64xf32, #tpu.memory_space<hbm>>
    tpu.enqueue_indirect_dma source(%dma_start3A_140 : memref<8192x64xf32, #tpu.memory_space<hbm>>) target(%arg6 : memref<128x64xf32, #tpu.memory_space<vmem>>) offsets(%dma_start3A_137 : memref<128xi32, #tpu.memory_space<vmem>>) semaphore(%arg14 : memref<!tpu.dma_semaphore, #tpu.memory_space<semaphore_mem>>)
    %dma_wait3A_141 = arith.constant 5 : i32
    %dma_wait3A_142 = arith.constant 0 : i32
    %dma_wait3A_143 = tpu.memref_slice %arg5[%dma_wait3A_141, %dma_wait3A_142] : memref<32x128xi32, #tpu.memory_space<vmem>> -> memref<1x128xi32, #tpu.memory_space<vmem>>
    %dma_wait3A_144 = tpu.memref_squeeze %dma_wait3A_143 : memref<1x128xi32, #tpu.memory_space<vmem>> -> memref<128xi32, #tpu.memory_space<vmem>>
    %dma_wait3A_145 = arith.constant 0 : i32
    %dma_wait3A_146 = arith.constant 0 : i32
    %dma_wait3A_147 = tpu.memref_slice %arg2[%dma_wait3A_145, %dma_wait3A_146] : memref<8192x64xf32, #tpu.memory_space<hbm>> -> memref<8192x64xf32, #tpu.memory_space<hbm>>
    tpu.wait_indirect_dma semaphore(%arg19 : memref<!tpu.dma_semaphore, #tpu.memory_space<semaphore_mem>>) src(%dma_wait3A_147 : memref<8192x64xf32, #tpu.memory_space<hbm>>) dst(%arg11 : memref<128x64xf32, #tpu.memory_space<vmem>>)
    %mul3A_148 = arith.constant 4096 : i32
    %mul3A_149 = arith.muli %add3A, %mul3A_148 : i32
    %add3A_150 = arith.constant 640 : i32
    %add3A_151 = arith.addi %mul3A_149, %add3A_150 : i32
    %dma_start3A_152 = arith.constant 0 : i32
    %dma_start3A_153 = tpu.memref_slice %arg4[%add3A_151, %dma_start3A_152] : memref<131072x64xf32, #tpu.memory_space<hbm>> -> memref<128x64xf32, #tpu.memory_space<hbm>>
    %dma_start3A_154 = arith.constant 0 : i32
    %dma_start3A_155 = tpu.memref_slice %arg4[%add3A_151, %dma_start3A_154] : memref<131072x64xf32, #tpu.memory_space<hbm>> -> memref<128x64xf32, #tpu.memory_space<hbm>>
    tpu.enqueue_dma source(%arg11 : memref<128x64xf32, #tpu.memory_space<vmem>>) target(%dma_start3A_155 : memref<128x64xf32, #tpu.memory_space<hbm>>) target_semaphore(%arg27 : memref<!tpu.dma_semaphore, #tpu.memory_space<semaphore_mem>>)
    %dma_wait3A_156 = arith.constant 0 : i32
    %dma_wait3A_157 = tpu.memref_slice %arg4[%add3A_59, %dma_wait3A_156] : memref<131072x64xf32, #tpu.memory_space<hbm>> -> memref<128x64xf32, #tpu.memory_space<hbm>>
    %dma_wait3A_158 = arith.constant 0 : i32
    %dma_wait3A_159 = tpu.memref_slice %arg4[%add3A_59, %dma_wait3A_158] : memref<131072x64xf32, #tpu.memory_space<hbm>> -> memref<128x64xf32, #tpu.memory_space<hbm>>
    tpu.wait_dma2 semaphore(%arg23 : memref<!tpu.dma_semaphore, #tpu.memory_space<semaphore_mem>>) src(%arg7 : memref<128x64xf32, #tpu.memory_space<vmem>>) dst(%dma_wait3A_159 : memref<128x64xf32, #tpu.memory_space<hbm>>)
    %dma_start3A_160 = arith.constant 9 : i32
    %dma_start3A_161 = arith.constant 0 : i32
    %dma_start3A_162 = tpu.memref_slice %arg5[%dma_start3A_160, %dma_start3A_161] : memref<32x128xi32, #tpu.memory_space<vmem>> -> memref<1x128xi32, #tpu.memory_space<vmem>>
    %dma_start3A_163 = tpu.memref_squeeze %dma_start3A_162 : memref<1x128xi32, #tpu.memory_space<vmem>> -> memref<128xi32, #tpu.memory_space<vmem>>
    %dma_start3A_164 = arith.constant 0 : i32
    %dma_start3A_165 = arith.constant 0 : i32
    %dma_start3A_166 = tpu.memref_slice %arg2[%dma_start3A_164, %dma_start3A_165] : memref<8192x64xf32, #tpu.memory_space<hbm>> -> memref<8192x64xf32, #tpu.memory_space<hbm>>
    tpu.enqueue_indirect_dma source(%dma_start3A_166 : memref<8192x64xf32, #tpu.memory_space<hbm>>) target(%arg7 : memref<128x64xf32, #tpu.memory_space<vmem>>) offsets(%dma_start3A_163 : memref<128xi32, #tpu.memory_space<vmem>>) semaphore(%arg15 : memref<!tpu.dma_semaphore, #tpu.memory_space<semaphore_mem>>)
    %dma_wait3A_167 = arith.constant 6 : i32
    %dma_wait3A_168 = arith.constant 0 : i32
    %dma_wait3A_169 = tpu.memref_slice %arg5[%dma_wait3A_167, %dma_wait3A_168] : memref<32x128xi32, #tpu.memory_space<vmem>> -> memref<1x128xi32, #tpu.memory_space<vmem>>
    %dma_wait3A_170 = tpu.memref_squeeze %dma_wait3A_169 : memref<1x128xi32, #tpu.memory_space<vmem>> -> memref<128xi32, #tpu.memory_space<vmem>>
    %dma_wait3A_171 = arith.constant 0 : i32
    %dma_wait3A_172 = arith.constant 0 : i32
    %dma_wait3A_173 = tpu.memref_slice %arg2[%dma_wait3A_171, %dma_wait3A_172] : memref<8192x64xf32, #tpu.memory_space<hbm>> -> memref<8192x64xf32, #tpu.memory_space<hbm>>
    tpu.wait_indirect_dma semaphore(%arg20 : memref<!tpu.dma_semaphore, #tpu.memory_space<semaphore_mem>>) src(%dma_wait3A_173 : memref<8192x64xf32, #tpu.memory_space<hbm>>) dst(%arg12 : memref<128x64xf32, #tpu.memory_space<vmem>>)
    %mul3A_174 = arith.constant 4096 : i32
    %mul3A_175 = arith.muli %add3A, %mul3A_174 : i32
    %add3A_176 = arith.constant 768 : i32
    %add3A_177 = arith.addi %mul3A_175, %add3A_176 : i32
    %dma_start3A_178 = arith.constant 0 : i32
    %dma_start3A_179 = tpu.memref_slice %arg4[%add3A_177, %dma_start3A_178] : memref<131072x64xf32, #tpu.memory_space<hbm>> -> memref<128x64xf32, #tpu.memory_space<hbm>>
    %dma_start3A_180 = arith.constant 0 : i32
    %dma_start3A_181 = tpu.memref_slice %arg4[%add3A_177, %dma_start3A_180] : memref<131072x64xf32, #tpu.memory_space<hbm>> -> memref<128x64xf32, #tpu.memory_space<hbm>>
    tpu.enqueue_dma source(%arg12 : memref<128x64xf32, #tpu.memory_space<vmem>>) target(%dma_start3A_181 : memref<128x64xf32, #tpu.memory_space<hbm>>) target_semaphore(%arg28 : memref<!tpu.dma_semaphore, #tpu.memory_space<semaphore_mem>>)
    %dma_wait3A_182 = arith.constant 0 : i32
    %dma_wait3A_183 = tpu.memref_slice %arg4[%add3A_81, %dma_wait3A_182] : memref<131072x64xf32, #tpu.memory_space<hbm>> -> memref<128x64xf32, #tpu.memory_space<hbm>>
    %dma_wait3A_184 = arith.constant 0 : i32
    %dma_wait3A_185 = tpu.memref_slice %arg4[%add3A_81, %dma_wait3A_184] : memref<131072x64xf32, #tpu.memory_space<hbm>> -> memref<128x64xf32, #tpu.memory_space<hbm>>
    tpu.wait_dma2 semaphore(%arg24 : memref<!tpu.dma_semaphore, #tpu.memory_space<semaphore_mem>>) src(%arg8 : memref<128x64xf32, #tpu.memory_space<vmem>>) dst(%dma_wait3A_185 : memref<128x64xf32, #tpu.memory_space<hbm>>)
    %dma_start3A_186 = arith.constant 10 : i32
    %dma_start3A_187 = arith.constant 0 : i32
    %dma_start3A_188 = tpu.memref_slice %arg5[%dma_start3A_186, %dma_start3A_187] : memref<32x128xi32, #tpu.memory_space<vmem>> -> memref<1x128xi32, #tpu.memory_space<vmem>>
    %dma_start3A_189 = tpu.memref_squeeze %dma_start3A_188 : memref<1x128xi32, #tpu.memory_space<vmem>> -> memref<128xi32, #tpu.memory_space<vmem>>
    %dma_start3A_190 = arith.constant 0 : i32
    %dma_start3A_191 = arith.constant 0 : i32
    %dma_start3A_192 = tpu.memref_slice %arg2[%dma_start3A_190, %dma_start3A_191] : memref<8192x64xf32, #tpu.memory_space<hbm>> -> memref<8192x64xf32, #tpu.memory_space<hbm>>
    tpu.enqueue_indirect_dma source(%dma_start3A_192 : memref<8192x64xf32, #tpu.memory_space<hbm>>) target(%arg8 : memref<128x64xf32, #tpu.memory_space<vmem>>) offsets(%dma_start3A_189 : memref<128xi32, #tpu.memory_space<vmem>>) semaphore(%arg16 : memref<!tpu.dma_semaphore, #tpu.memory_space<semaphore_mem>>)
    %dma_wait3A_193 = arith.constant 7 : i32
    %dma_wait3A_194 = arith.constant 0 : i32
    %dma_wait3A_195 = tpu.memref_slice %arg5[%dma_wait3A_193, %dma_wait3A_194] : memref<32x128xi32, #tpu.memory_space<vmem>> -> memref<1x128xi32, #tpu.memory_space<vmem>>
    %dma_wait3A_196 = tpu.memref_squeeze %dma_wait3A_195 : memref<1x128xi32, #tpu.memory_space<vmem>> -> memref<128xi32, #tpu.memory_space<vmem>>
    %dma_wait3A_197 = arith.constant 0 : i32
    %dma_wait3A_198 = arith.constant 0 : i32
    %dma_wait3A_199 = tpu.memref_slice %arg2[%dma_wait3A_197, %dma_wait3A_198] : memref<8192x64xf32, #tpu.memory_space<hbm>> -> memref<8192x64xf32, #tpu.memory_space<hbm>>
    tpu.wait_indirect_dma semaphore(%arg21 : memref<!tpu.dma_semaphore, #tpu.memory_space<semaphore_mem>>) src(%dma_wait3A_199 : memref<8192x64xf32, #tpu.memory_space<hbm>>) dst(%arg13 : memref<128x64xf32, #tpu.memory_space<vmem>>)
    %mul3A_200 = arith.constant 4096 : i32
    %mul3A_201 = arith.muli %add3A, %mul3A_200 : i32
    %add3A_202 = arith.constant 896 : i32
    %add3A_203 = arith.addi %mul3A_201, %add3A_202 : i32
    %dma_start3A_204 = arith.constant 0 : i32
    %dma_start3A_205 = tpu.memref_slice %arg4[%add3A_203, %dma_start3A_204] : memref<131072x64xf32, #tpu.memory_space<hbm>> -> memref<128x64xf32, #tpu.memory_space<hbm>>
    %dma_start3A_206 = arith.constant 0 : i32
    %dma_start3A_207 = tpu.memref_slice %arg4[%add3A_203, %dma_start3A_206] : memref<131072x64xf32, #tpu.memory_space<hbm>> -> memref<128x64xf32, #tpu.memory_space<hbm>>
    tpu.enqueue_dma source(%arg13 : memref<128x64xf32, #tpu.memory_space<vmem>>) target(%dma_start3A_207 : memref<128x64xf32, #tpu.memory_space<hbm>>) target_semaphore(%arg29 : memref<!tpu.dma_semaphore, #tpu.memory_space<semaphore_mem>>)
    %dma_wait3A_208 = arith.constant 0 : i32
    %dma_wait3A_209 = tpu.memref_slice %arg4[%add3A_103, %dma_wait3A_208] : memref<131072x64xf32, #tpu.memory_space<hbm>> -> memref<128x64xf32, #tpu.memory_space<hbm>>
    %dma_wait3A_210 = arith.constant 0 : i32
    %dma_wait3A_211 = tpu.memref_slice %arg4[%add3A_103, %dma_wait3A_210] : memref<131072x64xf32, #tpu.memory_space<hbm>> -> memref<128x64xf32, #tpu.memory_space<hbm>>
    tpu.wait_dma2 semaphore(%arg25 : memref<!tpu.dma_semaphore, #tpu.memory_space<semaphore_mem>>) src(%arg9 : memref<128x64xf32, #tpu.memory_space<vmem>>) dst(%dma_wait3A_211 : memref<128x64xf32, #tpu.memory_space<hbm>>)
    %dma_start3A_212 = arith.constant 11 : i32
    %dma_start3A_213 = arith.constant 0 : i32
    %dma_start3A_214 = tpu.memref_slice %arg5[%dma_start3A_212, %dma_start3A_213] : memref<32x128xi32, #tpu.memory_space<vmem>> -> memref<1x128xi32, #tpu.memory_space<vmem>>
    %dma_start3A_215 = tpu.memref_squeeze %dma_start3A_214 : memref<1x128xi32, #tpu.memory_space<vmem>> -> memref<128xi32, #tpu.memory_space<vmem>>
    %dma_start3A_216 = arith.constant 0 : i32
    %dma_start3A_217 = arith.constant 0 : i32
    %dma_start3A_218 = tpu.memref_slice %arg2[%dma_start3A_216, %dma_start3A_217] : memref<8192x64xf32, #tpu.memory_space<hbm>> -> memref<8192x64xf32, #tpu.memory_space<hbm>>
    tpu.enqueue_indirect_dma source(%dma_start3A_218 : memref<8192x64xf32, #tpu.memory_space<hbm>>) target(%arg9 : memref<128x64xf32, #tpu.memory_space<vmem>>) offsets(%dma_start3A_215 : memref<128xi32, #tpu.memory_space<vmem>>) semaphore(%arg17 : memref<!tpu.dma_semaphore, #tpu.memory_space<semaphore_mem>>)
    %dma_wait3A_219 = arith.constant 8 : i32
    %dma_wait3A_220 = arith.constant 0 : i32
    %dma_wait3A_221 = tpu.memref_slice %arg5[%dma_wait3A_219, %dma_wait3A_220] : memref<32x128xi32, #tpu.memory_space<vmem>> -> memref<1x128xi32, #tpu.memory_space<vmem>>
    %dma_wait3A_222 = tpu.memref_squeeze %dma_wait3A_221 : memref<1x128xi32, #tpu.memory_space<vmem>> -> memref<128xi32, #tpu.memory_space<vmem>>
    %dma_wait3A_223 = arith.constant 0 : i32
    %dma_wait3A_224 = arith.constant 0 : i32
    %dma_wait3A_225 = tpu.memref_slice %arg2[%dma_wait3A_223, %dma_wait3A_224] : memref<8192x64xf32, #tpu.memory_space<hbm>> -> memref<8192x64xf32, #tpu.memory_space<hbm>>
    tpu.wait_indirect_dma semaphore(%arg14 : memref<!tpu.dma_semaphore, #tpu.memory_space<semaphore_mem>>) src(%dma_wait3A_225 : memref<8192x64xf32, #tpu.memory_space<hbm>>) dst(%arg6 : memref<128x64xf32, #tpu.memory_space<vmem>>)
    %mul3A_226 = arith.constant 4096 : i32
    %mul3A_227 = arith.muli %add3A, %mul3A_226 : i32
    %add3A_228 = arith.constant 1024 : i32
    %add3A_229 = arith.addi %mul3A_227, %add3A_228 : i32
    %dma_start3A_230 = arith.constant 0 : i32
    %dma_start3A_231 = tpu.memref_slice %arg4[%add3A_229, %dma_start3A_230] : memref<131072x64xf32, #tpu.memory_space<hbm>> -> memref<128x64xf32, #tpu.memory_space<hbm>>
    %dma_start3A_232 = arith.constant 0 : i32
    %dma_start3A_233 = tpu.memref_slice %arg4[%add3A_229, %dma_start3A_232] : memref<131072x64xf32, #tpu.memory_space<hbm>> -> memref<128x64xf32, #tpu.memory_space<hbm>>
    tpu.enqueue_dma source(%arg6 : memref<128x64xf32, #tpu.memory_space<vmem>>) target(%dma_start3A_233 : memref<128x64xf32, #tpu.memory_space<hbm>>) target_semaphore(%arg22 : memref<!tpu.dma_semaphore, #tpu.memory_space<semaphore_mem>>)
    %dma_wait3A_234 = arith.constant 0 : i32
    %dma_wait3A_235 = tpu.memref_slice %arg4[%add3A_125, %dma_wait3A_234] : memref<131072x64xf32, #tpu.memory_space<hbm>> -> memref<128x64xf32, #tpu.memory_space<hbm>>
    %dma_wait3A_236 = arith.constant 0 : i32
    %dma_wait3A_237 = tpu.memref_slice %arg4[%add3A_125, %dma_wait3A_236] : memref<131072x64xf32, #tpu.memory_space<hbm>> -> memref<128x64xf32, #tpu.memory_space<hbm>>
    tpu.wait_dma2 semaphore(%arg26 : memref<!tpu.dma_semaphore, #tpu.memory_space<semaphore_mem>>) src(%arg10 : memref<128x64xf32, #tpu.memory_space<vmem>>) dst(%dma_wait3A_237 : memref<128x64xf32, #tpu.memory_space<hbm>>)
    %dma_start3A_238 = arith.constant 12 : i32
    %dma_start3A_239 = arith.constant 0 : i32
    %dma_start3A_240 = tpu.memref_slice %arg5[%dma_start3A_238, %dma_start3A_239] : memref<32x128xi32, #tpu.memory_space<vmem>> -> memref<1x128xi32, #tpu.memory_space<vmem>>
    %dma_start3A_241 = tpu.memref_squeeze %dma_start3A_240 : memref<1x128xi32, #tpu.memory_space<vmem>> -> memref<128xi32, #tpu.memory_space<vmem>>
    %dma_start3A_242 = arith.constant 0 : i32
    %dma_start3A_243 = arith.constant 0 : i32
    %dma_start3A_244 = tpu.memref_slice %arg2[%dma_start3A_242, %dma_start3A_243] : memref<8192x64xf32, #tpu.memory_space<hbm>> -> memref<8192x64xf32, #tpu.memory_space<hbm>>
    tpu.enqueue_indirect_dma source(%dma_start3A_244 : memref<8192x64xf32, #tpu.memory_space<hbm>>) target(%arg10 : memref<128x64xf32, #tpu.memory_space<vmem>>) offsets(%dma_start3A_241 : memref<128xi32, #tpu.memory_space<vmem>>) semaphore(%arg18 : memref<!tpu.dma_semaphore, #tpu.memory_space<semaphore_mem>>)
    %dma_wait3A_245 = arith.constant 9 : i32
    %dma_wait3A_246 = arith.constant 0 : i32
    %dma_wait3A_247 = tpu.memref_slice %arg5[%dma_wait3A_245, %dma_wait3A_246] : memref<32x128xi32, #tpu.memory_space<vmem>> -> memref<1x128xi32, #tpu.memory_space<vmem>>
    %dma_wait3A_248 = tpu.memref_squeeze %dma_wait3A_247 : memref<1x128xi32, #tpu.memory_space<vmem>> -> memref<128xi32, #tpu.memory_space<vmem>>
    %dma_wait3A_249 = arith.constant 0 : i32
    %dma_wait3A_250 = arith.constant 0 : i32
    %dma_wait3A_251 = tpu.memref_slice %arg2[%dma_wait3A_249, %dma_wait3A_250] : memref<8192x64xf32, #tpu.memory_space<hbm>> -> memref<8192x64xf32, #tpu.memory_space<hbm>>
    tpu.wait_indirect_dma semaphore(%arg15 : memref<!tpu.dma_semaphore, #tpu.memory_space<semaphore_mem>>) src(%dma_wait3A_251 : memref<8192x64xf32, #tpu.memory_space<hbm>>) dst(%arg7 : memref<128x64xf32, #tpu.memory_space<vmem>>)
    %mul3A_252 = arith.constant 4096 : i32
    %mul3A_253 = arith.muli %add3A, %mul3A_252 : i32
    %add3A_254 = arith.constant 1152 : i32
    %add3A_255 = arith.addi %mul3A_253, %add3A_254 : i32
    %dma_start3A_256 = arith.constant 0 : i32
    %dma_start3A_257 = tpu.memref_slice %arg4[%add3A_255, %dma_start3A_256] : memref<131072x64xf32, #tpu.memory_space<hbm>> -> memref<128x64xf32, #tpu.memory_space<hbm>>
    %dma_start3A_258 = arith.constant 0 : i32
    %dma_start3A_259 = tpu.memref_slice %arg4[%add3A_255, %dma_start3A_258] : memref<131072x64xf32, #tpu.memory_space<hbm>> -> memref<128x64xf32, #tpu.memory_space<hbm>>
    tpu.enqueue_dma source(%arg7 : memref<128x64xf32, #tpu.memory_space<vmem>>) target(%dma_start3A_259 : memref<128x64xf32, #tpu.memory_space<hbm>>) target_semaphore(%arg23 : memref<!tpu.dma_semaphore, #tpu.memory_space<semaphore_mem>>)
    %dma_wait3A_260 = arith.constant 0 : i32
    %dma_wait3A_261 = tpu.memref_slice %arg4[%add3A_151, %dma_wait3A_260] : memref<131072x64xf32, #tpu.memory_space<hbm>> -> memref<128x64xf32, #tpu.memory_space<hbm>>
    %dma_wait3A_262 = arith.constant 0 : i32
    %dma_wait3A_263 = tpu.memref_slice %arg4[%add3A_151, %dma_wait3A_262] : memref<131072x64xf32, #tpu.memory_space<hbm>> -> memref<128x64xf32, #tpu.memory_space<hbm>>
    tpu.wait_dma2 semaphore(%arg27 : memref<!tpu.dma_semaphore, #tpu.memory_space<semaphore_mem>>) src(%arg11 : memref<128x64xf32, #tpu.memory_space<vmem>>) dst(%dma_wait3A_263 : memref<128x64xf32, #tpu.memory_space<hbm>>)
    %dma_start3A_264 = arith.constant 13 : i32
    %dma_start3A_265 = arith.constant 0 : i32
    %dma_start3A_266 = tpu.memref_slice %arg5[%dma_start3A_264, %dma_start3A_265] : memref<32x128xi32, #tpu.memory_space<vmem>> -> memref<1x128xi32, #tpu.memory_space<vmem>>
    %dma_start3A_267 = tpu.memref_squeeze %dma_start3A_266 : memref<1x128xi32, #tpu.memory_space<vmem>> -> memref<128xi32, #tpu.memory_space<vmem>>
    %dma_start3A_268 = arith.constant 0 : i32
    %dma_start3A_269 = arith.constant 0 : i32
    %dma_start3A_270 = tpu.memref_slice %arg2[%dma_start3A_268, %dma_start3A_269] : memref<8192x64xf32, #tpu.memory_space<hbm>> -> memref<8192x64xf32, #tpu.memory_space<hbm>>
    tpu.enqueue_indirect_dma source(%dma_start3A_270 : memref<8192x64xf32, #tpu.memory_space<hbm>>) target(%arg11 : memref<128x64xf32, #tpu.memory_space<vmem>>) offsets(%dma_start3A_267 : memref<128xi32, #tpu.memory_space<vmem>>) semaphore(%arg19 : memref<!tpu.dma_semaphore, #tpu.memory_space<semaphore_mem>>)
    %dma_wait3A_271 = arith.constant 10 : i32
    %dma_wait3A_272 = arith.constant 0 : i32
    %dma_wait3A_273 = tpu.memref_slice %arg5[%dma_wait3A_271, %dma_wait3A_272] : memref<32x128xi32, #tpu.memory_space<vmem>> -> memref<1x128xi32, #tpu.memory_space<vmem>>
    %dma_wait3A_274 = tpu.memref_squeeze %dma_wait3A_273 : memref<1x128xi32, #tpu.memory_space<vmem>> -> memref<128xi32, #tpu.memory_space<vmem>>
    %dma_wait3A_275 = arith.constant 0 : i32
    %dma_wait3A_276 = arith.constant 0 : i32
    %dma_wait3A_277 = tpu.memref_slice %arg2[%dma_wait3A_275, %dma_wait3A_276] : memref<8192x64xf32, #tpu.memory_space<hbm>> -> memref<8192x64xf32, #tpu.memory_space<hbm>>
    tpu.wait_indirect_dma semaphore(%arg16 : memref<!tpu.dma_semaphore, #tpu.memory_space<semaphore_mem>>) src(%dma_wait3A_277 : memref<8192x64xf32, #tpu.memory_space<hbm>>) dst(%arg8 : memref<128x64xf32, #tpu.memory_space<vmem>>)
    %mul3A_278 = arith.constant 4096 : i32
    %mul3A_279 = arith.muli %add3A, %mul3A_278 : i32
    %add3A_280 = arith.constant 1280 : i32
    %add3A_281 = arith.addi %mul3A_279, %add3A_280 : i32
    %dma_start3A_282 = arith.constant 0 : i32
    %dma_start3A_283 = tpu.memref_slice %arg4[%add3A_281, %dma_start3A_282] : memref<131072x64xf32, #tpu.memory_space<hbm>> -> memref<128x64xf32, #tpu.memory_space<hbm>>
    %dma_start3A_284 = arith.constant 0 : i32
    %dma_start3A_285 = tpu.memref_slice %arg4[%add3A_281, %dma_start3A_284] : memref<131072x64xf32, #tpu.memory_space<hbm>> -> memref<128x64xf32, #tpu.memory_space<hbm>>
    tpu.enqueue_dma source(%arg8 : memref<128x64xf32, #tpu.memory_space<vmem>>) target(%dma_start3A_285 : memref<128x64xf32, #tpu.memory_space<hbm>>) target_semaphore(%arg24 : memref<!tpu.dma_semaphore, #tpu.memory_space<semaphore_mem>>)
    %dma_wait3A_286 = arith.constant 0 : i32
    %dma_wait3A_287 = tpu.memref_slice %arg4[%add3A_177, %dma_wait3A_286] : memref<131072x64xf32, #tpu.memory_space<hbm>> -> memref<128x64xf32, #tpu.memory_space<hbm>>
    %dma_wait3A_288 = arith.constant 0 : i32
    %dma_wait3A_289 = tpu.memref_slice %arg4[%add3A_177, %dma_wait3A_288] : memref<131072x64xf32, #tpu.memory_space<hbm>> -> memref<128x64xf32, #tpu.memory_space<hbm>>
    tpu.wait_dma2 semaphore(%arg28 : memref<!tpu.dma_semaphore, #tpu.memory_space<semaphore_mem>>) src(%arg12 : memref<128x64xf32, #tpu.memory_space<vmem>>) dst(%dma_wait3A_289 : memref<128x64xf32, #tpu.memory_space<hbm>>)
    %dma_start3A_290 = arith.constant 14 : i32
    %dma_start3A_291 = arith.constant 0 : i32
    %dma_start3A_292 = tpu.memref_slice %arg5[%dma_start3A_290, %dma_start3A_291] : memref<32x128xi32, #tpu.memory_space<vmem>> -> memref<1x128xi32, #tpu.memory_space<vmem>>
    %dma_start3A_293 = tpu.memref_squeeze %dma_start3A_292 : memref<1x128xi32, #tpu.memory_space<vmem>> -> memref<128xi32, #tpu.memory_space<vmem>>
    %dma_start3A_294 = arith.constant 0 : i32
    %dma_start3A_295 = arith.constant 0 : i32
    %dma_start3A_296 = tpu.memref_slice %arg2[%dma_start3A_294, %dma_start3A_295] : memref<8192x64xf32, #tpu.memory_space<hbm>> -> memref<8192x64xf32, #tpu.memory_space<hbm>>
    tpu.enqueue_indirect_dma source(%dma_start3A_296 : memref<8192x64xf32, #tpu.memory_space<hbm>>) target(%arg12 : memref<128x64xf32, #tpu.memory_space<vmem>>) offsets(%dma_start3A_293 : memref<128xi32, #tpu.memory_space<vmem>>) semaphore(%arg20 : memref<!tpu.dma_semaphore, #tpu.memory_space<semaphore_mem>>)
    %dma_wait3A_297 = arith.constant 11 : i32
    %dma_wait3A_298 = arith.constant 0 : i32
    %dma_wait3A_299 = tpu.memref_slice %arg5[%dma_wait3A_297, %dma_wait3A_298] : memref<32x128xi32, #tpu.memory_space<vmem>> -> memref<1x128xi32, #tpu.memory_space<vmem>>
    %dma_wait3A_300 = tpu.memref_squeeze %dma_wait3A_299 : memref<1x128xi32, #tpu.memory_space<vmem>> -> memref<128xi32, #tpu.memory_space<vmem>>
    %dma_wait3A_301 = arith.constant 0 : i32
    %dma_wait3A_302 = arith.constant 0 : i32
    %dma_wait3A_303 = tpu.memref_slice %arg2[%dma_wait3A_301, %dma_wait3A_302] : memref<8192x64xf32, #tpu.memory_space<hbm>> -> memref<8192x64xf32, #tpu.memory_space<hbm>>
    tpu.wait_indirect_dma semaphore(%arg17 : memref<!tpu.dma_semaphore, #tpu.memory_space<semaphore_mem>>) src(%dma_wait3A_303 : memref<8192x64xf32, #tpu.memory_space<hbm>>) dst(%arg9 : memref<128x64xf32, #tpu.memory_space<vmem>>)
    %mul3A_304 = arith.constant 4096 : i32
    %mul3A_305 = arith.muli %add3A, %mul3A_304 : i32
    %add3A_306 = arith.constant 1408 : i32
    %add3A_307 = arith.addi %mul3A_305, %add3A_306 : i32
    %dma_start3A_308 = arith.constant 0 : i32
    %dma_start3A_309 = tpu.memref_slice %arg4[%add3A_307, %dma_start3A_308] : memref<131072x64xf32, #tpu.memory_space<hbm>> -> memref<128x64xf32, #tpu.memory_space<hbm>>
    %dma_start3A_310 = arith.constant 0 : i32
    %dma_start3A_311 = tpu.memref_slice %arg4[%add3A_307, %dma_start3A_310] : memref<131072x64xf32, #tpu.memory_space<hbm>> -> memref<128x64xf32, #tpu.memory_space<hbm>>
    tpu.enqueue_dma source(%arg9 : memref<128x64xf32, #tpu.memory_space<vmem>>) target(%dma_start3A_311 : memref<128x64xf32, #tpu.memory_space<hbm>>) target_semaphore(%arg25 : memref<!tpu.dma_semaphore, #tpu.memory_space<semaphore_mem>>)
    %dma_wait3A_312 = arith.constant 0 : i32
    %dma_wait3A_313 = tpu.memref_slice %arg4[%add3A_203, %dma_wait3A_312] : memref<131072x64xf32, #tpu.memory_space<hbm>> -> memref<128x64xf32, #tpu.memory_space<hbm>>
    %dma_wait3A_314 = arith.constant 0 : i32
    %dma_wait3A_315 = tpu.memref_slice %arg4[%add3A_203, %dma_wait3A_314] : memref<131072x64xf32, #tpu.memory_space<hbm>> -> memref<128x64xf32, #tpu.memory_space<hbm>>
    tpu.wait_dma2 semaphore(%arg29 : memref<!tpu.dma_semaphore, #tpu.memory_space<semaphore_mem>>) src(%arg13 : memref<128x64xf32, #tpu.memory_space<vmem>>) dst(%dma_wait3A_315 : memref<128x64xf32, #tpu.memory_space<hbm>>)
    %dma_start3A_316 = arith.constant 15 : i32
    %dma_start3A_317 = arith.constant 0 : i32
    %dma_start3A_318 = tpu.memref_slice %arg5[%dma_start3A_316, %dma_start3A_317] : memref<32x128xi32, #tpu.memory_space<vmem>> -> memref<1x128xi32, #tpu.memory_space<vmem>>
    %dma_start3A_319 = tpu.memref_squeeze %dma_start3A_318 : memref<1x128xi32, #tpu.memory_space<vmem>> -> memref<128xi32, #tpu.memory_space<vmem>>
    %dma_start3A_320 = arith.constant 0 : i32
    %dma_start3A_321 = arith.constant 0 : i32
    %dma_start3A_322 = tpu.memref_slice %arg2[%dma_start3A_320, %dma_start3A_321] : memref<8192x64xf32, #tpu.memory_space<hbm>> -> memref<8192x64xf32, #tpu.memory_space<hbm>>
    tpu.enqueue_indirect_dma source(%dma_start3A_322 : memref<8192x64xf32, #tpu.memory_space<hbm>>) target(%arg13 : memref<128x64xf32, #tpu.memory_space<vmem>>) offsets(%dma_start3A_319 : memref<128xi32, #tpu.memory_space<vmem>>) semaphore(%arg21 : memref<!tpu.dma_semaphore, #tpu.memory_space<semaphore_mem>>)
    %dma_wait3A_323 = arith.constant 12 : i32
    %dma_wait3A_324 = arith.constant 0 : i32
    %dma_wait3A_325 = tpu.memref_slice %arg5[%dma_wait3A_323, %dma_wait3A_324] : memref<32x128xi32, #tpu.memory_space<vmem>> -> memref<1x128xi32, #tpu.memory_space<vmem>>
    %dma_wait3A_326 = tpu.memref_squeeze %dma_wait3A_325 : memref<1x128xi32, #tpu.memory_space<vmem>> -> memref<128xi32, #tpu.memory_space<vmem>>
    %dma_wait3A_327 = arith.constant 0 : i32
    %dma_wait3A_328 = arith.constant 0 : i32
    %dma_wait3A_329 = tpu.memref_slice %arg2[%dma_wait3A_327, %dma_wait3A_328] : memref<8192x64xf32, #tpu.memory_space<hbm>> -> memref<8192x64xf32, #tpu.memory_space<hbm>>
    tpu.wait_indirect_dma semaphore(%arg18 : memref<!tpu.dma_semaphore, #tpu.memory_space<semaphore_mem>>) src(%dma_wait3A_329 : memref<8192x64xf32, #tpu.memory_space<hbm>>) dst(%arg10 : memref<128x64xf32, #tpu.memory_space<vmem>>)
    %mul3A_330 = arith.constant 4096 : i32
    %mul3A_331 = arith.muli %add3A, %mul3A_330 : i32
    %add3A_332 = arith.constant 1536 : i32
    %add3A_333 = arith.addi %mul3A_331, %add3A_332 : i32
    %dma_start3A_334 = arith.constant 0 : i32
    %dma_start3A_335 = tpu.memref_slice %arg4[%add3A_333, %dma_start3A_334] : memref<131072x64xf32, #tpu.memory_space<hbm>> -> memref<128x64xf32, #tpu.memory_space<hbm>>
    %dma_start3A_336 = arith.constant 0 : i32
    %dma_start3A_337 = tpu.memref_slice %arg4[%add3A_333, %dma_start3A_336] : memref<131072x64xf32, #tpu.memory_space<hbm>> -> memref<128x64xf32, #tpu.memory_space<hbm>>
    tpu.enqueue_dma source(%arg10 : memref<128x64xf32, #tpu.memory_space<vmem>>) target(%dma_start3A_337 : memref<128x64xf32, #tpu.memory_space<hbm>>) target_semaphore(%arg26 : memref<!tpu.dma_semaphore, #tpu.memory_space<semaphore_mem>>)
    %dma_wait3A_338 = arith.constant 0 : i32
    %dma_wait3A_339 = tpu.memref_slice %arg4[%add3A_229, %dma_wait3A_338] : memref<131072x64xf32, #tpu.memory_space<hbm>> -> memref<128x64xf32, #tpu.memory_space<hbm>>
    %dma_wait3A_340 = arith.constant 0 : i32
    %dma_wait3A_341 = tpu.memref_slice %arg4[%add3A_229, %dma_wait3A_340] : memref<131072x64xf32, #tpu.memory_space<hbm>> -> memref<128x64xf32, #tpu.memory_space<hbm>>
    tpu.wait_dma2 semaphore(%arg22 : memref<!tpu.dma_semaphore, #tpu.memory_space<semaphore_mem>>) src(%arg6 : memref<128x64xf32, #tpu.memory_space<vmem>>) dst(%dma_wait3A_341 : memref<128x64xf32, #tpu.memory_space<hbm>>)
    %dma_start3A_342 = arith.constant 16 : i32
    %dma_start3A_343 = arith.constant 0 : i32
    %dma_start3A_344 = tpu.memref_slice %arg5[%dma_start3A_342, %dma_start3A_343] : memref<32x128xi32, #tpu.memory_space<vmem>> -> memref<1x128xi32, #tpu.memory_space<vmem>>
    %dma_start3A_345 = tpu.memref_squeeze %dma_start3A_344 : memref<1x128xi32, #tpu.memory_space<vmem>> -> memref<128xi32, #tpu.memory_space<vmem>>
    %dma_start3A_346 = arith.constant 0 : i32
    %dma_start3A_347 = arith.constant 0 : i32
    %dma_start3A_348 = tpu.memref_slice %arg2[%dma_start3A_346, %dma_start3A_347] : memref<8192x64xf32, #tpu.memory_space<hbm>> -> memref<8192x64xf32, #tpu.memory_space<hbm>>
    tpu.enqueue_indirect_dma source(%dma_start3A_348 : memref<8192x64xf32, #tpu.memory_space<hbm>>) target(%arg6 : memref<128x64xf32, #tpu.memory_space<vmem>>) offsets(%dma_start3A_345 : memref<128xi32, #tpu.memory_space<vmem>>) semaphore(%arg14 : memref<!tpu.dma_semaphore, #tpu.memory_space<semaphore_mem>>)
    %dma_wait3A_349 = arith.constant 13 : i32
    %dma_wait3A_350 = arith.constant 0 : i32
    %dma_wait3A_351 = tpu.memref_slice %arg5[%dma_wait3A_349, %dma_wait3A_350] : memref<32x128xi32, #tpu.memory_space<vmem>> -> memref<1x128xi32, #tpu.memory_space<vmem>>
    %dma_wait3A_352 = tpu.memref_squeeze %dma_wait3A_351 : memref<1x128xi32, #tpu.memory_space<vmem>> -> memref<128xi32, #tpu.memory_space<vmem>>
    %dma_wait3A_353 = arith.constant 0 : i32
    %dma_wait3A_354 = arith.constant 0 : i32
    %dma_wait3A_355 = tpu.memref_slice %arg2[%dma_wait3A_353, %dma_wait3A_354] : memref<8192x64xf32, #tpu.memory_space<hbm>> -> memref<8192x64xf32, #tpu.memory_space<hbm>>
    tpu.wait_indirect_dma semaphore(%arg19 : memref<!tpu.dma_semaphore, #tpu.memory_space<semaphore_mem>>) src(%dma_wait3A_355 : memref<8192x64xf32, #tpu.memory_space<hbm>>) dst(%arg11 : memref<128x64xf32, #tpu.memory_space<vmem>>)
    %mul3A_356 = arith.constant 4096 : i32
    %mul3A_357 = arith.muli %add3A, %mul3A_356 : i32
    %add3A_358 = arith.constant 1664 : i32
    %add3A_359 = arith.addi %mul3A_357, %add3A_358 : i32
    %dma_start3A_360 = arith.constant 0 : i32
    %dma_start3A_361 = tpu.memref_slice %arg4[%add3A_359, %dma_start3A_360] : memref<131072x64xf32, #tpu.memory_space<hbm>> -> memref<128x64xf32, #tpu.memory_space<hbm>>
    %dma_start3A_362 = arith.constant 0 : i32
    %dma_start3A_363 = tpu.memref_slice %arg4[%add3A_359, %dma_start3A_362] : memref<131072x64xf32, #tpu.memory_space<hbm>> -> memref<128x64xf32, #tpu.memory_space<hbm>>
    tpu.enqueue_dma source(%arg11 : memref<128x64xf32, #tpu.memory_space<vmem>>) target(%dma_start3A_363 : memref<128x64xf32, #tpu.memory_space<hbm>>) target_semaphore(%arg27 : memref<!tpu.dma_semaphore, #tpu.memory_space<semaphore_mem>>)
    %dma_wait3A_364 = arith.constant 0 : i32
    %dma_wait3A_365 = tpu.memref_slice %arg4[%add3A_255, %dma_wait3A_364] : memref<131072x64xf32, #tpu.memory_space<hbm>> -> memref<128x64xf32, #tpu.memory_space<hbm>>
    %dma_wait3A_366 = arith.constant 0 : i32
    %dma_wait3A_367 = tpu.memref_slice %arg4[%add3A_255, %dma_wait3A_366] : memref<131072x64xf32, #tpu.memory_space<hbm>> -> memref<128x64xf32, #tpu.memory_space<hbm>>
    tpu.wait_dma2 semaphore(%arg23 : memref<!tpu.dma_semaphore, #tpu.memory_space<semaphore_mem>>) src(%arg7 : memref<128x64xf32, #tpu.memory_space<vmem>>) dst(%dma_wait3A_367 : memref<128x64xf32, #tpu.memory_space<hbm>>)
    %dma_start3A_368 = arith.constant 17 : i32
    %dma_start3A_369 = arith.constant 0 : i32
    %dma_start3A_370 = tpu.memref_slice %arg5[%dma_start3A_368, %dma_start3A_369] : memref<32x128xi32, #tpu.memory_space<vmem>> -> memref<1x128xi32, #tpu.memory_space<vmem>>
    %dma_start3A_371 = tpu.memref_squeeze %dma_start3A_370 : memref<1x128xi32, #tpu.memory_space<vmem>> -> memref<128xi32, #tpu.memory_space<vmem>>
    %dma_start3A_372 = arith.constant 0 : i32
    %dma_start3A_373 = arith.constant 0 : i32
    %dma_start3A_374 = tpu.memref_slice %arg2[%dma_start3A_372, %dma_start3A_373] : memref<8192x64xf32, #tpu.memory_space<hbm>> -> memref<8192x64xf32, #tpu.memory_space<hbm>>
    tpu.enqueue_indirect_dma source(%dma_start3A_374 : memref<8192x64xf32, #tpu.memory_space<hbm>>) target(%arg7 : memref<128x64xf32, #tpu.memory_space<vmem>>) offsets(%dma_start3A_371 : memref<128xi32, #tpu.memory_space<vmem>>) semaphore(%arg15 : memref<!tpu.dma_semaphore, #tpu.memory_space<semaphore_mem>>)
    %dma_wait3A_375 = arith.constant 14 : i32
    %dma_wait3A_376 = arith.constant 0 : i32
    %dma_wait3A_377 = tpu.memref_slice %arg5[%dma_wait3A_375, %dma_wait3A_376] : memref<32x128xi32, #tpu.memory_space<vmem>> -> memref<1x128xi32, #tpu.memory_space<vmem>>
    %dma_wait3A_378 = tpu.memref_squeeze %dma_wait3A_377 : memref<1x128xi32, #tpu.memory_space<vmem>> -> memref<128xi32, #tpu.memory_space<vmem>>
    %dma_wait3A_379 = arith.constant 0 : i32
    %dma_wait3A_380 = arith.constant 0 : i32
    %dma_wait3A_381 = tpu.memref_slice %arg2[%dma_wait3A_379, %dma_wait3A_380] : memref<8192x64xf32, #tpu.memory_space<hbm>> -> memref<8192x64xf32, #tpu.memory_space<hbm>>
    tpu.wait_indirect_dma semaphore(%arg20 : memref<!tpu.dma_semaphore, #tpu.memory_space<semaphore_mem>>) src(%dma_wait3A_381 : memref<8192x64xf32, #tpu.memory_space<hbm>>) dst(%arg12 : memref<128x64xf32, #tpu.memory_space<vmem>>)
    %mul3A_382 = arith.constant 4096 : i32
    %mul3A_383 = arith.muli %add3A, %mul3A_382 : i32
    %add3A_384 = arith.constant 1792 : i32
    %add3A_385 = arith.addi %mul3A_383, %add3A_384 : i32
    %dma_start3A_386 = arith.constant 0 : i32
    %dma_start3A_387 = tpu.memref_slice %arg4[%add3A_385, %dma_start3A_386] : memref<131072x64xf32, #tpu.memory_space<hbm>> -> memref<128x64xf32, #tpu.memory_space<hbm>>
    %dma_start3A_388 = arith.constant 0 : i32
    %dma_start3A_389 = tpu.memref_slice %arg4[%add3A_385, %dma_start3A_388] : memref<131072x64xf32, #tpu.memory_space<hbm>> -> memref<128x64xf32, #tpu.memory_space<hbm>>
    tpu.enqueue_dma source(%arg12 : memref<128x64xf32, #tpu.memory_space<vmem>>) target(%dma_start3A_389 : memref<128x64xf32, #tpu.memory_space<hbm>>) target_semaphore(%arg28 : memref<!tpu.dma_semaphore, #tpu.memory_space<semaphore_mem>>)
    %dma_wait3A_390 = arith.constant 0 : i32
    %dma_wait3A_391 = tpu.memref_slice %arg4[%add3A_281, %dma_wait3A_390] : memref<131072x64xf32, #tpu.memory_space<hbm>> -> memref<128x64xf32, #tpu.memory_space<hbm>>
    %dma_wait3A_392 = arith.constant 0 : i32
    %dma_wait3A_393 = tpu.memref_slice %arg4[%add3A_281, %dma_wait3A_392] : memref<131072x64xf32, #tpu.memory_space<hbm>> -> memref<128x64xf32, #tpu.memory_space<hbm>>
    tpu.wait_dma2 semaphore(%arg24 : memref<!tpu.dma_semaphore, #tpu.memory_space<semaphore_mem>>) src(%arg8 : memref<128x64xf32, #tpu.memory_space<vmem>>) dst(%dma_wait3A_393 : memref<128x64xf32, #tpu.memory_space<hbm>>)
    %dma_start3A_394 = arith.constant 18 : i32
    %dma_start3A_395 = arith.constant 0 : i32
    %dma_start3A_396 = tpu.memref_slice %arg5[%dma_start3A_394, %dma_start3A_395] : memref<32x128xi32, #tpu.memory_space<vmem>> -> memref<1x128xi32, #tpu.memory_space<vmem>>
    %dma_start3A_397 = tpu.memref_squeeze %dma_start3A_396 : memref<1x128xi32, #tpu.memory_space<vmem>> -> memref<128xi32, #tpu.memory_space<vmem>>
    %dma_start3A_398 = arith.constant 0 : i32
    %dma_start3A_399 = arith.constant 0 : i32
    %dma_start3A_400 = tpu.memref_slice %arg2[%dma_start3A_398, %dma_start3A_399] : memref<8192x64xf32, #tpu.memory_space<hbm>> -> memref<8192x64xf32, #tpu.memory_space<hbm>>
    tpu.enqueue_indirect_dma source(%dma_start3A_400 : memref<8192x64xf32, #tpu.memory_space<hbm>>) target(%arg8 : memref<128x64xf32, #tpu.memory_space<vmem>>) offsets(%dma_start3A_397 : memref<128xi32, #tpu.memory_space<vmem>>) semaphore(%arg16 : memref<!tpu.dma_semaphore, #tpu.memory_space<semaphore_mem>>)
    %dma_wait3A_401 = arith.constant 15 : i32
    %dma_wait3A_402 = arith.constant 0 : i32
    %dma_wait3A_403 = tpu.memref_slice %arg5[%dma_wait3A_401, %dma_wait3A_402] : memref<32x128xi32, #tpu.memory_space<vmem>> -> memref<1x128xi32, #tpu.memory_space<vmem>>
    %dma_wait3A_404 = tpu.memref_squeeze %dma_wait3A_403 : memref<1x128xi32, #tpu.memory_space<vmem>> -> memref<128xi32, #tpu.memory_space<vmem>>
    %dma_wait3A_405 = arith.constant 0 : i32
    %dma_wait3A_406 = arith.constant 0 : i32
    %dma_wait3A_407 = tpu.memref_slice %arg2[%dma_wait3A_405, %dma_wait3A_406] : memref<8192x64xf32, #tpu.memory_space<hbm>> -> memref<8192x64xf32, #tpu.memory_space<hbm>>
    tpu.wait_indirect_dma semaphore(%arg21 : memref<!tpu.dma_semaphore, #tpu.memory_space<semaphore_mem>>) src(%dma_wait3A_407 : memref<8192x64xf32, #tpu.memory_space<hbm>>) dst(%arg13 : memref<128x64xf32, #tpu.memory_space<vmem>>)
    %mul3A_408 = arith.constant 4096 : i32
    %mul3A_409 = arith.muli %add3A, %mul3A_408 : i32
    %add3A_410 = arith.constant 1920 : i32
    %add3A_411 = arith.addi %mul3A_409, %add3A_410 : i32
    %dma_start3A_412 = arith.constant 0 : i32
    %dma_start3A_413 = tpu.memref_slice %arg4[%add3A_411, %dma_start3A_412] : memref<131072x64xf32, #tpu.memory_space<hbm>> -> memref<128x64xf32, #tpu.memory_space<hbm>>
    %dma_start3A_414 = arith.constant 0 : i32
    %dma_start3A_415 = tpu.memref_slice %arg4[%add3A_411, %dma_start3A_414] : memref<131072x64xf32, #tpu.memory_space<hbm>> -> memref<128x64xf32, #tpu.memory_space<hbm>>
    tpu.enqueue_dma source(%arg13 : memref<128x64xf32, #tpu.memory_space<vmem>>) target(%dma_start3A_415 : memref<128x64xf32, #tpu.memory_space<hbm>>) target_semaphore(%arg29 : memref<!tpu.dma_semaphore, #tpu.memory_space<semaphore_mem>>)
    %dma_wait3A_416 = arith.constant 0 : i32
    %dma_wait3A_417 = tpu.memref_slice %arg4[%add3A_307, %dma_wait3A_416] : memref<131072x64xf32, #tpu.memory_space<hbm>> -> memref<128x64xf32, #tpu.memory_space<hbm>>
    %dma_wait3A_418 = arith.constant 0 : i32
    %dma_wait3A_419 = tpu.memref_slice %arg4[%add3A_307, %dma_wait3A_418] : memref<131072x64xf32, #tpu.memory_space<hbm>> -> memref<128x64xf32, #tpu.memory_space<hbm>>
    tpu.wait_dma2 semaphore(%arg25 : memref<!tpu.dma_semaphore, #tpu.memory_space<semaphore_mem>>) src(%arg9 : memref<128x64xf32, #tpu.memory_space<vmem>>) dst(%dma_wait3A_419 : memref<128x64xf32, #tpu.memory_space<hbm>>)
    %dma_start3A_420 = arith.constant 19 : i32
    %dma_start3A_421 = arith.constant 0 : i32
    %dma_start3A_422 = tpu.memref_slice %arg5[%dma_start3A_420, %dma_start3A_421] : memref<32x128xi32, #tpu.memory_space<vmem>> -> memref<1x128xi32, #tpu.memory_space<vmem>>
    %dma_start3A_423 = tpu.memref_squeeze %dma_start3A_422 : memref<1x128xi32, #tpu.memory_space<vmem>> -> memref<128xi32, #tpu.memory_space<vmem>>
    %dma_start3A_424 = arith.constant 0 : i32
    %dma_start3A_425 = arith.constant 0 : i32
    %dma_start3A_426 = tpu.memref_slice %arg2[%dma_start3A_424, %dma_start3A_425] : memref<8192x64xf32, #tpu.memory_space<hbm>> -> memref<8192x64xf32, #tpu.memory_space<hbm>>
    tpu.enqueue_indirect_dma source(%dma_start3A_426 : memref<8192x64xf32, #tpu.memory_space<hbm>>) target(%arg9 : memref<128x64xf32, #tpu.memory_space<vmem>>) offsets(%dma_start3A_423 : memref<128xi32, #tpu.memory_space<vmem>>) semaphore(%arg17 : memref<!tpu.dma_semaphore, #tpu.memory_space<semaphore_mem>>)
    %dma_wait3A_427 = arith.constant 16 : i32
    %dma_wait3A_428 = arith.constant 0 : i32
    %dma_wait3A_429 = tpu.memref_slice %arg5[%dma_wait3A_427, %dma_wait3A_428] : memref<32x128xi32, #tpu.memory_space<vmem>> -> memref<1x128xi32, #tpu.memory_space<vmem>>
    %dma_wait3A_430 = tpu.memref_squeeze %dma_wait3A_429 : memref<1x128xi32, #tpu.memory_space<vmem>> -> memref<128xi32, #tpu.memory_space<vmem>>
    %dma_wait3A_431 = arith.constant 0 : i32
    %dma_wait3A_432 = arith.constant 0 : i32
    %dma_wait3A_433 = tpu.memref_slice %arg2[%dma_wait3A_431, %dma_wait3A_432] : memref<8192x64xf32, #tpu.memory_space<hbm>> -> memref<8192x64xf32, #tpu.memory_space<hbm>>
    tpu.wait_indirect_dma semaphore(%arg14 : memref<!tpu.dma_semaphore, #tpu.memory_space<semaphore_mem>>) src(%dma_wait3A_433 : memref<8192x64xf32, #tpu.memory_space<hbm>>) dst(%arg6 : memref<128x64xf32, #tpu.memory_space<vmem>>)
    %mul3A_434 = arith.constant 4096 : i32
    %mul3A_435 = arith.muli %add3A, %mul3A_434 : i32
    %add3A_436 = arith.constant 2048 : i32
    %add3A_437 = arith.addi %mul3A_435, %add3A_436 : i32
    %dma_start3A_438 = arith.constant 0 : i32
    %dma_start3A_439 = tpu.memref_slice %arg4[%add3A_437, %dma_start3A_438] : memref<131072x64xf32, #tpu.memory_space<hbm>> -> memref<128x64xf32, #tpu.memory_space<hbm>>
    %dma_start3A_440 = arith.constant 0 : i32
    %dma_start3A_441 = tpu.memref_slice %arg4[%add3A_437, %dma_start3A_440] : memref<131072x64xf32, #tpu.memory_space<hbm>> -> memref<128x64xf32, #tpu.memory_space<hbm>>
    tpu.enqueue_dma source(%arg6 : memref<128x64xf32, #tpu.memory_space<vmem>>) target(%dma_start3A_441 : memref<128x64xf32, #tpu.memory_space<hbm>>) target_semaphore(%arg22 : memref<!tpu.dma_semaphore, #tpu.memory_space<semaphore_mem>>)
    %dma_wait3A_442 = arith.constant 0 : i32
    %dma_wait3A_443 = tpu.memref_slice %arg4[%add3A_333, %dma_wait3A_442] : memref<131072x64xf32, #tpu.memory_space<hbm>> -> memref<128x64xf32, #tpu.memory_space<hbm>>
    %dma_wait3A_444 = arith.constant 0 : i32
    %dma_wait3A_445 = tpu.memref_slice %arg4[%add3A_333, %dma_wait3A_444] : memref<131072x64xf32, #tpu.memory_space<hbm>> -> memref<128x64xf32, #tpu.memory_space<hbm>>
    tpu.wait_dma2 semaphore(%arg26 : memref<!tpu.dma_semaphore, #tpu.memory_space<semaphore_mem>>) src(%arg10 : memref<128x64xf32, #tpu.memory_space<vmem>>) dst(%dma_wait3A_445 : memref<128x64xf32, #tpu.memory_space<hbm>>)
    %dma_start3A_446 = arith.constant 20 : i32
    %dma_start3A_447 = arith.constant 0 : i32
    %dma_start3A_448 = tpu.memref_slice %arg5[%dma_start3A_446, %dma_start3A_447] : memref<32x128xi32, #tpu.memory_space<vmem>> -> memref<1x128xi32, #tpu.memory_space<vmem>>
    %dma_start3A_449 = tpu.memref_squeeze %dma_start3A_448 : memref<1x128xi32, #tpu.memory_space<vmem>> -> memref<128xi32, #tpu.memory_space<vmem>>
    %dma_start3A_450 = arith.constant 0 : i32
    %dma_start3A_451 = arith.constant 0 : i32
    %dma_start3A_452 = tpu.memref_slice %arg2[%dma_start3A_450, %dma_start3A_451] : memref<8192x64xf32, #tpu.memory_space<hbm>> -> memref<8192x64xf32, #tpu.memory_space<hbm>>
    tpu.enqueue_indirect_dma source(%dma_start3A_452 : memref<8192x64xf32, #tpu.memory_space<hbm>>) target(%arg10 : memref<128x64xf32, #tpu.memory_space<vmem>>) offsets(%dma_start3A_449 : memref<128xi32, #tpu.memory_space<vmem>>) semaphore(%arg18 : memref<!tpu.dma_semaphore, #tpu.memory_space<semaphore_mem>>)
    %dma_wait3A_453 = arith.constant 17 : i32
    %dma_wait3A_454 = arith.constant 0 : i32
    %dma_wait3A_455 = tpu.memref_slice %arg5[%dma_wait3A_453, %dma_wait3A_454] : memref<32x128xi32, #tpu.memory_space<vmem>> -> memref<1x128xi32, #tpu.memory_space<vmem>>
    %dma_wait3A_456 = tpu.memref_squeeze %dma_wait3A_455 : memref<1x128xi32, #tpu.memory_space<vmem>> -> memref<128xi32, #tpu.memory_space<vmem>>
    %dma_wait3A_457 = arith.constant 0 : i32
    %dma_wait3A_458 = arith.constant 0 : i32
    %dma_wait3A_459 = tpu.memref_slice %arg2[%dma_wait3A_457, %dma_wait3A_458] : memref<8192x64xf32, #tpu.memory_space<hbm>> -> memref<8192x64xf32, #tpu.memory_space<hbm>>
    tpu.wait_indirect_dma semaphore(%arg15 : memref<!tpu.dma_semaphore, #tpu.memory_space<semaphore_mem>>) src(%dma_wait3A_459 : memref<8192x64xf32, #tpu.memory_space<hbm>>) dst(%arg7 : memref<128x64xf32, #tpu.memory_space<vmem>>)
    %mul3A_460 = arith.constant 4096 : i32
    %mul3A_461 = arith.muli %add3A, %mul3A_460 : i32
    %add3A_462 = arith.constant 2176 : i32
    %add3A_463 = arith.addi %mul3A_461, %add3A_462 : i32
    %dma_start3A_464 = arith.constant 0 : i32
    %dma_start3A_465 = tpu.memref_slice %arg4[%add3A_463, %dma_start3A_464] : memref<131072x64xf32, #tpu.memory_space<hbm>> -> memref<128x64xf32, #tpu.memory_space<hbm>>
    %dma_start3A_466 = arith.constant 0 : i32
    %dma_start3A_467 = tpu.memref_slice %arg4[%add3A_463, %dma_start3A_466] : memref<131072x64xf32, #tpu.memory_space<hbm>> -> memref<128x64xf32, #tpu.memory_space<hbm>>
    tpu.enqueue_dma source(%arg7 : memref<128x64xf32, #tpu.memory_space<vmem>>) target(%dma_start3A_467 : memref<128x64xf32, #tpu.memory_space<hbm>>) target_semaphore(%arg23 : memref<!tpu.dma_semaphore, #tpu.memory_space<semaphore_mem>>)
    %dma_wait3A_468 = arith.constant 0 : i32
    %dma_wait3A_469 = tpu.memref_slice %arg4[%add3A_359, %dma_wait3A_468] : memref<131072x64xf32, #tpu.memory_space<hbm>> -> memref<128x64xf32, #tpu.memory_space<hbm>>
    %dma_wait3A_470 = arith.constant 0 : i32
    %dma_wait3A_471 = tpu.memref_slice %arg4[%add3A_359, %dma_wait3A_470] : memref<131072x64xf32, #tpu.memory_space<hbm>> -> memref<128x64xf32, #tpu.memory_space<hbm>>
    tpu.wait_dma2 semaphore(%arg27 : memref<!tpu.dma_semaphore, #tpu.memory_space<semaphore_mem>>) src(%arg11 : memref<128x64xf32, #tpu.memory_space<vmem>>) dst(%dma_wait3A_471 : memref<128x64xf32, #tpu.memory_space<hbm>>)
    %dma_start3A_472 = arith.constant 21 : i32
    %dma_start3A_473 = arith.constant 0 : i32
    %dma_start3A_474 = tpu.memref_slice %arg5[%dma_start3A_472, %dma_start3A_473] : memref<32x128xi32, #tpu.memory_space<vmem>> -> memref<1x128xi32, #tpu.memory_space<vmem>>
    %dma_start3A_475 = tpu.memref_squeeze %dma_start3A_474 : memref<1x128xi32, #tpu.memory_space<vmem>> -> memref<128xi32, #tpu.memory_space<vmem>>
    %dma_start3A_476 = arith.constant 0 : i32
    %dma_start3A_477 = arith.constant 0 : i32
    %dma_start3A_478 = tpu.memref_slice %arg2[%dma_start3A_476, %dma_start3A_477] : memref<8192x64xf32, #tpu.memory_space<hbm>> -> memref<8192x64xf32, #tpu.memory_space<hbm>>
    tpu.enqueue_indirect_dma source(%dma_start3A_478 : memref<8192x64xf32, #tpu.memory_space<hbm>>) target(%arg11 : memref<128x64xf32, #tpu.memory_space<vmem>>) offsets(%dma_start3A_475 : memref<128xi32, #tpu.memory_space<vmem>>) semaphore(%arg19 : memref<!tpu.dma_semaphore, #tpu.memory_space<semaphore_mem>>)
    %dma_wait3A_479 = arith.constant 18 : i32
    %dma_wait3A_480 = arith.constant 0 : i32
    %dma_wait3A_481 = tpu.memref_slice %arg5[%dma_wait3A_479, %dma_wait3A_480] : memref<32x128xi32, #tpu.memory_space<vmem>> -> memref<1x128xi32, #tpu.memory_space<vmem>>
    %dma_wait3A_482 = tpu.memref_squeeze %dma_wait3A_481 : memref<1x128xi32, #tpu.memory_space<vmem>> -> memref<128xi32, #tpu.memory_space<vmem>>
    %dma_wait3A_483 = arith.constant 0 : i32
    %dma_wait3A_484 = arith.constant 0 : i32
    %dma_wait3A_485 = tpu.memref_slice %arg2[%dma_wait3A_483, %dma_wait3A_484] : memref<8192x64xf32, #tpu.memory_space<hbm>> -> memref<8192x64xf32, #tpu.memory_space<hbm>>
    tpu.wait_indirect_dma semaphore(%arg16 : memref<!tpu.dma_semaphore, #tpu.memory_space<semaphore_mem>>) src(%dma_wait3A_485 : memref<8192x64xf32, #tpu.memory_space<hbm>>) dst(%arg8 : memref<128x64xf32, #tpu.memory_space<vmem>>)
    %mul3A_486 = arith.constant 4096 : i32
    %mul3A_487 = arith.muli %add3A, %mul3A_486 : i32
    %add3A_488 = arith.constant 2304 : i32
    %add3A_489 = arith.addi %mul3A_487, %add3A_488 : i32
    %dma_start3A_490 = arith.constant 0 : i32
    %dma_start3A_491 = tpu.memref_slice %arg4[%add3A_489, %dma_start3A_490] : memref<131072x64xf32, #tpu.memory_space<hbm>> -> memref<128x64xf32, #tpu.memory_space<hbm>>
    %dma_start3A_492 = arith.constant 0 : i32
    %dma_start3A_493 = tpu.memref_slice %arg4[%add3A_489, %dma_start3A_492] : memref<131072x64xf32, #tpu.memory_space<hbm>> -> memref<128x64xf32, #tpu.memory_space<hbm>>
    tpu.enqueue_dma source(%arg8 : memref<128x64xf32, #tpu.memory_space<vmem>>) target(%dma_start3A_493 : memref<128x64xf32, #tpu.memory_space<hbm>>) target_semaphore(%arg24 : memref<!tpu.dma_semaphore, #tpu.memory_space<semaphore_mem>>)
    %dma_wait3A_494 = arith.constant 0 : i32
    %dma_wait3A_495 = tpu.memref_slice %arg4[%add3A_385, %dma_wait3A_494] : memref<131072x64xf32, #tpu.memory_space<hbm>> -> memref<128x64xf32, #tpu.memory_space<hbm>>
    %dma_wait3A_496 = arith.constant 0 : i32
    %dma_wait3A_497 = tpu.memref_slice %arg4[%add3A_385, %dma_wait3A_496] : memref<131072x64xf32, #tpu.memory_space<hbm>> -> memref<128x64xf32, #tpu.memory_space<hbm>>
    tpu.wait_dma2 semaphore(%arg28 : memref<!tpu.dma_semaphore, #tpu.memory_space<semaphore_mem>>) src(%arg12 : memref<128x64xf32, #tpu.memory_space<vmem>>) dst(%dma_wait3A_497 : memref<128x64xf32, #tpu.memory_space<hbm>>)
    %dma_start3A_498 = arith.constant 22 : i32
    %dma_start3A_499 = arith.constant 0 : i32
    %dma_start3A_500 = tpu.memref_slice %arg5[%dma_start3A_498, %dma_start3A_499] : memref<32x128xi32, #tpu.memory_space<vmem>> -> memref<1x128xi32, #tpu.memory_space<vmem>>
    %dma_start3A_501 = tpu.memref_squeeze %dma_start3A_500 : memref<1x128xi32, #tpu.memory_space<vmem>> -> memref<128xi32, #tpu.memory_space<vmem>>
    %dma_start3A_502 = arith.constant 0 : i32
    %dma_start3A_503 = arith.constant 0 : i32
    %dma_start3A_504 = tpu.memref_slice %arg2[%dma_start3A_502, %dma_start3A_503] : memref<8192x64xf32, #tpu.memory_space<hbm>> -> memref<8192x64xf32, #tpu.memory_space<hbm>>
    tpu.enqueue_indirect_dma source(%dma_start3A_504 : memref<8192x64xf32, #tpu.memory_space<hbm>>) target(%arg12 : memref<128x64xf32, #tpu.memory_space<vmem>>) offsets(%dma_start3A_501 : memref<128xi32, #tpu.memory_space<vmem>>) semaphore(%arg20 : memref<!tpu.dma_semaphore, #tpu.memory_space<semaphore_mem>>)
    %dma_wait3A_505 = arith.constant 19 : i32
    %dma_wait3A_506 = arith.constant 0 : i32
    %dma_wait3A_507 = tpu.memref_slice %arg5[%dma_wait3A_505, %dma_wait3A_506] : memref<32x128xi32, #tpu.memory_space<vmem>> -> memref<1x128xi32, #tpu.memory_space<vmem>>
    %dma_wait3A_508 = tpu.memref_squeeze %dma_wait3A_507 : memref<1x128xi32, #tpu.memory_space<vmem>> -> memref<128xi32, #tpu.memory_space<vmem>>
    %dma_wait3A_509 = arith.constant 0 : i32
    %dma_wait3A_510 = arith.constant 0 : i32
    %dma_wait3A_511 = tpu.memref_slice %arg2[%dma_wait3A_509, %dma_wait3A_510] : memref<8192x64xf32, #tpu.memory_space<hbm>> -> memref<8192x64xf32, #tpu.memory_space<hbm>>
    tpu.wait_indirect_dma semaphore(%arg17 : memref<!tpu.dma_semaphore, #tpu.memory_space<semaphore_mem>>) src(%dma_wait3A_511 : memref<8192x64xf32, #tpu.memory_space<hbm>>) dst(%arg9 : memref<128x64xf32, #tpu.memory_space<vmem>>)
    %mul3A_512 = arith.constant 4096 : i32
    %mul3A_513 = arith.muli %add3A, %mul3A_512 : i32
    %add3A_514 = arith.constant 2432 : i32
    %add3A_515 = arith.addi %mul3A_513, %add3A_514 : i32
    %dma_start3A_516 = arith.constant 0 : i32
    %dma_start3A_517 = tpu.memref_slice %arg4[%add3A_515, %dma_start3A_516] : memref<131072x64xf32, #tpu.memory_space<hbm>> -> memref<128x64xf32, #tpu.memory_space<hbm>>
    %dma_start3A_518 = arith.constant 0 : i32
    %dma_start3A_519 = tpu.memref_slice %arg4[%add3A_515, %dma_start3A_518] : memref<131072x64xf32, #tpu.memory_space<hbm>> -> memref<128x64xf32, #tpu.memory_space<hbm>>
    tpu.enqueue_dma source(%arg9 : memref<128x64xf32, #tpu.memory_space<vmem>>) target(%dma_start3A_519 : memref<128x64xf32, #tpu.memory_space<hbm>>) target_semaphore(%arg25 : memref<!tpu.dma_semaphore, #tpu.memory_space<semaphore_mem>>)
    %dma_wait3A_520 = arith.constant 0 : i32
    %dma_wait3A_521 = tpu.memref_slice %arg4[%add3A_411, %dma_wait3A_520] : memref<131072x64xf32, #tpu.memory_space<hbm>> -> memref<128x64xf32, #tpu.memory_space<hbm>>
    %dma_wait3A_522 = arith.constant 0 : i32
    %dma_wait3A_523 = tpu.memref_slice %arg4[%add3A_411, %dma_wait3A_522] : memref<131072x64xf32, #tpu.memory_space<hbm>> -> memref<128x64xf32, #tpu.memory_space<hbm>>
    tpu.wait_dma2 semaphore(%arg29 : memref<!tpu.dma_semaphore, #tpu.memory_space<semaphore_mem>>) src(%arg13 : memref<128x64xf32, #tpu.memory_space<vmem>>) dst(%dma_wait3A_523 : memref<128x64xf32, #tpu.memory_space<hbm>>)
    %dma_start3A_524 = arith.constant 23 : i32
    %dma_start3A_525 = arith.constant 0 : i32
    %dma_start3A_526 = tpu.memref_slice %arg5[%dma_start3A_524, %dma_start3A_525] : memref<32x128xi32, #tpu.memory_space<vmem>> -> memref<1x128xi32, #tpu.memory_space<vmem>>
    %dma_start3A_527 = tpu.memref_squeeze %dma_start3A_526 : memref<1x128xi32, #tpu.memory_space<vmem>> -> memref<128xi32, #tpu.memory_space<vmem>>
    %dma_start3A_528 = arith.constant 0 : i32
    %dma_start3A_529 = arith.constant 0 : i32
    %dma_start3A_530 = tpu.memref_slice %arg2[%dma_start3A_528, %dma_start3A_529] : memref<8192x64xf32, #tpu.memory_space<hbm>> -> memref<8192x64xf32, #tpu.memory_space<hbm>>
    tpu.enqueue_indirect_dma source(%dma_start3A_530 : memref<8192x64xf32, #tpu.memory_space<hbm>>) target(%arg13 : memref<128x64xf32, #tpu.memory_space<vmem>>) offsets(%dma_start3A_527 : memref<128xi32, #tpu.memory_space<vmem>>) semaphore(%arg21 : memref<!tpu.dma_semaphore, #tpu.memory_space<semaphore_mem>>)
    %dma_wait3A_531 = arith.constant 20 : i32
    %dma_wait3A_532 = arith.constant 0 : i32
    %dma_wait3A_533 = tpu.memref_slice %arg5[%dma_wait3A_531, %dma_wait3A_532] : memref<32x128xi32, #tpu.memory_space<vmem>> -> memref<1x128xi32, #tpu.memory_space<vmem>>
    %dma_wait3A_534 = tpu.memref_squeeze %dma_wait3A_533 : memref<1x128xi32, #tpu.memory_space<vmem>> -> memref<128xi32, #tpu.memory_space<vmem>>
    %dma_wait3A_535 = arith.constant 0 : i32
    %dma_wait3A_536 = arith.constant 0 : i32
    %dma_wait3A_537 = tpu.memref_slice %arg2[%dma_wait3A_535, %dma_wait3A_536] : memref<8192x64xf32, #tpu.memory_space<hbm>> -> memref<8192x64xf32, #tpu.memory_space<hbm>>
    tpu.wait_indirect_dma semaphore(%arg18 : memref<!tpu.dma_semaphore, #tpu.memory_space<semaphore_mem>>) src(%dma_wait3A_537 : memref<8192x64xf32, #tpu.memory_space<hbm>>) dst(%arg10 : memref<128x64xf32, #tpu.memory_space<vmem>>)
    %mul3A_538 = arith.constant 4096 : i32
    %mul3A_539 = arith.muli %add3A, %mul3A_538 : i32
    %add3A_540 = arith.constant 2560 : i32
    %add3A_541 = arith.addi %mul3A_539, %add3A_540 : i32
    %dma_start3A_542 = arith.constant 0 : i32
    %dma_start3A_543 = tpu.memref_slice %arg4[%add3A_541, %dma_start3A_542] : memref<131072x64xf32, #tpu.memory_space<hbm>> -> memref<128x64xf32, #tpu.memory_space<hbm>>
    %dma_start3A_544 = arith.constant 0 : i32
    %dma_start3A_545 = tpu.memref_slice %arg4[%add3A_541, %dma_start3A_544] : memref<131072x64xf32, #tpu.memory_space<hbm>> -> memref<128x64xf32, #tpu.memory_space<hbm>>
    tpu.enqueue_dma source(%arg10 : memref<128x64xf32, #tpu.memory_space<vmem>>) target(%dma_start3A_545 : memref<128x64xf32, #tpu.memory_space<hbm>>) target_semaphore(%arg26 : memref<!tpu.dma_semaphore, #tpu.memory_space<semaphore_mem>>)
    %dma_wait3A_546 = arith.constant 0 : i32
    %dma_wait3A_547 = tpu.memref_slice %arg4[%add3A_437, %dma_wait3A_546] : memref<131072x64xf32, #tpu.memory_space<hbm>> -> memref<128x64xf32, #tpu.memory_space<hbm>>
    %dma_wait3A_548 = arith.constant 0 : i32
    %dma_wait3A_549 = tpu.memref_slice %arg4[%add3A_437, %dma_wait3A_548] : memref<131072x64xf32, #tpu.memory_space<hbm>> -> memref<128x64xf32, #tpu.memory_space<hbm>>
    tpu.wait_dma2 semaphore(%arg22 : memref<!tpu.dma_semaphore, #tpu.memory_space<semaphore_mem>>) src(%arg6 : memref<128x64xf32, #tpu.memory_space<vmem>>) dst(%dma_wait3A_549 : memref<128x64xf32, #tpu.memory_space<hbm>>)
    %dma_start3A_550 = arith.constant 24 : i32
    %dma_start3A_551 = arith.constant 0 : i32
    %dma_start3A_552 = tpu.memref_slice %arg5[%dma_start3A_550, %dma_start3A_551] : memref<32x128xi32, #tpu.memory_space<vmem>> -> memref<1x128xi32, #tpu.memory_space<vmem>>
    %dma_start3A_553 = tpu.memref_squeeze %dma_start3A_552 : memref<1x128xi32, #tpu.memory_space<vmem>> -> memref<128xi32, #tpu.memory_space<vmem>>
    %dma_start3A_554 = arith.constant 0 : i32
    %dma_start3A_555 = arith.constant 0 : i32
    %dma_start3A_556 = tpu.memref_slice %arg2[%dma_start3A_554, %dma_start3A_555] : memref<8192x64xf32, #tpu.memory_space<hbm>> -> memref<8192x64xf32, #tpu.memory_space<hbm>>
    tpu.enqueue_indirect_dma source(%dma_start3A_556 : memref<8192x64xf32, #tpu.memory_space<hbm>>) target(%arg6 : memref<128x64xf32, #tpu.memory_space<vmem>>) offsets(%dma_start3A_553 : memref<128xi32, #tpu.memory_space<vmem>>) semaphore(%arg14 : memref<!tpu.dma_semaphore, #tpu.memory_space<semaphore_mem>>)
    %dma_wait3A_557 = arith.constant 21 : i32
    %dma_wait3A_558 = arith.constant 0 : i32
    %dma_wait3A_559 = tpu.memref_slice %arg5[%dma_wait3A_557, %dma_wait3A_558] : memref<32x128xi32, #tpu.memory_space<vmem>> -> memref<1x128xi32, #tpu.memory_space<vmem>>
    %dma_wait3A_560 = tpu.memref_squeeze %dma_wait3A_559 : memref<1x128xi32, #tpu.memory_space<vmem>> -> memref<128xi32, #tpu.memory_space<vmem>>
    %dma_wait3A_561 = arith.constant 0 : i32
    %dma_wait3A_562 = arith.constant 0 : i32
    %dma_wait3A_563 = tpu.memref_slice %arg2[%dma_wait3A_561, %dma_wait3A_562] : memref<8192x64xf32, #tpu.memory_space<hbm>> -> memref<8192x64xf32, #tpu.memory_space<hbm>>
    tpu.wait_indirect_dma semaphore(%arg19 : memref<!tpu.dma_semaphore, #tpu.memory_space<semaphore_mem>>) src(%dma_wait3A_563 : memref<8192x64xf32, #tpu.memory_space<hbm>>) dst(%arg11 : memref<128x64xf32, #tpu.memory_space<vmem>>)
    %mul3A_564 = arith.constant 4096 : i32
    %mul3A_565 = arith.muli %add3A, %mul3A_564 : i32
    %add3A_566 = arith.constant 2688 : i32
    %add3A_567 = arith.addi %mul3A_565, %add3A_566 : i32
    %dma_start3A_568 = arith.constant 0 : i32
    %dma_start3A_569 = tpu.memref_slice %arg4[%add3A_567, %dma_start3A_568] : memref<131072x64xf32, #tpu.memory_space<hbm>> -> memref<128x64xf32, #tpu.memory_space<hbm>>
    %dma_start3A_570 = arith.constant 0 : i32
    %dma_start3A_571 = tpu.memref_slice %arg4[%add3A_567, %dma_start3A_570] : memref<131072x64xf32, #tpu.memory_space<hbm>> -> memref<128x64xf32, #tpu.memory_space<hbm>>
    tpu.enqueue_dma source(%arg11 : memref<128x64xf32, #tpu.memory_space<vmem>>) target(%dma_start3A_571 : memref<128x64xf32, #tpu.memory_space<hbm>>) target_semaphore(%arg27 : memref<!tpu.dma_semaphore, #tpu.memory_space<semaphore_mem>>)
    %dma_wait3A_572 = arith.constant 0 : i32
    %dma_wait3A_573 = tpu.memref_slice %arg4[%add3A_463, %dma_wait3A_572] : memref<131072x64xf32, #tpu.memory_space<hbm>> -> memref<128x64xf32, #tpu.memory_space<hbm>>
    %dma_wait3A_574 = arith.constant 0 : i32
    %dma_wait3A_575 = tpu.memref_slice %arg4[%add3A_463, %dma_wait3A_574] : memref<131072x64xf32, #tpu.memory_space<hbm>> -> memref<128x64xf32, #tpu.memory_space<hbm>>
    tpu.wait_dma2 semaphore(%arg23 : memref<!tpu.dma_semaphore, #tpu.memory_space<semaphore_mem>>) src(%arg7 : memref<128x64xf32, #tpu.memory_space<vmem>>) dst(%dma_wait3A_575 : memref<128x64xf32, #tpu.memory_space<hbm>>)
    %dma_start3A_576 = arith.constant 25 : i32
    %dma_start3A_577 = arith.constant 0 : i32
    %dma_start3A_578 = tpu.memref_slice %arg5[%dma_start3A_576, %dma_start3A_577] : memref<32x128xi32, #tpu.memory_space<vmem>> -> memref<1x128xi32, #tpu.memory_space<vmem>>
    %dma_start3A_579 = tpu.memref_squeeze %dma_start3A_578 : memref<1x128xi32, #tpu.memory_space<vmem>> -> memref<128xi32, #tpu.memory_space<vmem>>
    %dma_start3A_580 = arith.constant 0 : i32
    %dma_start3A_581 = arith.constant 0 : i32
    %dma_start3A_582 = tpu.memref_slice %arg2[%dma_start3A_580, %dma_start3A_581] : memref<8192x64xf32, #tpu.memory_space<hbm>> -> memref<8192x64xf32, #tpu.memory_space<hbm>>
    tpu.enqueue_indirect_dma source(%dma_start3A_582 : memref<8192x64xf32, #tpu.memory_space<hbm>>) target(%arg7 : memref<128x64xf32, #tpu.memory_space<vmem>>) offsets(%dma_start3A_579 : memref<128xi32, #tpu.memory_space<vmem>>) semaphore(%arg15 : memref<!tpu.dma_semaphore, #tpu.memory_space<semaphore_mem>>)
    %dma_wait3A_583 = arith.constant 22 : i32
    %dma_wait3A_584 = arith.constant 0 : i32
    %dma_wait3A_585 = tpu.memref_slice %arg5[%dma_wait3A_583, %dma_wait3A_584] : memref<32x128xi32, #tpu.memory_space<vmem>> -> memref<1x128xi32, #tpu.memory_space<vmem>>
    %dma_wait3A_586 = tpu.memref_squeeze %dma_wait3A_585 : memref<1x128xi32, #tpu.memory_space<vmem>> -> memref<128xi32, #tpu.memory_space<vmem>>
    %dma_wait3A_587 = arith.constant 0 : i32
    %dma_wait3A_588 = arith.constant 0 : i32
    %dma_wait3A_589 = tpu.memref_slice %arg2[%dma_wait3A_587, %dma_wait3A_588] : memref<8192x64xf32, #tpu.memory_space<hbm>> -> memref<8192x64xf32, #tpu.memory_space<hbm>>
    tpu.wait_indirect_dma semaphore(%arg20 : memref<!tpu.dma_semaphore, #tpu.memory_space<semaphore_mem>>) src(%dma_wait3A_589 : memref<8192x64xf32, #tpu.memory_space<hbm>>) dst(%arg12 : memref<128x64xf32, #tpu.memory_space<vmem>>)
    %mul3A_590 = arith.constant 4096 : i32
    %mul3A_591 = arith.muli %add3A, %mul3A_590 : i32
    %add3A_592 = arith.constant 2816 : i32
    %add3A_593 = arith.addi %mul3A_591, %add3A_592 : i32
    %dma_start3A_594 = arith.constant 0 : i32
    %dma_start3A_595 = tpu.memref_slice %arg4[%add3A_593, %dma_start3A_594] : memref<131072x64xf32, #tpu.memory_space<hbm>> -> memref<128x64xf32, #tpu.memory_space<hbm>>
    %dma_start3A_596 = arith.constant 0 : i32
    %dma_start3A_597 = tpu.memref_slice %arg4[%add3A_593, %dma_start3A_596] : memref<131072x64xf32, #tpu.memory_space<hbm>> -> memref<128x64xf32, #tpu.memory_space<hbm>>
    tpu.enqueue_dma source(%arg12 : memref<128x64xf32, #tpu.memory_space<vmem>>) target(%dma_start3A_597 : memref<128x64xf32, #tpu.memory_space<hbm>>) target_semaphore(%arg28 : memref<!tpu.dma_semaphore, #tpu.memory_space<semaphore_mem>>)
    %dma_wait3A_598 = arith.constant 0 : i32
    %dma_wait3A_599 = tpu.memref_slice %arg4[%add3A_489, %dma_wait3A_598] : memref<131072x64xf32, #tpu.memory_space<hbm>> -> memref<128x64xf32, #tpu.memory_space<hbm>>
    %dma_wait3A_600 = arith.constant 0 : i32
    %dma_wait3A_601 = tpu.memref_slice %arg4[%add3A_489, %dma_wait3A_600] : memref<131072x64xf32, #tpu.memory_space<hbm>> -> memref<128x64xf32, #tpu.memory_space<hbm>>
    tpu.wait_dma2 semaphore(%arg24 : memref<!tpu.dma_semaphore, #tpu.memory_space<semaphore_mem>>) src(%arg8 : memref<128x64xf32, #tpu.memory_space<vmem>>) dst(%dma_wait3A_601 : memref<128x64xf32, #tpu.memory_space<hbm>>)
    %dma_start3A_602 = arith.constant 26 : i32
    %dma_start3A_603 = arith.constant 0 : i32
    %dma_start3A_604 = tpu.memref_slice %arg5[%dma_start3A_602, %dma_start3A_603] : memref<32x128xi32, #tpu.memory_space<vmem>> -> memref<1x128xi32, #tpu.memory_space<vmem>>
    %dma_start3A_605 = tpu.memref_squeeze %dma_start3A_604 : memref<1x128xi32, #tpu.memory_space<vmem>> -> memref<128xi32, #tpu.memory_space<vmem>>
    %dma_start3A_606 = arith.constant 0 : i32
    %dma_start3A_607 = arith.constant 0 : i32
    %dma_start3A_608 = tpu.memref_slice %arg2[%dma_start3A_606, %dma_start3A_607] : memref<8192x64xf32, #tpu.memory_space<hbm>> -> memref<8192x64xf32, #tpu.memory_space<hbm>>
    tpu.enqueue_indirect_dma source(%dma_start3A_608 : memref<8192x64xf32, #tpu.memory_space<hbm>>) target(%arg8 : memref<128x64xf32, #tpu.memory_space<vmem>>) offsets(%dma_start3A_605 : memref<128xi32, #tpu.memory_space<vmem>>) semaphore(%arg16 : memref<!tpu.dma_semaphore, #tpu.memory_space<semaphore_mem>>)
    %dma_wait3A_609 = arith.constant 23 : i32
    %dma_wait3A_610 = arith.constant 0 : i32
    %dma_wait3A_611 = tpu.memref_slice %arg5[%dma_wait3A_609, %dma_wait3A_610] : memref<32x128xi32, #tpu.memory_space<vmem>> -> memref<1x128xi32, #tpu.memory_space<vmem>>
    %dma_wait3A_612 = tpu.memref_squeeze %dma_wait3A_611 : memref<1x128xi32, #tpu.memory_space<vmem>> -> memref<128xi32, #tpu.memory_space<vmem>>
    %dma_wait3A_613 = arith.constant 0 : i32
    %dma_wait3A_614 = arith.constant 0 : i32
    %dma_wait3A_615 = tpu.memref_slice %arg2[%dma_wait3A_613, %dma_wait3A_614] : memref<8192x64xf32, #tpu.memory_space<hbm>> -> memref<8192x64xf32, #tpu.memory_space<hbm>>
    tpu.wait_indirect_dma semaphore(%arg21 : memref<!tpu.dma_semaphore, #tpu.memory_space<semaphore_mem>>) src(%dma_wait3A_615 : memref<8192x64xf32, #tpu.memory_space<hbm>>) dst(%arg13 : memref<128x64xf32, #tpu.memory_space<vmem>>)
    %mul3A_616 = arith.constant 4096 : i32
    %mul3A_617 = arith.muli %add3A, %mul3A_616 : i32
    %add3A_618 = arith.constant 2944 : i32
    %add3A_619 = arith.addi %mul3A_617, %add3A_618 : i32
    %dma_start3A_620 = arith.constant 0 : i32
    %dma_start3A_621 = tpu.memref_slice %arg4[%add3A_619, %dma_start3A_620] : memref<131072x64xf32, #tpu.memory_space<hbm>> -> memref<128x64xf32, #tpu.memory_space<hbm>>
    %dma_start3A_622 = arith.constant 0 : i32
    %dma_start3A_623 = tpu.memref_slice %arg4[%add3A_619, %dma_start3A_622] : memref<131072x64xf32, #tpu.memory_space<hbm>> -> memref<128x64xf32, #tpu.memory_space<hbm>>
    tpu.enqueue_dma source(%arg13 : memref<128x64xf32, #tpu.memory_space<vmem>>) target(%dma_start3A_623 : memref<128x64xf32, #tpu.memory_space<hbm>>) target_semaphore(%arg29 : memref<!tpu.dma_semaphore, #tpu.memory_space<semaphore_mem>>)
    %dma_wait3A_624 = arith.constant 0 : i32
    %dma_wait3A_625 = tpu.memref_slice %arg4[%add3A_515, %dma_wait3A_624] : memref<131072x64xf32, #tpu.memory_space<hbm>> -> memref<128x64xf32, #tpu.memory_space<hbm>>
    %dma_wait3A_626 = arith.constant 0 : i32
    %dma_wait3A_627 = tpu.memref_slice %arg4[%add3A_515, %dma_wait3A_626] : memref<131072x64xf32, #tpu.memory_space<hbm>> -> memref<128x64xf32, #tpu.memory_space<hbm>>
    tpu.wait_dma2 semaphore(%arg25 : memref<!tpu.dma_semaphore, #tpu.memory_space<semaphore_mem>>) src(%arg9 : memref<128x64xf32, #tpu.memory_space<vmem>>) dst(%dma_wait3A_627 : memref<128x64xf32, #tpu.memory_space<hbm>>)
    %dma_start3A_628 = arith.constant 27 : i32
    %dma_start3A_629 = arith.constant 0 : i32
    %dma_start3A_630 = tpu.memref_slice %arg5[%dma_start3A_628, %dma_start3A_629] : memref<32x128xi32, #tpu.memory_space<vmem>> -> memref<1x128xi32, #tpu.memory_space<vmem>>
    %dma_start3A_631 = tpu.memref_squeeze %dma_start3A_630 : memref<1x128xi32, #tpu.memory_space<vmem>> -> memref<128xi32, #tpu.memory_space<vmem>>
    %dma_start3A_632 = arith.constant 0 : i32
    %dma_start3A_633 = arith.constant 0 : i32
    %dma_start3A_634 = tpu.memref_slice %arg2[%dma_start3A_632, %dma_start3A_633] : memref<8192x64xf32, #tpu.memory_space<hbm>> -> memref<8192x64xf32, #tpu.memory_space<hbm>>
    tpu.enqueue_indirect_dma source(%dma_start3A_634 : memref<8192x64xf32, #tpu.memory_space<hbm>>) target(%arg9 : memref<128x64xf32, #tpu.memory_space<vmem>>) offsets(%dma_start3A_631 : memref<128xi32, #tpu.memory_space<vmem>>) semaphore(%arg17 : memref<!tpu.dma_semaphore, #tpu.memory_space<semaphore_mem>>)
    %dma_wait3A_635 = arith.constant 24 : i32
    %dma_wait3A_636 = arith.constant 0 : i32
    %dma_wait3A_637 = tpu.memref_slice %arg5[%dma_wait3A_635, %dma_wait3A_636] : memref<32x128xi32, #tpu.memory_space<vmem>> -> memref<1x128xi32, #tpu.memory_space<vmem>>
    %dma_wait3A_638 = tpu.memref_squeeze %dma_wait3A_637 : memref<1x128xi32, #tpu.memory_space<vmem>> -> memref<128xi32, #tpu.memory_space<vmem>>
    %dma_wait3A_639 = arith.constant 0 : i32
    %dma_wait3A_640 = arith.constant 0 : i32
    %dma_wait3A_641 = tpu.memref_slice %arg2[%dma_wait3A_639, %dma_wait3A_640] : memref<8192x64xf32, #tpu.memory_space<hbm>> -> memref<8192x64xf32, #tpu.memory_space<hbm>>
    tpu.wait_indirect_dma semaphore(%arg14 : memref<!tpu.dma_semaphore, #tpu.memory_space<semaphore_mem>>) src(%dma_wait3A_641 : memref<8192x64xf32, #tpu.memory_space<hbm>>) dst(%arg6 : memref<128x64xf32, #tpu.memory_space<vmem>>)
    %mul3A_642 = arith.constant 4096 : i32
    %mul3A_643 = arith.muli %add3A, %mul3A_642 : i32
    %add3A_644 = arith.constant 3072 : i32
    %add3A_645 = arith.addi %mul3A_643, %add3A_644 : i32
    %dma_start3A_646 = arith.constant 0 : i32
    %dma_start3A_647 = tpu.memref_slice %arg4[%add3A_645, %dma_start3A_646] : memref<131072x64xf32, #tpu.memory_space<hbm>> -> memref<128x64xf32, #tpu.memory_space<hbm>>
    %dma_start3A_648 = arith.constant 0 : i32
    %dma_start3A_649 = tpu.memref_slice %arg4[%add3A_645, %dma_start3A_648] : memref<131072x64xf32, #tpu.memory_space<hbm>> -> memref<128x64xf32, #tpu.memory_space<hbm>>
    tpu.enqueue_dma source(%arg6 : memref<128x64xf32, #tpu.memory_space<vmem>>) target(%dma_start3A_649 : memref<128x64xf32, #tpu.memory_space<hbm>>) target_semaphore(%arg22 : memref<!tpu.dma_semaphore, #tpu.memory_space<semaphore_mem>>)
    %dma_wait3A_650 = arith.constant 0 : i32
    %dma_wait3A_651 = tpu.memref_slice %arg4[%add3A_541, %dma_wait3A_650] : memref<131072x64xf32, #tpu.memory_space<hbm>> -> memref<128x64xf32, #tpu.memory_space<hbm>>
    %dma_wait3A_652 = arith.constant 0 : i32
    %dma_wait3A_653 = tpu.memref_slice %arg4[%add3A_541, %dma_wait3A_652] : memref<131072x64xf32, #tpu.memory_space<hbm>> -> memref<128x64xf32, #tpu.memory_space<hbm>>
    tpu.wait_dma2 semaphore(%arg26 : memref<!tpu.dma_semaphore, #tpu.memory_space<semaphore_mem>>) src(%arg10 : memref<128x64xf32, #tpu.memory_space<vmem>>) dst(%dma_wait3A_653 : memref<128x64xf32, #tpu.memory_space<hbm>>)
    %dma_start3A_654 = arith.constant 28 : i32
    %dma_start3A_655 = arith.constant 0 : i32
    %dma_start3A_656 = tpu.memref_slice %arg5[%dma_start3A_654, %dma_start3A_655] : memref<32x128xi32, #tpu.memory_space<vmem>> -> memref<1x128xi32, #tpu.memory_space<vmem>>
    %dma_start3A_657 = tpu.memref_squeeze %dma_start3A_656 : memref<1x128xi32, #tpu.memory_space<vmem>> -> memref<128xi32, #tpu.memory_space<vmem>>
    %dma_start3A_658 = arith.constant 0 : i32
    %dma_start3A_659 = arith.constant 0 : i32
    %dma_start3A_660 = tpu.memref_slice %arg2[%dma_start3A_658, %dma_start3A_659] : memref<8192x64xf32, #tpu.memory_space<hbm>> -> memref<8192x64xf32, #tpu.memory_space<hbm>>
    tpu.enqueue_indirect_dma source(%dma_start3A_660 : memref<8192x64xf32, #tpu.memory_space<hbm>>) target(%arg10 : memref<128x64xf32, #tpu.memory_space<vmem>>) offsets(%dma_start3A_657 : memref<128xi32, #tpu.memory_space<vmem>>) semaphore(%arg18 : memref<!tpu.dma_semaphore, #tpu.memory_space<semaphore_mem>>)
    %dma_wait3A_661 = arith.constant 25 : i32
    %dma_wait3A_662 = arith.constant 0 : i32
    %dma_wait3A_663 = tpu.memref_slice %arg5[%dma_wait3A_661, %dma_wait3A_662] : memref<32x128xi32, #tpu.memory_space<vmem>> -> memref<1x128xi32, #tpu.memory_space<vmem>>
    %dma_wait3A_664 = tpu.memref_squeeze %dma_wait3A_663 : memref<1x128xi32, #tpu.memory_space<vmem>> -> memref<128xi32, #tpu.memory_space<vmem>>
    %dma_wait3A_665 = arith.constant 0 : i32
    %dma_wait3A_666 = arith.constant 0 : i32
    %dma_wait3A_667 = tpu.memref_slice %arg2[%dma_wait3A_665, %dma_wait3A_666] : memref<8192x64xf32, #tpu.memory_space<hbm>> -> memref<8192x64xf32, #tpu.memory_space<hbm>>
    tpu.wait_indirect_dma semaphore(%arg15 : memref<!tpu.dma_semaphore, #tpu.memory_space<semaphore_mem>>) src(%dma_wait3A_667 : memref<8192x64xf32, #tpu.memory_space<hbm>>) dst(%arg7 : memref<128x64xf32, #tpu.memory_space<vmem>>)
    %mul3A_668 = arith.constant 4096 : i32
    %mul3A_669 = arith.muli %add3A, %mul3A_668 : i32
    %add3A_670 = arith.constant 3200 : i32
    %add3A_671 = arith.addi %mul3A_669, %add3A_670 : i32
    %dma_start3A_672 = arith.constant 0 : i32
    %dma_start3A_673 = tpu.memref_slice %arg4[%add3A_671, %dma_start3A_672] : memref<131072x64xf32, #tpu.memory_space<hbm>> -> memref<128x64xf32, #tpu.memory_space<hbm>>
    %dma_start3A_674 = arith.constant 0 : i32
    %dma_start3A_675 = tpu.memref_slice %arg4[%add3A_671, %dma_start3A_674] : memref<131072x64xf32, #tpu.memory_space<hbm>> -> memref<128x64xf32, #tpu.memory_space<hbm>>
    tpu.enqueue_dma source(%arg7 : memref<128x64xf32, #tpu.memory_space<vmem>>) target(%dma_start3A_675 : memref<128x64xf32, #tpu.memory_space<hbm>>) target_semaphore(%arg23 : memref<!tpu.dma_semaphore, #tpu.memory_space<semaphore_mem>>)
    %dma_wait3A_676 = arith.constant 0 : i32
    %dma_wait3A_677 = tpu.memref_slice %arg4[%add3A_567, %dma_wait3A_676] : memref<131072x64xf32, #tpu.memory_space<hbm>> -> memref<128x64xf32, #tpu.memory_space<hbm>>
    %dma_wait3A_678 = arith.constant 0 : i32
    %dma_wait3A_679 = tpu.memref_slice %arg4[%add3A_567, %dma_wait3A_678] : memref<131072x64xf32, #tpu.memory_space<hbm>> -> memref<128x64xf32, #tpu.memory_space<hbm>>
    tpu.wait_dma2 semaphore(%arg27 : memref<!tpu.dma_semaphore, #tpu.memory_space<semaphore_mem>>) src(%arg11 : memref<128x64xf32, #tpu.memory_space<vmem>>) dst(%dma_wait3A_679 : memref<128x64xf32, #tpu.memory_space<hbm>>)
    %dma_start3A_680 = arith.constant 29 : i32
    %dma_start3A_681 = arith.constant 0 : i32
    %dma_start3A_682 = tpu.memref_slice %arg5[%dma_start3A_680, %dma_start3A_681] : memref<32x128xi32, #tpu.memory_space<vmem>> -> memref<1x128xi32, #tpu.memory_space<vmem>>
    %dma_start3A_683 = tpu.memref_squeeze %dma_start3A_682 : memref<1x128xi32, #tpu.memory_space<vmem>> -> memref<128xi32, #tpu.memory_space<vmem>>
    %dma_start3A_684 = arith.constant 0 : i32
    %dma_start3A_685 = arith.constant 0 : i32
    %dma_start3A_686 = tpu.memref_slice %arg2[%dma_start3A_684, %dma_start3A_685] : memref<8192x64xf32, #tpu.memory_space<hbm>> -> memref<8192x64xf32, #tpu.memory_space<hbm>>
    tpu.enqueue_indirect_dma source(%dma_start3A_686 : memref<8192x64xf32, #tpu.memory_space<hbm>>) target(%arg11 : memref<128x64xf32, #tpu.memory_space<vmem>>) offsets(%dma_start3A_683 : memref<128xi32, #tpu.memory_space<vmem>>) semaphore(%arg19 : memref<!tpu.dma_semaphore, #tpu.memory_space<semaphore_mem>>)
    %dma_wait3A_687 = arith.constant 26 : i32
    %dma_wait3A_688 = arith.constant 0 : i32
    %dma_wait3A_689 = tpu.memref_slice %arg5[%dma_wait3A_687, %dma_wait3A_688] : memref<32x128xi32, #tpu.memory_space<vmem>> -> memref<1x128xi32, #tpu.memory_space<vmem>>
    %dma_wait3A_690 = tpu.memref_squeeze %dma_wait3A_689 : memref<1x128xi32, #tpu.memory_space<vmem>> -> memref<128xi32, #tpu.memory_space<vmem>>
    %dma_wait3A_691 = arith.constant 0 : i32
    %dma_wait3A_692 = arith.constant 0 : i32
    %dma_wait3A_693 = tpu.memref_slice %arg2[%dma_wait3A_691, %dma_wait3A_692] : memref<8192x64xf32, #tpu.memory_space<hbm>> -> memref<8192x64xf32, #tpu.memory_space<hbm>>
    tpu.wait_indirect_dma semaphore(%arg16 : memref<!tpu.dma_semaphore, #tpu.memory_space<semaphore_mem>>) src(%dma_wait3A_693 : memref<8192x64xf32, #tpu.memory_space<hbm>>) dst(%arg8 : memref<128x64xf32, #tpu.memory_space<vmem>>)
    %mul3A_694 = arith.constant 4096 : i32
    %mul3A_695 = arith.muli %add3A, %mul3A_694 : i32
    %add3A_696 = arith.constant 3328 : i32
    %add3A_697 = arith.addi %mul3A_695, %add3A_696 : i32
    %dma_start3A_698 = arith.constant 0 : i32
    %dma_start3A_699 = tpu.memref_slice %arg4[%add3A_697, %dma_start3A_698] : memref<131072x64xf32, #tpu.memory_space<hbm>> -> memref<128x64xf32, #tpu.memory_space<hbm>>
    %dma_start3A_700 = arith.constant 0 : i32
    %dma_start3A_701 = tpu.memref_slice %arg4[%add3A_697, %dma_start3A_700] : memref<131072x64xf32, #tpu.memory_space<hbm>> -> memref<128x64xf32, #tpu.memory_space<hbm>>
    tpu.enqueue_dma source(%arg8 : memref<128x64xf32, #tpu.memory_space<vmem>>) target(%dma_start3A_701 : memref<128x64xf32, #tpu.memory_space<hbm>>) target_semaphore(%arg24 : memref<!tpu.dma_semaphore, #tpu.memory_space<semaphore_mem>>)
    %dma_wait3A_702 = arith.constant 0 : i32
    %dma_wait3A_703 = tpu.memref_slice %arg4[%add3A_593, %dma_wait3A_702] : memref<131072x64xf32, #tpu.memory_space<hbm>> -> memref<128x64xf32, #tpu.memory_space<hbm>>
    %dma_wait3A_704 = arith.constant 0 : i32
    %dma_wait3A_705 = tpu.memref_slice %arg4[%add3A_593, %dma_wait3A_704] : memref<131072x64xf32, #tpu.memory_space<hbm>> -> memref<128x64xf32, #tpu.memory_space<hbm>>
    tpu.wait_dma2 semaphore(%arg28 : memref<!tpu.dma_semaphore, #tpu.memory_space<semaphore_mem>>) src(%arg12 : memref<128x64xf32, #tpu.memory_space<vmem>>) dst(%dma_wait3A_705 : memref<128x64xf32, #tpu.memory_space<hbm>>)
    %dma_start3A_706 = arith.constant 30 : i32
    %dma_start3A_707 = arith.constant 0 : i32
    %dma_start3A_708 = tpu.memref_slice %arg5[%dma_start3A_706, %dma_start3A_707] : memref<32x128xi32, #tpu.memory_space<vmem>> -> memref<1x128xi32, #tpu.memory_space<vmem>>
    %dma_start3A_709 = tpu.memref_squeeze %dma_start3A_708 : memref<1x128xi32, #tpu.memory_space<vmem>> -> memref<128xi32, #tpu.memory_space<vmem>>
    %dma_start3A_710 = arith.constant 0 : i32
    %dma_start3A_711 = arith.constant 0 : i32
    %dma_start3A_712 = tpu.memref_slice %arg2[%dma_start3A_710, %dma_start3A_711] : memref<8192x64xf32, #tpu.memory_space<hbm>> -> memref<8192x64xf32, #tpu.memory_space<hbm>>
    tpu.enqueue_indirect_dma source(%dma_start3A_712 : memref<8192x64xf32, #tpu.memory_space<hbm>>) target(%arg12 : memref<128x64xf32, #tpu.memory_space<vmem>>) offsets(%dma_start3A_709 : memref<128xi32, #tpu.memory_space<vmem>>) semaphore(%arg20 : memref<!tpu.dma_semaphore, #tpu.memory_space<semaphore_mem>>)
    %dma_wait3A_713 = arith.constant 27 : i32
    %dma_wait3A_714 = arith.constant 0 : i32
    %dma_wait3A_715 = tpu.memref_slice %arg5[%dma_wait3A_713, %dma_wait3A_714] : memref<32x128xi32, #tpu.memory_space<vmem>> -> memref<1x128xi32, #tpu.memory_space<vmem>>
    %dma_wait3A_716 = tpu.memref_squeeze %dma_wait3A_715 : memref<1x128xi32, #tpu.memory_space<vmem>> -> memref<128xi32, #tpu.memory_space<vmem>>
    %dma_wait3A_717 = arith.constant 0 : i32
    %dma_wait3A_718 = arith.constant 0 : i32
    %dma_wait3A_719 = tpu.memref_slice %arg2[%dma_wait3A_717, %dma_wait3A_718] : memref<8192x64xf32, #tpu.memory_space<hbm>> -> memref<8192x64xf32, #tpu.memory_space<hbm>>
    tpu.wait_indirect_dma semaphore(%arg17 : memref<!tpu.dma_semaphore, #tpu.memory_space<semaphore_mem>>) src(%dma_wait3A_719 : memref<8192x64xf32, #tpu.memory_space<hbm>>) dst(%arg9 : memref<128x64xf32, #tpu.memory_space<vmem>>)
    %mul3A_720 = arith.constant 4096 : i32
    %mul3A_721 = arith.muli %add3A, %mul3A_720 : i32
    %add3A_722 = arith.constant 3456 : i32
    %add3A_723 = arith.addi %mul3A_721, %add3A_722 : i32
    %dma_start3A_724 = arith.constant 0 : i32
    %dma_start3A_725 = tpu.memref_slice %arg4[%add3A_723, %dma_start3A_724] : memref<131072x64xf32, #tpu.memory_space<hbm>> -> memref<128x64xf32, #tpu.memory_space<hbm>>
    %dma_start3A_726 = arith.constant 0 : i32
    %dma_start3A_727 = tpu.memref_slice %arg4[%add3A_723, %dma_start3A_726] : memref<131072x64xf32, #tpu.memory_space<hbm>> -> memref<128x64xf32, #tpu.memory_space<hbm>>
    tpu.enqueue_dma source(%arg9 : memref<128x64xf32, #tpu.memory_space<vmem>>) target(%dma_start3A_727 : memref<128x64xf32, #tpu.memory_space<hbm>>) target_semaphore(%arg25 : memref<!tpu.dma_semaphore, #tpu.memory_space<semaphore_mem>>)
    %dma_wait3A_728 = arith.constant 0 : i32
    %dma_wait3A_729 = tpu.memref_slice %arg4[%add3A_619, %dma_wait3A_728] : memref<131072x64xf32, #tpu.memory_space<hbm>> -> memref<128x64xf32, #tpu.memory_space<hbm>>
    %dma_wait3A_730 = arith.constant 0 : i32
    %dma_wait3A_731 = tpu.memref_slice %arg4[%add3A_619, %dma_wait3A_730] : memref<131072x64xf32, #tpu.memory_space<hbm>> -> memref<128x64xf32, #tpu.memory_space<hbm>>
    tpu.wait_dma2 semaphore(%arg29 : memref<!tpu.dma_semaphore, #tpu.memory_space<semaphore_mem>>) src(%arg13 : memref<128x64xf32, #tpu.memory_space<vmem>>) dst(%dma_wait3A_731 : memref<128x64xf32, #tpu.memory_space<hbm>>)
    %dma_start3A_732 = arith.constant 31 : i32
    %dma_start3A_733 = arith.constant 0 : i32
    %dma_start3A_734 = tpu.memref_slice %arg5[%dma_start3A_732, %dma_start3A_733] : memref<32x128xi32, #tpu.memory_space<vmem>> -> memref<1x128xi32, #tpu.memory_space<vmem>>
    %dma_start3A_735 = tpu.memref_squeeze %dma_start3A_734 : memref<1x128xi32, #tpu.memory_space<vmem>> -> memref<128xi32, #tpu.memory_space<vmem>>
    %dma_start3A_736 = arith.constant 0 : i32
    %dma_start3A_737 = arith.constant 0 : i32
    %dma_start3A_738 = tpu.memref_slice %arg2[%dma_start3A_736, %dma_start3A_737] : memref<8192x64xf32, #tpu.memory_space<hbm>> -> memref<8192x64xf32, #tpu.memory_space<hbm>>
    tpu.enqueue_indirect_dma source(%dma_start3A_738 : memref<8192x64xf32, #tpu.memory_space<hbm>>) target(%arg13 : memref<128x64xf32, #tpu.memory_space<vmem>>) offsets(%dma_start3A_735 : memref<128xi32, #tpu.memory_space<vmem>>) semaphore(%arg21 : memref<!tpu.dma_semaphore, #tpu.memory_space<semaphore_mem>>)
    %dma_wait3A_739 = arith.constant 28 : i32
    %dma_wait3A_740 = arith.constant 0 : i32
    %dma_wait3A_741 = tpu.memref_slice %arg5[%dma_wait3A_739, %dma_wait3A_740] : memref<32x128xi32, #tpu.memory_space<vmem>> -> memref<1x128xi32, #tpu.memory_space<vmem>>
    %dma_wait3A_742 = tpu.memref_squeeze %dma_wait3A_741 : memref<1x128xi32, #tpu.memory_space<vmem>> -> memref<128xi32, #tpu.memory_space<vmem>>
    %dma_wait3A_743 = arith.constant 0 : i32
    %dma_wait3A_744 = arith.constant 0 : i32
    %dma_wait3A_745 = tpu.memref_slice %arg2[%dma_wait3A_743, %dma_wait3A_744] : memref<8192x64xf32, #tpu.memory_space<hbm>> -> memref<8192x64xf32, #tpu.memory_space<hbm>>
    tpu.wait_indirect_dma semaphore(%arg18 : memref<!tpu.dma_semaphore, #tpu.memory_space<semaphore_mem>>) src(%dma_wait3A_745 : memref<8192x64xf32, #tpu.memory_space<hbm>>) dst(%arg10 : memref<128x64xf32, #tpu.memory_space<vmem>>)
    %mul3A_746 = arith.constant 4096 : i32
    %mul3A_747 = arith.muli %add3A, %mul3A_746 : i32
    %add3A_748 = arith.constant 3584 : i32
    %add3A_749 = arith.addi %mul3A_747, %add3A_748 : i32
    %dma_start3A_750 = arith.constant 0 : i32
    %dma_start3A_751 = tpu.memref_slice %arg4[%add3A_749, %dma_start3A_750] : memref<131072x64xf32, #tpu.memory_space<hbm>> -> memref<128x64xf32, #tpu.memory_space<hbm>>
    %dma_start3A_752 = arith.constant 0 : i32
    %dma_start3A_753 = tpu.memref_slice %arg4[%add3A_749, %dma_start3A_752] : memref<131072x64xf32, #tpu.memory_space<hbm>> -> memref<128x64xf32, #tpu.memory_space<hbm>>
    tpu.enqueue_dma source(%arg10 : memref<128x64xf32, #tpu.memory_space<vmem>>) target(%dma_start3A_753 : memref<128x64xf32, #tpu.memory_space<hbm>>) target_semaphore(%arg26 : memref<!tpu.dma_semaphore, #tpu.memory_space<semaphore_mem>>)
    %dma_wait3A_754 = arith.constant 29 : i32
    %dma_wait3A_755 = arith.constant 0 : i32
    %dma_wait3A_756 = tpu.memref_slice %arg5[%dma_wait3A_754, %dma_wait3A_755] : memref<32x128xi32, #tpu.memory_space<vmem>> -> memref<1x128xi32, #tpu.memory_space<vmem>>
    %dma_wait3A_757 = tpu.memref_squeeze %dma_wait3A_756 : memref<1x128xi32, #tpu.memory_space<vmem>> -> memref<128xi32, #tpu.memory_space<vmem>>
    %dma_wait3A_758 = arith.constant 0 : i32
    %dma_wait3A_759 = arith.constant 0 : i32
    %dma_wait3A_760 = tpu.memref_slice %arg2[%dma_wait3A_758, %dma_wait3A_759] : memref<8192x64xf32, #tpu.memory_space<hbm>> -> memref<8192x64xf32, #tpu.memory_space<hbm>>
    tpu.wait_indirect_dma semaphore(%arg19 : memref<!tpu.dma_semaphore, #tpu.memory_space<semaphore_mem>>) src(%dma_wait3A_760 : memref<8192x64xf32, #tpu.memory_space<hbm>>) dst(%arg11 : memref<128x64xf32, #tpu.memory_space<vmem>>)
    %mul3A_761 = arith.constant 4096 : i32
    %mul3A_762 = arith.muli %add3A, %mul3A_761 : i32
    %add3A_763 = arith.constant 3712 : i32
    %add3A_764 = arith.addi %mul3A_762, %add3A_763 : i32
    %dma_start3A_765 = arith.constant 0 : i32
    %dma_start3A_766 = tpu.memref_slice %arg4[%add3A_764, %dma_start3A_765] : memref<131072x64xf32, #tpu.memory_space<hbm>> -> memref<128x64xf32, #tpu.memory_space<hbm>>
    %dma_start3A_767 = arith.constant 0 : i32
    %dma_start3A_768 = tpu.memref_slice %arg4[%add3A_764, %dma_start3A_767] : memref<131072x64xf32, #tpu.memory_space<hbm>> -> memref<128x64xf32, #tpu.memory_space<hbm>>
    tpu.enqueue_dma source(%arg11 : memref<128x64xf32, #tpu.memory_space<vmem>>) target(%dma_start3A_768 : memref<128x64xf32, #tpu.memory_space<hbm>>) target_semaphore(%arg27 : memref<!tpu.dma_semaphore, #tpu.memory_space<semaphore_mem>>)
    %dma_wait3A_769 = arith.constant 30 : i32
    %dma_wait3A_770 = arith.constant 0 : i32
    %dma_wait3A_771 = tpu.memref_slice %arg5[%dma_wait3A_769, %dma_wait3A_770] : memref<32x128xi32, #tpu.memory_space<vmem>> -> memref<1x128xi32, #tpu.memory_space<vmem>>
    %dma_wait3A_772 = tpu.memref_squeeze %dma_wait3A_771 : memref<1x128xi32, #tpu.memory_space<vmem>> -> memref<128xi32, #tpu.memory_space<vmem>>
    %dma_wait3A_773 = arith.constant 0 : i32
    %dma_wait3A_774 = arith.constant 0 : i32
    %dma_wait3A_775 = tpu.memref_slice %arg2[%dma_wait3A_773, %dma_wait3A_774] : memref<8192x64xf32, #tpu.memory_space<hbm>> -> memref<8192x64xf32, #tpu.memory_space<hbm>>
    tpu.wait_indirect_dma semaphore(%arg20 : memref<!tpu.dma_semaphore, #tpu.memory_space<semaphore_mem>>) src(%dma_wait3A_775 : memref<8192x64xf32, #tpu.memory_space<hbm>>) dst(%arg12 : memref<128x64xf32, #tpu.memory_space<vmem>>)
    %mul3A_776 = arith.constant 4096 : i32
    %mul3A_777 = arith.muli %add3A, %mul3A_776 : i32
    %add3A_778 = arith.constant 3840 : i32
    %add3A_779 = arith.addi %mul3A_777, %add3A_778 : i32
    %dma_start3A_780 = arith.constant 0 : i32
    %dma_start3A_781 = tpu.memref_slice %arg4[%add3A_779, %dma_start3A_780] : memref<131072x64xf32, #tpu.memory_space<hbm>> -> memref<128x64xf32, #tpu.memory_space<hbm>>
    %dma_start3A_782 = arith.constant 0 : i32
    %dma_start3A_783 = tpu.memref_slice %arg4[%add3A_779, %dma_start3A_782] : memref<131072x64xf32, #tpu.memory_space<hbm>> -> memref<128x64xf32, #tpu.memory_space<hbm>>
    tpu.enqueue_dma source(%arg12 : memref<128x64xf32, #tpu.memory_space<vmem>>) target(%dma_start3A_783 : memref<128x64xf32, #tpu.memory_space<hbm>>) target_semaphore(%arg28 : memref<!tpu.dma_semaphore, #tpu.memory_space<semaphore_mem>>)
    %dma_wait3A_784 = arith.constant 31 : i32
    %dma_wait3A_785 = arith.constant 0 : i32
    %dma_wait3A_786 = tpu.memref_slice %arg5[%dma_wait3A_784, %dma_wait3A_785] : memref<32x128xi32, #tpu.memory_space<vmem>> -> memref<1x128xi32, #tpu.memory_space<vmem>>
    %dma_wait3A_787 = tpu.memref_squeeze %dma_wait3A_786 : memref<1x128xi32, #tpu.memory_space<vmem>> -> memref<128xi32, #tpu.memory_space<vmem>>
    %dma_wait3A_788 = arith.constant 0 : i32
    %dma_wait3A_789 = arith.constant 0 : i32
    %dma_wait3A_790 = tpu.memref_slice %arg2[%dma_wait3A_788, %dma_wait3A_789] : memref<8192x64xf32, #tpu.memory_space<hbm>> -> memref<8192x64xf32, #tpu.memory_space<hbm>>
    tpu.wait_indirect_dma semaphore(%arg21 : memref<!tpu.dma_semaphore, #tpu.memory_space<semaphore_mem>>) src(%dma_wait3A_790 : memref<8192x64xf32, #tpu.memory_space<hbm>>) dst(%arg13 : memref<128x64xf32, #tpu.memory_space<vmem>>)
    %mul3A_791 = arith.constant 4096 : i32
    %mul3A_792 = arith.muli %add3A, %mul3A_791 : i32
    %add3A_793 = arith.constant 3968 : i32
    %add3A_794 = arith.addi %mul3A_792, %add3A_793 : i32
    %dma_start3A_795 = arith.constant 0 : i32
    %dma_start3A_796 = tpu.memref_slice %arg4[%add3A_794, %dma_start3A_795] : memref<131072x64xf32, #tpu.memory_space<hbm>> -> memref<128x64xf32, #tpu.memory_space<hbm>>
    %dma_start3A_797 = arith.constant 0 : i32
    %dma_start3A_798 = tpu.memref_slice %arg4[%add3A_794, %dma_start3A_797] : memref<131072x64xf32, #tpu.memory_space<hbm>> -> memref<128x64xf32, #tpu.memory_space<hbm>>
    tpu.enqueue_dma source(%arg13 : memref<128x64xf32, #tpu.memory_space<vmem>>) target(%dma_start3A_798 : memref<128x64xf32, #tpu.memory_space<hbm>>) target_semaphore(%arg29 : memref<!tpu.dma_semaphore, #tpu.memory_space<semaphore_mem>>)
    %dma_wait3A_799 = arith.constant 0 : i32
    %dma_wait3A_800 = tpu.memref_slice %arg4[%add3A_645, %dma_wait3A_799] : memref<131072x64xf32, #tpu.memory_space<hbm>> -> memref<128x64xf32, #tpu.memory_space<hbm>>
    %dma_wait3A_801 = arith.constant 0 : i32
    %dma_wait3A_802 = tpu.memref_slice %arg4[%add3A_645, %dma_wait3A_801] : memref<131072x64xf32, #tpu.memory_space<hbm>> -> memref<128x64xf32, #tpu.memory_space<hbm>>
    tpu.wait_dma2 semaphore(%arg22 : memref<!tpu.dma_semaphore, #tpu.memory_space<semaphore_mem>>) src(%arg6 : memref<128x64xf32, #tpu.memory_space<vmem>>) dst(%dma_wait3A_802 : memref<128x64xf32, #tpu.memory_space<hbm>>)
    %dma_wait3A_803 = arith.constant 0 : i32
    %dma_wait3A_804 = tpu.memref_slice %arg4[%add3A_671, %dma_wait3A_803] : memref<131072x64xf32, #tpu.memory_space<hbm>> -> memref<128x64xf32, #tpu.memory_space<hbm>>
    %dma_wait3A_805 = arith.constant 0 : i32
    %dma_wait3A_806 = tpu.memref_slice %arg4[%add3A_671, %dma_wait3A_805] : memref<131072x64xf32, #tpu.memory_space<hbm>> -> memref<128x64xf32, #tpu.memory_space<hbm>>
    tpu.wait_dma2 semaphore(%arg23 : memref<!tpu.dma_semaphore, #tpu.memory_space<semaphore_mem>>) src(%arg7 : memref<128x64xf32, #tpu.memory_space<vmem>>) dst(%dma_wait3A_806 : memref<128x64xf32, #tpu.memory_space<hbm>>)
    %dma_wait3A_807 = arith.constant 0 : i32
    %dma_wait3A_808 = tpu.memref_slice %arg4[%add3A_697, %dma_wait3A_807] : memref<131072x64xf32, #tpu.memory_space<hbm>> -> memref<128x64xf32, #tpu.memory_space<hbm>>
    %dma_wait3A_809 = arith.constant 0 : i32
    %dma_wait3A_810 = tpu.memref_slice %arg4[%add3A_697, %dma_wait3A_809] : memref<131072x64xf32, #tpu.memory_space<hbm>> -> memref<128x64xf32, #tpu.memory_space<hbm>>
    tpu.wait_dma2 semaphore(%arg24 : memref<!tpu.dma_semaphore, #tpu.memory_space<semaphore_mem>>) src(%arg8 : memref<128x64xf32, #tpu.memory_space<vmem>>) dst(%dma_wait3A_810 : memref<128x64xf32, #tpu.memory_space<hbm>>)
    %dma_wait3A_811 = arith.constant 0 : i32
    %dma_wait3A_812 = tpu.memref_slice %arg4[%add3A_723, %dma_wait3A_811] : memref<131072x64xf32, #tpu.memory_space<hbm>> -> memref<128x64xf32, #tpu.memory_space<hbm>>
    %dma_wait3A_813 = arith.constant 0 : i32
    %dma_wait3A_814 = tpu.memref_slice %arg4[%add3A_723, %dma_wait3A_813] : memref<131072x64xf32, #tpu.memory_space<hbm>> -> memref<128x64xf32, #tpu.memory_space<hbm>>
    tpu.wait_dma2 semaphore(%arg25 : memref<!tpu.dma_semaphore, #tpu.memory_space<semaphore_mem>>) src(%arg9 : memref<128x64xf32, #tpu.memory_space<vmem>>) dst(%dma_wait3A_814 : memref<128x64xf32, #tpu.memory_space<hbm>>)
    %dma_wait3A_815 = arith.constant 0 : i32
    %dma_wait3A_816 = tpu.memref_slice %arg4[%add3A_749, %dma_wait3A_815] : memref<131072x64xf32, #tpu.memory_space<hbm>> -> memref<128x64xf32, #tpu.memory_space<hbm>>
    %dma_wait3A_817 = arith.constant 0 : i32
    %dma_wait3A_818 = tpu.memref_slice %arg4[%add3A_749, %dma_wait3A_817] : memref<131072x64xf32, #tpu.memory_space<hbm>> -> memref<128x64xf32, #tpu.memory_space<hbm>>
    tpu.wait_dma2 semaphore(%arg26 : memref<!tpu.dma_semaphore, #tpu.memory_space<semaphore_mem>>) src(%arg10 : memref<128x64xf32, #tpu.memory_space<vmem>>) dst(%dma_wait3A_818 : memref<128x64xf32, #tpu.memory_space<hbm>>)
    %dma_wait3A_819 = arith.constant 0 : i32
    %dma_wait3A_820 = tpu.memref_slice %arg4[%add3A_764, %dma_wait3A_819] : memref<131072x64xf32, #tpu.memory_space<hbm>> -> memref<128x64xf32, #tpu.memory_space<hbm>>
    %dma_wait3A_821 = arith.constant 0 : i32
    %dma_wait3A_822 = tpu.memref_slice %arg4[%add3A_764, %dma_wait3A_821] : memref<131072x64xf32, #tpu.memory_space<hbm>> -> memref<128x64xf32, #tpu.memory_space<hbm>>
    tpu.wait_dma2 semaphore(%arg27 : memref<!tpu.dma_semaphore, #tpu.memory_space<semaphore_mem>>) src(%arg11 : memref<128x64xf32, #tpu.memory_space<vmem>>) dst(%dma_wait3A_822 : memref<128x64xf32, #tpu.memory_space<hbm>>)
    %dma_wait3A_823 = arith.constant 0 : i32
    %dma_wait3A_824 = tpu.memref_slice %arg4[%add3A_779, %dma_wait3A_823] : memref<131072x64xf32, #tpu.memory_space<hbm>> -> memref<128x64xf32, #tpu.memory_space<hbm>>
    %dma_wait3A_825 = arith.constant 0 : i32
    %dma_wait3A_826 = tpu.memref_slice %arg4[%add3A_779, %dma_wait3A_825] : memref<131072x64xf32, #tpu.memory_space<hbm>> -> memref<128x64xf32, #tpu.memory_space<hbm>>
    tpu.wait_dma2 semaphore(%arg28 : memref<!tpu.dma_semaphore, #tpu.memory_space<semaphore_mem>>) src(%arg12 : memref<128x64xf32, #tpu.memory_space<vmem>>) dst(%dma_wait3A_826 : memref<128x64xf32, #tpu.memory_space<hbm>>)
    %dma_wait3A_827 = arith.constant 0 : i32
    %dma_wait3A_828 = tpu.memref_slice %arg4[%add3A_794, %dma_wait3A_827] : memref<131072x64xf32, #tpu.memory_space<hbm>> -> memref<128x64xf32, #tpu.memory_space<hbm>>
    %dma_wait3A_829 = arith.constant 0 : i32
    %dma_wait3A_830 = tpu.memref_slice %arg4[%add3A_794, %dma_wait3A_829] : memref<131072x64xf32, #tpu.memory_space<hbm>> -> memref<128x64xf32, #tpu.memory_space<hbm>>
    tpu.wait_dma2 semaphore(%arg29 : memref<!tpu.dma_semaphore, #tpu.memory_space<semaphore_mem>>) src(%arg13 : memref<128x64xf32, #tpu.memory_space<vmem>>) dst(%dma_wait3A_830 : memref<128x64xf32, #tpu.memory_space<hbm>>)
    return
  }
}

module attributes {stable_mosaic.version = 14 : i64} {
  func.func @body(%arg0: i32, %arg1: memref<1x63x512xf32, #tpu.memory_space<vmem>>, %arg2: memref<512x64xf32, #tpu.memory_space<vmem>>) attributes {dimension_semantics = [#tpu.dimension_semantics<arbitrary>], iteration_bounds = array<i64: 16>, scalar_prefetch = 0 : i64, scratch_operands = 0 : i64, tpu.core_type = #tpu.core_type<tc>, window_params = [{transform_indices = @transform_0, window_bounds = array<i64: 1, 63, 512>}, {transform_indices = @transform_1, window_bounds = array<i64: 512, 64>}]} {
    %get3A = arith.constant 0 : index
    %get3A_0 = arith.constant 0 : index
    %get3A_1 = arith.constant 0 : index
    %get3A_2 = vector.load %arg1[%get3A, %get3A_0, %get3A_1] : memref<1x63x512xf32, #tpu.memory_space<vmem>>, vector<1x63x512xf32>
    %get3A_3 = vector.shape_cast %get3A_2 : vector<1x63x512xf32> to vector<63x512xf32>
    %transpose3A = tpu.transpose %get3A_3, [1, 0] : vector<63x512xf32> -> vector<512x63xf32>
    %broadcast_in_dim3A = arith.constant 0.000000e+00 : f32
    %broadcast_in_dim3A_4 = vector.broadcast %broadcast_in_dim3A : f32 to vector<512x1xf32>
    %concatenate3A = tpu.concatenate %transpose3A, %broadcast_in_dim3A_4 in 1 : vector<512x63xf32>, vector<512x1xf32> -> vector<512x64xf32>
    %swap3A = arith.constant 0 : index
    %swap3A_5 = arith.constant 0 : index
    %swap3A_6 = vector.load %arg2[%swap3A, %swap3A_5] : memref<512x64xf32, #tpu.memory_space<vmem>>, vector<512x64xf32>
    tpu.vector_store %arg2[%swap3A, %swap3A_5], %concatenate3A {strides = array<i32>} : memref<512x64xf32, #tpu.memory_space<vmem>>, vector<512x64xf32>,
    return
  }
  func.func @transform_0(%arg0: i32) -> (i32, i32, i32) {
    %jit3A = arith.constant 8 : i32
    %div3A = arith.divsi %arg0, %jit3A : i32
    %sign3A = arith.constant 0 : i32
    %sign3A_0 = arith.cmpi sgt, %arg0, %sign3A : i32
    %sign3A_1 = arith.extui %sign3A_0 : i1 to i32
    %sign3A_2 = arith.constant 0 : i32
    %sign3A_3 = arith.cmpi slt, %arg0, %sign3A_2 : i32
    %sign3A_4 = arith.extui %sign3A_3 : i1 to i32
    %sign3A_5 = arith.subi %sign3A_1, %sign3A_4 : i32
    %sign3A_6 = arith.constant 0 : i32
    %sign3A_7 = arith.cmpi sgt, %jit3A, %sign3A_6 : i32
    %sign3A_8 = arith.extui %sign3A_7 : i1 to i32
    %sign3A_9 = arith.constant 0 : i32
    %sign3A_10 = arith.cmpi slt, %jit3A, %sign3A_9 : i32
    %sign3A_11 = arith.extui %sign3A_10 : i1 to i32
    %sign3A_12 = arith.subi %sign3A_8, %sign3A_11 : i32
    %ne3A = arith.cmpi ne, %sign3A_5, %sign3A_12 : i32
    %rem3A = arith.remsi %arg0, %jit3A : i32
    %ne3A_13 = arith.constant 0 : i32
    %ne3A_14 = arith.cmpi ne, %rem3A, %ne3A_13 : i32
    %and3A = arith.andi %ne3A, %ne3A_14 : i1
    %sub3A = arith.constant 1 : i32
    %sub3A_15 = arith.subi %div3A, %sub3A : i32
    %select_n3A = arith.select %and3A, %sub3A_15, %div3A : i32
    %jit3A_16 = arith.constant 8 : i32
    %eq3A = arith.constant 0 : i32
    %eq3A_17 = arith.cmpi eq, %jit3A_16, %eq3A : i32
    %jit3A_18 = arith.constant 1 : i32
    %select_n3A_19 = arith.select %eq3A_17, %jit3A_18, %jit3A_16 : i32
    %rem3A_20 = arith.remsi %arg0, %select_n3A_19 : i32
    %ne3A_21 = arith.constant 0 : i32
    %ne3A_22 = arith.cmpi ne, %rem3A_20, %ne3A_21 : i32
    %lt3A = arith.constant 0 : i32
    %lt3A_23 = arith.cmpi slt, %rem3A_20, %lt3A : i32
    %lt3A_24 = arith.constant 0 : i32
    %lt3A_25 = arith.cmpi slt, %select_n3A_19, %lt3A_24 : i32
    %ne3A_26 = arith.xori %lt3A_23, %lt3A_25 : i1
    %and3A_27 = arith.andi %ne3A_26, %ne3A_22 : i1
    %add3A = arith.addi %rem3A_20, %select_n3A_19 : i32
    %select_n3A_28 = arith.select %and3A_27, %add3A, %rem3A_20 : i32
    %c0_i32 = arith.constant 0 : i32
    %c0_i32_29 = arith.constant 0 : i32
    return %select_n3A, %c0_i32, %select_n3A_28 : i32, i32, i32
  }
  func.func @transform_1(%arg0: i32) -> (i32, i32) {
    %c0_i32 = arith.constant 0 : i32
    %c0_i32_0 = arith.constant 0 : i32
    return %arg0, %c0_i32 : i32, i32
  }
}

module attributes {stable_mosaic.version = 14 : i64} {
  func.func @body(%arg0: i32, %arg1: memref<8192x128xf32, #tpu.memory_space<vmem>>, %arg2: memref<1024x64xf32, #tpu.memory_space<vmem>>, %arg3: memref<128x128xf32, #tpu.memory_space<vmem>>, %arg4: memref<128x128xf32, #tpu.memory_space<vmem>>, %arg5: memref<64x64xf32, #tpu.memory_space<vmem>>, %arg6: memref<64x64xf32, #tpu.memory_space<vmem>>, %arg7: memref<128x128xf32, #tpu.memory_space<vmem>>, %arg8: memref<128x128xf32, #tpu.memory_space<vmem>>, %arg9: memref<128x64xf32, #tpu.memory_space<vmem>>, %arg10: memref<1x64x1024xf32, #tpu.memory_space<vmem>>, %arg11: memref<1x64x128xf32, #tpu.memory_space<vmem>>) attributes {dimension_semantics = [#tpu.dimension_semantics<arbitrary>], iteration_bounds = array<i64: 8>, scalar_prefetch = 0 : i64, scratch_operands = 0 : i64, tpu.core_type = #tpu.core_type<tc>, window_params = [{transform_indices = @transform_0, window_bounds = array<i64: 8192, 128>}, {transform_indices = @transform_1, window_bounds = array<i64: 1024, 64>}, {pipeline_mode = #tpu.pipeline_mode<synchronous>, transform_indices = @transform_2, window_bounds = array<i64: 128, 128>}, {pipeline_mode = #tpu.pipeline_mode<synchronous>, transform_indices = @transform_3, window_bounds = array<i64: 128, 128>}, {pipeline_mode = #tpu.pipeline_mode<synchronous>, transform_indices = @transform_4, window_bounds = array<i64: 64, 64>}, {pipeline_mode = #tpu.pipeline_mode<synchronous>, transform_indices = @transform_5, window_bounds = array<i64: 64, 64>}, {pipeline_mode = #tpu.pipeline_mode<synchronous>, transform_indices = @transform_6, window_bounds = array<i64: 128, 128>}, {pipeline_mode = #tpu.pipeline_mode<synchronous>, transform_indices = @transform_7, window_bounds = array<i64: 128, 128>}, {pipeline_mode = #tpu.pipeline_mode<synchronous>, transform_indices = @transform_8, window_bounds = array<i64: 128, 64>}, {transform_indices = @transform_9, window_bounds = array<i64: 1, 64, 1024>}, {transform_indices = @transform_10, window_bounds = array<i64: 1, 64, 128>}]} {
    %jit3A = arith.constant 4 : i32
    %eq3A = arith.constant 0 : i32
    %eq3A_0 = arith.cmpi eq, %jit3A, %eq3A : i32
    %jit3A_1 = arith.constant 1 : i32
    %select_n3A = arith.select %eq3A_0, %jit3A_1, %jit3A : i32
    %rem3A = arith.remsi %arg0, %select_n3A : i32
    %ne3A = arith.constant 0 : i32
    %ne3A_2 = arith.cmpi ne, %rem3A, %ne3A : i32
    %lt3A = arith.constant 0 : i32
    %lt3A_3 = arith.cmpi slt, %rem3A, %lt3A : i32
    %lt3A_4 = arith.constant 0 : i32
    %lt3A_5 = arith.cmpi slt, %select_n3A, %lt3A_4 : i32
    %ne3A_6 = arith.xori %lt3A_3, %lt3A_5 : i1
    %and3A = arith.andi %ne3A_6, %ne3A_2 : i1
    %add3A = arith.addi %rem3A, %select_n3A : i32
    %select_n3A_7 = arith.select %and3A, %add3A, %rem3A : i32
    %get3A = arith.constant 0 : index
    %get3A_8 = arith.constant 0 : index
    %get3A_9 = vector.load %arg1[%get3A, %get3A_8] : memref<8192x128xf32, #tpu.memory_space<vmem>>, vector<8192x128xf32>
    %get3A_10 = arith.constant 0 : index
    %get3A_11 = arith.constant 0 : index
    %get3A_12 = vector.load %arg2[%get3A_10, %get3A_11] : memref<1024x64xf32, #tpu.memory_space<vmem>>, vector<1024x64xf32>
    %get3A_13 = arith.constant 0 : index
    %get3A_14 = arith.constant 0 : index
    %get3A_15 = vector.load %arg3[%get3A_13, %get3A_14] : memref<128x128xf32, #tpu.memory_space<vmem>>, vector<128x128xf32>
    %dot_general3A = arith.constant dense<0.000000e+00> : vector<8192x128xf32>
    %dot_general3A_16 = tpu.matmul %get3A_9, %get3A_15, %dot_general3A {dimension_numbers = #tpu.dot_dimension_numbers<[1], [0], [0], [1], [0, 0, 1, 1], [], []>, transpose_lhs_hint = false} : vector<8192x128xf32>, vector<128x128xf32>, vector<8192x128xf32> -> vector<8192x128xf32>
    %get3A_17 = arith.constant 0 : index
    %get3A_18 = arith.constant 0 : index
    %get3A_19 = vector.load %arg4[%get3A_17, %get3A_18] : memref<128x128xf32, #tpu.memory_space<vmem>>, vector<128x128xf32>
    %dot_general3A_20 = arith.constant dense<0.000000e+00> : vector<8192x128xf32>
    %dot_general3A_21 = tpu.matmul %get3A_9, %get3A_19, %dot_general3A_20 {dimension_numbers = #tpu.dot_dimension_numbers<[1], [0], [0], [1], [0, 0, 1, 1], [], []>, transpose_lhs_hint = false} : vector<8192x128xf32>, vector<128x128xf32>, vector<8192x128xf32> -> vector<8192x128xf32>
    %get3A_22 = arith.constant 0 : index
    %get3A_23 = arith.constant 0 : index
    %get3A_24 = vector.load %arg5[%get3A_22, %get3A_23] : memref<64x64xf32, #tpu.memory_space<vmem>>, vector<64x64xf32>
    %dot_general3A_25 = arith.constant dense<0.000000e+00> : vector<1024x64xf32>
    %dot_general3A_26 = tpu.matmul %get3A_12, %get3A_24, %dot_general3A_25 {dimension_numbers = #tpu.dot_dimension_numbers<[1], [0], [0], [1], [0, 0, 1, 1], [], []>, transpose_lhs_hint = false} : vector<1024x64xf32>, vector<64x64xf32>, vector<1024x64xf32> -> vector<1024x64xf32>
    %get3A_27 = arith.constant 0 : index
    %get3A_28 = arith.constant 0 : index
    %get3A_29 = vector.load %arg6[%get3A_27, %get3A_28] : memref<64x64xf32, #tpu.memory_space<vmem>>, vector<64x64xf32>
    %dot_general3A_30 = arith.constant dense<0.000000e+00> : vector<1024x64xf32>
    %dot_general3A_31 = tpu.matmul %get3A_12, %get3A_29, %dot_general3A_30 {dimension_numbers = #tpu.dot_dimension_numbers<[1], [0], [0], [1], [0, 0, 1, 1], [], []>, transpose_lhs_hint = false} : vector<1024x64xf32>, vector<64x64xf32>, vector<1024x64xf32> -> vector<1024x64xf32>
    %concatenate3A = tpu.concatenate %dot_general3A_26, %dot_general3A_26 in 1 : vector<1024x64xf32>, vector<1024x64xf32> -> vector<1024x128xf32>
    %concatenate3A_32 = tpu.concatenate %dot_general3A_31, %dot_general3A_31 in 1 : vector<1024x64xf32>, vector<1024x64xf32> -> vector<1024x128xf32>
    %reshape3A = vector.shape_cast %dot_general3A_16 : vector<8192x128xf32> to vector<1024x8x128xf32>
    %broadcast_in_dim3A = vector.shape_cast %concatenate3A : vector<1024x128xf32> to vector<1024x1x128xf32>
    %add3A_33 = vector.broadcast %broadcast_in_dim3A : vector<1024x1x128xf32> to vector<1024x8x128xf32>
    %add3A_34 = arith.addf %reshape3A, %add3A_33 : vector<1024x8x128xf32>
    %reshape3A_35 = vector.shape_cast %add3A_34 : vector<1024x8x128xf32> to vector<8192x128xf32>
    %reshape3A_36 = vector.shape_cast %dot_general3A_21 : vector<8192x128xf32> to vector<1024x8x128xf32>
    %broadcast_in_dim3A_37 = vector.shape_cast %concatenate3A_32 : vector<1024x128xf32> to vector<1024x1x128xf32>
    %add3A_38 = vector.broadcast %broadcast_in_dim3A_37 : vector<1024x1x128xf32> to vector<1024x8x128xf32>
    %add3A_39 = arith.addf %reshape3A_36, %add3A_38 : vector<1024x8x128xf32>
    %reshape3A_40 = vector.shape_cast %add3A_39 : vector<1024x8x128xf32> to vector<8192x128xf32>
    %mul3A = arith.mulf %reshape3A_35, %reshape3A_40 : vector<8192x128xf32>
    %get3A_41 = arith.constant 0 : index
    %get3A_42 = arith.constant 0 : index
    %get3A_43 = vector.load %arg7[%get3A_41, %get3A_42] : memref<128x128xf32, #tpu.memory_space<vmem>>, vector<128x128xf32>
    %dot_general3A_44 = arith.constant dense<0.000000e+00> : vector<8192x128xf32>
    %dot_general3A_45 = tpu.matmul %mul3A, %get3A_43, %dot_general3A_44 {dimension_numbers = #tpu.dot_dimension_numbers<[1], [0], [0], [1], [0, 0, 1, 1], [], []>, transpose_lhs_hint = false} : vector<8192x128xf32>, vector<128x128xf32>, vector<8192x128xf32> -> vector<8192x128xf32>
    %mul3A_46 = arith.mulf %reshape3A_40, %reshape3A_40 : vector<8192x128xf32>
    %get3A_47 = arith.constant 0 : index
    %get3A_48 = arith.constant 0 : index
    %get3A_49 = vector.load %arg7[%get3A_47, %get3A_48] : memref<128x128xf32, #tpu.memory_space<vmem>>, vector<128x128xf32>
    %dot_general3A_50 = arith.constant dense<0.000000e+00> : vector<8192x128xf32>
    %dot_general3A_51 = tpu.matmul %mul3A_46, %get3A_49, %dot_general3A_50 {dimension_numbers = #tpu.dot_dimension_numbers<[1], [0], [0], [1], [0, 0, 1, 1], [], []>, transpose_lhs_hint = false} : vector<8192x128xf32>, vector<128x128xf32>, vector<8192x128xf32> -> vector<8192x128xf32>
    %min3A = arith.constant 0.000000e+00 : f32
    %min3A_52 = vector.broadcast %min3A : f32 to vector<8192x128xf32>
    %min3A_53 = arith.minimumf %dot_general3A_45, %min3A_52 : vector<8192x128xf32>
    %add3A_54 = arith.constant 9.99999997E-7 : f32
    %add3A_55 = vector.broadcast %add3A_54 : f32 to vector<8192x128xf32>
    %add3A_56 = arith.addf %dot_general3A_51, %add3A_55 : vector<8192x128xf32>
    %div3A = arith.divf %min3A_53, %add3A_56 : vector<8192x128xf32>
    %get3A_57 = arith.constant 0 : index
    %get3A_58 = arith.constant 0 : index
    %get3A_59 = vector.load %arg8[%get3A_57, %get3A_58] : memref<128x128xf32, #tpu.memory_space<vmem>>, vector<128x128xf32>
    %dot_general3A_60 = arith.constant dense<0.000000e+00> : vector<8192x128xf32>
    %dot_general3A_61 = tpu.matmul %div3A, %get3A_59, %dot_general3A_60 {dimension_numbers = #tpu.dot_dimension_numbers<[1], [0], [0], [1], [0, 0, 1, 1], [], []>, transpose_lhs_hint = false} : vector<8192x128xf32>, vector<128x128xf32>, vector<8192x128xf32> -> vector<8192x128xf32>
    %mul3A_62 = arith.constant 0.899999976 : f32
    %mul3A_63 = vector.broadcast %mul3A_62 : f32 to vector<8192x128xf32>
    %mul3A_64 = arith.mulf %mul3A_63, %dot_general3A_61 : vector<8192x128xf32>
    %mul3A_65 = arith.mulf %mul3A_64, %reshape3A_40 : vector<8192x128xf32>
    %sub3A = arith.subf %reshape3A_35, %mul3A_65 : vector<8192x128xf32>
    %reshape3A_66 = vector.shape_cast %sub3A : vector<8192x128xf32> to vector<1024x8x128xf32>
    %reduce_sum3A = arith.constant dense<0.000000e+00> : vector<1024x128xf32>
    %reduce_sum3A_67 = vector.multi_reduction <add>, %reshape3A_66, %reduce_sum3A [1] : vector<1024x8x128xf32> to vector<1024x128xf32>
    %get3A_68 = arith.constant 0 : index
    %get3A_69 = arith.constant 0 : index
    %get3A_70 = vector.load %arg9[%get3A_68, %get3A_69] : memref<128x64xf32, #tpu.memory_space<vmem>>, vector<128x64xf32>
    %dot_general3A_71 = arith.constant dense<0.000000e+00> : vector<64x1024xf32>
    %dot_general3A_72 = tpu.matmul %get3A_70, %reduce_sum3A_67, %dot_general3A_71 {dimension_numbers = #tpu.dot_dimension_numbers<[0], [1], [1], [0], [0, 1, 1, 0], [], []>, transpose_lhs_hint = false} : vector<128x64xf32>, vector<1024x128xf32>, vector<64x1024xf32> -> vector<64x1024xf32>
    %swap3A = arith.constant 0 : index
    %swap3A_73 = arith.constant 0 : index
    %swap3A_74 = arith.constant 0 : index
    %swap3A_75 = vector.load %arg10[%swap3A, %swap3A_73, %swap3A_74] : memref<1x64x1024xf32, #tpu.memory_space<vmem>>, vector<1x64x1024xf32>
    %swap3A_76 = vector.shape_cast %swap3A_75 : vector<1x64x1024xf32> to vector<64x1024xf32>
    %swap3A_77 = vector.shape_cast %dot_general3A_72 : vector<64x1024xf32> to vector<1x64x1024xf32>
    tpu.vector_store %arg10[%swap3A, %swap3A_73, %swap3A_74], %swap3A_77 {strides = array<i32>} : memref<1x64x1024xf32, #tpu.memory_space<vmem>>, vector<1x64x1024xf32>,
    %dot_general3A_78 = arith.constant dense<0.000000e+00> : vector<64x64xf32>
    %dot_general3A_79 = tpu.matmul %dot_general3A_72, %dot_general3A_72, %dot_general3A_78 {dimension_numbers = #tpu.dot_dimension_numbers<[1], [1], [0], [0], [0, 0, 1, 0], [], []>, transpose_lhs_hint = false} : vector<64x1024xf32>, vector<64x1024xf32>, vector<64x64xf32> -> vector<64x64xf32>
    %reduce_sum3A_80 = arith.constant dense<0.000000e+00> : vector<64xf32>
    %reduce_sum3A_81 = vector.multi_reduction <add>, %dot_general3A_72, %reduce_sum3A_80 [1] : vector<64x1024xf32> to vector<64xf32>
    %broadcast_in_dim3A_82 = vector.shape_cast %reduce_sum3A_81 : vector<64xf32> to vector<64x1xf32>
    %broadcast_in_dim3A_83 = arith.constant 0.000000e+00 : f32
    %broadcast_in_dim3A_84 = vector.broadcast %broadcast_in_dim3A_83 : f32 to vector<64x63xf32>
    %concatenate3A_85 = tpu.concatenate %dot_general3A_79, %broadcast_in_dim3A_82, %broadcast_in_dim3A_84 in 1 : vector<64x64xf32>, vector<64x1xf32>, vector<64x63xf32> -> vector<64x128xf32>
    %eq3A_86 = arith.constant 0 : i32
    %eq3A_87 = arith.cmpi eq, %select_n3A_7, %eq3A_86 : i32
    %convert_element_type3A = arith.extui %eq3A_87 : i1 to i32
    %cond3A = arith.constant 0 : i32
    %cond3A_88 = arith.cmpi ne, %convert_element_type3A, %cond3A : i32
    scf.if %cond3A_88 {
      %swap3A_98 = arith.constant 0 : index
      %swap3A_99 = arith.constant 0 : index
      %swap3A_100 = arith.constant 0 : index
      %swap3A_101 = vector.load %arg11[%swap3A_98, %swap3A_99, %swap3A_100] : memref<1x64x128xf32, #tpu.memory_space<vmem>>, vector<1x64x128xf32>
      %swap3A_102 = vector.shape_cast %swap3A_101 : vector<1x64x128xf32> to vector<64x128xf32>
      %swap3A_103 = vector.shape_cast %concatenate3A_85 : vector<64x128xf32> to vector<1x64x128xf32>
      tpu.vector_store %arg11[%swap3A_98, %swap3A_99, %swap3A_100], %swap3A_103 {strides = array<i32>} : memref<1x64x128xf32, #tpu.memory_space<vmem>>, vector<1x64x128xf32>,
    } else {
    }
    %gt3A = arith.constant 0 : i32
    %gt3A_89 = arith.cmpi sgt, %select_n3A_7, %gt3A : i32
    %convert_element_type3A_90 = arith.extui %gt3A_89 : i1 to i32
    %cond3A_91 = arith.constant 0 : i32
    %cond3A_92 = arith.cmpi ne, %convert_element_type3A_90, %cond3A_91 : i32
    scf.if %cond3A_92 {
      %get3A_98 = arith.constant 0 : index
      %get3A_99 = arith.constant 0 : index
      %get3A_100 = arith.constant 0 : index
      %get3A_101 = vector.load %arg11[%get3A_98, %get3A_99, %get3A_100] : memref<1x64x128xf32, #tpu.memory_space<vmem>>, vector<1x64x128xf32>
      %get3A_102 = vector.shape_cast %get3A_101 : vector<1x64x128xf32> to vector<64x128xf32>
      %add3A_103 = arith.addf %get3A_102, %concatenate3A_85 : vector<64x128xf32>
      %swap3A_104 = arith.constant 0 : index
      %swap3A_105 = arith.constant 0 : index
      %swap3A_106 = arith.constant 0 : index
      %swap3A_107 = vector.load %arg11[%swap3A_104, %swap3A_105, %swap3A_106] : memref<1x64x128xf32, #tpu.memory_space<vmem>>, vector<1x64x128xf32>
      %swap3A_108 = vector.shape_cast %swap3A_107 : vector<1x64x128xf32> to vector<64x128xf32>
      %swap3A_109 = vector.shape_cast %add3A_103 : vector<64x128xf32> to vector<1x64x128xf32>
      tpu.vector_store %arg11[%swap3A_104, %swap3A_105, %swap3A_106], %swap3A_109 {strides = array<i32>} : memref<1x64x128xf32, #tpu.memory_space<vmem>>, vector<1x64x128xf32>,
    } else {
    }
    %eq3A_93 = arith.constant 3 : i32
    %eq3A_94 = arith.cmpi eq, %select_n3A_7, %eq3A_93 : i32
    %convert_element_type3A_95 = arith.extui %eq3A_94 : i1 to i32
    %cond3A_96 = arith.constant 0 : i32
    %cond3A_97 = arith.cmpi ne, %convert_element_type3A_95, %cond3A_96 : i32
    scf.if %cond3A_97 {
      %get3A_98 = arith.constant 0 : index
      %get3A_99 = arith.constant 0 : index
      %get3A_100 = arith.constant 0 : index
      %get3A_101 = vector.load %arg11[%get3A_98, %get3A_99, %get3A_100] : memref<1x64x128xf32, #tpu.memory_space<vmem>>, vector<1x64x128xf32>
      %get3A_102 = vector.shape_cast %get3A_101 : vector<1x64x128xf32> to vector<64x128xf32>
      %iota3A = tpu.iota {dimensions = array<i32: 0>} : vector<64x128xi32>
      %iota3A_103 = tpu.iota {dimensions = array<i32: 1>} : vector<64x128xi32>
      %jit3A_104 = arith.constant 3 : i32
      %div3A_105 = vector.broadcast %jit3A_104 : i32 to vector<64x128xi32>
      %div3A_106 = arith.divsi %iota3A, %div3A_105 : vector<64x128xi32>
      %sign3A = arith.constant 0 : i32
      %sign3A_107 = vector.broadcast %sign3A : i32 to vector<64x128xi32>
      %sign3A_108 = arith.cmpi sgt, %iota3A, %sign3A_107 : vector<64x128xi32>
      %sign3A_109 = arith.extui %sign3A_108 : vector<64x128xi1> to vector<64x128xi32>
      %sign3A_110 = arith.constant 0 : i32
      %sign3A_111 = vector.broadcast %sign3A_110 : i32 to vector<64x128xi32>
      %sign3A_112 = arith.cmpi slt, %iota3A, %sign3A_111 : vector<64x128xi32>
      %sign3A_113 = arith.extui %sign3A_112 : vector<64x128xi1> to vector<64x128xi32>
      %sign3A_114 = arith.subi %sign3A_109, %sign3A_113 : vector<64x128xi32>
      %sign3A_115 = arith.constant 0 : i32
      %sign3A_116 = arith.cmpi sgt, %jit3A_104, %sign3A_115 : i32
      %sign3A_117 = arith.extui %sign3A_116 : i1 to i32
      %sign3A_118 = arith.constant 0 : i32
      %sign3A_119 = arith.cmpi slt, %jit3A_104, %sign3A_118 : i32
      %sign3A_120 = arith.extui %sign3A_119 : i1 to i32
      %sign3A_121 = arith.subi %sign3A_117, %sign3A_120 : i32
      %ne3A_122 = vector.broadcast %sign3A_121 : i32 to vector<64x128xi32>
      %ne3A_123 = arith.cmpi ne, %sign3A_114, %ne3A_122 : vector<64x128xi32>
      %rem3A_124 = vector.broadcast %jit3A_104 : i32 to vector<64x128xi32>
      %rem3A_125 = arith.remsi %iota3A, %rem3A_124 : vector<64x128xi32>
      %ne3A_126 = arith.constant 0 : i32
      %ne3A_127 = vector.broadcast %ne3A_126 : i32 to vector<64x128xi32>
      %ne3A_128 = arith.cmpi ne, %rem3A_125, %ne3A_127 : vector<64x128xi32>
      %and3A_129 = arith.andi %ne3A_123, %ne3A_128 : vector<64x128xi1>
      %sub3A_130 = arith.constant 1 : i32
      %sub3A_131 = vector.broadcast %sub3A_130 : i32 to vector<64x128xi32>
      %sub3A_132 = arith.subi %div3A_106, %sub3A_131 : vector<64x128xi32>
      %select_n3A_133 = arith.select %and3A_129, %sub3A_132, %div3A_106 : vector<64x128xi1>, vector<64x128xi32>
      %mul3A_134 = arith.constant 3 : i32
      %mul3A_135 = vector.broadcast %mul3A_134 : i32 to vector<64x128xi32>
      %mul3A_136 = arith.muli %select_n3A_133, %mul3A_135 : vector<64x128xi32>
      %sub3A_137 = arith.subi %iota3A, %mul3A_136 : vector<64x128xi32>
      %eq3A_138 = arith.constant 0 : i32
      %eq3A_139 = vector.broadcast %eq3A_138 : i32 to vector<64x128xi32>
      %eq3A_140 = arith.cmpi eq, %sub3A_137, %eq3A_139 : vector<64x128xi32>
      %lt3A_141 = arith.constant 63 : i32
      %lt3A_142 = vector.broadcast %lt3A_141 : i32 to vector<64x128xi32>
      %lt3A_143 = arith.cmpi slt, %iota3A, %lt3A_142 : vector<64x128xi32>
      %and3A_144 = arith.andi %eq3A_140, %lt3A_143 : vector<64x128xi1>
      %eq3A_145 = arith.constant 64 : i32
      %eq3A_146 = vector.broadcast %eq3A_145 : i32 to vector<64x128xi32>
      %eq3A_147 = arith.cmpi eq, %iota3A_103, %eq3A_146 : vector<64x128xi32>
      %and3A_148 = arith.andi %and3A_144, %eq3A_147 : vector<64x128xi1>
      %jit3A_149 = arith.constant 0.000000e+00 : f32
      %broadcast_in_dim3A_150 = vector.broadcast %jit3A_149 : f32 to vector<64x128xf32>
      %select_n3A_151 = arith.select %and3A_148, %get3A_102, %broadcast_in_dim3A_150 : vector<64x128xi1>, vector<64x128xf32>
      %reduce_sum3A_152 = arith.constant dense<0.000000e+00> : vector<64xf32>
      %reduce_sum3A_153 = vector.multi_reduction <add>, %select_n3A_151, %reduce_sum3A_152 [1] : vector<64x128xf32> to vector<64xf32>
      %broadcast_in_dim3A_154 = vector.shape_cast %reduce_sum3A_153 : vector<64xf32> to vector<64x1xf32>
      %reduce_sum3A_155 = arith.constant dense<0.000000e+00> : vector<1xf32>
      %reduce_sum3A_156 = vector.multi_reduction <add>, %broadcast_in_dim3A_154, %reduce_sum3A_155 [0] : vector<64x1xf32> to vector<1xf32>
      %broadcast_in_dim3A_157 = vector.shape_cast %reduce_sum3A_156 : vector<1xf32> to vector<1x1xf32>
      %eq3A_158 = arith.constant 1 : i32
      %eq3A_159 = vector.broadcast %eq3A_158 : i32 to vector<64x128xi32>
      %eq3A_160 = arith.cmpi eq, %sub3A_137, %eq3A_159 : vector<64x128xi32>
      %lt3A_161 = arith.constant 63 : i32
      %lt3A_162 = vector.broadcast %lt3A_161 : i32 to vector<64x128xi32>
      %lt3A_163 = arith.cmpi slt, %iota3A, %lt3A_162 : vector<64x128xi32>
      %and3A_164 = arith.andi %eq3A_160, %lt3A_163 : vector<64x128xi1>
      %eq3A_165 = arith.constant 64 : i32
      %eq3A_166 = vector.broadcast %eq3A_165 : i32 to vector<64x128xi32>
      %eq3A_167 = arith.cmpi eq, %iota3A_103, %eq3A_166 : vector<64x128xi32>
      %and3A_168 = arith.andi %and3A_164, %eq3A_167 : vector<64x128xi1>
      %jit3A_169 = arith.constant 0.000000e+00 : f32
      %broadcast_in_dim3A_170 = vector.broadcast %jit3A_169 : f32 to vector<64x128xf32>
      %select_n3A_171 = arith.select %and3A_168, %get3A_102, %broadcast_in_dim3A_170 : vector<64x128xi1>, vector<64x128xf32>
      %reduce_sum3A_172 = arith.constant dense<0.000000e+00> : vector<64xf32>
      %reduce_sum3A_173 = vector.multi_reduction <add>, %select_n3A_171, %reduce_sum3A_172 [1] : vector<64x128xf32> to vector<64xf32>
      %broadcast_in_dim3A_174 = vector.shape_cast %reduce_sum3A_173 : vector<64xf32> to vector<64x1xf32>
      %reduce_sum3A_175 = arith.constant dense<0.000000e+00> : vector<1xf32>
      %reduce_sum3A_176 = vector.multi_reduction <add>, %broadcast_in_dim3A_174, %reduce_sum3A_175 [0] : vector<64x1xf32> to vector<1xf32>
      %broadcast_in_dim3A_177 = vector.shape_cast %reduce_sum3A_176 : vector<1xf32> to vector<1x1xf32>
      %eq3A_178 = arith.constant 2 : i32
      %eq3A_179 = vector.broadcast %eq3A_178 : i32 to vector<64x128xi32>
      %eq3A_180 = arith.cmpi eq, %sub3A_137, %eq3A_179 : vector<64x128xi32>
      %lt3A_181 = arith.constant 63 : i32
      %lt3A_182 = vector.broadcast %lt3A_181 : i32 to vector<64x128xi32>
      %lt3A_183 = arith.cmpi slt, %iota3A, %lt3A_182 : vector<64x128xi32>
      %and3A_184 = arith.andi %eq3A_180, %lt3A_183 : vector<64x128xi1>
      %eq3A_185 = arith.constant 64 : i32
      %eq3A_186 = vector.broadcast %eq3A_185 : i32 to vector<64x128xi32>
      %eq3A_187 = arith.cmpi eq, %iota3A_103, %eq3A_186 : vector<64x128xi32>
      %and3A_188 = arith.andi %and3A_184, %eq3A_187 : vector<64x128xi1>
      %jit3A_189 = arith.constant 0.000000e+00 : f32
      %broadcast_in_dim3A_190 = vector.broadcast %jit3A_189 : f32 to vector<64x128xf32>
      %select_n3A_191 = arith.select %and3A_188, %get3A_102, %broadcast_in_dim3A_190 : vector<64x128xi1>, vector<64x128xf32>
      %reduce_sum3A_192 = arith.constant dense<0.000000e+00> : vector<64xf32>
      %reduce_sum3A_193 = vector.multi_reduction <add>, %select_n3A_191, %reduce_sum3A_192 [1] : vector<64x128xf32> to vector<64xf32>
      %broadcast_in_dim3A_194 = vector.shape_cast %reduce_sum3A_193 : vector<64xf32> to vector<64x1xf32>
      %reduce_sum3A_195 = arith.constant dense<0.000000e+00> : vector<1xf32>
      %reduce_sum3A_196 = vector.multi_reduction <add>, %broadcast_in_dim3A_194, %reduce_sum3A_195 [0] : vector<64x1xf32> to vector<1xf32>
      %broadcast_in_dim3A_197 = vector.shape_cast %reduce_sum3A_196 : vector<1xf32> to vector<1x1xf32>
      %div3A_198 = arith.constant 8.601600e+04 : f32
      %div3A_199 = vector.broadcast %div3A_198 : f32 to vector<1x1xf32>
      %div3A_200 = arith.divf %broadcast_in_dim3A_157, %div3A_199 : vector<1x1xf32>
      %div3A_201 = arith.constant 8.601600e+04 : f32
      %div3A_202 = vector.broadcast %div3A_201 : f32 to vector<1x1xf32>
      %div3A_203 = arith.divf %broadcast_in_dim3A_177, %div3A_202 : vector<1x1xf32>
      %div3A_204 = arith.constant 8.601600e+04 : f32
      %div3A_205 = vector.broadcast %div3A_204 : f32 to vector<1x1xf32>
      %div3A_206 = arith.divf %broadcast_in_dim3A_197, %div3A_205 : vector<1x1xf32>
      %eq3A_207 = arith.constant 0 : i32
      %eq3A_208 = vector.broadcast %eq3A_207 : i32 to vector<64x128xi32>
      %eq3A_209 = arith.cmpi eq, %sub3A_137, %eq3A_208 : vector<64x128xi32>
      %lt3A_210 = arith.constant 63 : i32
      %lt3A_211 = vector.broadcast %lt3A_210 : i32 to vector<64x128xi32>
      %lt3A_212 = arith.cmpi slt, %iota3A, %lt3A_211 : vector<64x128xi32>
      %and3A_213 = arith.andi %eq3A_209, %lt3A_212 : vector<64x128xi1>
      %sub3A_214 = arith.constant 0 : i32
      %sub3A_215 = vector.broadcast %sub3A_214 : i32 to vector<64x128xi32>
      %sub3A_216 = arith.subi %iota3A, %sub3A_215 : vector<64x128xi32>
      %add3A_217 = arith.constant 0 : i32
      %add3A_218 = vector.broadcast %add3A_217 : i32 to vector<64x128xi32>
      %add3A_219 = arith.addi %sub3A_216, %add3A_218 : vector<64x128xi32>
      %eq3A_220 = arith.cmpi eq, %iota3A_103, %add3A_219 : vector<64x128xi32>
      %and3A_221 = arith.andi %and3A_213, %eq3A_220 : vector<64x128xi1>
      %jit3A_222 = arith.constant 0.000000e+00 : f32
      %broadcast_in_dim3A_223 = vector.broadcast %jit3A_222 : f32 to vector<64x128xf32>
      %select_n3A_224 = arith.select %and3A_221, %get3A_102, %broadcast_in_dim3A_223 : vector<64x128xi1>, vector<64x128xf32>
      %reduce_sum3A_225 = arith.constant dense<0.000000e+00> : vector<64xf32>
      %reduce_sum3A_226 = vector.multi_reduction <add>, %select_n3A_224, %reduce_sum3A_225 [1] : vector<64x128xf32> to vector<64xf32>
      %broadcast_in_dim3A_227 = vector.shape_cast %reduce_sum3A_226 : vector<64xf32> to vector<64x1xf32>
      %reduce_sum3A_228 = arith.constant dense<0.000000e+00> : vector<1xf32>
      %reduce_sum3A_229 = vector.multi_reduction <add>, %broadcast_in_dim3A_227, %reduce_sum3A_228 [0] : vector<64x1xf32> to vector<1xf32>
      %broadcast_in_dim3A_230 = vector.shape_cast %reduce_sum3A_229 : vector<1xf32> to vector<1x1xf32>
      %mul3A_231 = arith.constant 8.601600e+04 : f32
      %mul3A_232 = vector.broadcast %mul3A_231 : f32 to vector<1x1xf32>
      %mul3A_233 = arith.mulf %mul3A_232, %div3A_200 : vector<1x1xf32>
      %mul3A_234 = arith.mulf %mul3A_233, %div3A_200 : vector<1x1xf32>
      %sub3A_235 = arith.subf %broadcast_in_dim3A_230, %mul3A_234 : vector<1x1xf32>
      %div3A_236 = arith.constant 8.601600e+04 : f32
      %div3A_237 = vector.broadcast %div3A_236 : f32 to vector<1x1xf32>
      %div3A_238 = arith.divf %sub3A_235, %div3A_237 : vector<1x1xf32>
      %add3A_239 = arith.constant 9.99999974E-6 : f32
      %add3A_240 = vector.broadcast %add3A_239 : f32 to vector<1x1xf32>
      %add3A_241 = arith.addf %div3A_238, %add3A_240 : vector<1x1xf32>
      %eq3A_242 = arith.constant 0 : i32
      %eq3A_243 = vector.broadcast %eq3A_242 : i32 to vector<64x128xi32>
      %eq3A_244 = arith.cmpi eq, %sub3A_137, %eq3A_243 : vector<64x128xi32>
      %lt3A_245 = arith.constant 63 : i32
      %lt3A_246 = vector.broadcast %lt3A_245 : i32 to vector<64x128xi32>
      %lt3A_247 = arith.cmpi slt, %iota3A, %lt3A_246 : vector<64x128xi32>
      %and3A_248 = arith.andi %eq3A_244, %lt3A_247 : vector<64x128xi1>
      %sub3A_249 = arith.constant 0 : i32
      %sub3A_250 = vector.broadcast %sub3A_249 : i32 to vector<64x128xi32>
      %sub3A_251 = arith.subi %iota3A, %sub3A_250 : vector<64x128xi32>
      %add3A_252 = arith.constant 1 : i32
      %add3A_253 = vector.broadcast %add3A_252 : i32 to vector<64x128xi32>
      %add3A_254 = arith.addi %sub3A_251, %add3A_253 : vector<64x128xi32>
      %eq3A_255 = arith.cmpi eq, %iota3A_103, %add3A_254 : vector<64x128xi32>
      %and3A_256 = arith.andi %and3A_248, %eq3A_255 : vector<64x128xi1>
      %jit3A_257 = arith.constant 0.000000e+00 : f32
      %broadcast_in_dim3A_258 = vector.broadcast %jit3A_257 : f32 to vector<64x128xf32>
      %select_n3A_259 = arith.select %and3A_256, %get3A_102, %broadcast_in_dim3A_258 : vector<64x128xi1>, vector<64x128xf32>
      %reduce_sum3A_260 = arith.constant dense<0.000000e+00> : vector<64xf32>
      %reduce_sum3A_261 = vector.multi_reduction <add>, %select_n3A_259, %reduce_sum3A_260 [1] : vector<64x128xf32> to vector<64xf32>
      %broadcast_in_dim3A_262 = vector.shape_cast %reduce_sum3A_261 : vector<64xf32> to vector<64x1xf32>
      %reduce_sum3A_263 = arith.constant dense<0.000000e+00> : vector<1xf32>
      %reduce_sum3A_264 = vector.multi_reduction <add>, %broadcast_in_dim3A_262, %reduce_sum3A_263 [0] : vector<64x1xf32> to vector<1xf32>
      %broadcast_in_dim3A_265 = vector.shape_cast %reduce_sum3A_264 : vector<1xf32> to vector<1x1xf32>
      %mul3A_266 = arith.constant 8.601600e+04 : f32
      %mul3A_267 = vector.broadcast %mul3A_266 : f32 to vector<1x1xf32>
      %mul3A_268 = arith.mulf %mul3A_267, %div3A_200 : vector<1x1xf32>
      %mul3A_269 = arith.mulf %mul3A_268, %div3A_203 : vector<1x1xf32>
      %sub3A_270 = arith.subf %broadcast_in_dim3A_265, %mul3A_269 : vector<1x1xf32>
      %div3A_271 = arith.constant 8.601600e+04 : f32
      %div3A_272 = vector.broadcast %div3A_271 : f32 to vector<1x1xf32>
      %div3A_273 = arith.divf %sub3A_270, %div3A_272 : vector<1x1xf32>
      %eq3A_274 = arith.constant 1 : i32
      %eq3A_275 = vector.broadcast %eq3A_274 : i32 to vector<64x128xi32>
      %eq3A_276 = arith.cmpi eq, %sub3A_137, %eq3A_275 : vector<64x128xi32>
      %lt3A_277 = arith.constant 63 : i32
      %lt3A_278 = vector.broadcast %lt3A_277 : i32 to vector<64x128xi32>
      %lt3A_279 = arith.cmpi slt, %iota3A, %lt3A_278 : vector<64x128xi32>
      %and3A_280 = arith.andi %eq3A_276, %lt3A_279 : vector<64x128xi1>
      %sub3A_281 = arith.constant 1 : i32
      %sub3A_282 = vector.broadcast %sub3A_281 : i32 to vector<64x128xi32>
      %sub3A_283 = arith.subi %iota3A, %sub3A_282 : vector<64x128xi32>
      %add3A_284 = arith.constant 1 : i32
      %add3A_285 = vector.broadcast %add3A_284 : i32 to vector<64x128xi32>
      %add3A_286 = arith.addi %sub3A_283, %add3A_285 : vector<64x128xi32>
      %eq3A_287 = arith.cmpi eq, %iota3A_103, %add3A_286 : vector<64x128xi32>
      %and3A_288 = arith.andi %and3A_280, %eq3A_287 : vector<64x128xi1>
      %jit3A_289 = arith.constant 0.000000e+00 : f32
      %broadcast_in_dim3A_290 = vector.broadcast %jit3A_289 : f32 to vector<64x128xf32>
      %select_n3A_291 = arith.select %and3A_288, %get3A_102, %broadcast_in_dim3A_290 : vector<64x128xi1>, vector<64x128xf32>
      %reduce_sum3A_292 = arith.constant dense<0.000000e+00> : vector<64xf32>
      %reduce_sum3A_293 = vector.multi_reduction <add>, %select_n3A_291, %reduce_sum3A_292 [1] : vector<64x128xf32> to vector<64xf32>
      %broadcast_in_dim3A_294 = vector.shape_cast %reduce_sum3A_293 : vector<64xf32> to vector<64x1xf32>
      %reduce_sum3A_295 = arith.constant dense<0.000000e+00> : vector<1xf32>
      %reduce_sum3A_296 = vector.multi_reduction <add>, %broadcast_in_dim3A_294, %reduce_sum3A_295 [0] : vector<64x1xf32> to vector<1xf32>
      %broadcast_in_dim3A_297 = vector.shape_cast %reduce_sum3A_296 : vector<1xf32> to vector<1x1xf32>
      %mul3A_298 = arith.constant 8.601600e+04 : f32
      %mul3A_299 = vector.broadcast %mul3A_298 : f32 to vector<1x1xf32>
      %mul3A_300 = arith.mulf %mul3A_299, %div3A_203 : vector<1x1xf32>
      %mul3A_301 = arith.mulf %mul3A_300, %div3A_203 : vector<1x1xf32>
      %sub3A_302 = arith.subf %broadcast_in_dim3A_297, %mul3A_301 : vector<1x1xf32>
      %div3A_303 = arith.constant 8.601600e+04 : f32
      %div3A_304 = vector.broadcast %div3A_303 : f32 to vector<1x1xf32>
      %div3A_305 = arith.divf %sub3A_302, %div3A_304 : vector<1x1xf32>
      %add3A_306 = arith.constant 9.99999974E-6 : f32
      %add3A_307 = vector.broadcast %add3A_306 : f32 to vector<1x1xf32>
      %add3A_308 = arith.addf %div3A_305, %add3A_307 : vector<1x1xf32>
      %eq3A_309 = arith.constant 2 : i32
      %eq3A_310 = vector.broadcast %eq3A_309 : i32 to vector<64x128xi32>
      %eq3A_311 = arith.cmpi eq, %sub3A_137, %eq3A_310 : vector<64x128xi32>
      %lt3A_312 = arith.constant 63 : i32
      %lt3A_313 = vector.broadcast %lt3A_312 : i32 to vector<64x128xi32>
      %lt3A_314 = arith.cmpi slt, %iota3A, %lt3A_313 : vector<64x128xi32>
      %and3A_315 = arith.andi %eq3A_311, %lt3A_314 : vector<64x128xi1>
      %sub3A_316 = arith.constant 2 : i32
      %sub3A_317 = vector.broadcast %sub3A_316 : i32 to vector<64x128xi32>
      %sub3A_318 = arith.subi %iota3A, %sub3A_317 : vector<64x128xi32>
      %add3A_319 = arith.constant 0 : i32
      %add3A_320 = vector.broadcast %add3A_319 : i32 to vector<64x128xi32>
      %add3A_321 = arith.addi %sub3A_318, %add3A_320 : vector<64x128xi32>
      %eq3A_322 = arith.cmpi eq, %iota3A_103, %add3A_321 : vector<64x128xi32>
      %and3A_323 = arith.andi %and3A_315, %eq3A_322 : vector<64x128xi1>
      %jit3A_324 = arith.constant 0.000000e+00 : f32
      %broadcast_in_dim3A_325 = vector.broadcast %jit3A_324 : f32 to vector<64x128xf32>
      %select_n3A_326 = arith.select %and3A_323, %get3A_102, %broadcast_in_dim3A_325 : vector<64x128xi1>, vector<64x128xf32>
      %reduce_sum3A_327 = arith.constant dense<0.000000e+00> : vector<64xf32>
      %reduce_sum3A_328 = vector.multi_reduction <add>, %select_n3A_326, %reduce_sum3A_327 [1] : vector<64x128xf32> to vector<64xf32>
      %broadcast_in_dim3A_329 = vector.shape_cast %reduce_sum3A_328 : vector<64xf32> to vector<64x1xf32>
      %reduce_sum3A_330 = arith.constant dense<0.000000e+00> : vector<1xf32>
      %reduce_sum3A_331 = vector.multi_reduction <add>, %broadcast_in_dim3A_329, %reduce_sum3A_330 [0] : vector<64x1xf32> to vector<1xf32>
      %broadcast_in_dim3A_332 = vector.shape_cast %reduce_sum3A_331 : vector<1xf32> to vector<1x1xf32>
      %mul3A_333 = arith.constant 8.601600e+04 : f32
      %mul3A_334 = vector.broadcast %mul3A_333 : f32 to vector<1x1xf32>
      %mul3A_335 = arith.mulf %mul3A_334, %div3A_206 : vector<1x1xf32>
      %mul3A_336 = arith.mulf %mul3A_335, %div3A_200 : vector<1x1xf32>
      %sub3A_337 = arith.subf %broadcast_in_dim3A_332, %mul3A_336 : vector<1x1xf32>
      %div3A_338 = arith.constant 8.601600e+04 : f32
      %div3A_339 = vector.broadcast %div3A_338 : f32 to vector<1x1xf32>
      %div3A_340 = arith.divf %sub3A_337, %div3A_339 : vector<1x1xf32>
      %eq3A_341 = arith.constant 2 : i32
      %eq3A_342 = vector.broadcast %eq3A_341 : i32 to vector<64x128xi32>
      %eq3A_343 = arith.cmpi eq, %sub3A_137, %eq3A_342 : vector<64x128xi32>
      %lt3A_344 = arith.constant 63 : i32
      %lt3A_345 = vector.broadcast %lt3A_344 : i32 to vector<64x128xi32>
      %lt3A_346 = arith.cmpi slt, %iota3A, %lt3A_345 : vector<64x128xi32>
      %and3A_347 = arith.andi %eq3A_343, %lt3A_346 : vector<64x128xi1>
      %sub3A_348 = arith.constant 2 : i32
      %sub3A_349 = vector.broadcast %sub3A_348 : i32 to vector<64x128xi32>
      %sub3A_350 = arith.subi %iota3A, %sub3A_349 : vector<64x128xi32>
      %add3A_351 = arith.constant 1 : i32
      %add3A_352 = vector.broadcast %add3A_351 : i32 to vector<64x128xi32>
      %add3A_353 = arith.addi %sub3A_350, %add3A_352 : vector<64x128xi32>
      %eq3A_354 = arith.cmpi eq, %iota3A_103, %add3A_353 : vector<64x128xi32>
      %and3A_355 = arith.andi %and3A_347, %eq3A_354 : vector<64x128xi1>
      %jit3A_356 = arith.constant 0.000000e+00 : f32
      %broadcast_in_dim3A_357 = vector.broadcast %jit3A_356 : f32 to vector<64x128xf32>
      %select_n3A_358 = arith.select %and3A_355, %get3A_102, %broadcast_in_dim3A_357 : vector<64x128xi1>, vector<64x128xf32>
      %reduce_sum3A_359 = arith.constant dense<0.000000e+00> : vector<64xf32>
      %reduce_sum3A_360 = vector.multi_reduction <add>, %select_n3A_358, %reduce_sum3A_359 [1] : vector<64x128xf32> to vector<64xf32>
      %broadcast_in_dim3A_361 = vector.shape_cast %reduce_sum3A_360 : vector<64xf32> to vector<64x1xf32>
      %reduce_sum3A_362 = arith.constant dense<0.000000e+00> : vector<1xf32>
      %reduce_sum3A_363 = vector.multi_reduction <add>, %broadcast_in_dim3A_361, %reduce_sum3A_362 [0] : vector<64x1xf32> to vector<1xf32>
      %broadcast_in_dim3A_364 = vector.shape_cast %reduce_sum3A_363 : vector<1xf32> to vector<1x1xf32>
      %mul3A_365 = arith.constant 8.601600e+04 : f32
      %mul3A_366 = vector.broadcast %mul3A_365 : f32 to vector<1x1xf32>
      %mul3A_367 = arith.mulf %mul3A_366, %div3A_206 : vector<1x1xf32>
      %mul3A_368 = arith.mulf %mul3A_367, %div3A_203 : vector<1x1xf32>
      %sub3A_369 = arith.subf %broadcast_in_dim3A_364, %mul3A_368 : vector<1x1xf32>
      %div3A_370 = arith.constant 8.601600e+04 : f32
      %div3A_371 = vector.broadcast %div3A_370 : f32 to vector<1x1xf32>
      %div3A_372 = arith.divf %sub3A_369, %div3A_371 : vector<1x1xf32>
      %eq3A_373 = arith.constant 2 : i32
      %eq3A_374 = vector.broadcast %eq3A_373 : i32 to vector<64x128xi32>
      %eq3A_375 = arith.cmpi eq, %sub3A_137, %eq3A_374 : vector<64x128xi32>
      %lt3A_376 = arith.constant 63 : i32
      %lt3A_377 = vector.broadcast %lt3A_376 : i32 to vector<64x128xi32>
      %lt3A_378 = arith.cmpi slt, %iota3A, %lt3A_377 : vector<64x128xi32>
      %and3A_379 = arith.andi %eq3A_375, %lt3A_378 : vector<64x128xi1>
      %sub3A_380 = arith.constant 2 : i32
      %sub3A_381 = vector.broadcast %sub3A_380 : i32 to vector<64x128xi32>
      %sub3A_382 = arith.subi %iota3A, %sub3A_381 : vector<64x128xi32>
      %add3A_383 = arith.constant 2 : i32
      %add3A_384 = vector.broadcast %add3A_383 : i32 to vector<64x128xi32>
      %add3A_385 = arith.addi %sub3A_382, %add3A_384 : vector<64x128xi32>
      %eq3A_386 = arith.cmpi eq, %iota3A_103, %add3A_385 : vector<64x128xi32>
      %and3A_387 = arith.andi %and3A_379, %eq3A_386 : vector<64x128xi1>
      %jit3A_388 = arith.constant 0.000000e+00 : f32
      %broadcast_in_dim3A_389 = vector.broadcast %jit3A_388 : f32 to vector<64x128xf32>
      %select_n3A_390 = arith.select %and3A_387, %get3A_102, %broadcast_in_dim3A_389 : vector<64x128xi1>, vector<64x128xf32>
      %reduce_sum3A_391 = arith.constant dense<0.000000e+00> : vector<64xf32>
      %reduce_sum3A_392 = vector.multi_reduction <add>, %select_n3A_390, %reduce_sum3A_391 [1] : vector<64x128xf32> to vector<64xf32>
      %broadcast_in_dim3A_393 = vector.shape_cast %reduce_sum3A_392 : vector<64xf32> to vector<64x1xf32>
      %reduce_sum3A_394 = arith.constant dense<0.000000e+00> : vector<1xf32>
      %reduce_sum3A_395 = vector.multi_reduction <add>, %broadcast_in_dim3A_393, %reduce_sum3A_394 [0] : vector<64x1xf32> to vector<1xf32>
      %broadcast_in_dim3A_396 = vector.shape_cast %reduce_sum3A_395 : vector<1xf32> to vector<1x1xf32>
      %mul3A_397 = arith.constant 8.601600e+04 : f32
      %mul3A_398 = vector.broadcast %mul3A_397 : f32 to vector<1x1xf32>
      %mul3A_399 = arith.mulf %mul3A_398, %div3A_206 : vector<1x1xf32>
      %mul3A_400 = arith.mulf %mul3A_399, %div3A_206 : vector<1x1xf32>
      %sub3A_401 = arith.subf %broadcast_in_dim3A_396, %mul3A_400 : vector<1x1xf32>
      %div3A_402 = arith.constant 8.601600e+04 : f32
      %div3A_403 = vector.broadcast %div3A_402 : f32 to vector<1x1xf32>
      %div3A_404 = arith.divf %sub3A_401, %div3A_403 : vector<1x1xf32>
      %add3A_405 = arith.constant 9.99999974E-6 : f32
      %add3A_406 = vector.broadcast %add3A_405 : f32 to vector<1x1xf32>
      %add3A_407 = arith.addf %div3A_404, %add3A_406 : vector<1x1xf32>
      %broadcast_in_dim3A_408 = arith.constant 1.000000e+00 : f32
      %broadcast_in_dim3A_409 = vector.broadcast %broadcast_in_dim3A_408 : f32 to vector<1x1xf32>
      %broadcast_in_dim3A_410 = arith.constant 0.000000e+00 : f32
      %broadcast_in_dim3A_411 = vector.broadcast %broadcast_in_dim3A_410 : f32 to vector<1x1xf32>
      %scan3A = arith.constant 0 : i32
      %scan3A_412 = arith.constant 7 : i32
      %scan3A_413 = arith.addi %scan3A, %scan3A_412 : i32
      %scan3A_414 = arith.constant 1 : i32
      %scan3A_415:15 = scf.for %scan3A_696 = %scan3A to %scan3A_413 step %scan3A_414 iter_args(%scan3A_697 = %add3A_241, %scan3A_698 = %div3A_273, %scan3A_699 = %add3A_308, %scan3A_700 = %div3A_340, %scan3A_701 = %div3A_372, %scan3A_702 = %add3A_407, %scan3A_703 = %broadcast_in_dim3A_409, %scan3A_704 = %broadcast_in_dim3A_411, %scan3A_705 = %broadcast_in_dim3A_411, %scan3A_706 = %broadcast_in_dim3A_411, %scan3A_707 = %broadcast_in_dim3A_409, %scan3A_708 = %broadcast_in_dim3A_411, %scan3A_709 = %broadcast_in_dim3A_411, %scan3A_710 = %broadcast_in_dim3A_411, %scan3A_711 = %broadcast_in_dim3A_409) -> (vector<1x1xf32>, vector<1x1xf32>, vector<1x1xf32>, vector<1x1xf32>, vector<1x1xf32>, vector<1x1xf32>, vector<1x1xf32>, vector<1x1xf32>, vector<1x1xf32>, vector<1x1xf32>, vector<1x1xf32>, vector<1x1xf32>, vector<1x1xf32>, vector<1x1xf32>, vector<1x1xf32>)  : i32 {
        %abs3A = math.absf %scan3A_698 : vector<1x1xf32>
        %lt3A_712 = arith.constant 9.99999991E-38 : f32
        %lt3A_713 = vector.broadcast %lt3A_712 : f32 to vector<1x1xf32>
        %lt3A_714 = arith.cmpf olt, %abs3A, %lt3A_713 : vector<1x1xf32>
        %jit3A_715 = arith.constant 1.000000e+00 : f32
        %broadcast_in_dim3A_716 = vector.broadcast %jit3A_715 : f32 to vector<1x1xf32>
        %select_n3A_717 = arith.select %lt3A_714, %broadcast_in_dim3A_716, %scan3A_698 : vector<1x1xi1>, vector<1x1xf32>
        %sub3A_718 = arith.subf %scan3A_699, %scan3A_697 : vector<1x1xf32>
        %mul3A_719 = arith.constant 2.000000e+00 : f32
        %mul3A_720 = vector.broadcast %mul3A_719 : f32 to vector<1x1xf32>
        %mul3A_721 = arith.mulf %mul3A_720, %select_n3A_717 : vector<1x1xf32>
        %div3A_722 = arith.divf %sub3A_718, %mul3A_721 : vector<1x1xf32>
        %ge3A = arith.constant 0.000000e+00 : f32
        %ge3A_723 = vector.broadcast %ge3A : f32 to vector<1x1xf32>
        %ge3A_724 = arith.cmpf oge, %div3A_722, %ge3A_723 : vector<1x1xf32>
        %jit3A_725 = arith.constant 1.000000e+00 : f32
        %jit3A_726 = arith.constant -1.000000e+00 : f32
        %broadcast_in_dim3A_727 = vector.broadcast %jit3A_725 : f32 to vector<1x1xf32>
        %broadcast_in_dim3A_728 = vector.broadcast %jit3A_726 : f32 to vector<1x1xf32>
        %select_n3A_729 = arith.select %ge3A_724, %broadcast_in_dim3A_727, %broadcast_in_dim3A_728 : vector<1x1xi1>, vector<1x1xf32>
        %abs3A_730 = math.absf %div3A_722 : vector<1x1xf32>
        %mul3A_731 = arith.mulf %div3A_722, %div3A_722 : vector<1x1xf32>
        %add3A_732 = arith.constant 1.000000e+00 : f32
        %add3A_733 = vector.broadcast %add3A_732 : f32 to vector<1x1xf32>
        %add3A_734 = arith.addf %mul3A_731, %add3A_733 : vector<1x1xf32>
        %sqrt3A_735 = math.sqrt %add3A_734 : vector<1x1xf32>
        %add3A_736 = arith.addf %abs3A_730, %sqrt3A_735 : vector<1x1xf32>
        %div3A_737 = arith.divf %select_n3A_729, %add3A_736 : vector<1x1xf32>
        %jit3A_738 = arith.constant 0.000000e+00 : f32
        %broadcast_in_dim3A_739 = vector.broadcast %jit3A_738 : f32 to vector<1x1xf32>
        %select_n3A_740 = arith.select %lt3A_714, %broadcast_in_dim3A_739, %div3A_737 : vector<1x1xi1>, vector<1x1xf32>
        %mul3A_741 = arith.mulf %select_n3A_740, %select_n3A_740 : vector<1x1xf32>
        %add3A_742 = arith.constant 1.000000e+00 : f32
        %add3A_743 = vector.broadcast %add3A_742 : f32 to vector<1x1xf32>
        %add3A_744 = arith.addf %mul3A_741, %add3A_743 : vector<1x1xf32>
        %sqrt3A_745 = math.sqrt %add3A_744 : vector<1x1xf32>
        %div3A_746 = arith.constant 1.000000e+00 : f32
        %div3A_747 = vector.broadcast %div3A_746 : f32 to vector<1x1xf32>
        %div3A_748 = arith.divf %div3A_747, %sqrt3A_745 : vector<1x1xf32>
        %mul3A_749 = arith.mulf %select_n3A_740, %div3A_748 : vector<1x1xf32>
        %mul3A_750 = arith.mulf %select_n3A_740, %scan3A_698 : vector<1x1xf32>
        %sub3A_751 = arith.subf %scan3A_697, %mul3A_750 : vector<1x1xf32>
        %mul3A_752 = arith.mulf %select_n3A_740, %scan3A_698 : vector<1x1xf32>
        %add3A_753 = arith.addf %scan3A_699, %mul3A_752 : vector<1x1xf32>
        %broadcast_in_dim3A_754 = arith.constant 0.000000e+00 : f32
        %broadcast_in_dim3A_755 = vector.broadcast %broadcast_in_dim3A_754 : f32 to vector<1x1xf32>
        %mul3A_756 = arith.mulf %div3A_748, %scan3A_700 : vector<1x1xf32>
        %mul3A_757 = arith.mulf %mul3A_749, %scan3A_701 : vector<1x1xf32>
        %sub3A_758 = arith.subf %mul3A_756, %mul3A_757 : vector<1x1xf32>
        %mul3A_759 = arith.mulf %mul3A_749, %scan3A_700 : vector<1x1xf32>
        %mul3A_760 = arith.mulf %div3A_748, %scan3A_701 : vector<1x1xf32>
        %add3A_761 = arith.addf %mul3A_759, %mul3A_760 : vector<1x1xf32>
        %mul3A_762 = arith.mulf %div3A_748, %scan3A_703 : vector<1x1xf32>
        %mul3A_763 = arith.mulf %mul3A_749, %scan3A_704 : vector<1x1xf32>
        %sub3A_764 = arith.subf %mul3A_762, %mul3A_763 : vector<1x1xf32>
        %mul3A_765 = arith.mulf %mul3A_749, %scan3A_703 : vector<1x1xf32>
        %mul3A_766 = arith.mulf %div3A_748, %scan3A_704 : vector<1x1xf32>
        %add3A_767 = arith.addf %mul3A_765, %mul3A_766 : vector<1x1xf32>
        %mul3A_768 = arith.mulf %div3A_748, %scan3A_706 : vector<1x1xf32>
        %mul3A_769 = arith.mulf %mul3A_749, %scan3A_707 : vector<1x1xf32>
        %sub3A_770 = arith.subf %mul3A_768, %mul3A_769 : vector<1x1xf32>
        %mul3A_771 = arith.mulf %mul3A_749, %scan3A_706 : vector<1x1xf32>
        %mul3A_772 = arith.mulf %div3A_748, %scan3A_707 : vector<1x1xf32>
        %add3A_773 = arith.addf %mul3A_771, %mul3A_772 : vector<1x1xf32>
        %mul3A_774 = arith.mulf %div3A_748, %scan3A_709 : vector<1x1xf32>
        %mul3A_775 = arith.mulf %mul3A_749, %scan3A_710 : vector<1x1xf32>
        %sub3A_776 = arith.subf %mul3A_774, %mul3A_775 : vector<1x1xf32>
        %mul3A_777 = arith.mulf %mul3A_749, %scan3A_709 : vector<1x1xf32>
        %mul3A_778 = arith.mulf %div3A_748, %scan3A_710 : vector<1x1xf32>
        %add3A_779 = arith.addf %mul3A_777, %mul3A_778 : vector<1x1xf32>
        %abs3A_780 = math.absf %sub3A_758 : vector<1x1xf32>
        %lt3A_781 = arith.constant 9.99999991E-38 : f32
        %lt3A_782 = vector.broadcast %lt3A_781 : f32 to vector<1x1xf32>
        %lt3A_783 = arith.cmpf olt, %abs3A_780, %lt3A_782 : vector<1x1xf32>
        %jit3A_784 = arith.constant 1.000000e+00 : f32
        %broadcast_in_dim3A_785 = vector.broadcast %jit3A_784 : f32 to vector<1x1xf32>
        %select_n3A_786 = arith.select %lt3A_783, %broadcast_in_dim3A_785, %sub3A_758 : vector<1x1xi1>, vector<1x1xf32>
        %sub3A_787 = arith.subf %scan3A_702, %sub3A_751 : vector<1x1xf32>
        %mul3A_788 = arith.constant 2.000000e+00 : f32
        %mul3A_789 = vector.broadcast %mul3A_788 : f32 to vector<1x1xf32>
        %mul3A_790 = arith.mulf %mul3A_789, %select_n3A_786 : vector<1x1xf32>
        %div3A_791 = arith.divf %sub3A_787, %mul3A_790 : vector<1x1xf32>
        %ge3A_792 = arith.constant 0.000000e+00 : f32
        %ge3A_793 = vector.broadcast %ge3A_792 : f32 to vector<1x1xf32>
        %ge3A_794 = arith.cmpf oge, %div3A_791, %ge3A_793 : vector<1x1xf32>
        %jit3A_795 = arith.constant 1.000000e+00 : f32
        %jit3A_796 = arith.constant -1.000000e+00 : f32
        %broadcast_in_dim3A_797 = vector.broadcast %jit3A_795 : f32 to vector<1x1xf32>
        %broadcast_in_dim3A_798 = vector.broadcast %jit3A_796 : f32 to vector<1x1xf32>
        %select_n3A_799 = arith.select %ge3A_794, %broadcast_in_dim3A_797, %broadcast_in_dim3A_798 : vector<1x1xi1>, vector<1x1xf32>
        %abs3A_800 = math.absf %div3A_791 : vector<1x1xf32>
        %mul3A_801 = arith.mulf %div3A_791, %div3A_791 : vector<1x1xf32>
        %add3A_802 = arith.constant 1.000000e+00 : f32
        %add3A_803 = vector.broadcast %add3A_802 : f32 to vector<1x1xf32>
        %add3A_804 = arith.addf %mul3A_801, %add3A_803 : vector<1x1xf32>
        %sqrt3A_805 = math.sqrt %add3A_804 : vector<1x1xf32>
        %add3A_806 = arith.addf %abs3A_800, %sqrt3A_805 : vector<1x1xf32>
        %div3A_807 = arith.divf %select_n3A_799, %add3A_806 : vector<1x1xf32>
        %jit3A_808 = arith.constant 0.000000e+00 : f32
        %broadcast_in_dim3A_809 = vector.broadcast %jit3A_808 : f32 to vector<1x1xf32>
        %select_n3A_810 = arith.select %lt3A_783, %broadcast_in_dim3A_809, %div3A_807 : vector<1x1xi1>, vector<1x1xf32>
        %mul3A_811 = arith.mulf %select_n3A_810, %select_n3A_810 : vector<1x1xf32>
        %add3A_812 = arith.constant 1.000000e+00 : f32
        %add3A_813 = vector.broadcast %add3A_812 : f32 to vector<1x1xf32>
        %add3A_814 = arith.addf %mul3A_811, %add3A_813 : vector<1x1xf32>
        %sqrt3A_815 = math.sqrt %add3A_814 : vector<1x1xf32>
        %div3A_816 = arith.constant 1.000000e+00 : f32
        %div3A_817 = vector.broadcast %div3A_816 : f32 to vector<1x1xf32>
        %div3A_818 = arith.divf %div3A_817, %sqrt3A_815 : vector<1x1xf32>
        %mul3A_819 = arith.mulf %select_n3A_810, %div3A_818 : vector<1x1xf32>
        %mul3A_820 = arith.mulf %select_n3A_810, %sub3A_758 : vector<1x1xf32>
        %sub3A_821 = arith.subf %sub3A_751, %mul3A_820 : vector<1x1xf32>
        %mul3A_822 = arith.mulf %select_n3A_810, %sub3A_758 : vector<1x1xf32>
        %add3A_823 = arith.addf %scan3A_702, %mul3A_822 : vector<1x1xf32>
        %broadcast_in_dim3A_824 = arith.constant 0.000000e+00 : f32
        %broadcast_in_dim3A_825 = vector.broadcast %broadcast_in_dim3A_824 : f32 to vector<1x1xf32>
        %mul3A_826 = arith.mulf %div3A_818, %broadcast_in_dim3A_755 : vector<1x1xf32>
        %mul3A_827 = arith.mulf %mul3A_819, %add3A_761 : vector<1x1xf32>
        %sub3A_828 = arith.subf %mul3A_826, %mul3A_827 : vector<1x1xf32>
        %mul3A_829 = arith.mulf %mul3A_819, %broadcast_in_dim3A_755 : vector<1x1xf32>
        %mul3A_830 = arith.mulf %div3A_818, %add3A_761 : vector<1x1xf32>
        %add3A_831 = arith.addf %mul3A_829, %mul3A_830 : vector<1x1xf32>
        %mul3A_832 = arith.mulf %div3A_818, %sub3A_764 : vector<1x1xf32>
        %mul3A_833 = arith.mulf %mul3A_819, %scan3A_705 : vector<1x1xf32>
        %sub3A_834 = arith.subf %mul3A_832, %mul3A_833 : vector<1x1xf32>
        %mul3A_835 = arith.mulf %mul3A_819, %sub3A_764 : vector<1x1xf32>
        %mul3A_836 = arith.mulf %div3A_818, %scan3A_705 : vector<1x1xf32>
        %add3A_837 = arith.addf %mul3A_835, %mul3A_836 : vector<1x1xf32>
        %mul3A_838 = arith.mulf %div3A_818, %sub3A_770 : vector<1x1xf32>
        %mul3A_839 = arith.mulf %mul3A_819, %scan3A_708 : vector<1x1xf32>
        %sub3A_840 = arith.subf %mul3A_838, %mul3A_839 : vector<1x1xf32>
        %mul3A_841 = arith.mulf %mul3A_819, %sub3A_770 : vector<1x1xf32>
        %mul3A_842 = arith.mulf %div3A_818, %scan3A_708 : vector<1x1xf32>
        %add3A_843 = arith.addf %mul3A_841, %mul3A_842 : vector<1x1xf32>
        %mul3A_844 = arith.mulf %div3A_818, %sub3A_776 : vector<1x1xf32>
        %mul3A_845 = arith.mulf %mul3A_819, %scan3A_711 : vector<1x1xf32>
        %sub3A_846 = arith.subf %mul3A_844, %mul3A_845 : vector<1x1xf32>
        %mul3A_847 = arith.mulf %mul3A_819, %sub3A_776 : vector<1x1xf32>
        %mul3A_848 = arith.mulf %div3A_818, %scan3A_711 : vector<1x1xf32>
        %add3A_849 = arith.addf %mul3A_847, %mul3A_848 : vector<1x1xf32>
        %abs3A_850 = math.absf %add3A_831 : vector<1x1xf32>
        %lt3A_851 = arith.constant 9.99999991E-38 : f32
        %lt3A_852 = vector.broadcast %lt3A_851 : f32 to vector<1x1xf32>
        %lt3A_853 = arith.cmpf olt, %abs3A_850, %lt3A_852 : vector<1x1xf32>
        %jit3A_854 = arith.constant 1.000000e+00 : f32
        %broadcast_in_dim3A_855 = vector.broadcast %jit3A_854 : f32 to vector<1x1xf32>
        %select_n3A_856 = arith.select %lt3A_853, %broadcast_in_dim3A_855, %add3A_831 : vector<1x1xi1>, vector<1x1xf32>
        %sub3A_857 = arith.subf %add3A_823, %add3A_753 : vector<1x1xf32>
        %mul3A_858 = arith.constant 2.000000e+00 : f32
        %mul3A_859 = vector.broadcast %mul3A_858 : f32 to vector<1x1xf32>
        %mul3A_860 = arith.mulf %mul3A_859, %select_n3A_856 : vector<1x1xf32>
        %div3A_861 = arith.divf %sub3A_857, %mul3A_860 : vector<1x1xf32>
        %ge3A_862 = arith.constant 0.000000e+00 : f32
        %ge3A_863 = vector.broadcast %ge3A_862 : f32 to vector<1x1xf32>
        %ge3A_864 = arith.cmpf oge, %div3A_861, %ge3A_863 : vector<1x1xf32>
        %jit3A_865 = arith.constant 1.000000e+00 : f32
        %jit3A_866 = arith.constant -1.000000e+00 : f32
        %broadcast_in_dim3A_867 = vector.broadcast %jit3A_865 : f32 to vector<1x1xf32>
        %broadcast_in_dim3A_868 = vector.broadcast %jit3A_866 : f32 to vector<1x1xf32>
        %select_n3A_869 = arith.select %ge3A_864, %broadcast_in_dim3A_867, %broadcast_in_dim3A_868 : vector<1x1xi1>, vector<1x1xf32>
        %abs3A_870 = math.absf %div3A_861 : vector<1x1xf32>
        %mul3A_871 = arith.mulf %div3A_861, %div3A_861 : vector<1x1xf32>
        %add3A_872 = arith.constant 1.000000e+00 : f32
        %add3A_873 = vector.broadcast %add3A_872 : f32 to vector<1x1xf32>
        %add3A_874 = arith.addf %mul3A_871, %add3A_873 : vector<1x1xf32>
        %sqrt3A_875 = math.sqrt %add3A_874 : vector<1x1xf32>
        %add3A_876 = arith.addf %abs3A_870, %sqrt3A_875 : vector<1x1xf32>
        %div3A_877 = arith.divf %select_n3A_869, %add3A_876 : vector<1x1xf32>
        %jit3A_878 = arith.constant 0.000000e+00 : f32
        %broadcast_in_dim3A_879 = vector.broadcast %jit3A_878 : f32 to vector<1x1xf32>
        %select_n3A_880 = arith.select %lt3A_853, %broadcast_in_dim3A_879, %div3A_877 : vector<1x1xi1>, vector<1x1xf32>
        %mul3A_881 = arith.mulf %select_n3A_880, %select_n3A_880 : vector<1x1xf32>
        %add3A_882 = arith.constant 1.000000e+00 : f32
        %add3A_883 = vector.broadcast %add3A_882 : f32 to vector<1x1xf32>
        %add3A_884 = arith.addf %mul3A_881, %add3A_883 : vector<1x1xf32>
        %sqrt3A_885 = math.sqrt %add3A_884 : vector<1x1xf32>
        %div3A_886 = arith.constant 1.000000e+00 : f32
        %div3A_887 = vector.broadcast %div3A_886 : f32 to vector<1x1xf32>
        %div3A_888 = arith.divf %div3A_887, %sqrt3A_885 : vector<1x1xf32>
        %mul3A_889 = arith.mulf %select_n3A_880, %div3A_888 : vector<1x1xf32>
        %mul3A_890 = arith.mulf %select_n3A_880, %add3A_831 : vector<1x1xf32>
        %sub3A_891 = arith.subf %add3A_753, %mul3A_890 : vector<1x1xf32>
        %mul3A_892 = arith.mulf %select_n3A_880, %add3A_831 : vector<1x1xf32>
        %add3A_893 = arith.addf %add3A_823, %mul3A_892 : vector<1x1xf32>
        %broadcast_in_dim3A_894 = arith.constant 0.000000e+00 : f32
        %broadcast_in_dim3A_895 = vector.broadcast %broadcast_in_dim3A_894 : f32 to vector<1x1xf32>
        %mul3A_896 = arith.mulf %div3A_888, %sub3A_828 : vector<1x1xf32>
        %mul3A_897 = arith.mulf %mul3A_889, %broadcast_in_dim3A_825 : vector<1x1xf32>
        %sub3A_898 = arith.subf %mul3A_896, %mul3A_897 : vector<1x1xf32>
        %mul3A_899 = arith.mulf %mul3A_889, %sub3A_828 : vector<1x1xf32>
        %mul3A_900 = arith.mulf %div3A_888, %broadcast_in_dim3A_825 : vector<1x1xf32>
        %add3A_901 = arith.addf %mul3A_899, %mul3A_900 : vector<1x1xf32>
        %mul3A_902 = arith.mulf %div3A_888, %add3A_767 : vector<1x1xf32>
        %mul3A_903 = arith.mulf %mul3A_889, %add3A_837 : vector<1x1xf32>
        %sub3A_904 = arith.subf %mul3A_902, %mul3A_903 : vector<1x1xf32>
        %mul3A_905 = arith.mulf %mul3A_889, %add3A_767 : vector<1x1xf32>
        %mul3A_906 = arith.mulf %div3A_888, %add3A_837 : vector<1x1xf32>
        %add3A_907 = arith.addf %mul3A_905, %mul3A_906 : vector<1x1xf32>
        %mul3A_908 = arith.mulf %div3A_888, %add3A_773 : vector<1x1xf32>
        %mul3A_909 = arith.mulf %mul3A_889, %add3A_843 : vector<1x1xf32>
        %sub3A_910 = arith.subf %mul3A_908, %mul3A_909 : vector<1x1xf32>
        %mul3A_911 = arith.mulf %mul3A_889, %add3A_773 : vector<1x1xf32>
        %mul3A_912 = arith.mulf %div3A_888, %add3A_843 : vector<1x1xf32>
        %add3A_913 = arith.addf %mul3A_911, %mul3A_912 : vector<1x1xf32>
        %mul3A_914 = arith.mulf %div3A_888, %add3A_779 : vector<1x1xf32>
        %mul3A_915 = arith.mulf %mul3A_889, %add3A_849 : vector<1x1xf32>
        %sub3A_916 = arith.subf %mul3A_914, %mul3A_915 : vector<1x1xf32>
        %mul3A_917 = arith.mulf %mul3A_889, %add3A_779 : vector<1x1xf32>
        %mul3A_918 = arith.mulf %div3A_888, %add3A_849 : vector<1x1xf32>
        %add3A_919 = arith.addf %mul3A_917, %mul3A_918 : vector<1x1xf32>
        scf.yield %sub3A_821, %sub3A_898, %sub3A_891, %add3A_901, %broadcast_in_dim3A_895, %add3A_893, %sub3A_834, %sub3A_904, %add3A_907, %sub3A_840, %sub3A_910, %add3A_913, %sub3A_846, %sub3A_916, %add3A_919 : vector<1x1xf32>, vector<1x1xf32>, vector<1x1xf32>, vector<1x1xf32>, vector<1x1xf32>, vector<1x1xf32>, vector<1x1xf32>, vector<1x1xf32>, vector<1x1xf32>, vector<1x1xf32>, vector<1x1xf32>, vector<1x1xf32>, vector<1x1xf32>, vector<1x1xf32>, vector<1x1xf32>
      }
      %max3A = arith.constant 9.99999974E-6 : f32
      %max3A_416 = vector.broadcast %max3A : f32 to vector<1x1xf32>
      %max3A_417 = arith.maximumf %scan3A_415#0, %max3A_416 : vector<1x1xf32>
      %max3A_418 = arith.constant 9.99999974E-6 : f32
      %max3A_419 = vector.broadcast %max3A_418 : f32 to vector<1x1xf32>
      %max3A_420 = arith.maximumf %scan3A_415#2, %max3A_419 : vector<1x1xf32>
      %max3A_421 = arith.constant 9.99999974E-6 : f32
      %max3A_422 = vector.broadcast %max3A_421 : f32 to vector<1x1xf32>
      %max3A_423 = arith.maximumf %scan3A_415#5, %max3A_422 : vector<1x1xf32>
      %sqrt3A = math.sqrt %max3A_417 : vector<1x1xf32>
      %div3A_424 = arith.constant 1.000000e+00 : f32
      %div3A_425 = vector.broadcast %div3A_424 : f32 to vector<1x1xf32>
      %div3A_426 = arith.divf %div3A_425, %sqrt3A : vector<1x1xf32>
      %sqrt3A_427 = math.sqrt %max3A_420 : vector<1x1xf32>
      %div3A_428 = arith.constant 1.000000e+00 : f32
      %div3A_429 = vector.broadcast %div3A_428 : f32 to vector<1x1xf32>
      %div3A_430 = arith.divf %div3A_429, %sqrt3A_427 : vector<1x1xf32>
      %sqrt3A_431 = math.sqrt %max3A_423 : vector<1x1xf32>
      %div3A_432 = arith.constant 1.000000e+00 : f32
      %div3A_433 = vector.broadcast %div3A_432 : f32 to vector<1x1xf32>
      %div3A_434 = arith.divf %div3A_433, %sqrt3A_431 : vector<1x1xf32>
      %mul3A_435 = arith.mulf %scan3A_415#6, %div3A_426 : vector<1x1xf32>
      %mul3A_436 = arith.mulf %mul3A_435, %scan3A_415#6 : vector<1x1xf32>
      %mul3A_437 = arith.mulf %scan3A_415#7, %div3A_430 : vector<1x1xf32>
      %mul3A_438 = arith.mulf %mul3A_437, %scan3A_415#7 : vector<1x1xf32>
      %add3A_439 = arith.addf %mul3A_436, %mul3A_438 : vector<1x1xf32>
      %mul3A_440 = arith.mulf %scan3A_415#8, %div3A_434 : vector<1x1xf32>
      %mul3A_441 = arith.mulf %mul3A_440, %scan3A_415#8 : vector<1x1xf32>
      %add3A_442 = arith.addf %add3A_439, %mul3A_441 : vector<1x1xf32>
      %mul3A_443 = arith.mulf %scan3A_415#6, %div3A_426 : vector<1x1xf32>
      %mul3A_444 = arith.mulf %mul3A_443, %scan3A_415#9 : vector<1x1xf32>
      %mul3A_445 = arith.mulf %scan3A_415#7, %div3A_430 : vector<1x1xf32>
      %mul3A_446 = arith.mulf %mul3A_445, %scan3A_415#10 : vector<1x1xf32>
      %add3A_447 = arith.addf %mul3A_444, %mul3A_446 : vector<1x1xf32>
      %mul3A_448 = arith.mulf %scan3A_415#8, %div3A_434 : vector<1x1xf32>
      %mul3A_449 = arith.mulf %mul3A_448, %scan3A_415#11 : vector<1x1xf32>
      %add3A_450 = arith.addf %add3A_447, %mul3A_449 : vector<1x1xf32>
      %mul3A_451 = arith.mulf %scan3A_415#6, %div3A_426 : vector<1x1xf32>
      %mul3A_452 = arith.mulf %mul3A_451, %scan3A_415#12 : vector<1x1xf32>
      %mul3A_453 = arith.mulf %scan3A_415#7, %div3A_430 : vector<1x1xf32>
      %mul3A_454 = arith.mulf %mul3A_453, %scan3A_415#13 : vector<1x1xf32>
      %add3A_455 = arith.addf %mul3A_452, %mul3A_454 : vector<1x1xf32>
      %mul3A_456 = arith.mulf %scan3A_415#8, %div3A_434 : vector<1x1xf32>
      %mul3A_457 = arith.mulf %mul3A_456, %scan3A_415#14 : vector<1x1xf32>
      %add3A_458 = arith.addf %add3A_455, %mul3A_457 : vector<1x1xf32>
      %mul3A_459 = arith.mulf %scan3A_415#9, %div3A_426 : vector<1x1xf32>
      %mul3A_460 = arith.mulf %mul3A_459, %scan3A_415#6 : vector<1x1xf32>
      %mul3A_461 = arith.mulf %scan3A_415#10, %div3A_430 : vector<1x1xf32>
      %mul3A_462 = arith.mulf %mul3A_461, %scan3A_415#7 : vector<1x1xf32>
      %add3A_463 = arith.addf %mul3A_460, %mul3A_462 : vector<1x1xf32>
      %mul3A_464 = arith.mulf %scan3A_415#11, %div3A_434 : vector<1x1xf32>
      %mul3A_465 = arith.mulf %mul3A_464, %scan3A_415#8 : vector<1x1xf32>
      %add3A_466 = arith.addf %add3A_463, %mul3A_465 : vector<1x1xf32>
      %mul3A_467 = arith.mulf %scan3A_415#9, %div3A_426 : vector<1x1xf32>
      %mul3A_468 = arith.mulf %mul3A_467, %scan3A_415#9 : vector<1x1xf32>
      %mul3A_469 = arith.mulf %scan3A_415#10, %div3A_430 : vector<1x1xf32>
      %mul3A_470 = arith.mulf %mul3A_469, %scan3A_415#10 : vector<1x1xf32>
      %add3A_471 = arith.addf %mul3A_468, %mul3A_470 : vector<1x1xf32>
      %mul3A_472 = arith.mulf %scan3A_415#11, %div3A_434 : vector<1x1xf32>
      %mul3A_473 = arith.mulf %mul3A_472, %scan3A_415#11 : vector<1x1xf32>
      %add3A_474 = arith.addf %add3A_471, %mul3A_473 : vector<1x1xf32>
      %mul3A_475 = arith.mulf %scan3A_415#9, %div3A_426 : vector<1x1xf32>
      %mul3A_476 = arith.mulf %mul3A_475, %scan3A_415#12 : vector<1x1xf32>
      %mul3A_477 = arith.mulf %scan3A_415#10, %div3A_430 : vector<1x1xf32>
      %mul3A_478 = arith.mulf %mul3A_477, %scan3A_415#13 : vector<1x1xf32>
      %add3A_479 = arith.addf %mul3A_476, %mul3A_478 : vector<1x1xf32>
      %mul3A_480 = arith.mulf %scan3A_415#11, %div3A_434 : vector<1x1xf32>
      %mul3A_481 = arith.mulf %mul3A_480, %scan3A_415#14 : vector<1x1xf32>
      %add3A_482 = arith.addf %add3A_479, %mul3A_481 : vector<1x1xf32>
      %mul3A_483 = arith.mulf %scan3A_415#12, %div3A_426 : vector<1x1xf32>
      %mul3A_484 = arith.mulf %mul3A_483, %scan3A_415#6 : vector<1x1xf32>
      %mul3A_485 = arith.mulf %scan3A_415#13, %div3A_430 : vector<1x1xf32>
      %mul3A_486 = arith.mulf %mul3A_485, %scan3A_415#7 : vector<1x1xf32>
      %add3A_487 = arith.addf %mul3A_484, %mul3A_486 : vector<1x1xf32>
      %mul3A_488 = arith.mulf %scan3A_415#14, %div3A_434 : vector<1x1xf32>
      %mul3A_489 = arith.mulf %mul3A_488, %scan3A_415#8 : vector<1x1xf32>
      %add3A_490 = arith.addf %add3A_487, %mul3A_489 : vector<1x1xf32>
      %mul3A_491 = arith.mulf %scan3A_415#12, %div3A_426 : vector<1x1xf32>
      %mul3A_492 = arith.mulf %mul3A_491, %scan3A_415#9 : vector<1x1xf32>
      %mul3A_493 = arith.mulf %scan3A_415#13, %div3A_430 : vector<1x1xf32>
      %mul3A_494 = arith.mulf %mul3A_493, %scan3A_415#10 : vector<1x1xf32>
      %add3A_495 = arith.addf %mul3A_492, %mul3A_494 : vector<1x1xf32>
      %mul3A_496 = arith.mulf %scan3A_415#14, %div3A_434 : vector<1x1xf32>
      %mul3A_497 = arith.mulf %mul3A_496, %scan3A_415#11 : vector<1x1xf32>
      %add3A_498 = arith.addf %add3A_495, %mul3A_497 : vector<1x1xf32>
      %mul3A_499 = arith.mulf %scan3A_415#12, %div3A_426 : vector<1x1xf32>
      %mul3A_500 = arith.mulf %mul3A_499, %scan3A_415#12 : vector<1x1xf32>
      %mul3A_501 = arith.mulf %scan3A_415#13, %div3A_430 : vector<1x1xf32>
      %mul3A_502 = arith.mulf %mul3A_501, %scan3A_415#13 : vector<1x1xf32>
      %add3A_503 = arith.addf %mul3A_500, %mul3A_502 : vector<1x1xf32>
      %mul3A_504 = arith.mulf %scan3A_415#14, %div3A_434 : vector<1x1xf32>
      %mul3A_505 = arith.mulf %mul3A_504, %scan3A_415#14 : vector<1x1xf32>
      %add3A_506 = arith.addf %add3A_503, %mul3A_505 : vector<1x1xf32>
      %broadcast_in_dim3A_507 = arith.constant 0.000000e+00 : f32
      %broadcast_in_dim3A_508 = vector.broadcast %broadcast_in_dim3A_507 : f32 to vector<64x128xf32>
      %eq3A_509 = arith.constant 0 : i32
      %eq3A_510 = vector.broadcast %eq3A_509 : i32 to vector<64x128xi32>
      %eq3A_511 = arith.cmpi eq, %iota3A, %eq3A_510 : vector<64x128xi32>
      %eq3A_512 = arith.constant 120 : i32
      %eq3A_513 = vector.broadcast %eq3A_512 : i32 to vector<64x128xi32>
      %eq3A_514 = arith.cmpi eq, %iota3A_103, %eq3A_513 : vector<64x128xi32>
      %and3A_515 = arith.andi %eq3A_511, %eq3A_514 : vector<64x128xi1>
      %jit3A_516 = arith.constant 1.000000e+00 : f32
      %jit3A_517 = arith.constant 0.000000e+00 : f32
      %broadcast_in_dim3A_518 = vector.broadcast %jit3A_516 : f32 to vector<64x128xf32>
      %broadcast_in_dim3A_519 = vector.broadcast %jit3A_517 : f32 to vector<64x128xf32>
      %select_n3A_520 = arith.select %and3A_515, %broadcast_in_dim3A_518, %broadcast_in_dim3A_519 : vector<64x128xi1>, vector<64x128xf32>
      %mul3A_521 = vector.broadcast %add3A_442 : vector<1x1xf32> to vector<64x128xf32>
      %mul3A_522 = arith.mulf %mul3A_521, %select_n3A_520 : vector<64x128xf32>
      %add3A_523 = arith.addf %broadcast_in_dim3A_508, %mul3A_522 : vector<64x128xf32>
      %eq3A_524 = arith.constant 0 : i32
      %eq3A_525 = vector.broadcast %eq3A_524 : i32 to vector<64x128xi32>
      %eq3A_526 = arith.cmpi eq, %iota3A, %eq3A_525 : vector<64x128xi32>
      %eq3A_527 = arith.constant 121 : i32
      %eq3A_528 = vector.broadcast %eq3A_527 : i32 to vector<64x128xi32>
      %eq3A_529 = arith.cmpi eq, %iota3A_103, %eq3A_528 : vector<64x128xi32>
      %and3A_530 = arith.andi %eq3A_526, %eq3A_529 : vector<64x128xi1>
      %jit3A_531 = arith.constant 1.000000e+00 : f32
      %jit3A_532 = arith.constant 0.000000e+00 : f32
      %broadcast_in_dim3A_533 = vector.broadcast %jit3A_531 : f32 to vector<64x128xf32>
      %broadcast_in_dim3A_534 = vector.broadcast %jit3A_532 : f32 to vector<64x128xf32>
      %select_n3A_535 = arith.select %and3A_530, %broadcast_in_dim3A_533, %broadcast_in_dim3A_534 : vector<64x128xi1>, vector<64x128xf32>
      %mul3A_536 = vector.broadcast %add3A_450 : vector<1x1xf32> to vector<64x128xf32>
      %mul3A_537 = arith.mulf %mul3A_536, %select_n3A_535 : vector<64x128xf32>
      %add3A_538 = arith.addf %add3A_523, %mul3A_537 : vector<64x128xf32>
      %eq3A_539 = arith.constant 0 : i32
      %eq3A_540 = vector.broadcast %eq3A_539 : i32 to vector<64x128xi32>
      %eq3A_541 = arith.cmpi eq, %iota3A, %eq3A_540 : vector<64x128xi32>
      %eq3A_542 = arith.constant 122 : i32
      %eq3A_543 = vector.broadcast %eq3A_542 : i32 to vector<64x128xi32>
      %eq3A_544 = arith.cmpi eq, %iota3A_103, %eq3A_543 : vector<64x128xi32>
      %and3A_545 = arith.andi %eq3A_541, %eq3A_544 : vector<64x128xi1>
      %jit3A_546 = arith.constant 1.000000e+00 : f32
      %jit3A_547 = arith.constant 0.000000e+00 : f32
      %broadcast_in_dim3A_548 = vector.broadcast %jit3A_546 : f32 to vector<64x128xf32>
      %broadcast_in_dim3A_549 = vector.broadcast %jit3A_547 : f32 to vector<64x128xf32>
      %select_n3A_550 = arith.select %and3A_545, %broadcast_in_dim3A_548, %broadcast_in_dim3A_549 : vector<64x128xi1>, vector<64x128xf32>
      %mul3A_551 = vector.broadcast %add3A_458 : vector<1x1xf32> to vector<64x128xf32>
      %mul3A_552 = arith.mulf %mul3A_551, %select_n3A_550 : vector<64x128xf32>
      %add3A_553 = arith.addf %add3A_538, %mul3A_552 : vector<64x128xf32>
      %eq3A_554 = arith.constant 1 : i32
      %eq3A_555 = vector.broadcast %eq3A_554 : i32 to vector<64x128xi32>
      %eq3A_556 = arith.cmpi eq, %iota3A, %eq3A_555 : vector<64x128xi32>
      %eq3A_557 = arith.constant 120 : i32
      %eq3A_558 = vector.broadcast %eq3A_557 : i32 to vector<64x128xi32>
      %eq3A_559 = arith.cmpi eq, %iota3A_103, %eq3A_558 : vector<64x128xi32>
      %and3A_560 = arith.andi %eq3A_556, %eq3A_559 : vector<64x128xi1>
      %jit3A_561 = arith.constant 1.000000e+00 : f32
      %jit3A_562 = arith.constant 0.000000e+00 : f32
      %broadcast_in_dim3A_563 = vector.broadcast %jit3A_561 : f32 to vector<64x128xf32>
      %broadcast_in_dim3A_564 = vector.broadcast %jit3A_562 : f32 to vector<64x128xf32>
      %select_n3A_565 = arith.select %and3A_560, %broadcast_in_dim3A_563, %broadcast_in_dim3A_564 : vector<64x128xi1>, vector<64x128xf32>
      %mul3A_566 = vector.broadcast %add3A_466 : vector<1x1xf32> to vector<64x128xf32>
      %mul3A_567 = arith.mulf %mul3A_566, %select_n3A_565 : vector<64x128xf32>
      %add3A_568 = arith.addf %add3A_553, %mul3A_567 : vector<64x128xf32>
      %eq3A_569 = arith.constant 1 : i32
      %eq3A_570 = vector.broadcast %eq3A_569 : i32 to vector<64x128xi32>
      %eq3A_571 = arith.cmpi eq, %iota3A, %eq3A_570 : vector<64x128xi32>
      %eq3A_572 = arith.constant 121 : i32
      %eq3A_573 = vector.broadcast %eq3A_572 : i32 to vector<64x128xi32>
      %eq3A_574 = arith.cmpi eq, %iota3A_103, %eq3A_573 : vector<64x128xi32>
      %and3A_575 = arith.andi %eq3A_571, %eq3A_574 : vector<64x128xi1>
      %jit3A_576 = arith.constant 1.000000e+00 : f32
      %jit3A_577 = arith.constant 0.000000e+00 : f32
      %broadcast_in_dim3A_578 = vector.broadcast %jit3A_576 : f32 to vector<64x128xf32>
      %broadcast_in_dim3A_579 = vector.broadcast %jit3A_577 : f32 to vector<64x128xf32>
      %select_n3A_580 = arith.select %and3A_575, %broadcast_in_dim3A_578, %broadcast_in_dim3A_579 : vector<64x128xi1>, vector<64x128xf32>
      %mul3A_581 = vector.broadcast %add3A_474 : vector<1x1xf32> to vector<64x128xf32>
      %mul3A_582 = arith.mulf %mul3A_581, %select_n3A_580 : vector<64x128xf32>
      %add3A_583 = arith.addf %add3A_568, %mul3A_582 : vector<64x128xf32>
      %eq3A_584 = arith.constant 1 : i32
      %eq3A_585 = vector.broadcast %eq3A_584 : i32 to vector<64x128xi32>
      %eq3A_586 = arith.cmpi eq, %iota3A, %eq3A_585 : vector<64x128xi32>
      %eq3A_587 = arith.constant 122 : i32
      %eq3A_588 = vector.broadcast %eq3A_587 : i32 to vector<64x128xi32>
      %eq3A_589 = arith.cmpi eq, %iota3A_103, %eq3A_588 : vector<64x128xi32>
      %and3A_590 = arith.andi %eq3A_586, %eq3A_589 : vector<64x128xi1>
      %jit3A_591 = arith.constant 1.000000e+00 : f32
      %jit3A_592 = arith.constant 0.000000e+00 : f32
      %broadcast_in_dim3A_593 = vector.broadcast %jit3A_591 : f32 to vector<64x128xf32>
      %broadcast_in_dim3A_594 = vector.broadcast %jit3A_592 : f32 to vector<64x128xf32>
      %select_n3A_595 = arith.select %and3A_590, %broadcast_in_dim3A_593, %broadcast_in_dim3A_594 : vector<64x128xi1>, vector<64x128xf32>
      %mul3A_596 = vector.broadcast %add3A_482 : vector<1x1xf32> to vector<64x128xf32>
      %mul3A_597 = arith.mulf %mul3A_596, %select_n3A_595 : vector<64x128xf32>
      %add3A_598 = arith.addf %add3A_583, %mul3A_597 : vector<64x128xf32>
      %eq3A_599 = arith.constant 2 : i32
      %eq3A_600 = vector.broadcast %eq3A_599 : i32 to vector<64x128xi32>
      %eq3A_601 = arith.cmpi eq, %iota3A, %eq3A_600 : vector<64x128xi32>
      %eq3A_602 = arith.constant 120 : i32
      %eq3A_603 = vector.broadcast %eq3A_602 : i32 to vector<64x128xi32>
      %eq3A_604 = arith.cmpi eq, %iota3A_103, %eq3A_603 : vector<64x128xi32>
      %and3A_605 = arith.andi %eq3A_601, %eq3A_604 : vector<64x128xi1>
      %jit3A_606 = arith.constant 1.000000e+00 : f32
      %jit3A_607 = arith.constant 0.000000e+00 : f32
      %broadcast_in_dim3A_608 = vector.broadcast %jit3A_606 : f32 to vector<64x128xf32>
      %broadcast_in_dim3A_609 = vector.broadcast %jit3A_607 : f32 to vector<64x128xf32>
      %select_n3A_610 = arith.select %and3A_605, %broadcast_in_dim3A_608, %broadcast_in_dim3A_609 : vector<64x128xi1>, vector<64x128xf32>
      %mul3A_611 = vector.broadcast %add3A_490 : vector<1x1xf32> to vector<64x128xf32>
      %mul3A_612 = arith.mulf %mul3A_611, %select_n3A_610 : vector<64x128xf32>
      %add3A_613 = arith.addf %add3A_598, %mul3A_612 : vector<64x128xf32>
      %eq3A_614 = arith.constant 2 : i32
      %eq3A_615 = vector.broadcast %eq3A_614 : i32 to vector<64x128xi32>
      %eq3A_616 = arith.cmpi eq, %iota3A, %eq3A_615 : vector<64x128xi32>
      %eq3A_617 = arith.constant 121 : i32
      %eq3A_618 = vector.broadcast %eq3A_617 : i32 to vector<64x128xi32>
      %eq3A_619 = arith.cmpi eq, %iota3A_103, %eq3A_618 : vector<64x128xi32>
      %and3A_620 = arith.andi %eq3A_616, %eq3A_619 : vector<64x128xi1>
      %jit3A_621 = arith.constant 1.000000e+00 : f32
      %jit3A_622 = arith.constant 0.000000e+00 : f32
      %broadcast_in_dim3A_623 = vector.broadcast %jit3A_621 : f32 to vector<64x128xf32>
      %broadcast_in_dim3A_624 = vector.broadcast %jit3A_622 : f32 to vector<64x128xf32>
      %select_n3A_625 = arith.select %and3A_620, %broadcast_in_dim3A_623, %broadcast_in_dim3A_624 : vector<64x128xi1>, vector<64x128xf32>
      %mul3A_626 = vector.broadcast %add3A_498 : vector<1x1xf32> to vector<64x128xf32>
      %mul3A_627 = arith.mulf %mul3A_626, %select_n3A_625 : vector<64x128xf32>
      %add3A_628 = arith.addf %add3A_613, %mul3A_627 : vector<64x128xf32>
      %eq3A_629 = arith.constant 2 : i32
      %eq3A_630 = vector.broadcast %eq3A_629 : i32 to vector<64x128xi32>
      %eq3A_631 = arith.cmpi eq, %iota3A, %eq3A_630 : vector<64x128xi32>
      %eq3A_632 = arith.constant 122 : i32
      %eq3A_633 = vector.broadcast %eq3A_632 : i32 to vector<64x128xi32>
      %eq3A_634 = arith.cmpi eq, %iota3A_103, %eq3A_633 : vector<64x128xi32>
      %and3A_635 = arith.andi %eq3A_631, %eq3A_634 : vector<64x128xi1>
      %jit3A_636 = arith.constant 1.000000e+00 : f32
      %jit3A_637 = arith.constant 0.000000e+00 : f32
      %broadcast_in_dim3A_638 = vector.broadcast %jit3A_636 : f32 to vector<64x128xf32>
      %broadcast_in_dim3A_639 = vector.broadcast %jit3A_637 : f32 to vector<64x128xf32>
      %select_n3A_640 = arith.select %and3A_635, %broadcast_in_dim3A_638, %broadcast_in_dim3A_639 : vector<64x128xi1>, vector<64x128xf32>
      %mul3A_641 = vector.broadcast %add3A_506 : vector<1x1xf32> to vector<64x128xf32>
      %mul3A_642 = arith.mulf %mul3A_641, %select_n3A_640 : vector<64x128xf32>
      %add3A_643 = arith.addf %add3A_628, %mul3A_642 : vector<64x128xf32>
      %eq3A_644 = arith.constant 3 : i32
      %eq3A_645 = vector.broadcast %eq3A_644 : i32 to vector<64x128xi32>
      %eq3A_646 = arith.cmpi eq, %iota3A, %eq3A_645 : vector<64x128xi32>
      %eq3A_647 = arith.constant 120 : i32
      %eq3A_648 = vector.broadcast %eq3A_647 : i32 to vector<64x128xi32>
      %eq3A_649 = arith.cmpi eq, %iota3A_103, %eq3A_648 : vector<64x128xi32>
      %and3A_650 = arith.andi %eq3A_646, %eq3A_649 : vector<64x128xi1>
      %jit3A_651 = arith.constant 1.000000e+00 : f32
      %jit3A_652 = arith.constant 0.000000e+00 : f32
      %broadcast_in_dim3A_653 = vector.broadcast %jit3A_651 : f32 to vector<64x128xf32>
      %broadcast_in_dim3A_654 = vector.broadcast %jit3A_652 : f32 to vector<64x128xf32>
      %select_n3A_655 = arith.select %and3A_650, %broadcast_in_dim3A_653, %broadcast_in_dim3A_654 : vector<64x128xi1>, vector<64x128xf32>
      %mul3A_656 = vector.broadcast %div3A_200 : vector<1x1xf32> to vector<64x128xf32>
      %mul3A_657 = arith.mulf %mul3A_656, %select_n3A_655 : vector<64x128xf32>
      %add3A_658 = arith.addf %add3A_643, %mul3A_657 : vector<64x128xf32>
      %eq3A_659 = arith.constant 3 : i32
      %eq3A_660 = vector.broadcast %eq3A_659 : i32 to vector<64x128xi32>
      %eq3A_661 = arith.cmpi eq, %iota3A, %eq3A_660 : vector<64x128xi32>
      %eq3A_662 = arith.constant 121 : i32
      %eq3A_663 = vector.broadcast %eq3A_662 : i32 to vector<64x128xi32>
      %eq3A_664 = arith.cmpi eq, %iota3A_103, %eq3A_663 : vector<64x128xi32>
      %and3A_665 = arith.andi %eq3A_661, %eq3A_664 : vector<64x128xi1>
      %jit3A_666 = arith.constant 1.000000e+00 : f32
      %jit3A_667 = arith.constant 0.000000e+00 : f32
      %broadcast_in_dim3A_668 = vector.broadcast %jit3A_666 : f32 to vector<64x128xf32>
      %broadcast_in_dim3A_669 = vector.broadcast %jit3A_667 : f32 to vector<64x128xf32>
      %select_n3A_670 = arith.select %and3A_665, %broadcast_in_dim3A_668, %broadcast_in_dim3A_669 : vector<64x128xi1>, vector<64x128xf32>
      %mul3A_671 = vector.broadcast %div3A_203 : vector<1x1xf32> to vector<64x128xf32>
      %mul3A_672 = arith.mulf %mul3A_671, %select_n3A_670 : vector<64x128xf32>
      %add3A_673 = arith.addf %add3A_658, %mul3A_672 : vector<64x128xf32>
      %eq3A_674 = arith.constant 3 : i32
      %eq3A_675 = vector.broadcast %eq3A_674 : i32 to vector<64x128xi32>
      %eq3A_676 = arith.cmpi eq, %iota3A, %eq3A_675 : vector<64x128xi32>
      %eq3A_677 = arith.constant 122 : i32
      %eq3A_678 = vector.broadcast %eq3A_677 : i32 to vector<64x128xi32>
      %eq3A_679 = arith.cmpi eq, %iota3A_103, %eq3A_678 : vector<64x128xi32>
      %and3A_680 = arith.andi %eq3A_676, %eq3A_679 : vector<64x128xi1>
      %jit3A_681 = arith.constant 1.000000e+00 : f32
      %jit3A_682 = arith.constant 0.000000e+00 : f32
      %broadcast_in_dim3A_683 = vector.broadcast %jit3A_681 : f32 to vector<64x128xf32>
      %broadcast_in_dim3A_684 = vector.broadcast %jit3A_682 : f32 to vector<64x128xf32>
      %select_n3A_685 = arith.select %and3A_680, %broadcast_in_dim3A_683, %broadcast_in_dim3A_684 : vector<64x128xi1>, vector<64x128xf32>
      %mul3A_686 = vector.broadcast %div3A_206 : vector<1x1xf32> to vector<64x128xf32>
      %mul3A_687 = arith.mulf %mul3A_686, %select_n3A_685 : vector<64x128xf32>
      %add3A_688 = arith.addf %add3A_673, %mul3A_687 : vector<64x128xf32>
      %add3A_689 = arith.addf %get3A_102, %add3A_688 : vector<64x128xf32>
      %swap3A_690 = arith.constant 0 : index
      %swap3A_691 = arith.constant 0 : index
      %swap3A_692 = arith.constant 0 : index
      %swap3A_693 = vector.load %arg11[%swap3A_690, %swap3A_691, %swap3A_692] : memref<1x64x128xf32, #tpu.memory_space<vmem>>, vector<1x64x128xf32>
      %swap3A_694 = vector.shape_cast %swap3A_693 : vector<1x64x128xf32> to vector<64x128xf32>
      %swap3A_695 = vector.shape_cast %add3A_689 : vector<64x128xf32> to vector<1x64x128xf32>
      tpu.vector_store %arg11[%swap3A_690, %swap3A_691, %swap3A_692], %swap3A_695 {strides = array<i32>} : memref<1x64x128xf32, #tpu.memory_space<vmem>>, vector<1x64x128xf32>,
    } else {
    }
    return
  }
  func.func @transform_0(%arg0: i32) -> (i32, i32) {
    %c0_i32 = arith.constant 0 : i32
    %c0_i32_0 = arith.constant 0 : i32
    return %arg0, %c0_i32 : i32, i32
  }
  func.func @transform_1(%arg0: i32) -> (i32, i32) {
    %add3A = arith.constant 0 : i32
    %add3A_0 = arith.addi %add3A, %arg0 : i32
    %c0_i32 = arith.constant 0 : i32
    %c0_i32_1 = arith.constant 0 : i32
    return %add3A_0, %c0_i32 : i32, i32
  }
  func.func @transform_2(%arg0: i32) -> (i32, i32) {
    %c0_i32 = arith.constant 0 : i32
    %c0_i32_0 = arith.constant 0 : i32
    %c0_i32_1 = arith.constant 0 : i32
    return %c0_i32, %c0_i32_0 : i32, i32
  }
  func.func @transform_3(%arg0: i32) -> (i32, i32) {
    %c0_i32 = arith.constant 0 : i32
    %c0_i32_0 = arith.constant 0 : i32
    %c0_i32_1 = arith.constant 0 : i32
    return %c0_i32, %c0_i32_0 : i32, i32
  }
  func.func @transform_4(%arg0: i32) -> (i32, i32) {
    %c0_i32 = arith.constant 0 : i32
    %c0_i32_0 = arith.constant 0 : i32
    %c0_i32_1 = arith.constant 0 : i32
    return %c0_i32, %c0_i32_0 : i32, i32
  }
  func.func @transform_5(%arg0: i32) -> (i32, i32) {
    %c0_i32 = arith.constant 0 : i32
    %c0_i32_0 = arith.constant 0 : i32
    %c0_i32_1 = arith.constant 0 : i32
    return %c0_i32, %c0_i32_0 : i32, i32
  }
  func.func @transform_6(%arg0: i32) -> (i32, i32) {
    %c0_i32 = arith.constant 0 : i32
    %c0_i32_0 = arith.constant 0 : i32
    %c0_i32_1 = arith.constant 0 : i32
    return %c0_i32, %c0_i32_0 : i32, i32
  }
  func.func @transform_7(%arg0: i32) -> (i32, i32) {
    %c0_i32 = arith.constant 0 : i32
    %c0_i32_0 = arith.constant 0 : i32
    %c0_i32_1 = arith.constant 0 : i32
    return %c0_i32, %c0_i32_0 : i32, i32
  }
  func.func @transform_8(%arg0: i32) -> (i32, i32) {
    %c0_i32 = arith.constant 0 : i32
    %c0_i32_0 = arith.constant 0 : i32
    %c0_i32_1 = arith.constant 0 : i32
    return %c0_i32, %c0_i32_0 : i32, i32
  }
  func.func @transform_9(%arg0: i32) -> (i32, i32, i32) {
    %jit3A = arith.constant 4 : i32
    %div3A = arith.divsi %arg0, %jit3A : i32
    %sign3A = arith.constant 0 : i32
    %sign3A_0 = arith.cmpi sgt, %arg0, %sign3A : i32
    %sign3A_1 = arith.extui %sign3A_0 : i1 to i32
    %sign3A_2 = arith.constant 0 : i32
    %sign3A_3 = arith.cmpi slt, %arg0, %sign3A_2 : i32
    %sign3A_4 = arith.extui %sign3A_3 : i1 to i32
    %sign3A_5 = arith.subi %sign3A_1, %sign3A_4 : i32
    %sign3A_6 = arith.constant 0 : i32
    %sign3A_7 = arith.cmpi sgt, %jit3A, %sign3A_6 : i32
    %sign3A_8 = arith.extui %sign3A_7 : i1 to i32
    %sign3A_9 = arith.constant 0 : i32
    %sign3A_10 = arith.cmpi slt, %jit3A, %sign3A_9 : i32
    %sign3A_11 = arith.extui %sign3A_10 : i1 to i32
    %sign3A_12 = arith.subi %sign3A_8, %sign3A_11 : i32
    %ne3A = arith.cmpi ne, %sign3A_5, %sign3A_12 : i32
    %rem3A = arith.remsi %arg0, %jit3A : i32
    %ne3A_13 = arith.constant 0 : i32
    %ne3A_14 = arith.cmpi ne, %rem3A, %ne3A_13 : i32
    %and3A = arith.andi %ne3A, %ne3A_14 : i1
    %sub3A = arith.constant 1 : i32
    %sub3A_15 = arith.subi %div3A, %sub3A : i32
    %select_n3A = arith.select %and3A, %sub3A_15, %div3A : i32
    %jit3A_16 = arith.constant 4 : i32
    %eq3A = arith.constant 0 : i32
    %eq3A_17 = arith.cmpi eq, %jit3A_16, %eq3A : i32
    %jit3A_18 = arith.constant 1 : i32
    %select_n3A_19 = arith.select %eq3A_17, %jit3A_18, %jit3A_16 : i32
    %rem3A_20 = arith.remsi %arg0, %select_n3A_19 : i32
    %ne3A_21 = arith.constant 0 : i32
    %ne3A_22 = arith.cmpi ne, %rem3A_20, %ne3A_21 : i32
    %lt3A = arith.constant 0 : i32
    %lt3A_23 = arith.cmpi slt, %rem3A_20, %lt3A : i32
    %lt3A_24 = arith.constant 0 : i32
    %lt3A_25 = arith.cmpi slt, %select_n3A_19, %lt3A_24 : i32
    %ne3A_26 = arith.xori %lt3A_23, %lt3A_25 : i1
    %and3A_27 = arith.andi %ne3A_26, %ne3A_22 : i1
    %add3A = arith.addi %rem3A_20, %select_n3A_19 : i32
    %select_n3A_28 = arith.select %and3A_27, %add3A, %rem3A_20 : i32
    %c0_i32 = arith.constant 0 : i32
    %c0_i32_29 = arith.constant 0 : i32
    return %select_n3A, %c0_i32, %select_n3A_28 : i32, i32, i32
  }
  func.func @transform_10(%arg0: i32) -> (i32, i32, i32) {
    %jit3A = arith.constant 4 : i32
    %div3A = arith.divsi %arg0, %jit3A : i32
    %sign3A = arith.constant 0 : i32
    %sign3A_0 = arith.cmpi sgt, %arg0, %sign3A : i32
    %sign3A_1 = arith.extui %sign3A_0 : i1 to i32
    %sign3A_2 = arith.constant 0 : i32
    %sign3A_3 = arith.cmpi slt, %arg0, %sign3A_2 : i32
    %sign3A_4 = arith.extui %sign3A_3 : i1 to i32
    %sign3A_5 = arith.subi %sign3A_1, %sign3A_4 : i32
    %sign3A_6 = arith.constant 0 : i32
    %sign3A_7 = arith.cmpi sgt, %jit3A, %sign3A_6 : i32
    %sign3A_8 = arith.extui %sign3A_7 : i1 to i32
    %sign3A_9 = arith.constant 0 : i32
    %sign3A_10 = arith.cmpi slt, %jit3A, %sign3A_9 : i32
    %sign3A_11 = arith.extui %sign3A_10 : i1 to i32
    %sign3A_12 = arith.subi %sign3A_8, %sign3A_11 : i32
    %ne3A = arith.cmpi ne, %sign3A_5, %sign3A_12 : i32
    %rem3A = arith.remsi %arg0, %jit3A : i32
    %ne3A_13 = arith.constant 0 : i32
    %ne3A_14 = arith.cmpi ne, %rem3A, %ne3A_13 : i32
    %and3A = arith.andi %ne3A, %ne3A_14 : i1
    %sub3A = arith.constant 1 : i32
    %sub3A_15 = arith.subi %div3A, %sub3A : i32
    %select_n3A = arith.select %and3A, %sub3A_15, %div3A : i32
    %c0_i32 = arith.constant 0 : i32
    %c0_i32_16 = arith.constant 0 : i32
    %c0_i32_17 = arith.constant 0 : i32
    return %select_n3A, %c0_i32, %c0_i32_16 : i32, i32, i32
  }
}

module attributes {stable_mosaic.version = 14 : i64} {
  func.func @body(%arg0: i32, %arg1: i32, %arg2: memref<1x64x1024xf32, #tpu.memory_space<vmem>>, %arg3: memref<1x64x128xf32, #tpu.memory_space<vmem>>, %arg4: memref<64x64xf32, #tpu.memory_space<vmem>>, %arg5: memref<64x64xf32, #tpu.memory_space<vmem>>, %arg6: memref<64x64xf32, #tpu.memory_space<vmem>>, %arg7: memref<64x128xf32, #tpu.memory_space<vmem>>, %arg8: memref<1x21x3x1024xf32, #tpu.memory_space<vmem>>) attributes {dimension_semantics = [#tpu.dimension_semantics<arbitrary>, #tpu.dimension_semantics<arbitrary>], iteration_bounds = array<i64: 2, 4>, scalar_prefetch = 0 : i64, scratch_operands = 0 : i64, tpu.core_type = #tpu.core_type<tc>, window_params = [{transform_indices = @transform_0, window_bounds = array<i64: 1, 64, 1024>}, {transform_indices = @transform_1, window_bounds = array<i64: 1, 64, 128>}, {pipeline_mode = #tpu.pipeline_mode<synchronous>, transform_indices = @transform_2, window_bounds = array<i64: 64, 64>}, {pipeline_mode = #tpu.pipeline_mode<synchronous>, transform_indices = @transform_3, window_bounds = array<i64: 64, 64>}, {pipeline_mode = #tpu.pipeline_mode<synchronous>, transform_indices = @transform_4, window_bounds = array<i64: 64, 64>}, {pipeline_mode = #tpu.pipeline_mode<synchronous>, transform_indices = @transform_5, window_bounds = array<i64: 64, 128>}, {transform_indices = @transform_6, window_bounds = array<i64: 1, 21, 3, 1024>}]} {
    %get3A = arith.constant 0 : index
    %get3A_0 = arith.constant 0 : index
    %get3A_1 = arith.constant 0 : index
    %get3A_2 = vector.load %arg2[%get3A, %get3A_0, %get3A_1] : memref<1x64x1024xf32, #tpu.memory_space<vmem>>, vector<1x64x1024xf32>
    %get3A_3 = vector.shape_cast %get3A_2 : vector<1x64x1024xf32> to vector<64x1024xf32>
    %get3A_4 = arith.constant 0 : index
    %get3A_5 = arith.constant 0 : index
    %get3A_6 = arith.constant 0 : index
    %get3A_7 = vector.load %arg3[%get3A_4, %get3A_5, %get3A_6] : memref<1x64x128xf32, #tpu.memory_space<vmem>>, vector<1x64x128xf32>
    %get3A_8 = vector.shape_cast %get3A_7 : vector<1x64x128xf32> to vector<64x128xf32>
    %iota3A = tpu.iota {dimensions = array<i32: 0>} : vector<64x128xi32>
    %iota3A_9 = tpu.iota {dimensions = array<i32: 1>} : vector<64x128xi32>
    %eq3A = arith.constant 0 : i32
    %eq3A_10 = vector.broadcast %eq3A : i32 to vector<64x128xi32>
    %eq3A_11 = arith.cmpi eq, %iota3A, %eq3A_10 : vector<64x128xi32>
    %eq3A_12 = arith.constant 120 : i32
    %eq3A_13 = vector.broadcast %eq3A_12 : i32 to vector<64x128xi32>
    %eq3A_14 = arith.cmpi eq, %iota3A_9, %eq3A_13 : vector<64x128xi32>
    %and3A = arith.andi %eq3A_11, %eq3A_14 : vector<64x128xi1>
    %jit3A = arith.constant 0.000000e+00 : f32
    %broadcast_in_dim3A = vector.broadcast %jit3A : f32 to vector<64x128xf32>
    %select_n3A = arith.select %and3A, %get3A_8, %broadcast_in_dim3A : vector<64x128xi1>, vector<64x128xf32>
    %reduce_sum3A = arith.constant dense<0.000000e+00> : vector<64xf32>
    %reduce_sum3A_15 = vector.multi_reduction <add>, %select_n3A, %reduce_sum3A [1] : vector<64x128xf32> to vector<64xf32>
    %broadcast_in_dim3A_16 = vector.shape_cast %reduce_sum3A_15 : vector<64xf32> to vector<64x1xf32>
    %reduce_sum3A_17 = arith.constant dense<0.000000e+00> : vector<1xf32>
    %reduce_sum3A_18 = vector.multi_reduction <add>, %broadcast_in_dim3A_16, %reduce_sum3A_17 [0] : vector<64x1xf32> to vector<1xf32>
    %broadcast_in_dim3A_19 = vector.shape_cast %reduce_sum3A_18 : vector<1xf32> to vector<1x1xf32>
    %eq3A_20 = arith.constant 0 : i32
    %eq3A_21 = vector.broadcast %eq3A_20 : i32 to vector<64x128xi32>
    %eq3A_22 = arith.cmpi eq, %iota3A, %eq3A_21 : vector<64x128xi32>
    %eq3A_23 = arith.constant 121 : i32
    %eq3A_24 = vector.broadcast %eq3A_23 : i32 to vector<64x128xi32>
    %eq3A_25 = arith.cmpi eq, %iota3A_9, %eq3A_24 : vector<64x128xi32>
    %and3A_26 = arith.andi %eq3A_22, %eq3A_25 : vector<64x128xi1>
    %jit3A_27 = arith.constant 0.000000e+00 : f32
    %broadcast_in_dim3A_28 = vector.broadcast %jit3A_27 : f32 to vector<64x128xf32>
    %select_n3A_29 = arith.select %and3A_26, %get3A_8, %broadcast_in_dim3A_28 : vector<64x128xi1>, vector<64x128xf32>
    %reduce_sum3A_30 = arith.constant dense<0.000000e+00> : vector<64xf32>
    %reduce_sum3A_31 = vector.multi_reduction <add>, %select_n3A_29, %reduce_sum3A_30 [1] : vector<64x128xf32> to vector<64xf32>
    %broadcast_in_dim3A_32 = vector.shape_cast %reduce_sum3A_31 : vector<64xf32> to vector<64x1xf32>
    %reduce_sum3A_33 = arith.constant dense<0.000000e+00> : vector<1xf32>
    %reduce_sum3A_34 = vector.multi_reduction <add>, %broadcast_in_dim3A_32, %reduce_sum3A_33 [0] : vector<64x1xf32> to vector<1xf32>
    %broadcast_in_dim3A_35 = vector.shape_cast %reduce_sum3A_34 : vector<1xf32> to vector<1x1xf32>
    %eq3A_36 = arith.constant 0 : i32
    %eq3A_37 = vector.broadcast %eq3A_36 : i32 to vector<64x128xi32>
    %eq3A_38 = arith.cmpi eq, %iota3A, %eq3A_37 : vector<64x128xi32>
    %eq3A_39 = arith.constant 122 : i32
    %eq3A_40 = vector.broadcast %eq3A_39 : i32 to vector<64x128xi32>
    %eq3A_41 = arith.cmpi eq, %iota3A_9, %eq3A_40 : vector<64x128xi32>
    %and3A_42 = arith.andi %eq3A_38, %eq3A_41 : vector<64x128xi1>
    %jit3A_43 = arith.constant 0.000000e+00 : f32
    %broadcast_in_dim3A_44 = vector.broadcast %jit3A_43 : f32 to vector<64x128xf32>
    %select_n3A_45 = arith.select %and3A_42, %get3A_8, %broadcast_in_dim3A_44 : vector<64x128xi1>, vector<64x128xf32>
    %reduce_sum3A_46 = arith.constant dense<0.000000e+00> : vector<64xf32>
    %reduce_sum3A_47 = vector.multi_reduction <add>, %select_n3A_45, %reduce_sum3A_46 [1] : vector<64x128xf32> to vector<64xf32>
    %broadcast_in_dim3A_48 = vector.shape_cast %reduce_sum3A_47 : vector<64xf32> to vector<64x1xf32>
    %reduce_sum3A_49 = arith.constant dense<0.000000e+00> : vector<1xf32>
    %reduce_sum3A_50 = vector.multi_reduction <add>, %broadcast_in_dim3A_48, %reduce_sum3A_49 [0] : vector<64x1xf32> to vector<1xf32>
    %broadcast_in_dim3A_51 = vector.shape_cast %reduce_sum3A_50 : vector<1xf32> to vector<1x1xf32>
    %eq3A_52 = arith.constant 1 : i32
    %eq3A_53 = vector.broadcast %eq3A_52 : i32 to vector<64x128xi32>
    %eq3A_54 = arith.cmpi eq, %iota3A, %eq3A_53 : vector<64x128xi32>
    %eq3A_55 = arith.constant 120 : i32
    %eq3A_56 = vector.broadcast %eq3A_55 : i32 to vector<64x128xi32>
    %eq3A_57 = arith.cmpi eq, %iota3A_9, %eq3A_56 : vector<64x128xi32>
    %and3A_58 = arith.andi %eq3A_54, %eq3A_57 : vector<64x128xi1>
    %jit3A_59 = arith.constant 0.000000e+00 : f32
    %broadcast_in_dim3A_60 = vector.broadcast %jit3A_59 : f32 to vector<64x128xf32>
    %select_n3A_61 = arith.select %and3A_58, %get3A_8, %broadcast_in_dim3A_60 : vector<64x128xi1>, vector<64x128xf32>
    %reduce_sum3A_62 = arith.constant dense<0.000000e+00> : vector<64xf32>
    %reduce_sum3A_63 = vector.multi_reduction <add>, %select_n3A_61, %reduce_sum3A_62 [1] : vector<64x128xf32> to vector<64xf32>
    %broadcast_in_dim3A_64 = vector.shape_cast %reduce_sum3A_63 : vector<64xf32> to vector<64x1xf32>
    %reduce_sum3A_65 = arith.constant dense<0.000000e+00> : vector<1xf32>
    %reduce_sum3A_66 = vector.multi_reduction <add>, %broadcast_in_dim3A_64, %reduce_sum3A_65 [0] : vector<64x1xf32> to vector<1xf32>
    %broadcast_in_dim3A_67 = vector.shape_cast %reduce_sum3A_66 : vector<1xf32> to vector<1x1xf32>
    %eq3A_68 = arith.constant 1 : i32
    %eq3A_69 = vector.broadcast %eq3A_68 : i32 to vector<64x128xi32>
    %eq3A_70 = arith.cmpi eq, %iota3A, %eq3A_69 : vector<64x128xi32>
    %eq3A_71 = arith.constant 121 : i32
    %eq3A_72 = vector.broadcast %eq3A_71 : i32 to vector<64x128xi32>
    %eq3A_73 = arith.cmpi eq, %iota3A_9, %eq3A_72 : vector<64x128xi32>
    %and3A_74 = arith.andi %eq3A_70, %eq3A_73 : vector<64x128xi1>
    %jit3A_75 = arith.constant 0.000000e+00 : f32
    %broadcast_in_dim3A_76 = vector.broadcast %jit3A_75 : f32 to vector<64x128xf32>
    %select_n3A_77 = arith.select %and3A_74, %get3A_8, %broadcast_in_dim3A_76 : vector<64x128xi1>, vector<64x128xf32>
    %reduce_sum3A_78 = arith.constant dense<0.000000e+00> : vector<64xf32>
    %reduce_sum3A_79 = vector.multi_reduction <add>, %select_n3A_77, %reduce_sum3A_78 [1] : vector<64x128xf32> to vector<64xf32>
    %broadcast_in_dim3A_80 = vector.shape_cast %reduce_sum3A_79 : vector<64xf32> to vector<64x1xf32>
    %reduce_sum3A_81 = arith.constant dense<0.000000e+00> : vector<1xf32>
    %reduce_sum3A_82 = vector.multi_reduction <add>, %broadcast_in_dim3A_80, %reduce_sum3A_81 [0] : vector<64x1xf32> to vector<1xf32>
    %broadcast_in_dim3A_83 = vector.shape_cast %reduce_sum3A_82 : vector<1xf32> to vector<1x1xf32>
    %eq3A_84 = arith.constant 1 : i32
    %eq3A_85 = vector.broadcast %eq3A_84 : i32 to vector<64x128xi32>
    %eq3A_86 = arith.cmpi eq, %iota3A, %eq3A_85 : vector<64x128xi32>
    %eq3A_87 = arith.constant 122 : i32
    %eq3A_88 = vector.broadcast %eq3A_87 : i32 to vector<64x128xi32>
    %eq3A_89 = arith.cmpi eq, %iota3A_9, %eq3A_88 : vector<64x128xi32>
    %and3A_90 = arith.andi %eq3A_86, %eq3A_89 : vector<64x128xi1>
    %jit3A_91 = arith.constant 0.000000e+00 : f32
    %broadcast_in_dim3A_92 = vector.broadcast %jit3A_91 : f32 to vector<64x128xf32>
    %select_n3A_93 = arith.select %and3A_90, %get3A_8, %broadcast_in_dim3A_92 : vector<64x128xi1>, vector<64x128xf32>
    %reduce_sum3A_94 = arith.constant dense<0.000000e+00> : vector<64xf32>
    %reduce_sum3A_95 = vector.multi_reduction <add>, %select_n3A_93, %reduce_sum3A_94 [1] : vector<64x128xf32> to vector<64xf32>
    %broadcast_in_dim3A_96 = vector.shape_cast %reduce_sum3A_95 : vector<64xf32> to vector<64x1xf32>
    %reduce_sum3A_97 = arith.constant dense<0.000000e+00> : vector<1xf32>
    %reduce_sum3A_98 = vector.multi_reduction <add>, %broadcast_in_dim3A_96, %reduce_sum3A_97 [0] : vector<64x1xf32> to vector<1xf32>
    %broadcast_in_dim3A_99 = vector.shape_cast %reduce_sum3A_98 : vector<1xf32> to vector<1x1xf32>
    %eq3A_100 = arith.constant 2 : i32
    %eq3A_101 = vector.broadcast %eq3A_100 : i32 to vector<64x128xi32>
    %eq3A_102 = arith.cmpi eq, %iota3A, %eq3A_101 : vector<64x128xi32>
    %eq3A_103 = arith.constant 120 : i32
    %eq3A_104 = vector.broadcast %eq3A_103 : i32 to vector<64x128xi32>
    %eq3A_105 = arith.cmpi eq, %iota3A_9, %eq3A_104 : vector<64x128xi32>
    %and3A_106 = arith.andi %eq3A_102, %eq3A_105 : vector<64x128xi1>
    %jit3A_107 = arith.constant 0.000000e+00 : f32
    %broadcast_in_dim3A_108 = vector.broadcast %jit3A_107 : f32 to vector<64x128xf32>
    %select_n3A_109 = arith.select %and3A_106, %get3A_8, %broadcast_in_dim3A_108 : vector<64x128xi1>, vector<64x128xf32>
    %reduce_sum3A_110 = arith.constant dense<0.000000e+00> : vector<64xf32>
    %reduce_sum3A_111 = vector.multi_reduction <add>, %select_n3A_109, %reduce_sum3A_110 [1] : vector<64x128xf32> to vector<64xf32>
    %broadcast_in_dim3A_112 = vector.shape_cast %reduce_sum3A_111 : vector<64xf32> to vector<64x1xf32>
    %reduce_sum3A_113 = arith.constant dense<0.000000e+00> : vector<1xf32>
    %reduce_sum3A_114 = vector.multi_reduction <add>, %broadcast_in_dim3A_112, %reduce_sum3A_113 [0] : vector<64x1xf32> to vector<1xf32>
    %broadcast_in_dim3A_115 = vector.shape_cast %reduce_sum3A_114 : vector<1xf32> to vector<1x1xf32>
    %eq3A_116 = arith.constant 2 : i32
    %eq3A_117 = vector.broadcast %eq3A_116 : i32 to vector<64x128xi32>
    %eq3A_118 = arith.cmpi eq, %iota3A, %eq3A_117 : vector<64x128xi32>
    %eq3A_119 = arith.constant 121 : i32
    %eq3A_120 = vector.broadcast %eq3A_119 : i32 to vector<64x128xi32>
    %eq3A_121 = arith.cmpi eq, %iota3A_9, %eq3A_120 : vector<64x128xi32>
    %and3A_122 = arith.andi %eq3A_118, %eq3A_121 : vector<64x128xi1>
    %jit3A_123 = arith.constant 0.000000e+00 : f32
    %broadcast_in_dim3A_124 = vector.broadcast %jit3A_123 : f32 to vector<64x128xf32>
    %select_n3A_125 = arith.select %and3A_122, %get3A_8, %broadcast_in_dim3A_124 : vector<64x128xi1>, vector<64x128xf32>
    %reduce_sum3A_126 = arith.constant dense<0.000000e+00> : vector<64xf32>
    %reduce_sum3A_127 = vector.multi_reduction <add>, %select_n3A_125, %reduce_sum3A_126 [1] : vector<64x128xf32> to vector<64xf32>
    %broadcast_in_dim3A_128 = vector.shape_cast %reduce_sum3A_127 : vector<64xf32> to vector<64x1xf32>
    %reduce_sum3A_129 = arith.constant dense<0.000000e+00> : vector<1xf32>
    %reduce_sum3A_130 = vector.multi_reduction <add>, %broadcast_in_dim3A_128, %reduce_sum3A_129 [0] : vector<64x1xf32> to vector<1xf32>
    %broadcast_in_dim3A_131 = vector.shape_cast %reduce_sum3A_130 : vector<1xf32> to vector<1x1xf32>
    %eq3A_132 = arith.constant 2 : i32
    %eq3A_133 = vector.broadcast %eq3A_132 : i32 to vector<64x128xi32>
    %eq3A_134 = arith.cmpi eq, %iota3A, %eq3A_133 : vector<64x128xi32>
    %eq3A_135 = arith.constant 122 : i32
    %eq3A_136 = vector.broadcast %eq3A_135 : i32 to vector<64x128xi32>
    %eq3A_137 = arith.cmpi eq, %iota3A_9, %eq3A_136 : vector<64x128xi32>
    %and3A_138 = arith.andi %eq3A_134, %eq3A_137 : vector<64x128xi1>
    %jit3A_139 = arith.constant 0.000000e+00 : f32
    %broadcast_in_dim3A_140 = vector.broadcast %jit3A_139 : f32 to vector<64x128xf32>
    %select_n3A_141 = arith.select %and3A_138, %get3A_8, %broadcast_in_dim3A_140 : vector<64x128xi1>, vector<64x128xf32>
    %reduce_sum3A_142 = arith.constant dense<0.000000e+00> : vector<64xf32>
    %reduce_sum3A_143 = vector.multi_reduction <add>, %select_n3A_141, %reduce_sum3A_142 [1] : vector<64x128xf32> to vector<64xf32>
    %broadcast_in_dim3A_144 = vector.shape_cast %reduce_sum3A_143 : vector<64xf32> to vector<64x1xf32>
    %reduce_sum3A_145 = arith.constant dense<0.000000e+00> : vector<1xf32>
    %reduce_sum3A_146 = vector.multi_reduction <add>, %broadcast_in_dim3A_144, %reduce_sum3A_145 [0] : vector<64x1xf32> to vector<1xf32>
    %broadcast_in_dim3A_147 = vector.shape_cast %reduce_sum3A_146 : vector<1xf32> to vector<1x1xf32>
    %eq3A_148 = arith.constant 3 : i32
    %eq3A_149 = vector.broadcast %eq3A_148 : i32 to vector<64x128xi32>
    %eq3A_150 = arith.cmpi eq, %iota3A, %eq3A_149 : vector<64x128xi32>
    %eq3A_151 = arith.constant 120 : i32
    %eq3A_152 = vector.broadcast %eq3A_151 : i32 to vector<64x128xi32>
    %eq3A_153 = arith.cmpi eq, %iota3A_9, %eq3A_152 : vector<64x128xi32>
    %and3A_154 = arith.andi %eq3A_150, %eq3A_153 : vector<64x128xi1>
    %jit3A_155 = arith.constant 0.000000e+00 : f32
    %broadcast_in_dim3A_156 = vector.broadcast %jit3A_155 : f32 to vector<64x128xf32>
    %select_n3A_157 = arith.select %and3A_154, %get3A_8, %broadcast_in_dim3A_156 : vector<64x128xi1>, vector<64x128xf32>
    %reduce_sum3A_158 = arith.constant dense<0.000000e+00> : vector<64xf32>
    %reduce_sum3A_159 = vector.multi_reduction <add>, %select_n3A_157, %reduce_sum3A_158 [1] : vector<64x128xf32> to vector<64xf32>
    %broadcast_in_dim3A_160 = vector.shape_cast %reduce_sum3A_159 : vector<64xf32> to vector<64x1xf32>
    %reduce_sum3A_161 = arith.constant dense<0.000000e+00> : vector<1xf32>
    %reduce_sum3A_162 = vector.multi_reduction <add>, %broadcast_in_dim3A_160, %reduce_sum3A_161 [0] : vector<64x1xf32> to vector<1xf32>
    %broadcast_in_dim3A_163 = vector.shape_cast %reduce_sum3A_162 : vector<1xf32> to vector<1x1xf32>
    %eq3A_164 = arith.constant 3 : i32
    %eq3A_165 = vector.broadcast %eq3A_164 : i32 to vector<64x128xi32>
    %eq3A_166 = arith.cmpi eq, %iota3A, %eq3A_165 : vector<64x128xi32>
    %eq3A_167 = arith.constant 121 : i32
    %eq3A_168 = vector.broadcast %eq3A_167 : i32 to vector<64x128xi32>
    %eq3A_169 = arith.cmpi eq, %iota3A_9, %eq3A_168 : vector<64x128xi32>
    %and3A_170 = arith.andi %eq3A_166, %eq3A_169 : vector<64x128xi1>
    %jit3A_171 = arith.constant 0.000000e+00 : f32
    %broadcast_in_dim3A_172 = vector.broadcast %jit3A_171 : f32 to vector<64x128xf32>
    %select_n3A_173 = arith.select %and3A_170, %get3A_8, %broadcast_in_dim3A_172 : vector<64x128xi1>, vector<64x128xf32>
    %reduce_sum3A_174 = arith.constant dense<0.000000e+00> : vector<64xf32>
    %reduce_sum3A_175 = vector.multi_reduction <add>, %select_n3A_173, %reduce_sum3A_174 [1] : vector<64x128xf32> to vector<64xf32>
    %broadcast_in_dim3A_176 = vector.shape_cast %reduce_sum3A_175 : vector<64xf32> to vector<64x1xf32>
    %reduce_sum3A_177 = arith.constant dense<0.000000e+00> : vector<1xf32>
    %reduce_sum3A_178 = vector.multi_reduction <add>, %broadcast_in_dim3A_176, %reduce_sum3A_177 [0] : vector<64x1xf32> to vector<1xf32>
    %broadcast_in_dim3A_179 = vector.shape_cast %reduce_sum3A_178 : vector<1xf32> to vector<1x1xf32>
    %eq3A_180 = arith.constant 3 : i32
    %eq3A_181 = vector.broadcast %eq3A_180 : i32 to vector<64x128xi32>
    %eq3A_182 = arith.cmpi eq, %iota3A, %eq3A_181 : vector<64x128xi32>
    %eq3A_183 = arith.constant 122 : i32
    %eq3A_184 = vector.broadcast %eq3A_183 : i32 to vector<64x128xi32>
    %eq3A_185 = arith.cmpi eq, %iota3A_9, %eq3A_184 : vector<64x128xi32>
    %and3A_186 = arith.andi %eq3A_182, %eq3A_185 : vector<64x128xi1>
    %jit3A_187 = arith.constant 0.000000e+00 : f32
    %broadcast_in_dim3A_188 = vector.broadcast %jit3A_187 : f32 to vector<64x128xf32>
    %select_n3A_189 = arith.select %and3A_186, %get3A_8, %broadcast_in_dim3A_188 : vector<64x128xi1>, vector<64x128xf32>
    %reduce_sum3A_190 = arith.constant dense<0.000000e+00> : vector<64xf32>
    %reduce_sum3A_191 = vector.multi_reduction <add>, %select_n3A_189, %reduce_sum3A_190 [1] : vector<64x128xf32> to vector<64xf32>
    %broadcast_in_dim3A_192 = vector.shape_cast %reduce_sum3A_191 : vector<64xf32> to vector<64x1xf32>
    %reduce_sum3A_193 = arith.constant dense<0.000000e+00> : vector<1xf32>
    %reduce_sum3A_194 = vector.multi_reduction <add>, %broadcast_in_dim3A_192, %reduce_sum3A_193 [0] : vector<64x1xf32> to vector<1xf32>
    %broadcast_in_dim3A_195 = vector.shape_cast %reduce_sum3A_194 : vector<1xf32> to vector<1x1xf32>
    %get3A_196 = arith.constant 0 : index
    %get3A_197 = arith.constant 0 : index
    %get3A_198 = vector.load %arg4[%get3A_196, %get3A_197] : memref<64x64xf32, #tpu.memory_space<vmem>>, vector<64x64xf32>
    %dot_general3A = arith.constant dense<0.000000e+00> : vector<64x1024xf32>
    %dot_general3A_199 = tpu.matmul %get3A_198, %get3A_3, %dot_general3A {dimension_numbers = #tpu.dot_dimension_numbers<[1], [0], [0], [1], [0, 0, 1, 1], [], []>, transpose_lhs_hint = false} : vector<64x64xf32>, vector<64x1024xf32>, vector<64x1024xf32> -> vector<64x1024xf32>
    %get3A_200 = arith.constant 0 : index
    %get3A_201 = arith.constant 0 : index
    %get3A_202 = vector.load %arg5[%get3A_200, %get3A_201] : memref<64x64xf32, #tpu.memory_space<vmem>>, vector<64x64xf32>
    %dot_general3A_203 = arith.constant dense<0.000000e+00> : vector<64x1024xf32>
    %dot_general3A_204 = tpu.matmul %get3A_202, %get3A_3, %dot_general3A_203 {dimension_numbers = #tpu.dot_dimension_numbers<[1], [0], [0], [1], [0, 0, 1, 1], [], []>, transpose_lhs_hint = false} : vector<64x64xf32>, vector<64x1024xf32>, vector<64x1024xf32> -> vector<64x1024xf32>
    %get3A_205 = arith.constant 0 : index
    %get3A_206 = arith.constant 0 : index
    %get3A_207 = vector.load %arg6[%get3A_205, %get3A_206] : memref<64x64xf32, #tpu.memory_space<vmem>>, vector<64x64xf32>
    %dot_general3A_208 = arith.constant dense<0.000000e+00> : vector<64x1024xf32>
    %dot_general3A_209 = tpu.matmul %get3A_207, %get3A_3, %dot_general3A_208 {dimension_numbers = #tpu.dot_dimension_numbers<[1], [0], [0], [1], [0, 0, 1, 1], [], []>, transpose_lhs_hint = false} : vector<64x64xf32>, vector<64x1024xf32>, vector<64x1024xf32> -> vector<64x1024xf32>
    %get3A_210 = arith.constant 0 : index
    %get3A_211 = arith.constant 0 : index
    %get3A_212 = vector.load %arg7[%get3A_210, %get3A_211] : memref<64x128xf32, #tpu.memory_space<vmem>>, vector<64x1xf32>
    %mul3A = vector.broadcast %broadcast_in_dim3A_19 : vector<1x1xf32> to vector<64x1024xf32>
    %mul3A_213 = arith.mulf %mul3A, %dot_general3A_199 : vector<64x1024xf32>
    %mul3A_214 = vector.broadcast %broadcast_in_dim3A_35 : vector<1x1xf32> to vector<64x1024xf32>
    %mul3A_215 = arith.mulf %mul3A_214, %dot_general3A_204 : vector<64x1024xf32>
    %add3A = arith.addf %mul3A_213, %mul3A_215 : vector<64x1024xf32>
    %mul3A_216 = vector.broadcast %broadcast_in_dim3A_51 : vector<1x1xf32> to vector<64x1024xf32>
    %mul3A_217 = arith.mulf %mul3A_216, %dot_general3A_209 : vector<64x1024xf32>
    %add3A_218 = arith.addf %add3A, %mul3A_217 : vector<64x1024xf32>
    %mul3A_219 = arith.mulf %broadcast_in_dim3A_19, %broadcast_in_dim3A_163 : vector<1x1xf32>
    %mul3A_220 = arith.mulf %broadcast_in_dim3A_35, %broadcast_in_dim3A_179 : vector<1x1xf32>
    %add3A_221 = arith.addf %mul3A_219, %mul3A_220 : vector<1x1xf32>
    %mul3A_222 = arith.mulf %broadcast_in_dim3A_51, %broadcast_in_dim3A_195 : vector<1x1xf32>
    %add3A_223 = arith.addf %add3A_221, %mul3A_222 : vector<1x1xf32>
    %sub3A = vector.broadcast %add3A_223 : vector<1x1xf32> to vector<64x1024xf32>
    %sub3A_224 = arith.subf %add3A_218, %sub3A : vector<64x1024xf32>
    %mul3A_225 = vector.broadcast %get3A_212 : vector<64x1xf32> to vector<64x1024xf32>
    %mul3A_226 = arith.mulf %mul3A_225, %sub3A_224 : vector<64x1024xf32>
    %mul3A_227 = vector.broadcast %broadcast_in_dim3A_67 : vector<1x1xf32> to vector<64x1024xf32>
    %mul3A_228 = arith.mulf %mul3A_227, %dot_general3A_199 : vector<64x1024xf32>
    %mul3A_229 = vector.broadcast %broadcast_in_dim3A_83 : vector<1x1xf32> to vector<64x1024xf32>
    %mul3A_230 = arith.mulf %mul3A_229, %dot_general3A_204 : vector<64x1024xf32>
    %add3A_231 = arith.addf %mul3A_228, %mul3A_230 : vector<64x1024xf32>
    %mul3A_232 = vector.broadcast %broadcast_in_dim3A_99 : vector<1x1xf32> to vector<64x1024xf32>
    %mul3A_233 = arith.mulf %mul3A_232, %dot_general3A_209 : vector<64x1024xf32>
    %add3A_234 = arith.addf %add3A_231, %mul3A_233 : vector<64x1024xf32>
    %mul3A_235 = arith.mulf %broadcast_in_dim3A_67, %broadcast_in_dim3A_163 : vector<1x1xf32>
    %mul3A_236 = arith.mulf %broadcast_in_dim3A_83, %broadcast_in_dim3A_179 : vector<1x1xf32>
    %add3A_237 = arith.addf %mul3A_235, %mul3A_236 : vector<1x1xf32>
    %mul3A_238 = arith.mulf %broadcast_in_dim3A_99, %broadcast_in_dim3A_195 : vector<1x1xf32>
    %add3A_239 = arith.addf %add3A_237, %mul3A_238 : vector<1x1xf32>
    %sub3A_240 = vector.broadcast %add3A_239 : vector<1x1xf32> to vector<64x1024xf32>
    %sub3A_241 = arith.subf %add3A_234, %sub3A_240 : vector<64x1024xf32>
    %mul3A_242 = vector.broadcast %get3A_212 : vector<64x1xf32> to vector<64x1024xf32>
    %mul3A_243 = arith.mulf %mul3A_242, %sub3A_241 : vector<64x1024xf32>
    %mul3A_244 = vector.broadcast %broadcast_in_dim3A_115 : vector<1x1xf32> to vector<64x1024xf32>
    %mul3A_245 = arith.mulf %mul3A_244, %dot_general3A_199 : vector<64x1024xf32>
    %mul3A_246 = vector.broadcast %broadcast_in_dim3A_131 : vector<1x1xf32> to vector<64x1024xf32>
    %mul3A_247 = arith.mulf %mul3A_246, %dot_general3A_204 : vector<64x1024xf32>
    %add3A_248 = arith.addf %mul3A_245, %mul3A_247 : vector<64x1024xf32>
    %mul3A_249 = vector.broadcast %broadcast_in_dim3A_147 : vector<1x1xf32> to vector<64x1024xf32>
    %mul3A_250 = arith.mulf %mul3A_249, %dot_general3A_209 : vector<64x1024xf32>
    %add3A_251 = arith.addf %add3A_248, %mul3A_250 : vector<64x1024xf32>
    %mul3A_252 = arith.mulf %broadcast_in_dim3A_115, %broadcast_in_dim3A_163 : vector<1x1xf32>
    %mul3A_253 = arith.mulf %broadcast_in_dim3A_131, %broadcast_in_dim3A_179 : vector<1x1xf32>
    %add3A_254 = arith.addf %mul3A_252, %mul3A_253 : vector<1x1xf32>
    %mul3A_255 = arith.mulf %broadcast_in_dim3A_147, %broadcast_in_dim3A_195 : vector<1x1xf32>
    %add3A_256 = arith.addf %add3A_254, %mul3A_255 : vector<1x1xf32>
    %sub3A_257 = vector.broadcast %add3A_256 : vector<1x1xf32> to vector<64x1024xf32>
    %sub3A_258 = arith.subf %add3A_251, %sub3A_257 : vector<64x1024xf32>
    %mul3A_259 = vector.broadcast %get3A_212 : vector<64x1xf32> to vector<64x1024xf32>
    %mul3A_260 = arith.mulf %mul3A_259, %sub3A_258 : vector<64x1024xf32>
    %stack3A = vector.shape_cast %mul3A_226 : vector<64x1024xf32> to vector<64x1x1024xf32>
    %stack3A_261 = vector.shape_cast %mul3A_243 : vector<64x1024xf32> to vector<64x1x1024xf32>
    %stack3A_262 = vector.shape_cast %mul3A_260 : vector<64x1024xf32> to vector<64x1x1024xf32>
    %stack3A_263 = tpu.concatenate %stack3A, %stack3A_261, %stack3A_262 in 1 : vector<64x1x1024xf32>, vector<64x1x1024xf32>, vector<64x1x1024xf32> -> vector<64x3x1024xf32>
    %slice3A = vector.extract_strided_slice %stack3A_263 {offsets = [0, 0, 0], sizes = [21, 3, 1024], strides = [1, 1, 1]} : vector<64x3x1024xf32> to vector<21x3x1024xf32>
    %swap3A = arith.constant 0 : index
    %swap3A_264 = arith.constant 0 : index
    %swap3A_265 = arith.constant 0 : index
    %swap3A_266 = arith.constant 0 : index
    %swap3A_267 = vector.load %arg8[%swap3A, %swap3A_264, %swap3A_265, %swap3A_266] : memref<1x21x3x1024xf32, #tpu.memory_space<vmem>>, vector<1x21x3x1024xf32>
    %swap3A_268 = vector.shape_cast %swap3A_267 : vector<1x21x3x1024xf32> to vector<21x3x1024xf32>
    %swap3A_269 = vector.shape_cast %slice3A : vector<21x3x1024xf32> to vector<1x21x3x1024xf32>
    tpu.vector_store %arg8[%swap3A, %swap3A_264, %swap3A_265, %swap3A_266], %swap3A_269 {strides = array<i32>} : memref<1x21x3x1024xf32, #tpu.memory_space<vmem>>, vector<1x21x3x1024xf32>,
    return
  }
  func.func @transform_0(%arg0: i32, %arg1: i32) -> (i32, i32, i32) {
    %c0_i32 = arith.constant 0 : i32
    %c0_i32_0 = arith.constant 0 : i32
    return %arg0, %c0_i32, %arg1 : i32, i32, i32
  }
  func.func @transform_1(%arg0: i32, %arg1: i32) -> (i32, i32, i32) {
    %c0_i32 = arith.constant 0 : i32
    %c0_i32_0 = arith.constant 0 : i32
    %c0_i32_1 = arith.constant 0 : i32
    return %arg0, %c0_i32, %c0_i32_0 : i32, i32, i32
  }
  func.func @transform_2(%arg0: i32, %arg1: i32) -> (i32, i32) {
    %c0_i32 = arith.constant 0 : i32
    %c0_i32_0 = arith.constant 0 : i32
    %c0_i32_1 = arith.constant 0 : i32
    return %c0_i32, %c0_i32_0 : i32, i32
  }
  func.func @transform_3(%arg0: i32, %arg1: i32) -> (i32, i32) {
    %c0_i32 = arith.constant 0 : i32
    %c0_i32_0 = arith.constant 0 : i32
    %c0_i32_1 = arith.constant 0 : i32
    return %c0_i32, %c0_i32_0 : i32, i32
  }
  func.func @transform_4(%arg0: i32, %arg1: i32) -> (i32, i32) {
    %c0_i32 = arith.constant 0 : i32
    %c0_i32_0 = arith.constant 0 : i32
    %c0_i32_1 = arith.constant 0 : i32
    return %c0_i32, %c0_i32_0 : i32, i32
  }
  func.func @transform_5(%arg0: i32, %arg1: i32) -> (i32, i32) {
    %c0_i32 = arith.constant 0 : i32
    %c0_i32_0 = arith.constant 0 : i32
    %c0_i32_1 = arith.constant 0 : i32
    return %c0_i32, %c0_i32_0 : i32, i32
  }
  func.func @transform_6(%arg0: i32, %arg1: i32) -> (i32, i32, i32, i32) {
    %c0_i32 = arith.constant 0 : i32
    %c0_i32_0 = arith.constant 0 : i32
    %c0_i32_1 = arith.constant 0 : i32
    return %arg0, %c0_i32, %c0_i32_0, %arg1 : i32, i32, i32, i32
  }
}

</mosaic_0001>

<sc_bundles>
// kernel: kernel.6.cloned.1.call-start
scs
__scs_entry_jumppad:
0x0: {  	(pc) =	sbr.rel $0x88, $3  }
0x1: {  	(tag) =	ssettag $0x0;
	lr =	simm.s32 $0x1  }
0x2: {  	[smem:$0x3F9C] =	sst lr;
	_ =	strace $0xD0000000  }
0x3: {  	_ = 	snop  }
0x4: {  	_ = 	snop  }
0x5: {  	_ = 	snop  }
0x6: {  	_ = 	snop  }
0x7: {  	_ = 	snop  }
__scs_overlays_trampoline_lowered:
0x8: {  	[smem:$0x3FAB] =	sst s0  }
0x9: {  	[smem:$0x3FAC] =	sst s1  }
0xa: {  	[smem:$0x3FAD] =	sst s2  }
0xb: {  	[smem:$0x3FAE] =	sst s3  }
0xc: {  	[smem:$0x3FAF] =	sst s4  }
0xd: {  	[smem:$0x3FB0] =	sst s5  }
0xe: {  	[smem:$0x3FB1] =	sst s6  }
0xf: {  	[smem:$0x3FB2] =	sst s7  }
0x10: {  	[smem:$0x3FB3] =	sst s8  }
0x11: {  	[smem:$0x3FB4] =	sst s9;
	s0 =	simm.s32 @!p0 $0x0  }
0x12: {  	s1 =	sld [smem:$0x3F9A];
	s0 =	simm.s32 @p0 $0x1  }
0x13: {  	[smem:$0x3FB5] =	sst s0;
	s0 =	simm.s32 @!p1 $0x0  }
0x14: {  	s2 =	sld [smem:$0x3F99];
	s0 =	simm.s32 @p1 $0x1  }
0x15: {  	[smem:$0x3FB6] =	sst s0;
	s0 =	simm.s32 @!p2 $0x0  }
0x16: {  	s3 =	sld [smem:$0x3FDB];
	s0 =	simm.s32 @p2 $0x1  }
0x17: {  	s4 =	simm.s32 $0x1BF5;
	[smem:$0x3FB8] =	sst s0  }
0x18: {  	s0 =	sld [smem:$0x3F9B];
	_ =	swait.ge [sflag:s4], $0x0  }
0x19: {  	s7 =	sld [smem:$0x3F9C]  }
0x1a: {  	s8 =	sadd.s32 $0xFFFFE003, lr  }
0x1b: {  	s9 =	sadd.s32 $0xFFFFFEF7, lr;
	s5 =	simm.s32 $0xFFFFFFFF;
	p2 =	slt.u32 s8, $0xFFFFF086  }
0x1c: {  	p1 =	slt.u32 s9, $0xF7A;
	s5 =	simm.s32 @!p2 $0x0  }
0x1d: {  	s5 =	simm.s32 @p1 $0x1;
	p0 =	seq.s32 s7, s2  }
0x1e: {  	s7 =	smul.u32 @!p0 $0xF7A, s2;
	p2 =	seq.s32 @!p0 s5, $0x0  }
0x1f: {  	s9 =	smul.u32 $0xF7A, s1;
	s8 =	simm.s32 @!p0 $0x1BF5;
	p2 =	por !p2, p0  }
0x20: {  	[sflag:s8] =	ssyncset.s32 @!p0 $0xFFFFF086;
	s6 =	sadd.s32 @!p0 s3, s7;
	s7 =	simm.s32 @!p0 $0x108  }
0x21: {  	s3 =	sadd.s32 s3, s9;
	s6 =	sadd.s32 @!p0 $0x88, s6;
	s7 =	simm.s32 @p2 $0x1082  }
0x22: {  	[simem:s7], [sflag:s8] =	dma.local @!p0 [hbm:s6], $0xF7A  }
0x23: {  	s9 =	sor.u32 $0xD0000000, s2;
	s6 =	simm.s32 $0x108;
	_ =	swait.ge @!p0 [sflag:s8], $0x0  }
0x24: {  	s3 =	sadd.s32 $0x88, s3;
	s6 =	simm.s32 @!p1 $0x1082;
	[sflag:s4] =	ssyncset.s32 $0xFFFFF086  }
0x25: {  	[simem:s6], [sflag:s4] =	dma.local [hbm:s3], $0xF7A  }
0x26: {  	[smem:$0x3F9C] =	sst s1;
	(tag) =	ssettag s2;
	_ =	strace s9  }
0x27: {  	s1 =	sld [smem:$0x3FAC]  }
0x28: {  	s2 =	sld [smem:$0x3FAD]  }
0x29: {  	s4 =	sld [smem:$0x3FAF]  }
0x2a: {  	p0 =	seq.s32 s5, $0x0;
	s5 =	sld [smem:$0x3FB0]  }
0x2b: {  	s6 =	sld [smem:$0x3FB1]  }
0x2c: {  	s7 =	sld [smem:$0x3FB2]  }
0x2d: {  	s3 =	simm.s32 $0x108;
	s8 =	sld [smem:$0x3FB3]  }
0x2e: {  	s3 =	simm.s32 @!p0 $0x1082;
	s9 =	sld [smem:$0x3FB4]  }
0x2f: {  	lr =	sadd.s32 s0, s3;
	s0 =	sld [smem:$0x3FAB]  }
0x30: {  	s3 =	sld [smem:$0x3FAE]  }
0x31: {  	[smem:$0x3FB7] =	sst s10  }
0x32: {  	s10 =	sld [smem:$0x3FB5];
	_ =	sdelay $0x3  }
0x33: {  	p0 =	seq.s32 s10, $0x1;
	s10 =	sld [smem:$0x3FB7];
	_ =	sdelay $0x3  }
0x34: {  	[smem:$0x3FB7] =	sst s10  }
0x35: {  	s10 =	sld [smem:$0x3FB6];
	_ =	sdelay $0x3  }
0x36: {  	p1 =	seq.s32 s10, $0x1;
	s10 =	sld [smem:$0x3FB7];
	_ =	sdelay $0x3  }
0x37: {  	[smem:$0x3FB7] =	sst s10  }
0x38: {  	s10 =	sld [smem:$0x3FB8]  }
0x39: {  	_ = 	snop;
	(pc) =	sbr.ind lr, $3  }
0x3a: {  	_ = 	snop  }
0x3b: {  	_ = 	snop  }
0x3c: {  	p2 =	seq.s32 s10, $0x1;
	s10 =	sld [smem:$0x3FB7]  }
0x3d: {  	_ =	shalt  }
0x3e: {  	_ =	shalt  }
0x3f: {  	_ =	shalt  }
0x40: {  	_ =	shalt  }
0x41: {  	_ =	shalt  }
0x42: {  	_ =	shalt  }
0x43: {  	_ =	shalt  }
0x44: {  	_ =	shalt  }
0x45: {  	_ =	shalt  }
0x46: {  	_ =	shalt  }
0x47: {  	_ =	shalt  }
0x48: {  	_ =	shalt  }
0x49: {  	_ =	shalt  }
0x4a: {  	_ =	shalt  }
0x4b: {  	_ =	shalt  }
0x4c: {  	_ =	shalt  }
0x4d: {  	_ =	shalt  }
0x4e: {  	_ =	shalt  }
0x4f: {  	_ =	shalt  }
0x50: {  	_ =	shalt  }
0x51: {  	_ =	shalt  }
0x52: {  	_ =	shalt  }
0x53: {  	_ =	shalt  }
0x54: {  	_ =	shalt  }
0x55: {  	_ =	shalt  }
0x56: {  	_ =	shalt  }
0x57: {  	_ =	shalt  }
0x58: {  	_ =	shalt  }
0x59: {  	_ =	shalt  }
0x5a: {  	_ =	shalt  }
0x5b: {  	_ =	shalt  }
0x5c: {  	_ =	shalt  }
0x5d: {  	_ =	shalt  }
0x5e: {  	_ =	shalt  }
0x5f: {  	_ =	shalt  }
0x60: {  	_ =	shalt  }
0x61: {  	_ =	shalt  }
0x62: {  	_ =	shalt  }
0x63: {  	_ =	shalt  }
0x64: {  	_ =	shalt  }
0x65: {  	_ =	shalt  }
0x66: {  	_ =	shalt  }
0x67: {  	_ =	shalt  }
0x68: {  	_ =	shalt  }
0x69: {  	_ =	shalt  }
0x6a: {  	_ =	shalt  }
0x6b: {  	_ =	shalt  }
0x6c: {  	_ =	shalt  }
0x6d: {  	_ =	shalt  }
0x6e: {  	_ =	shalt  }
0x6f: {  	_ =	shalt  }
0x70: {  	_ =	shalt  }
0x71: {  	_ =	shalt  }
0x72: {  	_ =	shalt  }
0x73: {  	_ =	shalt  }
0x74: {  	_ =	shalt  }
0x75: {  	_ =	shalt  }
0x76: {  	_ =	shalt  }
0x77: {  	_ =	shalt  }
0x78: {  	_ =	shalt  }
0x79: {  	_ =	shalt  }
0x7a: {  	_ =	shalt  }
0x7b: {  	_ =	shalt  }
0x7c: {  	_ =	shalt  }
0x7d: {  	_ =	shalt  }
0x7e: {  	_ =	shalt  }
0x7f: {  	_ =	shalt  }
0x80: {  	_ =	shalt  }
0x81: {  	_ =	shalt  }
0x82: {  	_ =	shalt  }
0x83: {  	_ =	shalt  }
0x84: {  	_ =	shalt  }
0x85: {  	_ =	shalt  }
0x86: {  	_ =	shalt  }
0x87: {  	_ =	shalt  }
.Lfunc_end0:
.L_simem_size_0:
called_computation_lowered:
.L_overlay_start_0:
0x88: {  	s2 =	sld [smem:$0x3FD9]  }
0x89: {  	s3 =	sld [smem:$0x3FFE];
	_ =	sdelay $0x1  }
0x8a: {  	s1 =	srdreg.scid  }
0x8b: {  	s0 =	sand.u32 $0x1, s1  }
0x8c: {  	s17 =	sshll.u32 s0, $0xA;
	s2 =	sadd.s32 s3, s2  }
0x8d: {  	s2 =	sadd.s32 s2, s17  }
0x8e: {  	[smem:$0x3FC3] =	sst s2  }
0x8f: {  	_ = 	snop  }
0x90: {  	s2 =	sld [smem:$0x3FD0];
	(tm) =	ssettm $0x1  }
0x91: {  	s18 =	sld [smem:$0x3FFB];
	_ =	sdelay $0x3  }
0x92: {  	_ =	strace s18  }
0x93: {  	s3 =	sld [smem:$0x3FFC];
	_ =	sdelay $0x3  }
0x94: {  	_ =	strace s3  }
0x95: {  	s3 =	sld [smem:$0x3FFD];
	_ =	sdelay $0x3  }
0x96: {  	_ =	strace s3  }
0x97: {  	_ =	strace $0x8FFFFFFF  }
0x98: {  	s19 =	sld [smem:$0x3FDB];
	_ =	sdelay $0x1  }
0x99: {  	s4 =	simm.s32 $_scs_section_size  }
0x9a: {  	s5 =	simm.s32 $_size__tile_overlayer_lowered;
	s6 =	simm.s32 $_tile_overlayer_lowered  }
0x9b: {  	s22 =	simm.s32 $0x1BFF;
	s21 =	sshll.u32 s6, $0x1;
	s3 =	sadd.s32 s4, s19  }
0x9c: {  	s7 =	simm.s32 $0x0;
	s20 =	sshll.u32 s5, $0x1;
	s5 =	sadd.s32 s21, s3  }
0x9d: {  	[timem:s7], [sflag:s22] =	dma.local [hbm:s5], s20  }
0x9e: {  	_ =	swait.ge [sflag:s22], s20  }
0x9f: {  	s4 =	ssub.s32 $0x0, s20;
	[sflag:s22] =	ssyncset.done $0x0  }
0xa0: {  	[sflag:s22] =	ssyncadd.s32 s4;
	_ =	sdelay $0x1  }
0xa1: {  	s23 =	simm.s32 $0x1B8B  }
0xa2: {  	_ =	swait.ge [sflag:s23], $0x1  }
0xa3: {  	[sflag:s23] =	ssyncset.done $0x0  }
0xa4: {  	s25 =	simm.s32 $0x1B8E;
	s24 =	sld [smem:$0x3FFE];
	[sflag:s23] =	ssyncadd.s32 $0xFFFFFFFF  }
0xa5: {  	s26 =	simm.s32 $execute0_lowered;
	[smem:$0x3FD2] =	sst s25  }
0xa6: {  	s5 =	sshll.u32 s26, $0x1;
	_ =	strace $0x80000046;
	[dreg:$0x1] =	wrdreg $0xFFFFFFFF  }
0xa7: {  	s28 =	simm.s32 $_size_execute0_lowered;
	s3 =	sadd.s32 s3, s5;
	[dreg:$0x0] =	wrdreg $0x0  }
0xa8: {  	s5 =	sshll.u32 s28, $0x1;
	[dreg:$0x2] =	wrdreg s3  }
0xa9: {  	[dreg:$0x3] =	wrdreg s5  }
0xaa: {  	[dreg:$0x4] =	wrdreg $0xC0  }
0xab: {  	_ =	task [dreg:s7], $0x5FFFF  }
0xac: {  	[dreg:$0x1] =	wrdreg $0xFFFFFFFF  }
0xad: {  	[dreg:$0x0] =	wrdreg $0x60  }
0xae: {  	[dreg:$0x2] =	wrdreg s24  }
0xaf: {  	[dreg:$0x3] =	wrdreg s2  }
0xb0: {  	[dreg:$0x4] =	wrdreg $0x9  }
0xb1: {  	_ =	task.clear_ibuf [dreg:s7], $0x5FFFF;
	_ =	strace $0x90000046  }
0xb2: {  	s29 =	simm.s32 $0x9;
	_ =	strace $0x80000048  }
0xb3: {  	_ =	swait.ge [sflag:s29], $0x1  }
0xb4: {  	[sflag:s29] =	ssyncadd.s32 $0xFFFFFFFF  }
0xb5: {  	_ =	strace $0x90000048  }
0xb6: {  	_ =	sfence  }
0xb7: {  	s30 =	sld [smem:$0x0];
	_ =	sdelay $0x2  }
0xb8: {  	s31 =	sshll.u32 s1, $0xD;
	s1 =	sshrl.u32 s1, $0x2  }
0xb9: {  	s3 =	sand.u32 $0x4000, s31;
	s1 =	sadd.s32 s1, s30  }
0xba: {  	s0 =	sor.u32 s3, s0;
	s1 =	sshll.u32 s1, $0x11  }
0xbb: {  	s0 =	sor.u32 s1, s0  }
0xbc: {  	s0 =	sadd.s32 $0x8F2B, s0  }
0xbd: {  	[sflag:s0] =	ssyncadd.remote.s32 $0x1  }
0xbe: {  	_ =	sfence.sel $0xFFFF  }
0xbf: {  	[dreg:$0x0] =	wrdreg $0xFFFFFFFF;
	(pc) =	sbr.abs _section_cstart, $3  }
0xc0: {  	[dreg:$0x1] =	wrdreg $0xFFFFFFFF  }
0xc1: {  	_ =	task.clear_ibuf [dreg:s7], $0x2FFFF;
	_ =	strace $0x9FFFFFFF  }
0xc2: {  	(tm) =	ssettm $0x7FFFFFFF  }
0xc3: {  	_ =	shalt  }
tec
execute0_lowered:
.L_overlay_start_1:
0x0: {  	(tag) =	ssettag $0x1  }
0x1: {  	s0 =	srdreg.scid  }
0x2: {  	s30 =	stileid.u32;
	s1 =	sand.u32 $0x1, s0  }
0x3: {  	s3 =	rddreg [dreg:$0x0];
	s4 =	sshll.u32 s30, $0xD;
	s5 =	sshll.u32 s1, $0xC  }
0x4: {  	s18 =	rddreg [dreg:$0x1];
	s4 =	sor.u32 s5, s4  }
0x5: {  	s2 =	simm.s32 $0x0;
	s5 =	sshll.u32 s4, $0x3;
	s6 =	sshrl.u32 s4, $0x3  }
0x6: {  	[smem:$0x7FF] =	sst s2;
	s4 =	sadd.s32 s5, s3;
	s0 =	sadd.s32 s18, s6  }
0x7: {  	_ =	strace $0x80000047;
	[dreg:$0x3] =	wrdreg s0;
	s19 =	sadd.s32 $0x11C00, s4  }
0x8: {  	s20 =	sadd.s32 $0x12000, s4;
	[dreg:$0x4] =	wrdreg s19  }
0x9: {  	s21 =	sadd.s32 $0x12400, s4;
	[dreg:$0x5] =	wrdreg s20  }
0xa: {  	s22 =	sadd.s32 $0x12800, s4;
	[dreg:$0x6] =	wrdreg s21  }
0xb: {  	s23 =	sadd.s32 $0x12C00, s4;
	[dreg:$0x7] =	wrdreg s22  }
0xc: {  	s24 =	sadd.s32 $0x13000, s4;
	[dreg:$0x8] =	wrdreg s23  }
0xd: {  	s25 =	sadd.s32 $0x13400, s4;
	[dreg:$0x9] =	wrdreg s24  }
0xe: {  	s26 =	sadd.s32 $0x13800, s4;
	[dreg:$0xa] =	wrdreg s25  }
0xf: {  	s5 =	sadd.s32 $0x13C00, s4;
	[dreg:$0xb] =	wrdreg s26  }
0x10: {  	s6 =	sadd.s32 $0x14000, s4;
	[dreg:$0xc] =	wrdreg s5  }
0x11: {  	s7 =	sadd.s32 $0x14400, s4;
	[dreg:$0xd] =	wrdreg s6  }
0x12: {  	s8 =	sadd.s32 $0x14800, s4;
	[dreg:$0xe] =	wrdreg s7  }
0x13: {  	s9 =	sadd.s32 $0x14C00, s4;
	[dreg:$0xf] =	wrdreg s8  }
0x14: {  	s10 =	sadd.s32 $0x15000, s4;
	[dreg:$0x10] =	wrdreg s9  }
0x15: {  	s11 =	sadd.s32 $0x15400, s4;
	[dreg:$0x11] =	wrdreg s10  }
0x16: {  	s12 =	sadd.s32 $0x15800, s4;
	[dreg:$0x12] =	wrdreg s11  }
0x17: {  	s13 =	sadd.s32 $0x15C00, s4;
	[dreg:$0x13] =	wrdreg s12  }
0x18: {  	s14 =	sadd.s32 $0x16000, s4;
	[dreg:$0x14] =	wrdreg s13  }
0x19: {  	s15 =	sadd.s32 $0x16400, s4;
	[dreg:$0x15] =	wrdreg s14  }
0x1a: {  	s16 =	sadd.s32 $0x16800, s4;
	[dreg:$0x16] =	wrdreg s15  }
0x1b: {  	s17 =	sadd.s32 $0x16C00, s4;
	[dreg:$0x17] =	wrdreg s16  }
0x1c: {  	s18 =	sadd.s32 $0x17000, s4;
	[dreg:$0x18] =	wrdreg s17  }
0x1d: {  	[dreg:$0x19] =	wrdreg s18  }
0x1e: {  	s19 =	sadd.s32 $0x17400, s4;
	s0 =	rddreg [dreg:$0x3]  }
0x1f: {  	s20 =	sadd.s32 $0x17800, s4;
	[dreg:$0x1a] =	wrdreg s19  }
0x20: {  	s21 =	sadd.s32 $0x17C00, s4;
	[dreg:$0x1b] =	wrdreg s20  }
0x21: {  	s22 =	sadd.s32 $0x18000, s4;
	[dreg:$0x1c] =	wrdreg s21  }
0x22: {  	s23 =	sadd.s32 $0x18400, s4;
	[dreg:$0x1d] =	wrdreg s22  }
0x23: {  	s24 =	sadd.s32 $0x18800, s4;
	[dreg:$0x1e] =	wrdreg s23  }
0x24: {  	s25 =	sadd.s32 $0x18C00, s4;
	[dreg:$0x1f] =	wrdreg s24  }
0x25: {  	s26 =	sadd.s32 $0x19000, s4;
	[smem:$0x7DD] =	sst s25  }
0x26: {  	s5 =	sadd.s32 $0x19400, s4;
	[smem:$0x7DE] =	sst s26  }
0x27: {  	s6 =	sadd.s32 $0x19800, s4;
	[smem:$0x7DF] =	sst s5  }
0x28: {  	s7 =	simm.s32 $0x100;
	[smem:$0x7E0] =	sst s6  }
0x29: {  	s8 =	simm.s32 $0x180;
	[smem:$0x7E1] =	sst s7  }
0x2a: {  	s31 =	simm.s32 $0x11;
	s9 =	simm.s32 $0x200;
	[smem:$0x7E2] =	sst s8  }
0x2b: {  	s29 =	simm.s32 $0x1;
	s10 =	simm.s32 $0x280;
	[smem:$0x7E3] =	sst s9  }
0x2c: {  	s28 =	simm.s32 $0x2;
	s11 =	simm.s32 $0x300;
	[smem:$0x7E4] =	sst s10  }
0x2d: {  	p0 =	por $0x0, $0x0;
	s12 =	simm.s32 $0x380;
	[smem:$0x7E5] =	sst s11  }
0x2e: {  	s1 =	ssub.s32 $0x2, s1;
	s14 =	simm.s32 $0x400;
	[smem:$0x7E6] =	sst s12  }
0x2f: {  	s3 =	sadd.s32 $0x1C00, s3;
	s15 =	simm.s32 $0x480;
	[smem:$0x7E7] =	sst s14  }
0x30: {  	s13 =	sshrl.u32 s1, $0x1;
	s16 =	simm.s32 $0x500;
	[smem:$0x7E8] =	sst s15  }
0x31: {  	s17 =	simm.s32 $0x580;
	s4 =	simm.s32 $0x80;
	[smem:$0x7E9] =	sst s16  }
0x32: {  	s18 =	simm.s32 $0x600;
	s1 =	ssub.s32 s1, s13;
	[smem:$0x7EA] =	sst s17  }
0x33: {  	s22 =	simm.s32 $0x1000;
	[smem:$0x7EB] =	sst s18;
	s19 =	simm.s32 $0x680  }
0x34: {  	s18 =	simm.s32 $0x3000;
	s20 =	simm.s32 $0x700;
	[smem:$0x7EC] =	sst s19  }
0x35: {  	s13 =	simm.s32 $0x5000;
	s21 =	simm.s32 $0x780;
	[smem:$0x7ED] =	sst s20  }
0x36: {  	s8 =	simm.s32 $0x7000;
	s23 =	simm.s32 $0x800;
	[smem:$0x7EE] =	sst s21  }
0x37: {  	s24 =	simm.s32 $0x880;
	s5 =	simm.s32 $0x9000;
	[smem:$0x7EF] =	sst s23  }
0x38: {  	s25 =	simm.s32 $0x900;
	s26 =	simm.s32 $0x980;
	[smem:$0x7F0] =	sst s24  }
0x39: {  	s6 =	simm.s32 $0xB000;
	s7 =	simm.s32 $0xA00;
	[smem:$0x7F1] =	sst s25  }
0x3a: {  	s9 =	simm.s32 $0xA80;
	s10 =	simm.s32 $0xB00;
	[smem:$0x7F2] =	sst s26  }
0x3b: {  	s11 =	simm.s32 $0xB80;
	s12 =	simm.s32 $0xC00;
	[smem:$0x7F3] =	sst s7  }
0x3c: {  	s14 =	simm.s32 $0xC80;
	s15 =	simm.s32 $0xD00;
	[smem:$0x7F4] =	sst s9  }
0x3d: {  	s16 =	simm.s32 $0xD80;
	s17 =	simm.s32 $0xE00;
	[smem:$0x7F5] =	sst s10  }
0x3e: {  	s1 =	smax.u32 s1, $0x1;
	s26 =	simm.s32 $0x3;
	[smem:$0x7F6] =	sst s11  }
0x3f: {  	s7 =	simm.s32 $0xD000;
	s24 =	simm.s32 $0x4;
	[smem:$0x7F7] =	sst s12  }
0x40: {  	s9 =	simm.s32 $0xF000;
	s20 =	simm.s32 $0x5;
	[smem:$0x7F8] =	sst s14  }
0x41: {  	s10 =	simm.s32 $0x9;
	s21 =	simm.s32 $0x6;
	[smem:$0x7F9] =	sst s15  }
0x42: {  	s11 =	simm.s32 $0xA;
	[smem:$0x7FA] =	sst s16;
	p1 =	sne.s32 s1, $0x1  }
.Ltmp0:
0x43: {  	s23 =	simm.s32 $0x7;
	[smem:$0x7FB] =	sst s17;
	(pc) =	sbr.rel @!p1 .LBB2_5-.Ltmp0, $4  }
0x44: {  	s19 =	simm.s32 $0xE80;
	s15 =	simm.s32 $0xB;
	s25 =	simm.s32 $0xF00  }
0x45: {  	s17 =	simm.s32 $0xD;
	s16 =	simm.s32 $0xE;
	[smem:$0x7FC] =	sst s19  }
0x46: {  	s14 =	simm.s32 $0xF;
	s12 =	simm.s32 $0x10;
	[smem:$0x7FD] =	sst s25  }
0x47: {  	s25 =	simm.s32 $0x8;
	s1 =	sadd.s32 $0xFFFFFFFF, s1;
	s19 =	simm.s32 $0xC  }
0x48: {  	[tilespmem:s2], [sflag:$0x11] =	stream.linear.gather [hbm4b:s0+s2], $0x1000, $0x38;
	[tilespmem:$0x11000] =	vst v63  }
0x49: {  	_ =	swait.ge [sflag:s31], $0x1000  }
0x4a: {  	[sflag:s31] =	ssyncset.done $0x0  }
0x4b: {  	[sflag:s31] =	ssyncadd.s32 $0xFFFFF000  }
0x4c: {  	[tilespmem:s22], [sflag:$0x1] =	stream.indirect.gather [hbm4b:s3+s4], $0x40, s2, s4, $0xb8;
	[tilespmem:$0x11000] =	vst v63  }
0x4d: {  	s0 =	sld [smem:$0x7E1]  }
0x4e: {  	[tilespmem:s18], [sflag:$0x2] =	stream.indirect.gather [hbm4b:s3+s4], $0x40, s4, s4, $0xb8;
	[tilespmem:$0x11000] =	vst v63  }
0x4f: {  	s30 =	smov.u32 s1;
	s1 =	sld [smem:$0x7E2]  }
0x50: {  	[tilespmem:s13], [sflag:$0x3] =	stream.indirect.gather [hbm4b:s3+s4], $0x40, s0, s4, $0xb8;
	[tilespmem:$0x11000] =	vst v63  }
0x51: {  	_ = 	snop  }
0x52: {  	[tilespmem:s8], [sflag:$0x4] =	stream.indirect.gather [hbm4b:s3+s4], $0x40, s1, s4, $0xb8;
	[tilespmem:$0x11000] =	vst v63  }
0x53: {  	_ =	swait.ge [sflag:s29], $0x2000  }
0x54: {  	s0 =	rddreg [dreg:$0x4];
	[sflag:s29] =	ssyncset.done $0x0  }
0x55: {  	s1 =	sld [smem:$0x7E3];
	[sflag:s29] =	ssyncadd.s32 $0xFFFFE000  }
0x56: {  	[hbm4b:s0+s2] =	stream.linear.scatter [tilespmem:s22], [sflag:$0x9], $0x2000, $0x38;
	[tilespmem:$0x11000] =	vst v63  }
0x57: {  	_ = 	snop  }
0x58: {  	[tilespmem:s5], [sflag:$0x5] =	stream.indirect.gather [hbm4b:s3+s4], $0x40, s1, s4, $0xb8;
	[tilespmem:$0x11000] =	vst v63  }
0x59: {  	_ =	swait.ge [sflag:s28], $0x2000  }
0x5a: {  	s0 =	rddreg [dreg:$0x5];
	[sflag:s28] =	ssyncset.done $0x0  }
0x5b: {  	s1 =	sld [smem:$0x7E4];
	[sflag:s28] =	ssyncadd.s32 $0xFFFFE000  }
0x5c: {  	[hbm4b:s0+s2] =	stream.linear.scatter [tilespmem:s18], [sflag:$0xA], $0x2000, $0x38;
	[tilespmem:$0x11000] =	vst v63  }
0x5d: {  	_ = 	snop  }
0x5e: {  	[tilespmem:s6], [sflag:$0x6] =	stream.indirect.gather [hbm4b:s3+s4], $0x40, s1, s4, $0xb8;
	[tilespmem:$0x11000] =	vst v63  }
0x5f: {  	_ =	swait.ge [sflag:s26], $0x2000  }
0x60: {  	s0 =	rddreg [dreg:$0x6];
	[sflag:s26] =	ssyncset.done $0x0  }
0x61: {  	s1 =	sld [smem:$0x7E5];
	[sflag:s26] =	ssyncadd.s32 $0xFFFFE000  }
0x62: {  	[hbm4b:s0+s2] =	stream.linear.scatter [tilespmem:s13], [sflag:$0xB], $0x2000, $0x38;
	[tilespmem:$0x11000] =	vst v63  }
0x63: {  	_ = 	snop  }
0x64: {  	[tilespmem:s7], [sflag:$0x7] =	stream.indirect.gather [hbm4b:s3+s4], $0x40, s1, s4, $0xb8;
	[tilespmem:$0x11000] =	vst v63  }
0x65: {  	_ =	swait.ge [sflag:s24], $0x2000  }
0x66: {  	s0 =	rddreg [dreg:$0x7];
	[sflag:s24] =	ssyncset.done $0x0  }
0x67: {  	s1 =	sld [smem:$0x7E6];
	[sflag:s24] =	ssyncadd.s32 $0xFFFFE000  }
0x68: {  	[hbm4b:s0+s2] =	stream.linear.scatter [tilespmem:s8], [sflag:$0xC], $0x2000, $0x38;
	[tilespmem:$0x11000] =	vst v63  }
0x69: {  	_ = 	snop  }
0x6a: {  	[tilespmem:s9], [sflag:$0x8] =	stream.indirect.gather [hbm4b:s3+s4], $0x40, s1, s4, $0xb8;
	[tilespmem:$0x11000] =	vst v63  }
0x6b: {  	_ =	swait.ge [sflag:s20], $0x2000  }
0x6c: {  	[sflag:s20] =	ssyncset.done $0x0  }
0x6d: {  	s1 =	rddreg [dreg:$0x8];
	[sflag:s20] =	ssyncadd.s32 $0xFFFFE000  }
0x6e: {  	[hbm4b:s1+s2] =	stream.linear.scatter [tilespmem:s5], [sflag:$0xD], $0x2000, $0x38;
	[tilespmem:$0x11000] =	vst v63  }
0x6f: {  	_ =	swait.ge [sflag:s10], $0x2000  }
0x70: {  	s1 =	sld [smem:$0x7E7]  }
0x71: {  	[sflag:s10] =	ssyncset.done $0x0  }
0x72: {  	[sflag:s10] =	ssyncadd.s32 $0xFFFFE000  }
0x73: {  	[tilespmem:s22], [sflag:$0x1] =	stream.indirect.gather [hbm4b:s3+s4], $0x40, s1, s4, $0xb8;
	[tilespmem:$0x11000] =	vst v63  }
0x74: {  	_ =	swait.ge [sflag:s21], $0x2000  }
0x75: {  	[sflag:s21] =	ssyncset.done $0x0  }
0x76: {  	s1 =	rddreg [dreg:$0x9];
	[sflag:s21] =	ssyncadd.s32 $0xFFFFE000  }
0x77: {  	[hbm4b:s1+s2] =	stream.linear.scatter [tilespmem:s6], [sflag:$0xE], $0x2000, $0x38;
	[tilespmem:$0x11000] =	vst v63  }
0x78: {  	_ =	swait.ge [sflag:s11], $0x2000  }
0x79: {  	s1 =	sld [smem:$0x7E8]  }
0x7a: {  	[sflag:s11] =	ssyncset.done $0x0  }
0x7b: {  	[sflag:s11] =	ssyncadd.s32 $0xFFFFE000  }
0x7c: {  	[tilespmem:s18], [sflag:$0x2] =	stream.indirect.gather [hbm4b:s3+s4], $0x40, s1, s4, $0xb8;
	[tilespmem:$0x11000] =	vst v63  }
0x7d: {  	_ =	swait.ge [sflag:s23], $0x2000  }
0x7e: {  	[sflag:s23] =	ssyncset.done $0x0  }
0x7f: {  	s1 =	rddreg [dreg:$0xa];
	[sflag:s23] =	ssyncadd.s32 $0xFFFFE000  }
0x80: {  	[hbm4b:s1+s2] =	stream.linear.scatter [tilespmem:s7], [sflag:$0xF], $0x2000, $0x38;
	[tilespmem:$0x11000] =	vst v63  }
0x81: {  	_ =	swait.ge [sflag:s15], $0x2000  }
0x82: {  	s1 =	sld [smem:$0x7E9]  }
0x83: {  	[sflag:s15] =	ssyncset.done $0x0  }
0x84: {  	[sflag:s15] =	ssyncadd.s32 $0xFFFFE000  }
0x85: {  	[tilespmem:s13], [sflag:$0x3] =	stream.indirect.gather [hbm4b:s3+s4], $0x40, s1, s4, $0xb8;
	[tilespmem:$0x11000] =	vst v63  }
0x86: {  	_ =	swait.ge [sflag:s25], $0x2000  }
0x87: {  	[sflag:s25] =	ssyncset.done $0x0  }
0x88: {  	s1 =	rddreg [dreg:$0xb];
	[sflag:s25] =	ssyncadd.s32 $0xFFFFE000  }
0x89: {  	[hbm4b:s1+s2] =	stream.linear.scatter [tilespmem:s9], [sflag:$0x10], $0x2000, $0x38;
	[tilespmem:$0x11000] =	vst v63  }
0x8a: {  	_ =	swait.ge [sflag:s19], $0x2000  }
0x8b: {  	s1 =	sld [smem:$0x7EA]  }
0x8c: {  	[sflag:s19] =	ssyncset.done $0x0  }
0x8d: {  	[sflag:s19] =	ssyncadd.s32 $0xFFFFE000  }
0x8e: {  	[tilespmem:s8], [sflag:$0x4] =	stream.indirect.gather [hbm4b:s3+s4], $0x40, s1, s4, $0xb8;
	[tilespmem:$0x11000] =	vst v63  }
0x8f: {  	_ =	swait.ge [sflag:s29], $0x2000  }
0x90: {  	[sflag:s29] =	ssyncset.done $0x0  }
0x91: {  	s1 =	rddreg [dreg:$0xc];
	[sflag:s29] =	ssyncadd.s32 $0xFFFFE000  }
0x92: {  	[hbm4b:s1+s2] =	stream.linear.scatter [tilespmem:s22], [sflag:$0x9], $0x2000, $0x38;
	[tilespmem:$0x11000] =	vst v63  }
0x93: {  	_ =	swait.ge [sflag:s17], $0x2000  }
0x94: {  	s1 =	sld [smem:$0x7EB]  }
0x95: {  	[sflag:s17] =	ssyncset.done $0x0  }
0x96: {  	[sflag:s17] =	ssyncadd.s32 $0xFFFFE000  }
0x97: {  	[tilespmem:s5], [sflag:$0x5] =	stream.indirect.gather [hbm4b:s3+s4], $0x40, s1, s4, $0xb8;
	[tilespmem:$0x11000] =	vst v63  }
0x98: {  	_ =	swait.ge [sflag:s28], $0x2000  }
0x99: {  	[sflag:s28] =	ssyncset.done $0x0  }
0x9a: {  	s1 =	rddreg [dreg:$0xd];
	[sflag:s28] =	ssyncadd.s32 $0xFFFFE000  }
0x9b: {  	[hbm4b:s1+s2] =	stream.linear.scatter [tilespmem:s18], [sflag:$0xA], $0x2000, $0x38;
	[tilespmem:$0x11000] =	vst v63  }
0x9c: {  	_ =	swait.ge [sflag:s16], $0x2000  }
0x9d: {  	s1 =	sld [smem:$0x7EC]  }
0x9e: {  	[sflag:s16] =	ssyncset.done $0x0  }
0x9f: {  	[sflag:s16] =	ssyncadd.s32 $0xFFFFE000  }
0xa0: {  	[tilespmem:s6], [sflag:$0x6] =	stream.indirect.gather [hbm4b:s3+s4], $0x40, s1, s4, $0xb8;
	[tilespmem:$0x11000] =	vst v63  }
0xa1: {  	_ =	swait.ge [sflag:s26], $0x2000  }
0xa2: {  	[sflag:s26] =	ssyncset.done $0x0  }
0xa3: {  	s1 =	rddreg [dreg:$0xe];
	[sflag:s26] =	ssyncadd.s32 $0xFFFFE000  }
0xa4: {  	[hbm4b:s1+s2] =	stream.linear.scatter [tilespmem:s13], [sflag:$0xB], $0x2000, $0x38;
	[tilespmem:$0x11000] =	vst v63  }
0xa5: {  	_ =	swait.ge [sflag:s14], $0x2000  }
0xa6: {  	s1 =	sld [smem:$0x7ED]  }
0xa7: {  	[sflag:s14] =	ssyncset.done $0x0  }
0xa8: {  	[sflag:s14] =	ssyncadd.s32 $0xFFFFE000  }
0xa9: {  	[tilespmem:s7], [sflag:$0x7] =	stream.indirect.gather [hbm4b:s3+s4], $0x40, s1, s4, $0xb8;
	[tilespmem:$0x11000] =	vst v63  }
0xaa: {  	_ =	swait.ge [sflag:s24], $0x2000  }
0xab: {  	[sflag:s24] =	ssyncset.done $0x0  }
0xac: {  	s1 =	rddreg [dreg:$0xf];
	[sflag:s24] =	ssyncadd.s32 $0xFFFFE000  }
0xad: {  	[hbm4b:s1+s2] =	stream.linear.scatter [tilespmem:s8], [sflag:$0xC], $0x2000, $0x38;
	[tilespmem:$0x11000] =	vst v63  }
0xae: {  	_ =	swait.ge [sflag:s12], $0x2000  }
0xaf: {  	s1 =	sld [smem:$0x7EE]  }
0xb0: {  	[sflag:s12] =	ssyncset.done $0x0  }
0xb1: {  	[sflag:s12] =	ssyncadd.s32 $0xFFFFE000  }
0xb2: {  	[tilespmem:s9], [sflag:$0x8] =	stream.indirect.gather [hbm4b:s3+s4], $0x40, s1, s4, $0xb8;
	[tilespmem:$0x11000] =	vst v63  }
0xb3: {  	_ =	swait.ge [sflag:s20], $0x2000  }
0xb4: {  	[sflag:s20] =	ssyncset.done $0x0  }
0xb5: {  	s1 =	rddreg [dreg:$0x10];
	[sflag:s20] =	ssyncadd.s32 $0xFFFFE000  }
0xb6: {  	[hbm4b:s1+s2] =	stream.linear.scatter [tilespmem:s5], [sflag:$0xD], $0x2000, $0x38;
	[tilespmem:$0x11000] =	vst v63  }
0xb7: {  	_ =	swait.ge [sflag:s10], $0x2000  }
0xb8: {  	s1 =	sld [smem:$0x7EF]  }
0xb9: {  	[sflag:s10] =	ssyncset.done $0x0  }
0xba: {  	[sflag:s10] =	ssyncadd.s32 $0xFFFFE000  }
0xbb: {  	[tilespmem:s22], [sflag:$0x1] =	stream.indirect.gather [hbm4b:s3+s4], $0x40, s1, s4, $0xb8;
	[tilespmem:$0x11000] =	vst v63  }
0xbc: {  	_ =	swait.ge [sflag:s21], $0x2000  }
0xbd: {  	[sflag:s21] =	ssyncset.done $0x0  }
0xbe: {  	s1 =	rddreg [dreg:$0x11];
	[sflag:s21] =	ssyncadd.s32 $0xFFFFE000  }
0xbf: {  	[hbm4b:s1+s2] =	stream.linear.scatter [tilespmem:s6], [sflag:$0xE], $0x2000, $0x38;
	[tilespmem:$0x11000] =	vst v63  }
0xc0: {  	_ =	swait.ge [sflag:s11], $0x2000  }
0xc1: {  	s1 =	sld [smem:$0x7F0]  }
0xc2: {  	[sflag:s11] =	ssyncset.done $0x0  }
0xc3: {  	[sflag:s11] =	ssyncadd.s32 $0xFFFFE000  }
0xc4: {  	[tilespmem:s18], [sflag:$0x2] =	stream.indirect.gather [hbm4b:s3+s4], $0x40, s1, s4, $0xb8;
	[tilespmem:$0x11000] =	vst v63  }
0xc5: {  	_ =	swait.ge [sflag:s23], $0x2000  }
0xc6: {  	[sflag:s23] =	ssyncset.done $0x0  }
0xc7: {  	s1 =	rddreg [dreg:$0x12];
	[sflag:s23] =	ssyncadd.s32 $0xFFFFE000  }
0xc8: {  	[hbm4b:s1+s2] =	stream.linear.scatter [tilespmem:s7], [sflag:$0xF], $0x2000, $0x38;
	[tilespmem:$0x11000] =	vst v63  }
0xc9: {  	_ =	swait.ge [sflag:s15], $0x2000  }
0xca: {  	s1 =	sld [smem:$0x7F1]  }
0xcb: {  	[sflag:s15] =	ssyncset.done $0x0  }
0xcc: {  	[sflag:s15] =	ssyncadd.s32 $0xFFFFE000  }
0xcd: {  	[tilespmem:s13], [sflag:$0x3] =	stream.indirect.gather [hbm4b:s3+s4], $0x40, s1, s4, $0xb8;
	[tilespmem:$0x11000] =	vst v63  }
0xce: {  	_ =	swait.ge [sflag:s25], $0x2000  }
0xcf: {  	[sflag:s25] =	ssyncset.done $0x0  }
0xd0: {  	s1 =	rddreg [dreg:$0x13];
	[sflag:s25] =	ssyncadd.s32 $0xFFFFE000  }
0xd1: {  	[hbm4b:s1+s2] =	stream.linear.scatter [tilespmem:s9], [sflag:$0x10], $0x2000, $0x38;
	[tilespmem:$0x11000] =	vst v63  }
0xd2: {  	_ =	swait.ge [sflag:s19], $0x2000  }
0xd3: {  	s1 =	sld [smem:$0x7F2]  }
0xd4: {  	[sflag:s19] =	ssyncset.done $0x0  }
0xd5: {  	[sflag:s19] =	ssyncadd.s32 $0xFFFFE000  }
0xd6: {  	[tilespmem:s8], [sflag:$0x4] =	stream.indirect.gather [hbm4b:s3+s4], $0x40, s1, s4, $0xb8;
	[tilespmem:$0x11000] =	vst v63  }
0xd7: {  	_ =	swait.ge [sflag:s29], $0x2000  }
0xd8: {  	[sflag:s29] =	ssyncset.done $0x0  }
0xd9: {  	s1 =	rddreg [dreg:$0x14];
	[sflag:s29] =	ssyncadd.s32 $0xFFFFE000  }
0xda: {  	[hbm4b:s1+s2] =	stream.linear.scatter [tilespmem:s22], [sflag:$0x9], $0x2000, $0x38;
	[tilespmem:$0x11000] =	vst v63  }
0xdb: {  	_ =	swait.ge [sflag:s17], $0x2000  }
0xdc: {  	s1 =	sld [smem:$0x7F3]  }
0xdd: {  	[sflag:s17] =	ssyncset.done $0x0  }
0xde: {  	[sflag:s17] =	ssyncadd.s32 $0xFFFFE000  }
0xdf: {  	[tilespmem:s5], [sflag:$0x5] =	stream.indirect.gather [hbm4b:s3+s4], $0x40, s1, s4, $0xb8;
	[tilespmem:$0x11000] =	vst v63  }
0xe0: {  	_ =	swait.ge [sflag:s28], $0x2000  }
0xe1: {  	[sflag:s28] =	ssyncset.done $0x0  }
0xe2: {  	s1 =	rddreg [dreg:$0x15];
	[sflag:s28] =	ssyncadd.s32 $0xFFFFE000  }
0xe3: {  	[hbm4b:s1+s2] =	stream.linear.scatter [tilespmem:s18], [sflag:$0xA], $0x2000, $0x38;
	[tilespmem:$0x11000] =	vst v63  }
0xe4: {  	_ =	swait.ge [sflag:s16], $0x2000  }
0xe5: {  	s1 =	sld [smem:$0x7F4]  }
0xe6: {  	[sflag:s16] =	ssyncset.done $0x0  }
0xe7: {  	[sflag:s16] =	ssyncadd.s32 $0xFFFFE000  }
0xe8: {  	[tilespmem:s6], [sflag:$0x6] =	stream.indirect.gather [hbm4b:s3+s4], $0x40, s1, s4, $0xb8;
	[tilespmem:$0x11000] =	vst v63  }
0xe9: {  	_ =	swait.ge [sflag:s26], $0x2000  }
0xea: {  	[sflag:s26] =	ssyncset.done $0x0  }
0xeb: {  	s1 =	rddreg [dreg:$0x16];
	[sflag:s26] =	ssyncadd.s32 $0xFFFFE000  }
0xec: {  	[hbm4b:s1+s2] =	stream.linear.scatter [tilespmem:s13], [sflag:$0xB], $0x2000, $0x38;
	[tilespmem:$0x11000] =	vst v63  }
0xed: {  	_ =	swait.ge [sflag:s14], $0x2000  }
0xee: {  	s1 =	sld [smem:$0x7F5]  }
0xef: {  	[sflag:s14] =	ssyncset.done $0x0  }
0xf0: {  	[sflag:s14] =	ssyncadd.s32 $0xFFFFE000  }
0xf1: {  	[tilespmem:s7], [sflag:$0x7] =	stream.indirect.gather [hbm4b:s3+s4], $0x40, s1, s4, $0xb8;
	[tilespmem:$0x11000] =	vst v63  }
0xf2: {  	_ =	swait.ge [sflag:s24], $0x2000  }
0xf3: {  	[sflag:s24] =	ssyncset.done $0x0  }
0xf4: {  	s1 =	rddreg [dreg:$0x17];
	[sflag:s24] =	ssyncadd.s32 $0xFFFFE000  }
0xf5: {  	[hbm4b:s1+s2] =	stream.linear.scatter [tilespmem:s8], [sflag:$0xC], $0x2000, $0x38;
	[tilespmem:$0x11000] =	vst v63  }
0xf6: {  	_ =	swait.ge [sflag:s12], $0x2000  }
0xf7: {  	s1 =	sld [smem:$0x7F6]  }
0xf8: {  	[sflag:s12] =	ssyncset.done $0x0  }
0xf9: {  	[sflag:s12] =	ssyncadd.s32 $0xFFFFE000  }
0xfa: {  	[tilespmem:s9], [sflag:$0x8] =	stream.indirect.gather [hbm4b:s3+s4], $0x40, s1, s4, $0xb8;
	[tilespmem:$0x11000] =	vst v63  }
0xfb: {  	_ =	swait.ge [sflag:s20], $0x2000  }
0xfc: {  	[sflag:s20] =	ssyncset.done $0x0  }
0xfd: {  	s1 =	rddreg [dreg:$0x18];
	[sflag:s20] =	ssyncadd.s32 $0xFFFFE000  }
0xfe: {  	[hbm4b:s1+s2] =	stream.linear.scatter [tilespmem:s5], [sflag:$0xD], $0x2000, $0x38;
	[tilespmem:$0x11000] =	vst v63  }
0xff: {  	_ =	swait.ge [sflag:s10], $0x2000  }
0x100: {  	s1 =	sld [smem:$0x7F7]  }
0x101: {  	[sflag:s10] =	ssyncset.done $0x0  }
0x102: {  	[sflag:s10] =	ssyncadd.s32 $0xFFFFE000  }
0x103: {  	[tilespmem:s22], [sflag:$0x1] =	stream.indirect.gather [hbm4b:s3+s4], $0x40, s1, s4, $0xb8;
	[tilespmem:$0x11000] =	vst v63  }
0x104: {  	_ =	swait.ge [sflag:s21], $0x2000  }
0x105: {  	[sflag:s21] =	ssyncset.done $0x0  }
0x106: {  	s1 =	rddreg [dreg:$0x19];
	[sflag:s21] =	ssyncadd.s32 $0xFFFFE000  }
0x107: {  	[hbm4b:s1+s2] =	stream.linear.scatter [tilespmem:s6], [sflag:$0xE], $0x2000, $0x38;
	[tilespmem:$0x11000] =	vst v63  }
0x108: {  	_ =	swait.ge [sflag:s11], $0x2000  }
0x109: {  	s1 =	sld [smem:$0x7F8]  }
0x10a: {  	[sflag:s11] =	ssyncset.done $0x0  }
0x10b: {  	[sflag:s11] =	ssyncadd.s32 $0xFFFFE000  }
0x10c: {  	[tilespmem:s18], [sflag:$0x2] =	stream.indirect.gather [hbm4b:s3+s4], $0x40, s1, s4, $0xb8;
	[tilespmem:$0x11000] =	vst v63  }
0x10d: {  	_ =	swait.ge [sflag:s23], $0x2000  }
0x10e: {  	[sflag:s23] =	ssyncset.done $0x0  }
0x10f: {  	s1 =	rddreg [dreg:$0x1a];
	[sflag:s23] =	ssyncadd.s32 $0xFFFFE000  }
0x110: {  	[hbm4b:s1+s2] =	stream.linear.scatter [tilespmem:s7], [sflag:$0xF], $0x2000, $0x38;
	[tilespmem:$0x11000] =	vst v63  }
0x111: {  	_ =	swait.ge [sflag:s15], $0x2000  }
0x112: {  	s1 =	sld [smem:$0x7F9]  }
0x113: {  	[sflag:s15] =	ssyncset.done $0x0  }
0x114: {  	[sflag:s15] =	ssyncadd.s32 $0xFFFFE000  }
0x115: {  	[tilespmem:s13], [sflag:$0x3] =	stream.indirect.gather [hbm4b:s3+s4], $0x40, s1, s4, $0xb8;
	[tilespmem:$0x11000] =	vst v63  }
0x116: {  	_ =	swait.ge [sflag:s25], $0x2000  }
0x117: {  	[sflag:s25] =	ssyncset.done $0x0  }
0x118: {  	s1 =	rddreg [dreg:$0x1b];
	[sflag:s25] =	ssyncadd.s32 $0xFFFFE000  }
0x119: {  	[hbm4b:s1+s2] =	stream.linear.scatter [tilespmem:s9], [sflag:$0x10], $0x2000, $0x38;
	[tilespmem:$0x11000] =	vst v63  }
0x11a: {  	_ =	swait.ge [sflag:s19], $0x2000  }
0x11b: {  	s1 =	sld [smem:$0x7FA]  }
0x11c: {  	[sflag:s19] =	ssyncset.done $0x0  }
0x11d: {  	[sflag:s19] =	ssyncadd.s32 $0xFFFFE000  }
0x11e: {  	[tilespmem:s8], [sflag:$0x4] =	stream.indirect.gather [hbm4b:s3+s4], $0x40, s1, s4, $0xb8;
	[tilespmem:$0x11000] =	vst v63  }
0x11f: {  	_ =	swait.ge [sflag:s29], $0x2000  }
0x120: {  	[sflag:s29] =	ssyncset.done $0x0  }
0x121: {  	s1 =	rddreg [dreg:$0x1c];
	[sflag:s29] =	ssyncadd.s32 $0xFFFFE000  }
0x122: {  	[hbm4b:s1+s2] =	stream.linear.scatter [tilespmem:s22], [sflag:$0x9], $0x2000, $0x38;
	[tilespmem:$0x11000] =	vst v63  }
0x123: {  	_ =	swait.ge [sflag:s17], $0x2000  }
0x124: {  	s1 =	sld [smem:$0x7FB]  }
0x125: {  	[sflag:s17] =	ssyncset.done $0x0  }
0x126: {  	[sflag:s17] =	ssyncadd.s32 $0xFFFFE000  }
0x127: {  	[tilespmem:s5], [sflag:$0x5] =	stream.indirect.gather [hbm4b:s3+s4], $0x40, s1, s4, $0xb8;
	[tilespmem:$0x11000] =	vst v63  }
0x128: {  	_ =	swait.ge [sflag:s28], $0x2000  }
0x129: {  	[sflag:s28] =	ssyncset.done $0x0  }
0x12a: {  	s1 =	rddreg [dreg:$0x1d];
	[sflag:s28] =	ssyncadd.s32 $0xFFFFE000  }
0x12b: {  	[hbm4b:s1+s2] =	stream.linear.scatter [tilespmem:s18], [sflag:$0xA], $0x2000, $0x38;
	[tilespmem:$0x11000] =	vst v63  }
0x12c: {  	_ =	swait.ge [sflag:s16], $0x2000  }
0x12d: {  	s1 =	sld [smem:$0x7FC]  }
0x12e: {  	[sflag:s16] =	ssyncset.done $0x0  }
0x12f: {  	[sflag:s16] =	ssyncadd.s32 $0xFFFFE000  }
0x130: {  	[tilespmem:s6], [sflag:$0x6] =	stream.indirect.gather [hbm4b:s3+s4], $0x40, s1, s4, $0xb8;
	[tilespmem:$0x11000] =	vst v63  }
0x131: {  	_ =	swait.ge [sflag:s26], $0x2000  }
0x132: {  	[sflag:s26] =	ssyncset.done $0x0  }
0x133: {  	s1 =	rddreg [dreg:$0x1e];
	[sflag:s26] =	ssyncadd.s32 $0xFFFFE000  }
0x134: {  	[hbm4b:s1+s2] =	stream.linear.scatter [tilespmem:s13], [sflag:$0xB], $0x2000, $0x38;
	[tilespmem:$0x11000] =	vst v63  }
0x135: {  	_ =	swait.ge [sflag:s14], $0x2000  }
0x136: {  	s1 =	sld [smem:$0x7FD]  }
0x137: {  	[sflag:s14] =	ssyncset.done $0x0  }
0x138: {  	[sflag:s14] =	ssyncadd.s32 $0xFFFFE000  }
0x139: {  	[tilespmem:s7], [sflag:$0x7] =	stream.indirect.gather [hbm4b:s3+s4], $0x40, s1, s4, $0xb8;
	[tilespmem:$0x11000] =	vst v63  }
0x13a: {  	_ =	swait.ge [sflag:s24], $0x2000  }
0x13b: {  	[sflag:s24] =	ssyncset.done $0x0  }
0x13c: {  	s1 =	rddreg [dreg:$0x1f];
	[sflag:s24] =	ssyncadd.s32 $0xFFFFE000  }
0x13d: {  	[hbm4b:s1+s2] =	stream.linear.scatter [tilespmem:s8], [sflag:$0xC], $0x2000, $0x38;
	[tilespmem:$0x11000] =	vst v63  }
0x13e: {  	_ =	swait.ge [sflag:s12], $0x2000  }
0x13f: {  	[sflag:s12] =	ssyncset.done $0x0  }
0x140: {  	s1 =	simm.s32 $0xF80;
	[sflag:s12] =	ssyncadd.s32 $0xFFFFE000  }
0x141: {  	[tilespmem:s9], [sflag:$0x8] =	stream.indirect.gather [hbm4b:s3+s4], $0x40, s1, s4, $0xb8;
	[tilespmem:$0x11000] =	vst v63  }
0x142: {  	_ =	swait.ge [sflag:s20], $0x2000  }
0x143: {  	s1 =	sld [smem:$0x7DD]  }
0x144: {  	[sflag:s20] =	ssyncset.done $0x0  }
0x145: {  	[sflag:s20] =	ssyncadd.s32 $0xFFFFE000  }
0x146: {  	[hbm4b:s1+s2] =	stream.linear.scatter [tilespmem:s5], [sflag:$0xD], $0x2000, $0x38;
	[tilespmem:$0x11000] =	vst v63  }
0x147: {  	_ =	swait.ge [sflag:s21], $0x2000  }
0x148: {  	s1 =	sld [smem:$0x7DE]  }
0x149: {  	[sflag:s21] =	ssyncset.done $0x0  }
0x14a: {  	[sflag:s21] =	ssyncadd.s32 $0xFFFFE000  }
0x14b: {  	[hbm4b:s1+s2] =	stream.linear.scatter [tilespmem:s6], [sflag:$0xE], $0x2000, $0x38;
	[tilespmem:$0x11000] =	vst v63  }
0x14c: {  	_ =	swait.ge [sflag:s23], $0x2000  }
0x14d: {  	s1 =	sld [smem:$0x7DF]  }
0x14e: {  	[sflag:s23] =	ssyncset.done $0x0  }
0x14f: {  	[sflag:s23] =	ssyncadd.s32 $0xFFFFE000  }
0x150: {  	[hbm4b:s1+s2] =	stream.linear.scatter [tilespmem:s7], [sflag:$0xF], $0x2000, $0x38;
	[tilespmem:$0x11000] =	vst v63  }
0x151: {  	_ =	swait.ge [sflag:s25], $0x2000  }
0x152: {  	s1 =	sld [smem:$0x7E0]  }
0x153: {  	[sflag:s25] =	ssyncset.done $0x0  }
0x154: {  	[sflag:s25] =	ssyncadd.s32 $0xFFFFE000  }
0x155: {  	[hbm4b:s1+s2] =	stream.linear.scatter [tilespmem:s9], [sflag:$0x10], $0x2000, $0x38;
	[tilespmem:$0x11000] =	vst v63  }
0x156: {  	_ =	swait.ge [sflag:s10], $0x2000  }
0x157: {  	[sflag:s10] =	ssyncset.done $0x0  }
0x158: {  	[sflag:s10] =	ssyncadd.s32 $0xFFFFE000  }
0x159: {  	_ =	swait.ge [sflag:s11], $0x2000  }
0x15a: {  	[sflag:s11] =	ssyncset.done $0x0  }
0x15b: {  	[sflag:s11] =	ssyncadd.s32 $0xFFFFE000  }
0x15c: {  	_ =	swait.ge [sflag:s15], $0x2000  }
0x15d: {  	[sflag:s15] =	ssyncset.done $0x0  }
0x15e: {  	[sflag:s15] =	ssyncadd.s32 $0xFFFFE000  }
0x15f: {  	_ =	swait.ge [sflag:s19], $0x2000  }
0x160: {  	[sflag:s19] =	ssyncset.done $0x0  }
0x161: {  	[sflag:s19] =	ssyncadd.s32 $0xFFFFE000  }
0x162: {  	_ =	swait.ge [sflag:s17], $0x2000  }
0x163: {  	[sflag:s17] =	ssyncset.done $0x0  }
0x164: {  	[sflag:s17] =	ssyncadd.s32 $0xFFFFE000  }
0x165: {  	_ =	swait.ge [sflag:s16], $0x2000  }
0x166: {  	[sflag:s16] =	ssyncset.done $0x0  }
0x167: {  	p1 =	sne.s32 s30, $0x1;
	[sflag:s16] =	ssyncadd.s32 $0xFFFFE000  }
.Ltmp1:
0x168: {  	_ =	swait.ge [sflag:s14], $0x2000;
	(pc) =	sbr.rel @!p1 .LBB2_2-.Ltmp1, $4  }
0x169: {  	[sflag:s14] =	ssyncset.done $0x0  }
0x16a: {  	[sflag:s14] =	ssyncadd.s32 $0xFFFFE000  }
0x16b: {  	p0 =	por $0x1, $0x1;
	_ =	swait.ge [sflag:s12], $0x2000  }
0x16c: {  	s1 =	sadd.s32 $0xFFFFFFFF, s30;
	s0 =	rddreg [dreg:$0x3];
	[sflag:s12] =	ssyncset.done $0x0  }
.LBB2_3:
0x16d: {  	[sflag:s12] =	ssyncadd.s32 $0xFFFFE000  }
0x16e: {  	[tilespmem:s2], [sflag:$0x11] =	stream.linear.gather [hbm4b:s0+s2], $0x1000, $0x38;
	[tilespmem:$0x11000] =	vst v63  }
0x16f: {  	_ =	swait.ge [sflag:s31], $0x1000  }
0x170: {  	[sflag:s31] =	ssyncset.done $0x0  }
0x171: {  	[sflag:s31] =	ssyncadd.s32 $0xFFFFF000  }
0x172: {  	[tilespmem:s22], [sflag:$0x1] =	stream.indirect.gather [hbm4b:s3+s4], $0x40, s2, s4, $0xb8;
	[tilespmem:$0x11000] =	vst v63  }
0x173: {  	s0 =	sld [smem:$0x7E1]  }
0x174: {  	[tilespmem:s18], [sflag:$0x2] =	stream.indirect.gather [hbm4b:s3+s4], $0x40, s4, s4, $0xb8;
	[tilespmem:$0x11000] =	vst v63  }
0x175: {  	s30 =	sld [smem:$0x7E2]  }
0x176: {  	[tilespmem:s13], [sflag:$0x3] =	stream.indirect.gather [hbm4b:s3+s4], $0x40, s0, s4, $0xb8;
	[tilespmem:$0x11000] =	vst v63  }
0x177: {  	_ = 	snop  }
0x178: {  	[tilespmem:s8], [sflag:$0x4] =	stream.indirect.gather [hbm4b:s3+s4], $0x40, s30, s4, $0xb8;
	[tilespmem:$0x11000] =	vst v63  }
0x179: {  	_ =	swait.ge [sflag:s29], $0x2000  }
0x17a: {  	s0 =	rddreg [dreg:$0x4];
	[sflag:s29] =	ssyncset.done $0x0  }
0x17b: {  	s30 =	sld [smem:$0x7E3];
	[sflag:s29] =	ssyncadd.s32 $0xFFFFE000  }
0x17c: {  	[hbm4b:s0+s2] =	stream.linear.scatter [tilespmem:s22], [sflag:$0x9], $0x2000, $0x38;
	[tilespmem:$0x11000] =	vst v63  }
0x17d: {  	_ = 	snop  }
0x17e: {  	[tilespmem:s5], [sflag:$0x5] =	stream.indirect.gather [hbm4b:s3+s4], $0x40, s30, s4, $0xb8;
	[tilespmem:$0x11000] =	vst v63  }
0x17f: {  	_ =	swait.ge [sflag:s28], $0x2000  }
0x180: {  	s0 =	rddreg [dreg:$0x5];
	[sflag:s28] =	ssyncset.done $0x0  }
0x181: {  	s30 =	sld [smem:$0x7E4];
	[sflag:s28] =	ssyncadd.s32 $0xFFFFE000  }
0x182: {  	[hbm4b:s0+s2] =	stream.linear.scatter [tilespmem:s18], [sflag:$0xA], $0x2000, $0x38;
	[tilespmem:$0x11000] =	vst v63  }
0x183: {  	_ = 	snop  }
0x184: {  	[tilespmem:s6], [sflag:$0x6] =	stream.indirect.gather [hbm4b:s3+s4], $0x40, s30, s4, $0xb8;
	[tilespmem:$0x11000] =	vst v63  }
0x185: {  	_ =	swait.ge [sflag:s26], $0x2000  }
0x186: {  	s0 =	rddreg [dreg:$0x6];
	[sflag:s26] =	ssyncset.done $0x0  }
0x187: {  	s30 =	sld [smem:$0x7E5];
	[sflag:s26] =	ssyncadd.s32 $0xFFFFE000  }
0x188: {  	[hbm4b:s0+s2] =	stream.linear.scatter [tilespmem:s13], [sflag:$0xB], $0x2000, $0x38;
	[tilespmem:$0x11000] =	vst v63  }
0x189: {  	_ = 	snop  }
0x18a: {  	[tilespmem:s7], [sflag:$0x7] =	stream.indirect.gather [hbm4b:s3+s4], $0x40, s30, s4, $0xb8;
	[tilespmem:$0x11000] =	vst v63  }
0x18b: {  	_ =	swait.ge [sflag:s24], $0x2000  }
0x18c: {  	s0 =	rddreg [dreg:$0x7];
	[sflag:s24] =	ssyncset.done $0x0  }
0x18d: {  	s30 =	sld [smem:$0x7E6];
	[sflag:s24] =	ssyncadd.s32 $0xFFFFE000  }
0x18e: {  	[hbm4b:s0+s2] =	stream.linear.scatter [tilespmem:s8], [sflag:$0xC], $0x2000, $0x38;
	[tilespmem:$0x11000] =	vst v63  }
0x18f: {  	_ = 	snop  }
0x190: {  	[tilespmem:s9], [sflag:$0x8] =	stream.indirect.gather [hbm4b:s3+s4], $0x40, s30, s4, $0xb8;
	[tilespmem:$0x11000] =	vst v63  }
0x191: {  	_ =	swait.ge [sflag:s20], $0x2000  }
0x192: {  	[sflag:s20] =	ssyncset.done $0x0  }
0x193: {  	s30 =	rddreg [dreg:$0x8];
	[sflag:s20] =	ssyncadd.s32 $0xFFFFE000  }
0x194: {  	[hbm4b:s30+s2] =	stream.linear.scatter [tilespmem:s5], [sflag:$0xD], $0x2000, $0x38;
	[tilespmem:$0x11000] =	vst v63  }
0x195: {  	_ =	swait.ge [sflag:s10], $0x2000  }
0x196: {  	s30 =	sld [smem:$0x7E7]  }
0x197: {  	[sflag:s10] =	ssyncset.done $0x0  }
0x198: {  	[sflag:s10] =	ssyncadd.s32 $0xFFFFE000  }
0x199: {  	[tilespmem:s22], [sflag:$0x1] =	stream.indirect.gather [hbm4b:s3+s4], $0x40, s30, s4, $0xb8;
	[tilespmem:$0x11000] =	vst v63  }
0x19a: {  	_ =	swait.ge [sflag:s21], $0x2000  }
0x19b: {  	[sflag:s21] =	ssyncset.done $0x0  }
0x19c: {  	s30 =	rddreg [dreg:$0x9];
	[sflag:s21] =	ssyncadd.s32 $0xFFFFE000  }
0x19d: {  	[hbm4b:s30+s2] =	stream.linear.scatter [tilespmem:s6], [sflag:$0xE], $0x2000, $0x38;
	[tilespmem:$0x11000] =	vst v63  }
0x19e: {  	_ =	swait.ge [sflag:s11], $0x2000  }
0x19f: {  	s30 =	sld [smem:$0x7E8]  }
0x1a0: {  	[sflag:s11] =	ssyncset.done $0x0  }
0x1a1: {  	[sflag:s11] =	ssyncadd.s32 $0xFFFFE000  }
0x1a2: {  	[tilespmem:s18], [sflag:$0x2] =	stream.indirect.gather [hbm4b:s3+s4], $0x40, s30, s4, $0xb8;
	[tilespmem:$0x11000] =	vst v63  }
0x1a3: {  	_ =	swait.ge [sflag:s23], $0x2000  }
0x1a4: {  	[sflag:s23] =	ssyncset.done $0x0  }
0x1a5: {  	s30 =	rddreg [dreg:$0xa];
	[sflag:s23] =	ssyncadd.s32 $0xFFFFE000  }
0x1a6: {  	[hbm4b:s30+s2] =	stream.linear.scatter [tilespmem:s7], [sflag:$0xF], $0x2000, $0x38;
	[tilespmem:$0x11000] =	vst v63  }
0x1a7: {  	_ =	swait.ge [sflag:s15], $0x2000  }
0x1a8: {  	s30 =	sld [smem:$0x7E9]  }
0x1a9: {  	[sflag:s15] =	ssyncset.done $0x0  }
0x1aa: {  	[sflag:s15] =	ssyncadd.s32 $0xFFFFE000  }
0x1ab: {  	[tilespmem:s13], [sflag:$0x3] =	stream.indirect.gather [hbm4b:s3+s4], $0x40, s30, s4, $0xb8;
	[tilespmem:$0x11000] =	vst v63  }
0x1ac: {  	_ =	swait.ge [sflag:s25], $0x2000  }
0x1ad: {  	[sflag:s25] =	ssyncset.done $0x0  }
0x1ae: {  	s30 =	rddreg [dreg:$0xb];
	[sflag:s25] =	ssyncadd.s32 $0xFFFFE000  }
0x1af: {  	[hbm4b:s30+s2] =	stream.linear.scatter [tilespmem:s9], [sflag:$0x10], $0x2000, $0x38;
	[tilespmem:$0x11000] =	vst v63  }
0x1b0: {  	_ =	swait.ge [sflag:s19], $0x2000  }
0x1b1: {  	s30 =	sld [smem:$0x7EA]  }
0x1b2: {  	[sflag:s19] =	ssyncset.done $0x0  }
0x1b3: {  	[sflag:s19] =	ssyncadd.s32 $0xFFFFE000  }
0x1b4: {  	[tilespmem:s8], [sflag:$0x4] =	stream.indirect.gather [hbm4b:s3+s4], $0x40, s30, s4, $0xb8;
	[tilespmem:$0x11000] =	vst v63  }
0x1b5: {  	_ =	swait.ge [sflag:s29], $0x2000  }
0x1b6: {  	[sflag:s29] =	ssyncset.done $0x0  }
0x1b7: {  	s30 =	rddreg [dreg:$0xc];
	[sflag:s29] =	ssyncadd.s32 $0xFFFFE000  }
0x1b8: {  	[hbm4b:s30+s2] =	stream.linear.scatter [tilespmem:s22], [sflag:$0x9], $0x2000, $0x38;
	[tilespmem:$0x11000] =	vst v63  }
0x1b9: {  	_ =	swait.ge [sflag:s17], $0x2000  }
0x1ba: {  	s30 =	sld [smem:$0x7EB]  }
0x1bb: {  	[sflag:s17] =	ssyncset.done $0x0  }
0x1bc: {  	[sflag:s17] =	ssyncadd.s32 $0xFFFFE000  }
0x1bd: {  	[tilespmem:s5], [sflag:$0x5] =	stream.indirect.gather [hbm4b:s3+s4], $0x40, s30, s4, $0xb8;
	[tilespmem:$0x11000] =	vst v63  }
0x1be: {  	_ =	swait.ge [sflag:s28], $0x2000  }
0x1bf: {  	[sflag:s28] =	ssyncset.done $0x0  }
0x1c0: {  	s30 =	rddreg [dreg:$0xd];
	[sflag:s28] =	ssyncadd.s32 $0xFFFFE000  }
0x1c1: {  	[hbm4b:s30+s2] =	stream.linear.scatter [tilespmem:s18], [sflag:$0xA], $0x2000, $0x38;
	[tilespmem:$0x11000] =	vst v63  }
0x1c2: {  	_ =	swait.ge [sflag:s16], $0x2000  }
0x1c3: {  	s30 =	sld [smem:$0x7EC]  }
0x1c4: {  	[sflag:s16] =	ssyncset.done $0x0  }
0x1c5: {  	[sflag:s16] =	ssyncadd.s32 $0xFFFFE000  }
0x1c6: {  	[tilespmem:s6], [sflag:$0x6] =	stream.indirect.gather [hbm4b:s3+s4], $0x40, s30, s4, $0xb8;
	[tilespmem:$0x11000] =	vst v63  }
0x1c7: {  	_ =	swait.ge [sflag:s26], $0x2000  }
0x1c8: {  	[sflag:s26] =	ssyncset.done $0x0  }
0x1c9: {  	s30 =	rddreg [dreg:$0xe];
	[sflag:s26] =	ssyncadd.s32 $0xFFFFE000  }
0x1ca: {  	[hbm4b:s30+s2] =	stream.linear.scatter [tilespmem:s13], [sflag:$0xB], $0x2000, $0x38;
	[tilespmem:$0x11000] =	vst v63  }
0x1cb: {  	_ =	swait.ge [sflag:s14], $0x2000  }
0x1cc: {  	s30 =	sld [smem:$0x7ED]  }
0x1cd: {  	[sflag:s14] =	ssyncset.done $0x0  }
0x1ce: {  	[sflag:s14] =	ssyncadd.s32 $0xFFFFE000  }
0x1cf: {  	[tilespmem:s7], [sflag:$0x7] =	stream.indirect.gather [hbm4b:s3+s4], $0x40, s30, s4, $0xb8;
	[tilespmem:$0x11000] =	vst v63  }
0x1d0: {  	_ =	swait.ge [sflag:s24], $0x2000  }
0x1d1: {  	[sflag:s24] =	ssyncset.done $0x0  }
0x1d2: {  	s30 =	rddreg [dreg:$0xf];
	[sflag:s24] =	ssyncadd.s32 $0xFFFFE000  }
0x1d3: {  	[hbm4b:s30+s2] =	stream.linear.scatter [tilespmem:s8], [sflag:$0xC], $0x2000, $0x38;
	[tilespmem:$0x11000] =	vst v63  }
0x1d4: {  	_ =	swait.ge [sflag:s12], $0x2000  }
0x1d5: {  	s30 =	sld [smem:$0x7EE]  }
0x1d6: {  	[sflag:s12] =	ssyncset.done $0x0  }
0x1d7: {  	[sflag:s12] =	ssyncadd.s32 $0xFFFFE000  }
0x1d8: {  	[tilespmem:s9], [sflag:$0x8] =	stream.indirect.gather [hbm4b:s3+s4], $0x40, s30, s4, $0xb8;
	[tilespmem:$0x11000] =	vst v63  }
0x1d9: {  	_ =	swait.ge [sflag:s20], $0x2000  }
0x1da: {  	[sflag:s20] =	ssyncset.done $0x0  }
0x1db: {  	s30 =	rddreg [dreg:$0x10];
	[sflag:s20] =	ssyncadd.s32 $0xFFFFE000  }
0x1dc: {  	[hbm4b:s30+s2] =	stream.linear.scatter [tilespmem:s5], [sflag:$0xD], $0x2000, $0x38;
	[tilespmem:$0x11000] =	vst v63  }
0x1dd: {  	_ =	swait.ge [sflag:s10], $0x2000  }
0x1de: {  	s30 =	sld [smem:$0x7EF]  }
0x1df: {  	[sflag:s10] =	ssyncset.done $0x0  }
0x1e0: {  	[sflag:s10] =	ssyncadd.s32 $0xFFFFE000  }
0x1e1: {  	[tilespmem:s22], [sflag:$0x1] =	stream.indirect.gather [hbm4b:s3+s4], $0x40, s30, s4, $0xb8;
	[tilespmem:$0x11000] =	vst v63  }
0x1e2: {  	_ =	swait.ge [sflag:s21], $0x2000  }
0x1e3: {  	[sflag:s21] =	ssyncset.done $0x0  }
0x1e4: {  	s30 =	rddreg [dreg:$0x11];
	[sflag:s21] =	ssyncadd.s32 $0xFFFFE000  }
0x1e5: {  	[hbm4b:s30+s2] =	stream.linear.scatter [tilespmem:s6], [sflag:$0xE], $0x2000, $0x38;
	[tilespmem:$0x11000] =	vst v63  }
0x1e6: {  	_ =	swait.ge [sflag:s11], $0x2000  }
0x1e7: {  	s30 =	sld [smem:$0x7F0]  }
0x1e8: {  	[sflag:s11] =	ssyncset.done $0x0  }
0x1e9: {  	[sflag:s11] =	ssyncadd.s32 $0xFFFFE000  }
0x1ea: {  	[tilespmem:s18], [sflag:$0x2] =	stream.indirect.gather [hbm4b:s3+s4], $0x40, s30, s4, $0xb8;
	[tilespmem:$0x11000] =	vst v63  }
0x1eb: {  	_ =	swait.ge [sflag:s23], $0x2000  }
0x1ec: {  	[sflag:s23] =	ssyncset.done $0x0  }
0x1ed: {  	s30 =	rddreg [dreg:$0x12];
	[sflag:s23] =	ssyncadd.s32 $0xFFFFE000  }
0x1ee: {  	[hbm4b:s30+s2] =	stream.linear.scatter [tilespmem:s7], [sflag:$0xF], $0x2000, $0x38;
	[tilespmem:$0x11000] =	vst v63  }
0x1ef: {  	_ =	swait.ge [sflag:s15], $0x2000  }
0x1f0: {  	s30 =	sld [smem:$0x7F1]  }
0x1f1: {  	[sflag:s15] =	ssyncset.done $0x0  }
0x1f2: {  	[sflag:s15] =	ssyncadd.s32 $0xFFFFE000  }
0x1f3: {  	[tilespmem:s13], [sflag:$0x3] =	stream.indirect.gather [hbm4b:s3+s4], $0x40, s30, s4, $0xb8;
	[tilespmem:$0x11000] =	vst v63  }
0x1f4: {  	_ =	swait.ge [sflag:s25], $0x2000  }
0x1f5: {  	[sflag:s25] =	ssyncset.done $0x0  }
0x1f6: {  	s30 =	rddreg [dreg:$0x13];
	[sflag:s25] =	ssyncadd.s32 $0xFFFFE000  }
0x1f7: {  	[hbm4b:s30+s2] =	stream.linear.scatter [tilespmem:s9], [sflag:$0x10], $0x2000, $0x38;
	[tilespmem:$0x11000] =	vst v63  }
0x1f8: {  	_ =	swait.ge [sflag:s19], $0x2000  }
0x1f9: {  	s30 =	sld [smem:$0x7F2]  }
0x1fa: {  	[sflag:s19] =	ssyncset.done $0x0  }
0x1fb: {  	[sflag:s19] =	ssyncadd.s32 $0xFFFFE000  }
0x1fc: {  	[tilespmem:s8], [sflag:$0x4] =	stream.indirect.gather [hbm4b:s3+s4], $0x40, s30, s4, $0xb8;
	[tilespmem:$0x11000] =	vst v63  }
0x1fd: {  	_ =	swait.ge [sflag:s29], $0x2000  }
0x1fe: {  	[sflag:s29] =	ssyncset.done $0x0  }
0x1ff: {  	s30 =	rddreg [dreg:$0x14];
	[sflag:s29] =	ssyncadd.s32 $0xFFFFE000  }
0x200: {  	[hbm4b:s30+s2] =	stream.linear.scatter [tilespmem:s22], [sflag:$0x9], $0x2000, $0x38;
	[tilespmem:$0x11000] =	vst v63  }
0x201: {  	_ =	swait.ge [sflag:s17], $0x2000  }
0x202: {  	s30 =	sld [smem:$0x7F3]  }
0x203: {  	[sflag:s17] =	ssyncset.done $0x0  }
0x204: {  	[sflag:s17] =	ssyncadd.s32 $0xFFFFE000  }
0x205: {  	[tilespmem:s5], [sflag:$0x5] =	stream.indirect.gather [hbm4b:s3+s4], $0x40, s30, s4, $0xb8;
	[tilespmem:$0x11000] =	vst v63  }
0x206: {  	_ =	swait.ge [sflag:s28], $0x2000  }
0x207: {  	[sflag:s28] =	ssyncset.done $0x0  }
0x208: {  	s30 =	rddreg [dreg:$0x15];
	[sflag:s28] =	ssyncadd.s32 $0xFFFFE000  }
0x209: {  	[hbm4b:s30+s2] =	stream.linear.scatter [tilespmem:s18], [sflag:$0xA], $0x2000, $0x38;
	[tilespmem:$0x11000] =	vst v63  }
0x20a: {  	_ =	swait.ge [sflag:s16], $0x2000  }
0x20b: {  	s30 =	sld [smem:$0x7F4]  }
0x20c: {  	[sflag:s16] =	ssyncset.done $0x0  }
0x20d: {  	[sflag:s16] =	ssyncadd.s32 $0xFFFFE000  }
0x20e: {  	[tilespmem:s6], [sflag:$0x6] =	stream.indirect.gather [hbm4b:s3+s4], $0x40, s30, s4, $0xb8;
	[tilespmem:$0x11000] =	vst v63  }
0x20f: {  	_ =	swait.ge [sflag:s26], $0x2000  }
0x210: {  	[sflag:s26] =	ssyncset.done $0x0  }
0x211: {  	s30 =	rddreg [dreg:$0x16];
	[sflag:s26] =	ssyncadd.s32 $0xFFFFE000  }
0x212: {  	[hbm4b:s30+s2] =	stream.linear.scatter [tilespmem:s13], [sflag:$0xB], $0x2000, $0x38;
	[tilespmem:$0x11000] =	vst v63  }
0x213: {  	_ =	swait.ge [sflag:s14], $0x2000  }
0x214: {  	s30 =	sld [smem:$0x7F5]  }
0x215: {  	[sflag:s14] =	ssyncset.done $0x0  }
0x216: {  	[sflag:s14] =	ssyncadd.s32 $0xFFFFE000  }
0x217: {  	[tilespmem:s7], [sflag:$0x7] =	stream.indirect.gather [hbm4b:s3+s4], $0x40, s30, s4, $0xb8;
	[tilespmem:$0x11000] =	vst v63  }
0x218: {  	_ =	swait.ge [sflag:s24], $0x2000  }
0x219: {  	[sflag:s24] =	ssyncset.done $0x0  }
0x21a: {  	s30 =	rddreg [dreg:$0x17];
	[sflag:s24] =	ssyncadd.s32 $0xFFFFE000  }
0x21b: {  	[hbm4b:s30+s2] =	stream.linear.scatter [tilespmem:s8], [sflag:$0xC], $0x2000, $0x38;
	[tilespmem:$0x11000] =	vst v63  }
0x21c: {  	_ =	swait.ge [sflag:s12], $0x2000  }
0x21d: {  	s30 =	sld [smem:$0x7F6]  }
0x21e: {  	[sflag:s12] =	ssyncset.done $0x0  }
0x21f: {  	[sflag:s12] =	ssyncadd.s32 $0xFFFFE000  }
0x220: {  	[tilespmem:s9], [sflag:$0x8] =	stream.indirect.gather [hbm4b:s3+s4], $0x40, s30, s4, $0xb8;
	[tilespmem:$0x11000] =	vst v63  }
0x221: {  	_ =	swait.ge [sflag:s20], $0x2000  }
0x222: {  	[sflag:s20] =	ssyncset.done $0x0  }
0x223: {  	s30 =	rddreg [dreg:$0x18];
	[sflag:s20] =	ssyncadd.s32 $0xFFFFE000  }
0x224: {  	[hbm4b:s30+s2] =	stream.linear.scatter [tilespmem:s5], [sflag:$0xD], $0x2000, $0x38;
	[tilespmem:$0x11000] =	vst v63  }
0x225: {  	_ =	swait.ge [sflag:s10], $0x2000  }
0x226: {  	s30 =	sld [smem:$0x7F7]  }
0x227: {  	[sflag:s10] =	ssyncset.done $0x0  }
0x228: {  	[sflag:s10] =	ssyncadd.s32 $0xFFFFE000  }
0x229: {  	[tilespmem:s22], [sflag:$0x1] =	stream.indirect.gather [hbm4b:s3+s4], $0x40, s30, s4, $0xb8;
	[tilespmem:$0x11000] =	vst v63  }
0x22a: {  	_ =	swait.ge [sflag:s21], $0x2000  }
0x22b: {  	[sflag:s21] =	ssyncset.done $0x0  }
0x22c: {  	s30 =	rddreg [dreg:$0x19];
	[sflag:s21] =	ssyncadd.s32 $0xFFFFE000  }
0x22d: {  	[hbm4b:s30+s2] =	stream.linear.scatter [tilespmem:s6], [sflag:$0xE], $0x2000, $0x38;
	[tilespmem:$0x11000] =	vst v63  }
0x22e: {  	_ =	swait.ge [sflag:s11], $0x2000  }
0x22f: {  	s30 =	sld [smem:$0x7F8]  }
0x230: {  	[sflag:s11] =	ssyncset.done $0x0  }
0x231: {  	[sflag:s11] =	ssyncadd.s32 $0xFFFFE000  }
0x232: {  	[tilespmem:s18], [sflag:$0x2] =	stream.indirect.gather [hbm4b:s3+s4], $0x40, s30, s4, $0xb8;
	[tilespmem:$0x11000] =	vst v63  }
0x233: {  	_ =	swait.ge [sflag:s23], $0x2000  }
0x234: {  	[sflag:s23] =	ssyncset.done $0x0  }
0x235: {  	s30 =	rddreg [dreg:$0x1a];
	[sflag:s23] =	ssyncadd.s32 $0xFFFFE000  }
0x236: {  	[hbm4b:s30+s2] =	stream.linear.scatter [tilespmem:s7], [sflag:$0xF], $0x2000, $0x38;
	[tilespmem:$0x11000] =	vst v63  }
0x237: {  	_ =	swait.ge [sflag:s15], $0x2000  }
0x238: {  	s30 =	sld [smem:$0x7F9]  }
0x239: {  	[sflag:s15] =	ssyncset.done $0x0  }
0x23a: {  	[sflag:s15] =	ssyncadd.s32 $0xFFFFE000  }
0x23b: {  	[tilespmem:s13], [sflag:$0x3] =	stream.indirect.gather [hbm4b:s3+s4], $0x40, s30, s4, $0xb8;
	[tilespmem:$0x11000] =	vst v63  }
0x23c: {  	_ =	swait.ge [sflag:s25], $0x2000  }
0x23d: {  	[sflag:s25] =	ssyncset.done $0x0  }
0x23e: {  	s30 =	rddreg [dreg:$0x1b];
	[sflag:s25] =	ssyncadd.s32 $0xFFFFE000  }
0x23f: {  	[hbm4b:s30+s2] =	stream.linear.scatter [tilespmem:s9], [sflag:$0x10], $0x2000, $0x38;
	[tilespmem:$0x11000] =	vst v63  }
0x240: {  	_ =	swait.ge [sflag:s19], $0x2000  }
0x241: {  	s30 =	sld [smem:$0x7FA]  }
0x242: {  	[sflag:s19] =	ssyncset.done $0x0  }
0x243: {  	[sflag:s19] =	ssyncadd.s32 $0xFFFFE000  }
0x244: {  	[tilespmem:s8], [sflag:$0x4] =	stream.indirect.gather [hbm4b:s3+s4], $0x40, s30, s4, $0xb8;
	[tilespmem:$0x11000] =	vst v63  }
0x245: {  	_ =	swait.ge [sflag:s29], $0x2000  }
0x246: {  	[sflag:s29] =	ssyncset.done $0x0  }
0x247: {  	s30 =	rddreg [dreg:$0x1c];
	[sflag:s29] =	ssyncadd.s32 $0xFFFFE000  }
0x248: {  	[hbm4b:s30+s2] =	stream.linear.scatter [tilespmem:s22], [sflag:$0x9], $0x2000, $0x38;
	[tilespmem:$0x11000] =	vst v63  }
0x249: {  	_ =	swait.ge [sflag:s17], $0x2000  }
0x24a: {  	s30 =	sld [smem:$0x7FB]  }
0x24b: {  	[sflag:s17] =	ssyncset.done $0x0  }
0x24c: {  	[sflag:s17] =	ssyncadd.s32 $0xFFFFE000  }
0x24d: {  	[tilespmem:s5], [sflag:$0x5] =	stream.indirect.gather [hbm4b:s3+s4], $0x40, s30, s4, $0xb8;
	[tilespmem:$0x11000] =	vst v63  }
0x24e: {  	_ =	swait.ge [sflag:s28], $0x2000  }
0x24f: {  	[sflag:s28] =	ssyncset.done $0x0  }
0x250: {  	s30 =	rddreg [dreg:$0x1d];
	[sflag:s28] =	ssyncadd.s32 $0xFFFFE000  }
0x251: {  	[hbm4b:s30+s2] =	stream.linear.scatter [tilespmem:s18], [sflag:$0xA], $0x2000, $0x38;
	[tilespmem:$0x11000] =	vst v63  }
0x252: {  	_ =	swait.ge [sflag:s16], $0x2000  }
0x253: {  	s30 =	sld [smem:$0x7FC]  }
0x254: {  	[sflag:s16] =	ssyncset.done $0x0  }
0x255: {  	[sflag:s16] =	ssyncadd.s32 $0xFFFFE000  }
0x256: {  	[tilespmem:s6], [sflag:$0x6] =	stream.indirect.gather [hbm4b:s3+s4], $0x40, s30, s4, $0xb8;
	[tilespmem:$0x11000] =	vst v63  }
0x257: {  	_ =	swait.ge [sflag:s26], $0x2000  }
0x258: {  	[sflag:s26] =	ssyncset.done $0x0  }
0x259: {  	s30 =	rddreg [dreg:$0x1e];
	[sflag:s26] =	ssyncadd.s32 $0xFFFFE000  }
0x25a: {  	[hbm4b:s30+s2] =	stream.linear.scatter [tilespmem:s13], [sflag:$0xB], $0x2000, $0x38;
	[tilespmem:$0x11000] =	vst v63  }
0x25b: {  	_ =	swait.ge [sflag:s14], $0x2000  }
0x25c: {  	s30 =	sld [smem:$0x7FD]  }
0x25d: {  	[sflag:s14] =	ssyncset.done $0x0  }
0x25e: {  	[sflag:s14] =	ssyncadd.s32 $0xFFFFE000  }
0x25f: {  	[tilespmem:s7], [sflag:$0x7] =	stream.indirect.gather [hbm4b:s3+s4], $0x40, s30, s4, $0xb8;
	[tilespmem:$0x11000] =	vst v63  }
0x260: {  	_ =	swait.ge [sflag:s24], $0x2000  }
0x261: {  	[sflag:s24] =	ssyncset.done $0x0  }
0x262: {  	s30 =	rddreg [dreg:$0x1f];
	[sflag:s24] =	ssyncadd.s32 $0xFFFFE000  }
0x263: {  	[hbm4b:s30+s2] =	stream.linear.scatter [tilespmem:s8], [sflag:$0xC], $0x2000, $0x38;
	[tilespmem:$0x11000] =	vst v63  }
0x264: {  	_ =	swait.ge [sflag:s12], $0x2000  }
0x265: {  	[sflag:s12] =	ssyncset.done $0x0  }
0x266: {  	s30 =	simm.s32 $0xF80;
	[sflag:s12] =	ssyncadd.s32 $0xFFFFE000  }
0x267: {  	[tilespmem:s9], [sflag:$0x8] =	stream.indirect.gather [hbm4b:s3+s4], $0x40, s30, s4, $0xb8;
	[tilespmem:$0x11000] =	vst v63  }
0x268: {  	_ =	swait.ge [sflag:s20], $0x2000  }
0x269: {  	s30 =	sld [smem:$0x7DD]  }
0x26a: {  	[sflag:s20] =	ssyncset.done $0x0  }
0x26b: {  	[sflag:s20] =	ssyncadd.s32 $0xFFFFE000  }
0x26c: {  	[hbm4b:s30+s2] =	stream.linear.scatter [tilespmem:s5], [sflag:$0xD], $0x2000, $0x38;
	[tilespmem:$0x11000] =	vst v63  }
0x26d: {  	_ =	swait.ge [sflag:s21], $0x2000  }
0x26e: {  	s30 =	sld [smem:$0x7DE]  }
0x26f: {  	[sflag:s21] =	ssyncset.done $0x0  }
0x270: {  	[sflag:s21] =	ssyncadd.s32 $0xFFFFE000  }
0x271: {  	[hbm4b:s30+s2] =	stream.linear.scatter [tilespmem:s6], [sflag:$0xE], $0x2000, $0x38;
	[tilespmem:$0x11000] =	vst v63  }
0x272: {  	_ =	swait.ge [sflag:s23], $0x2000  }
0x273: {  	s30 =	sld [smem:$0x7DF]  }
0x274: {  	[sflag:s23] =	ssyncset.done $0x0  }
0x275: {  	[sflag:s23] =	ssyncadd.s32 $0xFFFFE000  }
0x276: {  	[hbm4b:s30+s2] =	stream.linear.scatter [tilespmem:s7], [sflag:$0xF], $0x2000, $0x38;
	[tilespmem:$0x11000] =	vst v63  }
0x277: {  	_ =	swait.ge [sflag:s25], $0x2000  }
0x278: {  	s30 =	sld [smem:$0x7E0]  }
0x279: {  	[sflag:s25] =	ssyncset.done $0x0  }
0x27a: {  	[sflag:s25] =	ssyncadd.s32 $0xFFFFE000  }
0x27b: {  	[hbm4b:s30+s2] =	stream.linear.scatter [tilespmem:s9], [sflag:$0x10], $0x2000, $0x38;
	[tilespmem:$0x11000] =	vst v63  }
0x27c: {  	_ =	swait.ge [sflag:s10], $0x2000  }
0x27d: {  	[sflag:s10] =	ssyncset.done $0x0  }
0x27e: {  	[sflag:s10] =	ssyncadd.s32 $0xFFFFE000  }
0x27f: {  	_ =	swait.ge [sflag:s11], $0x2000  }
0x280: {  	[sflag:s11] =	ssyncset.done $0x0  }
0x281: {  	[sflag:s11] =	ssyncadd.s32 $0xFFFFE000  }
0x282: {  	_ =	swait.ge [sflag:s15], $0x2000  }
0x283: {  	[sflag:s15] =	ssyncset.done $0x0  }
0x284: {  	[sflag:s15] =	ssyncadd.s32 $0xFFFFE000  }
0x285: {  	_ =	swait.ge [sflag:s19], $0x2000  }
0x286: {  	[sflag:s19] =	ssyncset.done $0x0  }
0x287: {  	[sflag:s19] =	ssyncadd.s32 $0xFFFFE000  }
0x288: {  	_ =	swait.ge [sflag:s17], $0x2000  }
0x289: {  	[sflag:s17] =	ssyncset.done $0x0  }
0x28a: {  	[sflag:s17] =	ssyncadd.s32 $0xFFFFE000  }
0x28b: {  	_ =	swait.ge [sflag:s16], $0x2000  }
0x28c: {  	[sflag:s16] =	ssyncset.done $0x0  }
0x28d: {  	p1 =	sne.s32 s1, $0x1;
	[sflag:s16] =	ssyncadd.s32 $0xFFFFE000  }
.Ltmp2:
0x28e: {  	_ =	swait.ge [sflag:s14], $0x2000;
	(pc) =	sbr.rel @p1 .LBB2_3-.Ltmp2, $4  }
0x28f: {  	[sflag:s14] =	ssyncset.done $0x0  }
0x290: {  	[sflag:s14] =	ssyncadd.s32 $0xFFFFE000  }
0x291: {  	_ =	swait.ge [sflag:s12], $0x2000  }
0x292: {  	s1 =	sadd.s32 $0xFFFFFFFF, s1;
	s0 =	rddreg [dreg:$0x3];
	[sflag:s12] =	ssyncset.done $0x0  }
0x293: {  	s30 =	stileid.u32  }
.LBB2_5:
0x294: {  	[sflag:s12] =	ssyncadd.s32 @p0 $0xFFFFE000  }
0x295: {  	[tilespmem:s2], [sflag:$0x11] =	stream.linear.gather [hbm4b:s0+s2], $0x1000, $0x38;
	[tilespmem:$0x11000] =	vst v63  }
0x296: {  	_ =	swait.ge [sflag:s31], $0x1000  }
0x297: {  	[sflag:s31] =	ssyncset.done $0x0  }
0x298: {  	[sflag:s31] =	ssyncadd.s32 $0xFFFFF000  }
0x299: {  	[tilespmem:s22], [sflag:$0x1] =	stream.indirect.gather [hbm4b:s3+s4], $0x40, s2, s4, $0xb8;
	[tilespmem:$0x11000] =	vst v63  }
0x29a: {  	s31 =	sld [smem:$0x7E1]  }
0x29b: {  	[tilespmem:s18], [sflag:$0x2] =	stream.indirect.gather [hbm4b:s3+s4], $0x40, s4, s4, $0xb8;
	[tilespmem:$0x11000] =	vst v63  }
0x29c: {  	s1 =	sld [smem:$0x7E2]  }
0x29d: {  	[tilespmem:s13], [sflag:$0x3] =	stream.indirect.gather [hbm4b:s3+s4], $0x40, s31, s4, $0xb8;
	[tilespmem:$0x11000] =	vst v63  }
0x29e: {  	_ = 	snop  }
0x29f: {  	[tilespmem:s8], [sflag:$0x4] =	stream.indirect.gather [hbm4b:s3+s4], $0x40, s1, s4, $0xb8;
	[tilespmem:$0x11000] =	vst v63  }
0x2a0: {  	_ =	swait.ge [sflag:s29], $0x2000  }
0x2a1: {  	s1 =	rddreg [dreg:$0x4];
	[sflag:s29] =	ssyncset.done $0x0  }
0x2a2: {  	s31 =	sld [smem:$0x7E3];
	[sflag:s29] =	ssyncadd.s32 $0xFFFFE000  }
0x2a3: {  	[hbm4b:s1+s2] =	stream.linear.scatter [tilespmem:s22], [sflag:$0x9], $0x2000, $0x38;
	[tilespmem:$0x11000] =	vst v63  }
0x2a4: {  	_ = 	snop  }
0x2a5: {  	[tilespmem:s5], [sflag:$0x5] =	stream.indirect.gather [hbm4b:s3+s4], $0x40, s31, s4, $0xb8;
	[tilespmem:$0x11000] =	vst v63  }
0x2a6: {  	_ =	swait.ge [sflag:s28], $0x2000  }
0x2a7: {  	s1 =	rddreg [dreg:$0x5];
	[sflag:s28] =	ssyncset.done $0x0  }
0x2a8: {  	s31 =	sld [smem:$0x7E4];
	[sflag:s28] =	ssyncadd.s32 $0xFFFFE000  }
0x2a9: {  	[hbm4b:s1+s2] =	stream.linear.scatter [tilespmem:s18], [sflag:$0xA], $0x2000, $0x38;
	[tilespmem:$0x11000] =	vst v63  }
0x2aa: {  	_ = 	snop  }
0x2ab: {  	[tilespmem:s6], [sflag:$0x6] =	stream.indirect.gather [hbm4b:s3+s4], $0x40, s31, s4, $0xb8;
	[tilespmem:$0x11000] =	vst v63  }
0x2ac: {  	_ =	swait.ge [sflag:s26], $0x2000  }
0x2ad: {  	s1 =	rddreg [dreg:$0x6];
	[sflag:s26] =	ssyncset.done $0x0  }
0x2ae: {  	s31 =	sld [smem:$0x7E5];
	[sflag:s26] =	ssyncadd.s32 $0xFFFFE000  }
0x2af: {  	[hbm4b:s1+s2] =	stream.linear.scatter [tilespmem:s13], [sflag:$0xB], $0x2000, $0x38;
	[tilespmem:$0x11000] =	vst v63  }
0x2b0: {  	_ = 	snop  }
0x2b1: {  	[tilespmem:s7], [sflag:$0x7] =	stream.indirect.gather [hbm4b:s3+s4], $0x40, s31, s4, $0xb8;
	[tilespmem:$0x11000] =	vst v63  }
0x2b2: {  	_ =	swait.ge [sflag:s24], $0x2000  }
0x2b3: {  	s1 =	rddreg [dreg:$0x7];
	[sflag:s24] =	ssyncset.done $0x0  }
0x2b4: {  	s31 =	sld [smem:$0x7E6];
	[sflag:s24] =	ssyncadd.s32 $0xFFFFE000  }
0x2b5: {  	[hbm4b:s1+s2] =	stream.linear.scatter [tilespmem:s8], [sflag:$0xC], $0x2000, $0x38;
	[tilespmem:$0x11000] =	vst v63  }
0x2b6: {  	_ = 	snop  }
0x2b7: {  	[tilespmem:s9], [sflag:$0x8] =	stream.indirect.gather [hbm4b:s3+s4], $0x40, s31, s4, $0xb8;
	[tilespmem:$0x11000] =	vst v63  }
0x2b8: {  	_ =	swait.ge [sflag:s20], $0x2000  }
0x2b9: {  	[sflag:s20] =	ssyncset.done $0x0  }
0x2ba: {  	s1 =	rddreg [dreg:$0x8];
	[sflag:s20] =	ssyncadd.s32 $0xFFFFE000  }
0x2bb: {  	[hbm4b:s1+s2] =	stream.linear.scatter [tilespmem:s5], [sflag:$0xD], $0x2000, $0x38;
	[tilespmem:$0x11000] =	vst v63  }
0x2bc: {  	_ =	swait.ge [sflag:s10], $0x2000  }
0x2bd: {  	s31 =	sld [smem:$0x7E7]  }
0x2be: {  	[sflag:s10] =	ssyncset.done $0x0  }
0x2bf: {  	[sflag:s10] =	ssyncadd.s32 $0xFFFFE000  }
0x2c0: {  	[tilespmem:s22], [sflag:$0x1] =	stream.indirect.gather [hbm4b:s3+s4], $0x40, s31, s4, $0xb8;
	[tilespmem:$0x11000] =	vst v63  }
0x2c1: {  	_ =	swait.ge [sflag:s21], $0x2000  }
0x2c2: {  	[sflag:s21] =	ssyncset.done $0x0  }
0x2c3: {  	s1 =	rddreg [dreg:$0x9];
	[sflag:s21] =	ssyncadd.s32 $0xFFFFE000  }
0x2c4: {  	[hbm4b:s1+s2] =	stream.linear.scatter [tilespmem:s6], [sflag:$0xE], $0x2000, $0x38;
	[tilespmem:$0x11000] =	vst v63  }
0x2c5: {  	_ =	swait.ge [sflag:s11], $0x2000  }
0x2c6: {  	s31 =	sld [smem:$0x7E8]  }
0x2c7: {  	[sflag:s11] =	ssyncset.done $0x0  }
0x2c8: {  	[sflag:s11] =	ssyncadd.s32 $0xFFFFE000  }
0x2c9: {  	[tilespmem:s18], [sflag:$0x2] =	stream.indirect.gather [hbm4b:s3+s4], $0x40, s31, s4, $0xb8;
	[tilespmem:$0x11000] =	vst v63  }
0x2ca: {  	_ =	swait.ge [sflag:s23], $0x2000  }
0x2cb: {  	[sflag:s23] =	ssyncset.done $0x0  }
0x2cc: {  	s1 =	rddreg [dreg:$0xa];
	[sflag:s23] =	ssyncadd.s32 $0xFFFFE000  }
0x2cd: {  	[hbm4b:s1+s2] =	stream.linear.scatter [tilespmem:s7], [sflag:$0xF], $0x2000, $0x38;
	[tilespmem:$0x11000] =	vst v63  }
0x2ce: {  	_ =	swait.ge [sflag:s15], $0x2000  }
0x2cf: {  	s31 =	sld [smem:$0x7E9]  }
0x2d0: {  	[sflag:s15] =	ssyncset.done $0x0  }
0x2d1: {  	[sflag:s15] =	ssyncadd.s32 $0xFFFFE000  }
0x2d2: {  	[tilespmem:s13], [sflag:$0x3] =	stream.indirect.gather [hbm4b:s3+s4], $0x40, s31, s4, $0xb8;
	[tilespmem:$0x11000] =	vst v63  }
0x2d3: {  	_ =	swait.ge [sflag:s25], $0x2000  }
0x2d4: {  	[sflag:s25] =	ssyncset.done $0x0  }
0x2d5: {  	s1 =	rddreg [dreg:$0xb];
	[sflag:s25] =	ssyncadd.s32 $0xFFFFE000  }
0x2d6: {  	[hbm4b:s1+s2] =	stream.linear.scatter [tilespmem:s9], [sflag:$0x10], $0x2000, $0x38;
	[tilespmem:$0x11000] =	vst v63  }
0x2d7: {  	_ =	swait.ge [sflag:s19], $0x2000  }
0x2d8: {  	s31 =	sld [smem:$0x7EA]  }
0x2d9: {  	[sflag:s19] =	ssyncset.done $0x0  }
0x2da: {  	[sflag:s19] =	ssyncadd.s32 $0xFFFFE000  }
0x2db: {  	[tilespmem:s8], [sflag:$0x4] =	stream.indirect.gather [hbm4b:s3+s4], $0x40, s31, s4, $0xb8;
	[tilespmem:$0x11000] =	vst v63  }
0x2dc: {  	_ =	swait.ge [sflag:s29], $0x2000  }
0x2dd: {  	[sflag:s29] =	ssyncset.done $0x0  }
0x2de: {  	s1 =	rddreg [dreg:$0xc];
	[sflag:s29] =	ssyncadd.s32 $0xFFFFE000  }
0x2df: {  	[hbm4b:s1+s2] =	stream.linear.scatter [tilespmem:s22], [sflag:$0x9], $0x2000, $0x38;
	[tilespmem:$0x11000] =	vst v63  }
0x2e0: {  	_ =	swait.ge [sflag:s17], $0x2000  }
0x2e1: {  	s31 =	sld [smem:$0x7EB]  }
0x2e2: {  	[sflag:s17] =	ssyncset.done $0x0  }
0x2e3: {  	[sflag:s17] =	ssyncadd.s32 $0xFFFFE000  }
0x2e4: {  	[tilespmem:s5], [sflag:$0x5] =	stream.indirect.gather [hbm4b:s3+s4], $0x40, s31, s4, $0xb8;
	[tilespmem:$0x11000] =	vst v63  }
0x2e5: {  	_ =	swait.ge [sflag:s28], $0x2000  }
0x2e6: {  	[sflag:s28] =	ssyncset.done $0x0  }
0x2e7: {  	s1 =	rddreg [dreg:$0xd];
	[sflag:s28] =	ssyncadd.s32 $0xFFFFE000  }
0x2e8: {  	[hbm4b:s1+s2] =	stream.linear.scatter [tilespmem:s18], [sflag:$0xA], $0x2000, $0x38;
	[tilespmem:$0x11000] =	vst v63  }
0x2e9: {  	_ =	swait.ge [sflag:s16], $0x2000  }
0x2ea: {  	s31 =	sld [smem:$0x7EC]  }
0x2eb: {  	[sflag:s16] =	ssyncset.done $0x0  }
0x2ec: {  	[sflag:s16] =	ssyncadd.s32 $0xFFFFE000  }
0x2ed: {  	[tilespmem:s6], [sflag:$0x6] =	stream.indirect.gather [hbm4b:s3+s4], $0x40, s31, s4, $0xb8;
	[tilespmem:$0x11000] =	vst v63  }
0x2ee: {  	_ =	swait.ge [sflag:s26], $0x2000  }
0x2ef: {  	[sflag:s26] =	ssyncset.done $0x0  }
0x2f0: {  	s1 =	rddreg [dreg:$0xe];
	[sflag:s26] =	ssyncadd.s32 $0xFFFFE000  }
0x2f1: {  	[hbm4b:s1+s2] =	stream.linear.scatter [tilespmem:s13], [sflag:$0xB], $0x2000, $0x38;
	[tilespmem:$0x11000] =	vst v63  }
0x2f2: {  	_ =	swait.ge [sflag:s14], $0x2000  }
0x2f3: {  	s31 =	sld [smem:$0x7ED]  }
0x2f4: {  	[sflag:s14] =	ssyncset.done $0x0  }
0x2f5: {  	[sflag:s14] =	ssyncadd.s32 $0xFFFFE000  }
0x2f6: {  	[tilespmem:s7], [sflag:$0x7] =	stream.indirect.gather [hbm4b:s3+s4], $0x40, s31, s4, $0xb8;
	[tilespmem:$0x11000] =	vst v63  }
0x2f7: {  	_ =	swait.ge [sflag:s24], $0x2000  }
0x2f8: {  	[sflag:s24] =	ssyncset.done $0x0  }
0x2f9: {  	s1 =	rddreg [dreg:$0xf];
	[sflag:s24] =	ssyncadd.s32 $0xFFFFE000  }
0x2fa: {  	[hbm4b:s1+s2] =	stream.linear.scatter [tilespmem:s8], [sflag:$0xC], $0x2000, $0x38;
	[tilespmem:$0x11000] =	vst v63  }
0x2fb: {  	_ =	swait.ge [sflag:s12], $0x2000  }
0x2fc: {  	s31 =	sld [smem:$0x7EE]  }
0x2fd: {  	[sflag:s12] =	ssyncset.done $0x0  }
0x2fe: {  	[sflag:s12] =	ssyncadd.s32 $0xFFFFE000  }
0x2ff: {  	[tilespmem:s9], [sflag:$0x8] =	stream.indirect.gather [hbm4b:s3+s4], $0x40, s31, s4, $0xb8;
	[tilespmem:$0x11000] =	vst v63  }
0x300: {  	_ =	swait.ge [sflag:s20], $0x2000  }
0x301: {  	[sflag:s20] =	ssyncset.done $0x0  }
0x302: {  	s1 =	rddreg [dreg:$0x10];
	[sflag:s20] =	ssyncadd.s32 $0xFFFFE000  }
0x303: {  	[hbm4b:s1+s2] =	stream.linear.scatter [tilespmem:s5], [sflag:$0xD], $0x2000, $0x38;
	[tilespmem:$0x11000] =	vst v63  }
0x304: {  	_ =	swait.ge [sflag:s10], $0x2000  }
0x305: {  	s31 =	sld [smem:$0x7EF]  }
0x306: {  	[sflag:s10] =	ssyncset.done $0x0  }
0x307: {  	[sflag:s10] =	ssyncadd.s32 $0xFFFFE000  }
0x308: {  	[tilespmem:s22], [sflag:$0x1] =	stream.indirect.gather [hbm4b:s3+s4], $0x40, s31, s4, $0xb8;
	[tilespmem:$0x11000] =	vst v63  }
0x309: {  	_ =	swait.ge [sflag:s21], $0x2000  }
0x30a: {  	[sflag:s21] =	ssyncset.done $0x0  }
0x30b: {  	s1 =	rddreg [dreg:$0x11];
	[sflag:s21] =	ssyncadd.s32 $0xFFFFE000  }
0x30c: {  	[hbm4b:s1+s2] =	stream.linear.scatter [tilespmem:s6], [sflag:$0xE], $0x2000, $0x38;
	[tilespmem:$0x11000] =	vst v63  }
0x30d: {  	_ =	swait.ge [sflag:s11], $0x2000  }
0x30e: {  	s31 =	sld [smem:$0x7F0]  }
0x30f: {  	[sflag:s11] =	ssyncset.done $0x0  }
0x310: {  	[sflag:s11] =	ssyncadd.s32 $0xFFFFE000  }
0x311: {  	[tilespmem:s18], [sflag:$0x2] =	stream.indirect.gather [hbm4b:s3+s4], $0x40, s31, s4, $0xb8;
	[tilespmem:$0x11000] =	vst v63  }
0x312: {  	_ =	swait.ge [sflag:s23], $0x2000  }
0x313: {  	[sflag:s23] =	ssyncset.done $0x0  }
0x314: {  	s1 =	rddreg [dreg:$0x12];
	[sflag:s23] =	ssyncadd.s32 $0xFFFFE000  }
0x315: {  	[hbm4b:s1+s2] =	stream.linear.scatter [tilespmem:s7], [sflag:$0xF], $0x2000, $0x38;
	[tilespmem:$0x11000] =	vst v63  }
0x316: {  	_ =	swait.ge [sflag:s15], $0x2000  }
0x317: {  	s31 =	sld [smem:$0x7F1]  }
0x318: {  	[sflag:s15] =	ssyncset.done $0x0  }
0x319: {  	[sflag:s15] =	ssyncadd.s32 $0xFFFFE000  }
0x31a: {  	[tilespmem:s13], [sflag:$0x3] =	stream.indirect.gather [hbm4b:s3+s4], $0x40, s31, s4, $0xb8;
	[tilespmem:$0x11000] =	vst v63  }
0x31b: {  	_ =	swait.ge [sflag:s25], $0x2000  }
0x31c: {  	[sflag:s25] =	ssyncset.done $0x0  }
0x31d: {  	s1 =	rddreg [dreg:$0x13];
	[sflag:s25] =	ssyncadd.s32 $0xFFFFE000  }
0x31e: {  	[hbm4b:s1+s2] =	stream.linear.scatter [tilespmem:s9], [sflag:$0x10], $0x2000, $0x38;
	[tilespmem:$0x11000] =	vst v63  }
0x31f: {  	_ =	swait.ge [sflag:s19], $0x2000  }
0x320: {  	s31 =	sld [smem:$0x7F2]  }
0x321: {  	[sflag:s19] =	ssyncset.done $0x0  }
0x322: {  	[sflag:s19] =	ssyncadd.s32 $0xFFFFE000  }
0x323: {  	[tilespmem:s8], [sflag:$0x4] =	stream.indirect.gather [hbm4b:s3+s4], $0x40, s31, s4, $0xb8;
	[tilespmem:$0x11000] =	vst v63  }
0x324: {  	_ =	swait.ge [sflag:s29], $0x2000  }
0x325: {  	[sflag:s29] =	ssyncset.done $0x0  }
0x326: {  	s1 =	rddreg [dreg:$0x14];
	[sflag:s29] =	ssyncadd.s32 $0xFFFFE000  }
0x327: {  	[hbm4b:s1+s2] =	stream.linear.scatter [tilespmem:s22], [sflag:$0x9], $0x2000, $0x38;
	[tilespmem:$0x11000] =	vst v63  }
0x328: {  	_ =	swait.ge [sflag:s17], $0x2000  }
0x329: {  	s31 =	sld [smem:$0x7F3]  }
0x32a: {  	[sflag:s17] =	ssyncset.done $0x0  }
0x32b: {  	[sflag:s17] =	ssyncadd.s32 $0xFFFFE000  }
0x32c: {  	[tilespmem:s5], [sflag:$0x5] =	stream.indirect.gather [hbm4b:s3+s4], $0x40, s31, s4, $0xb8;
	[tilespmem:$0x11000] =	vst v63  }
0x32d: {  	_ =	swait.ge [sflag:s28], $0x2000  }
0x32e: {  	[sflag:s28] =	ssyncset.done $0x0  }
0x32f: {  	s1 =	rddreg [dreg:$0x15];
	[sflag:s28] =	ssyncadd.s32 $0xFFFFE000  }
0x330: {  	[hbm4b:s1+s2] =	stream.linear.scatter [tilespmem:s18], [sflag:$0xA], $0x2000, $0x38;
	[tilespmem:$0x11000] =	vst v63  }
0x331: {  	_ =	swait.ge [sflag:s16], $0x2000  }
0x332: {  	s31 =	sld [smem:$0x7F4]  }
0x333: {  	[sflag:s16] =	ssyncset.done $0x0  }
0x334: {  	[sflag:s16] =	ssyncadd.s32 $0xFFFFE000  }
0x335: {  	[tilespmem:s6], [sflag:$0x6] =	stream.indirect.gather [hbm4b:s3+s4], $0x40, s31, s4, $0xb8;
	[tilespmem:$0x11000] =	vst v63  }
0x336: {  	_ =	swait.ge [sflag:s26], $0x2000  }
0x337: {  	[sflag:s26] =	ssyncset.done $0x0  }
0x338: {  	s1 =	rddreg [dreg:$0x16];
	[sflag:s26] =	ssyncadd.s32 $0xFFFFE000  }
0x339: {  	[hbm4b:s1+s2] =	stream.linear.scatter [tilespmem:s13], [sflag:$0xB], $0x2000, $0x38;
	[tilespmem:$0x11000] =	vst v63  }
0x33a: {  	_ =	swait.ge [sflag:s14], $0x2000  }
0x33b: {  	s31 =	sld [smem:$0x7F5]  }
0x33c: {  	[sflag:s14] =	ssyncset.done $0x0  }
0x33d: {  	[sflag:s14] =	ssyncadd.s32 $0xFFFFE000  }
0x33e: {  	[tilespmem:s7], [sflag:$0x7] =	stream.indirect.gather [hbm4b:s3+s4], $0x40, s31, s4, $0xb8;
	[tilespmem:$0x11000] =	vst v63  }
0x33f: {  	_ =	swait.ge [sflag:s24], $0x2000  }
0x340: {  	[sflag:s24] =	ssyncset.done $0x0  }
0x341: {  	s1 =	rddreg [dreg:$0x17];
	[sflag:s24] =	ssyncadd.s32 $0xFFFFE000  }
0x342: {  	[hbm4b:s1+s2] =	stream.linear.scatter [tilespmem:s8], [sflag:$0xC], $0x2000, $0x38;
	[tilespmem:$0x11000] =	vst v63  }
0x343: {  	_ =	swait.ge [sflag:s12], $0x2000  }
0x344: {  	s31 =	sld [smem:$0x7F6]  }
0x345: {  	[sflag:s12] =	ssyncset.done $0x0  }
0x346: {  	[sflag:s12] =	ssyncadd.s32 $0xFFFFE000  }
0x347: {  	[tilespmem:s9], [sflag:$0x8] =	stream.indirect.gather [hbm4b:s3+s4], $0x40, s31, s4, $0xb8;
	[tilespmem:$0x11000] =	vst v63  }
0x348: {  	_ =	swait.ge [sflag:s20], $0x2000  }
0x349: {  	[sflag:s20] =	ssyncset.done $0x0  }
0x34a: {  	s1 =	rddreg [dreg:$0x18];
	[sflag:s20] =	ssyncadd.s32 $0xFFFFE000  }
0x34b: {  	[hbm4b:s1+s2] =	stream.linear.scatter [tilespmem:s5], [sflag:$0xD], $0x2000, $0x38;
	[tilespmem:$0x11000] =	vst v63  }
0x34c: {  	_ =	swait.ge [sflag:s10], $0x2000  }
0x34d: {  	s31 =	sld [smem:$0x7F7]  }
0x34e: {  	[sflag:s10] =	ssyncset.done $0x0  }
0x34f: {  	[sflag:s10] =	ssyncadd.s32 $0xFFFFE000  }
0x350: {  	[tilespmem:s22], [sflag:$0x1] =	stream.indirect.gather [hbm4b:s3+s4], $0x40, s31, s4, $0xb8;
	[tilespmem:$0x11000] =	vst v63  }
0x351: {  	_ =	swait.ge [sflag:s21], $0x2000  }
0x352: {  	[sflag:s21] =	ssyncset.done $0x0  }
0x353: {  	s1 =	rddreg [dreg:$0x19];
	[sflag:s21] =	ssyncadd.s32 $0xFFFFE000  }
0x354: {  	[hbm4b:s1+s2] =	stream.linear.scatter [tilespmem:s6], [sflag:$0xE], $0x2000, $0x38;
	[tilespmem:$0x11000] =	vst v63  }
0x355: {  	_ =	swait.ge [sflag:s11], $0x2000  }
0x356: {  	s31 =	sld [smem:$0x7F8]  }
0x357: {  	[sflag:s11] =	ssyncset.done $0x0  }
0x358: {  	[sflag:s11] =	ssyncadd.s32 $0xFFFFE000  }
0x359: {  	[tilespmem:s18], [sflag:$0x2] =	stream.indirect.gather [hbm4b:s3+s4], $0x40, s31, s4, $0xb8;
	[tilespmem:$0x11000] =	vst v63  }
0x35a: {  	_ =	swait.ge [sflag:s23], $0x2000  }
0x35b: {  	[sflag:s23] =	ssyncset.done $0x0  }
0x35c: {  	s1 =	rddreg [dreg:$0x1a];
	[sflag:s23] =	ssyncadd.s32 $0xFFFFE000  }
0x35d: {  	[hbm4b:s1+s2] =	stream.linear.scatter [tilespmem:s7], [sflag:$0xF], $0x2000, $0x38;
	[tilespmem:$0x11000] =	vst v63  }
0x35e: {  	_ =	swait.ge [sflag:s15], $0x2000  }
0x35f: {  	s31 =	sld [smem:$0x7F9]  }
0x360: {  	[sflag:s15] =	ssyncset.done $0x0  }
0x361: {  	[sflag:s15] =	ssyncadd.s32 $0xFFFFE000  }
0x362: {  	[tilespmem:s13], [sflag:$0x3] =	stream.indirect.gather [hbm4b:s3+s4], $0x40, s31, s4, $0xb8;
	[tilespmem:$0x11000] =	vst v63  }
0x363: {  	_ =	swait.ge [sflag:s25], $0x2000  }
0x364: {  	[sflag:s25] =	ssyncset.done $0x0  }
0x365: {  	s1 =	rddreg [dreg:$0x1b];
	[sflag:s25] =	ssyncadd.s32 $0xFFFFE000  }
0x366: {  	[hbm4b:s1+s2] =	stream.linear.scatter [tilespmem:s9], [sflag:$0x10], $0x2000, $0x38;
	[tilespmem:$0x11000] =	vst v63  }
0x367: {  	_ =	swait.ge [sflag:s19], $0x2000  }
0x368: {  	s31 =	sld [smem:$0x7FA]  }
0x369: {  	[sflag:s19] =	ssyncset.done $0x0  }
0x36a: {  	[sflag:s19] =	ssyncadd.s32 $0xFFFFE000  }
0x36b: {  	[tilespmem:s8], [sflag:$0x4] =	stream.indirect.gather [hbm4b:s3+s4], $0x40, s31, s4, $0xb8;
	[tilespmem:$0x11000] =	vst v63  }
0x36c: {  	_ =	swait.ge [sflag:s29], $0x2000  }
0x36d: {  	[sflag:s29] =	ssyncset.done $0x0  }
0x36e: {  	s1 =	rddreg [dreg:$0x1c];
	[sflag:s29] =	ssyncadd.s32 $0xFFFFE000  }
0x36f: {  	[hbm4b:s1+s2] =	stream.linear.scatter [tilespmem:s22], [sflag:$0x9], $0x2000, $0x38;
	[tilespmem:$0x11000] =	vst v63  }
0x370: {  	_ =	swait.ge [sflag:s17], $0x2000  }
0x371: {  	s22 =	sld [smem:$0x7FB]  }
0x372: {  	[sflag:s17] =	ssyncset.done $0x0  }
0x373: {  	[sflag:s17] =	ssyncadd.s32 $0xFFFFE000  }
0x374: {  	[tilespmem:s5], [sflag:$0x5] =	stream.indirect.gather [hbm4b:s3+s4], $0x40, s22, s4, $0xb8;
	[tilespmem:$0x11000] =	vst v63  }
0x375: {  	_ =	swait.ge [sflag:s28], $0x2000  }
0x376: {  	[sflag:s28] =	ssyncset.done $0x0  }
0x377: {  	s29 =	rddreg [dreg:$0x1d];
	[sflag:s28] =	ssyncadd.s32 $0xFFFFE000  }
0x378: {  	[hbm4b:s29+s2] =	stream.linear.scatter [tilespmem:s18], [sflag:$0xA], $0x2000, $0x38;
	[tilespmem:$0x11000] =	vst v63  }
0x379: {  	_ =	swait.ge [sflag:s16], $0x2000  }
0x37a: {  	s31 =	sld [smem:$0x7FC]  }
0x37b: {  	[sflag:s16] =	ssyncset.done $0x0  }
0x37c: {  	[sflag:s16] =	ssyncadd.s32 $0xFFFFE000  }
0x37d: {  	[tilespmem:s6], [sflag:$0x6] =	stream.indirect.gather [hbm4b:s3+s4], $0x40, s31, s4, $0xb8;
	[tilespmem:$0x11000] =	vst v63  }
0x37e: {  	_ =	swait.ge [sflag:s26], $0x2000  }
0x37f: {  	[sflag:s26] =	ssyncset.done $0x0  }
0x380: {  	s1 =	rddreg [dreg:$0x1e];
	[sflag:s26] =	ssyncadd.s32 $0xFFFFE000  }
0x381: {  	[hbm4b:s1+s2] =	stream.linear.scatter [tilespmem:s13], [sflag:$0xB], $0x2000, $0x38;
	[tilespmem:$0x11000] =	vst v63  }
0x382: {  	_ =	swait.ge [sflag:s14], $0x2000  }
0x383: {  	s18 =	sld [smem:$0x7FD]  }
0x384: {  	[sflag:s14] =	ssyncset.done $0x0  }
0x385: {  	[sflag:s14] =	ssyncadd.s32 $0xFFFFE000  }
0x386: {  	[tilespmem:s7], [sflag:$0x7] =	stream.indirect.gather [hbm4b:s3+s4], $0x40, s18, s4, $0xb8;
	[tilespmem:$0x11000] =	vst v63  }
0x387: {  	_ =	swait.ge [sflag:s24], $0x2000  }
0x388: {  	[sflag:s24] =	ssyncset.done $0x0  }
0x389: {  	s22 =	rddreg [dreg:$0x1f];
	[sflag:s24] =	ssyncadd.s32 $0xFFFFE000  }
0x38a: {  	[hbm4b:s22+s2] =	stream.linear.scatter [tilespmem:s8], [sflag:$0xC], $0x2000, $0x38;
	[tilespmem:$0x11000] =	vst v63  }
0x38b: {  	_ =	swait.ge [sflag:s12], $0x2000  }
0x38c: {  	[sflag:s12] =	ssyncset.done $0x0  }
0x38d: {  	s24 =	simm.s32 $0xF80;
	[sflag:s12] =	ssyncadd.s32 $0xFFFFE000  }
0x38e: {  	[tilespmem:s9], [sflag:$0x8] =	stream.indirect.gather [hbm4b:s3+s4], $0x40, s24, s4, $0xb8;
	[tilespmem:$0x11000] =	vst v63  }
0x38f: {  	_ =	swait.ge [sflag:s20], $0x2000  }
0x390: {  	s26 =	sld [smem:$0x7DD]  }
0x391: {  	[sflag:s20] =	ssyncset.done $0x0  }
0x392: {  	[sflag:s20] =	ssyncadd.s32 $0xFFFFE000  }
0x393: {  	[hbm4b:s26+s2] =	stream.linear.scatter [tilespmem:s5], [sflag:$0xD], $0x2000, $0x38;
	[tilespmem:$0x11000] =	vst v63  }
0x394: {  	_ =	swait.ge [sflag:s21], $0x2000  }
0x395: {  	s28 =	sld [smem:$0x7DE]  }
0x396: {  	[sflag:s21] =	ssyncset.done $0x0  }
0x397: {  	[sflag:s21] =	ssyncadd.s32 $0xFFFFE000  }
0x398: {  	[hbm4b:s28+s2] =	stream.linear.scatter [tilespmem:s6], [sflag:$0xE], $0x2000, $0x38;
	[tilespmem:$0x11000] =	vst v63  }
0x399: {  	_ =	swait.ge [sflag:s23], $0x2000  }
0x39a: {  	s29 =	sld [smem:$0x7DF]  }
0x39b: {  	[sflag:s23] =	ssyncset.done $0x0  }
0x39c: {  	[sflag:s23] =	ssyncadd.s32 $0xFFFFE000  }
0x39d: {  	[hbm4b:s29+s2] =	stream.linear.scatter [tilespmem:s7], [sflag:$0xF], $0x2000, $0x38;
	[tilespmem:$0x11000] =	vst v63  }
0x39e: {  	_ =	swait.ge [sflag:s25], $0x2000  }
0x39f: {  	s31 =	sld [smem:$0x7E0]  }
0x3a0: {  	[sflag:s25] =	ssyncset.done $0x0  }
0x3a1: {  	[sflag:s25] =	ssyncadd.s32 $0xFFFFE000  }
0x3a2: {  	[hbm4b:s31+s2] =	stream.linear.scatter [tilespmem:s9], [sflag:$0x10], $0x2000, $0x38;
	[tilespmem:$0x11000] =	vst v63  }
0x3a3: {  	_ =	swait.ge [sflag:s10], $0x2000  }
0x3a4: {  	[sflag:s10] =	ssyncset.done $0x0  }
0x3a5: {  	[sflag:s10] =	ssyncadd.s32 $0xFFFFE000  }
0x3a6: {  	_ =	swait.ge [sflag:s11], $0x2000  }
0x3a7: {  	[sflag:s11] =	ssyncset.done $0x0  }
0x3a8: {  	[sflag:s11] =	ssyncadd.s32 $0xFFFFE000  }
0x3a9: {  	_ =	swait.ge [sflag:s15], $0x2000  }
0x3aa: {  	[sflag:s15] =	ssyncset.done $0x0  }
0x3ab: {  	[sflag:s15] =	ssyncadd.s32 $0xFFFFE000  }
0x3ac: {  	_ =	swait.ge [sflag:s19], $0x2000  }
0x3ad: {  	[sflag:s19] =	ssyncset.done $0x0  }
0x3ae: {  	[sflag:s19] =	ssyncadd.s32 $0xFFFFE000  }
0x3af: {  	_ =	swait.ge [sflag:s17], $0x2000  }
0x3b0: {  	[sflag:s17] =	ssyncset.done $0x0  }
0x3b1: {  	[sflag:s17] =	ssyncadd.s32 $0xFFFFE000  }
0x3b2: {  	_ =	swait.ge [sflag:s16], $0x2000  }
0x3b3: {  	[sflag:s16] =	ssyncset.done $0x0  }
0x3b4: {  	[sflag:s16] =	ssyncadd.s32 $0xFFFFE000  }
0x3b5: {  	_ =	swait.ge [sflag:s14], $0x2000  }
0x3b6: {  	[sflag:s14] =	ssyncset.done $0x0  }
0x3b7: {  	[sflag:s14] =	ssyncadd.s32 $0xFFFFE000  }
0x3b8: {  	_ =	swait.ge [sflag:s12], $0x2000  }
0x3b9: {  	[sflag:s12] =	ssyncset.done $0x0  }
0x3ba: {  	[sflag:s12] =	ssyncadd.s32 $0xFFFFE000  }
0x3bb: {  	_ =	sfence.sel $0x180000  }
0x3bc: {  	[bflag:$0x0] =	sbarrier.arrive $0xFFFF  }
0x3bd: {  	_ =	strace $0x90000047  }
0x3be: {  	[bflag:$0x2] =	sbarrier.arrive $0xFFFF  }
0x3bf: {  	p0 =	sne.s32 s30, $0x0;
	s0 =	rddreg [dreg:$0x2]  }
0x3c0: {  	s0 =	sadd.s32 @!p0 $0x100000, s0  }
0x3c1: {  	[sflag:s0] =	ssyncadd.tile.s32 @!p0 $0x1;
	_ =	shalt  }
.LBB2_2:
.Ltmp3:
0x3c2: {  	(pc) =	sbr.rel .LBB2_5-.Ltmp3, $2  }
0x3c3: {  	_ =	sdelay $0x2  }
0x3c4: {  	s30 =	stileid.u32  }
.Lfunc_end2:
_tile_overlayer_lowered:
.L_overlay_start_2:
0x3c5: {  	(tag) =	ssettag $0x2  }
0x3c6: {  	s0 =	rddreg [dreg:$0x0];
	s2 =	stileid.u32  }
0x3c7: {  	s1 =	rddreg [dreg:$0x1];
	p0 =	sne.s32 s2, $0x0  }
0x3c8: {  	s3 =	rddreg [dreg:$0x2];
	[bflag:$0x3] =	sbarrier.arrive $0xFFFF;
	s2 =	simm.s32 @!p0 $0x1C11  }
0x3c9: {  	[timem:s3], [sflag:s2] =	dma.local @!p0 [hbm:s0], s1  }
0x3ca: {  	s0 =	simm.s32 @!p0 $0x11  }
0x3cb: {  	_ =	swait.ge @!p0 [sflag:s0], s1  }
0x3cc: {  	s1 =	ssub.s32 @!p0 $0x0, s1;
	[sflag:s0] =	ssyncset.done @!p0 $0x0  }
0x3cd: {  	[sflag:s0] =	ssyncadd.s32 @!p0 s1  }
0x3ce: {  	[bflag:$0x3] =	sbarrier.arrive $0xFFFF  }
0x3cf: {  	_ =	shalt  }

</sc_bundles>
